<compile_context>
chip_gen: v7x
topology: tpu7x:2x2x1
jax: 0.10.2.dev20260603
libtpu: 0.0.44.dev20260713+nightly
codegen_flags: <defaults>
</compile_context>

<pallas_src>
import functools

import jax
import jax.numpy as jnp
from jax import lax
from jax.experimental import pallas as pl
from jax.experimental.pallas import tpu as pltpu
from jax.experimental.pallas import tpu_sc as plsc

N = 10000
F = 128
E = 320000

NC = 2
NS = 16
NW = NC * NS
B = 100
EPW = E // NW
NB = EPW // B
N_PAD = 10240
RPT = N_PAD // NS

BM = 100
NBM = 100
E_PAD = NW * NBM * BM

_mesh = plsc.VectorSubcoreMesh(core_axis_name="c", subcore_axis_name="s")


@functools.partial(
    pl.kernel,
    out_type=(jax.ShapeDtypeStruct((NC, N_PAD), jnp.float32),
              jax.ShapeDtypeStruct((NC, N_PAD), jnp.float32)),
    mesh=_mesh,
    scratch_types=[
        pltpu.VMEM((NB, B), jnp.int32),
        pltpu.VMEM((NB, B), jnp.int32),
        pltpu.VMEM((128,), jnp.float32),
        pltpu.VMEM((RPT,), jnp.float32),
        pltpu.VMEM_SHARED((N_PAD,), jnp.float32),
        pltpu.VMEM_SHARED((N_PAD,), jnp.float32),
        pltpu.SemaphoreType.DMA,
        pltpu.SemaphoreType.DMA,
    ],
)
def _degree_kernel(src2d_hbm, dst2d_hbm, outs_hbm, outd_hbm,
                   src_v, dst_v, ones_v, zed_v, hsrc_sh, hdst_sh, sa, sb):
    c = lax.axis_index("c")
    s = lax.axis_index("s")
    wid = s * NC + c

    def _init(i, _):
        ones_v[pl.ds(i * 16, 16)] = jnp.full((16,), 1.0, jnp.float32)
        zed_v[pl.ds(i * 16, 16)] = jnp.zeros((16,), jnp.float32)
        return 0
    lax.fori_loop(0, 8, _init, 0)

    def _zed2(i, _):
        zed_v[pl.ds(128 + i * 16, 16)] = jnp.zeros((16,), jnp.float32)
        return 0
    lax.fori_loop(0, (RPT - 128) // 16, _zed2, 0)

    pltpu.sync_copy(zed_v, hsrc_sh.at[pl.ds(s * RPT, RPT)])
    pltpu.sync_copy(zed_v, hdst_sh.at[pl.ds(s * RPT, RPT)])
    plsc.subcore_barrier()

    pltpu.sync_copy(src2d_hbm.at[wid], src_v)
    pltpu.sync_copy(dst2d_hbm.at[wid], dst_v)

    def _ss(j):
        pltpu.async_copy(ones_v.at[pl.ds(0, B)], hsrc_sh.at[src_v.at[j]], sa, add=True)
        pltpu.async_copy(ones_v.at[pl.ds(0, B)], hdst_sh.at[dst_v.at[j]], sb, add=True)

    def _sswait():
        pltpu.make_async_copy(ones_v.at[pl.ds(0, B)], hsrc_sh.at[src_v.at[0]], sa).wait()
        pltpu.make_async_copy(ones_v.at[pl.ds(0, B)], hdst_sh.at[dst_v.at[0]], sb).wait()

    _ss(0)
    _ss(1)
    _ss(2)

    def _step(j, _):
        _ss(j)
        _sswait()
        return 0
    lax.fori_loop(3, NB, _step, 0)
    _sswait()
    _sswait()
    _sswait()

    plsc.subcore_barrier()
    pltpu.sync_copy(hsrc_sh.at[pl.ds(s * RPT, RPT)], outs_hbm.at[c, pl.ds(s * RPT, RPT)])
    pltpu.sync_copy(hdst_sh.at[pl.ds(s * RPT, RPT)], outd_hbm.at[c, pl.ds(s * RPT, RPT)])


@functools.partial(
    pl.kernel,
    out_type=jax.ShapeDtypeStruct((NC, N_PAD, F), jnp.float32),
    mesh=_mesh,
    scratch_types=[
        pltpu.VMEM((2, BM), jnp.int32),
        pltpu.VMEM((2, BM), jnp.int32),
        pltpu.VMEM((2, BM), jnp.int32),
        pltpu.VMEM((2, BM), jnp.int32),
        pltpu.VMEM((BM, F), jnp.float32),
        pltpu.VMEM((BM, F), jnp.float32),
        pltpu.VMEM((16, F), jnp.float32),
        pltpu.VMEM_SHARED((N_PAD, F), jnp.float32),
        pltpu.SemaphoreType.DMA,
        pltpu.SemaphoreType.DMA,
        pltpu.SemaphoreType.DMA,
        pltpu.SemaphoreType.DMA,
        pltpu.SemaphoreType.DMA,
        pltpu.SemaphoreType.DMA,
        pltpu.SemaphoreType.DMA,
        pltpu.SemaphoreType.DMA,
        pltpu.SemaphoreType.DMA,
    ],
)
def _msg_kernel(h_hbm, idx_hbm, out_hbm,
                idx0_v, idx1_v, idx2_v, idx3_v, rows0_v, rows1_v, z_v, acc_sh,
                semi0, semi1, semi2, semi3, semg0, semg1, sems0, sems1, zsem):
    c = lax.axis_index("c")
    s = lax.axis_index("s")
    wid = s * NC + c

    idxb = (idx0_v, idx1_v, idx2_v, idx3_v)
    rowsb = (rows0_v, rows1_v)
    semi = (semi0, semi1, semi2, semi3)
    semg = (semg0, semg1)
    sems = (sems0, sems1)

    def _zinit(i, _):
        for j in range(8):
            z_v[i, pl.ds(j * 16, 16)] = jnp.zeros((16,), jnp.float32)
        return 0
    lax.fori_loop(0, 16, _zinit, 0)

    def _zwait():
        pltpu.make_async_copy(z_v, acc_sh.at[pl.ds(0, 16)], zsem).wait()

    def _ziss(i):
        pltpu.async_copy(z_v, acc_sh.at[pl.ds(s * RPT + i * 16, 16)], zsem)

    _ziss(0)
    _ziss(1)
    _ziss(2)
    _ziss(3)

    def _zacc(i, _):
        _ziss(i)
        _zwait()
        return 0
    lax.fori_loop(4, RPT // 16, _zacc, 0)
    _zwait()
    _zwait()
    _zwait()
    _zwait()
    plsc.subcore_barrier()

    def _iload(j, q):
        pltpu.async_copy(idx_hbm.at[wid, j], idxb[q], semi[q])

    def _iwait(q):
        pltpu.make_async_copy(idx_hbm.at[wid, 0], idxb[q], semi[q]).wait()

    def _gather(q, p):
        pltpu.async_copy(h_hbm.at[idxb[q].at[0]], rowsb[p], semg[p])

    def _gwait(q, p):
        pltpu.make_async_copy(h_hbm.at[idxb[q].at[0]], rowsb[p], semg[p]).wait()

    def _scatter(q, p):
        pltpu.async_copy(rowsb[p], acc_sh.at[idxb[q].at[1]], sems[p], add=True)

    def _swait(q, p):
        pltpu.make_async_copy(rowsb[p], acc_sh.at[idxb[q].at[1]], sems[p]).wait()

    def _stage(j, u, first=False, last=False):
        p = u % 2
        q = u % 4
        if not last:
            _iwait((u + 1) % 4)
        if not first:
            _swait((u + 3) % 4, 1 - p)
        if not last:
            _gather((u + 1) % 4, 1 - p)
        _gwait(q, p)
        _scatter(q, p)
        if not last:
            _iload(jnp.minimum(j + 2, NBM - 1), (u + 2) % 4)

    pltpu.sync_copy(idx_hbm.at[wid, 0], idx0_v)
    _gather(0, 0)
    _iload(1, 1)

    _stage(0, 0, first=True)
    _stage(1, 1)
    _stage(2, 2)
    _stage(3, 3)

    def _quad(jjj, _):
        j0 = 4 * jjj
        _stage(j0, 0)
        _stage(j0 + 1, 1)
        _stage(j0 + 2, 2)
        _stage(j0 + 3, 3)
        return 0
    lax.fori_loop(1, NBM // 4 - 1, _quad, 0)

    _stage(NBM - 4, 0)
    _stage(NBM - 3, 1)
    _stage(NBM - 2, 2)
    _iwait((NBM - 1 + 1) % 4)
    _stage(NBM - 1, 3, last=True)
    _swait(3, 1)

    plsc.subcore_barrier()
    pltpu.sync_copy(acc_sh.at[pl.ds(s * RPT, RPT)],
                    out_hbm.at[c, pl.ds(s * RPT, RPT)])


_R = 2000


def _pre_body(x_ref, d0_ref, d1_ref, w_ref, o_ref):
    deg = d0_ref[...] + d1_ref[...]
    norm = jnp.where(deg > 0, lax.rsqrt(jnp.maximum(deg, 1.0)), 0.0)
    o_ref[...] = jnp.dot(x_ref[...] * norm, w_ref[...],
                         preferred_element_type=jnp.float32)


def _tc_pre(x, dsrc0, dsrc1, W):
    return pl.pallas_call(
        _pre_body,
        grid=(N // _R,),
        in_specs=[
            pl.BlockSpec((_R, F), lambda i: (i, 0)),
            pl.BlockSpec((_R, 1), lambda i: (i, 0)),
            pl.BlockSpec((_R, 1), lambda i: (i, 0)),
            pl.BlockSpec((F, F), lambda i: (0, 0)),
        ],
        out_specs=pl.BlockSpec((_R, F), lambda i: (i, 0)),
        out_shape=jax.ShapeDtypeStruct((N, F), jnp.float32),
    )(x, dsrc0, dsrc1, W)


def _postpre_body(p0_ref, p1_ref, di0_ref, di1_ref, b_ref,
                  do0_ref, do1_ref, w_ref, h_ref, o_ref):
    degi = di0_ref[...] + di1_ref[...]
    normi = jnp.where(degi > 0, lax.rsqrt(jnp.maximum(degi, 1.0)), 0.0)
    p = p0_ref[0].astype(jnp.float32) + p1_ref[0].astype(jnp.float32)
    h = jnp.maximum(p * normi + b_ref[...], 0.0)
    h_ref[...] = h
    dego = do0_ref[...] + do1_ref[...]
    normo = jnp.where(dego > 0, lax.rsqrt(jnp.maximum(dego, 1.0)), 0.0)
    o_ref[...] = jnp.dot(h * normo, w_ref[...],
                         preferred_element_type=jnp.float32)


def _tc_postpre(partials, ddst0, ddst1, b, dsrc0, dsrc1, W):
    return pl.pallas_call(
        _postpre_body,
        grid=(N // _R,),
        in_specs=[
            pl.BlockSpec((1, _R, F), lambda i: (0, i, 0)),
            pl.BlockSpec((1, _R, F), lambda i: (1, i, 0)),
            pl.BlockSpec((_R, 1), lambda i: (i, 0)),
            pl.BlockSpec((_R, 1), lambda i: (i, 0)),
            pl.BlockSpec((1, F), lambda i: (0, 0)),
            pl.BlockSpec((_R, 1), lambda i: (i, 0)),
            pl.BlockSpec((_R, 1), lambda i: (i, 0)),
            pl.BlockSpec((F, F), lambda i: (0, 0)),
        ],
        out_specs=[
            pl.BlockSpec((_R, F), lambda i: (i, 0)),
            pl.BlockSpec((_R, F), lambda i: (i, 0)),
        ],
        out_shape=[
            jax.ShapeDtypeStruct((N, F), jnp.float32),
            jax.ShapeDtypeStruct((N, F), jnp.float32),
        ],
    )(partials, partials, ddst0, ddst1, b, dsrc0, dsrc1, W)


def _post_body(p0_ref, p1_ref, d0_ref, d1_ref, b_ref, o_ref, *, relu):
    deg = d0_ref[...] + d1_ref[...]
    norm = jnp.where(deg > 0, lax.rsqrt(jnp.maximum(deg, 1.0)), 0.0)
    p = p0_ref[0].astype(jnp.float32) + p1_ref[0].astype(jnp.float32)
    h = p * norm + b_ref[...]
    if relu:
        h = jnp.maximum(h, 0.0)
    o_ref[...] = h


def _tc_post(partials, ddst0, ddst1, b, relu):
    return pl.pallas_call(
        functools.partial(_post_body, relu=relu),
        grid=(N // _R,),
        in_specs=[
            pl.BlockSpec((1, _R, F), lambda i: (0, i, 0)),
            pl.BlockSpec((1, _R, F), lambda i: (1, i, 0)),
            pl.BlockSpec((_R, 1), lambda i: (i, 0)),
            pl.BlockSpec((_R, 1), lambda i: (i, 0)),
            pl.BlockSpec((1, F), lambda i: (0, 0)),
        ],
        out_specs=pl.BlockSpec((_R, F), lambda i: (i, 0)),
        out_shape=jax.ShapeDtypeStruct((N, F), jnp.float32),
    )(partials, partials, ddst0, ddst1, b)


def kernel(inputs, edge_index, embedding_layer, W1, b1, W2, b2, W3, b3):
    src2d = edge_index[0].reshape(NW, NB, B)
    dst2d = edge_index[1].reshape(NW, NB, B)
    idx4 = edge_index.reshape(2, NW, NBM, BM).transpose(1, 2, 0, 3)

    dsrc_p, ddst_p = _degree_kernel(src2d, dst2d)
    dsrc0 = dsrc_p[0, :N].reshape(N, 1)
    dsrc1 = dsrc_p[1, :N].reshape(N, 1)
    ddst0 = ddst_p[0, :N].reshape(N, 1)
    ddst1 = ddst_p[1, :N].reshape(N, 1)

    b1r = b1.reshape(1, F)
    b2r = b2.reshape(1, F)
    b3r = b3.reshape(1, F)

    pre1 = _tc_pre(inputs, dsrc0, dsrc1, W1)
    p1_ = _msg_kernel(pre1, idx4)
    h1, pre2 = _tc_postpre(p1_, ddst0, ddst1, b1r, dsrc0, dsrc1, W2)

    p2_ = _msg_kernel(pre2, idx4)
    h2, pre3 = _tc_postpre(p2_, ddst0, ddst1, b2r, dsrc0, dsrc1, W3)

    p3_ = _msg_kernel(pre3, idx4)
    h3 = _tc_post(p3_, ddst0, ddst1, b3r, relu=False)

    emb = jnp.where(embedding_layer == 1, h1,
                    jnp.where(embedding_layer == 2, h2, h3))
    return (h3, emb, inputs)

# --- scband reference (transcript-rebuilt; emitter-appended) ---
"""Pipeline reference for scband-gcn-3-layers-21388937134410 (READ-ONLY COPY).

The authoritative reference and input builder live on the scoring server;
editing this copy changes nothing except your own understanding.
"""

import jax, jax.numpy as jnp
import numpy as np

N = 10000
E = 320000
IN_FEATS = 128
H_FEATS = 128
OUT_FEATS = 128


def setup_inputs(seed: int = 0) -> dict:
    key = jax.random.key(seed)
    ks = jax.random.split(key, 9)
    inputs = jax.random.normal(ks[0], (N, IN_FEATS), dtype=jnp.float32)
    edge_index = jax.random.randint(ks[1], (2, E), 0, N, dtype=jnp.int32)
    # Learned parameters for three GraphConv layers (glorot-ish init)
    W1 = jax.random.normal(ks[2], (IN_FEATS, H_FEATS), dtype=jnp.float32) * (1.0 / np.sqrt(IN_FEATS))
    b1 = jnp.zeros((H_FEATS,), dtype=jnp.float32)
    W2 = jax.random.normal(ks[3], (H_FEATS, H_FEATS), dtype=jnp.float32) * (1.0 / np.sqrt(H_FEATS))
    b2 = jnp.zeros((H_FEATS,), dtype=jnp.float32)
    W3 = jax.random.normal(ks[4], (H_FEATS, OUT_FEATS), dtype=jnp.float32) * (1.0 / np.sqrt(H_FEATS))
    b3 = jnp.zeros((OUT_FEATS,), dtype=jnp.float32)
    return {"inputs": inputs, "edge_index": edge_index, "embedding_layer": 3,
            "W1": W1, "b1": b1, "W2": W2, "b2": b2, "W3": W3, "b3": b3}


def _gcn_conv(x, src, dst, W, b):
    # DGL GraphConv with norm='both': D_in^{-1/2} A D_out^{-1/2} X W + b
    ones_e = jnp.ones((src.shape[0],), dtype=x.dtype)
    deg_out = jax.ops.segment_sum(ones_e, src, num_segments=N)
    deg_in = jax.ops.segment_sum(ones_e, dst, num_segments=N)
    norm_out = jnp.where(deg_out > 0, jax.lax.rsqrt(jnp.maximum(deg_out, 1.0)), 0.0)
    norm_in = jnp.where(deg_in > 0, jax.lax.rsqrt(jnp.maximum(deg_in, 1.0)), 0.0)
    h = x * norm_out[:, None]
    h = h @ W
    msg = jnp.take(h, src, axis=0)
    agg = jax.ops.segment_sum(msg, dst, num_segments=N)
    agg = agg * norm_in[:, None]
    return agg + b


def reference(inputs, edge_index, embedding_layer, W1, b1, W2, b2, W3, b3):
    src = edge_index[0]
    dst = edge_index[1]
    h1 = jax.nn.relu(_gcn_conv(inputs, src, dst, W1, b1))
    h2 = jax.nn.relu(_gcn_conv(h1, src, dst, W2, b2))
    h3 = _gcn_conv(h2, src, dst, W3, b3)
    emb = jnp.where(embedding_layer == 1, h1,
                    jnp.where(embedding_layer == 2, h2, h3))
    return (h3, emb, inputs)

if __name__ == "__main__":
    import jax
    _d = setup_inputs()
    print(jax.jit(kernel)(*tuple(_d.values())))

</pallas_src>

<mosaic_0001>
#map = affine_map<(d0, d1) -> (0, 0, 0)>
#map1 = affine_map<(d0, d1) -> (0, 0)>
module attributes {stable_mosaic.version = 14 : i64} {
  func.func @_degree_kernel(%arg0: i32, %arg1: i32, %arg2: memref<32x100x100xi32, #tpu.memory_space<hbm>>, %arg3: memref<32x100x100xi32, #tpu.memory_space<hbm>>, %arg4: memref<2x10240xf32, #tpu.memory_space<hbm>>, %arg5: memref<2x10240xf32, #tpu.memory_space<hbm>>, %arg6: memref<100x100xi32, #tpu.memory_space<vmem>>, %arg7: memref<100x100xi32, #tpu.memory_space<vmem>>, %arg8: memref<128xf32, #tpu.memory_space<vmem>>, %arg9: memref<640xf32, #tpu.memory_space<vmem>>, %arg10: memref<10240xf32, #tpu.memory_space<vmem_shared>>, %arg11: memref<10240xf32, #tpu.memory_space<vmem_shared>>, %arg12: memref<!tpu.dma_semaphore, #tpu.memory_space<semaphore_mem>>, %arg13: memref<!tpu.dma_semaphore, #tpu.memory_space<semaphore_mem>>) attributes {dimension_semantics = [#tpu.dimension_semantics<core_parallel>, #tpu.dimension_semantics<subcore_parallel>], iteration_bounds = array<i64: 2, 16>, scalar_prefetch = 0 : i64, scratch_operands = 8 : i64, tpu.core_type = #tpu.core_type<sc_vector_subcore>, window_params = [{transform_indices = #map}, {transform_indices = #map}, {transform_indices = #map1}, {transform_indices = #map1}]} {
    %mul3A = arith.constant 2 : i32
    %mul3A_0 = arith.muli %arg1, %mul3A : i32
    %add3A = arith.addi %mul3A_0, %arg0 : i32
    %scan3A = arith.constant 0 : i32
    %scan3A_1 = arith.constant 0 : i32
    %scan3A_2 = arith.constant 8 : i32
    %scan3A_3 = arith.addi %scan3A_1, %scan3A_2 : i32
    %scan3A_4 = arith.constant 1 : i32
    %scan3A_5 = scf.for %scan3A_128 = %scan3A_1 to %scan3A_3 step %scan3A_4 iter_args(%scan3A_129 = %scan3A) -> (i32)  : i32 {
      %broadcast_in_dim3A = arith.constant 1.000000e+00 : f32
      %broadcast_in_dim3A_130 = vector.broadcast %broadcast_in_dim3A : f32 to vector<16xf32>
      %mul3A_131 = arith.constant 16 : i32
      %mul3A_132 = arith.muli %scan3A_128, %mul3A_131 : i32
      %swap3A = arith.index_cast %mul3A_132 : i32 to index
      %swap3A_133 = tpu.vector_load %arg8[%swap3A] {strides = array<i32>} : memref<128xf32, #tpu.memory_space<vmem>>, vector<16xf32>,
      %swap3A_134 = vector.shape_cast %swap3A_133 : vector<16xf32> to vector<16xf32>
      %swap3A_135 = vector.shape_cast %broadcast_in_dim3A_130 : vector<16xf32> to vector<16xf32>
      tpu.vector_store %arg8[%swap3A], %swap3A_135 {strides = array<i32>} : memref<128xf32, #tpu.memory_space<vmem>>, vector<16xf32>,
      %broadcast_in_dim3A_136 = arith.constant 0.000000e+00 : f32
      %broadcast_in_dim3A_137 = vector.broadcast %broadcast_in_dim3A_136 : f32 to vector<16xf32>
      %mul3A_138 = arith.constant 16 : i32
      %mul3A_139 = arith.muli %scan3A_128, %mul3A_138 : i32
      %swap3A_140 = arith.index_cast %mul3A_139 : i32 to index
      %swap3A_141 = tpu.vector_load %arg9[%swap3A_140] {strides = array<i32>} : memref<640xf32, #tpu.memory_space<vmem>>, vector<16xf32>,
      %swap3A_142 = vector.shape_cast %swap3A_141 : vector<16xf32> to vector<16xf32>
      %swap3A_143 = vector.shape_cast %broadcast_in_dim3A_137 : vector<16xf32> to vector<16xf32>
      tpu.vector_store %arg9[%swap3A_140], %swap3A_143 {strides = array<i32>} : memref<640xf32, #tpu.memory_space<vmem>>, vector<16xf32>,
      %scan3A_144 = arith.constant 0 : i32
      scf.yield %scan3A_144 : i32
    }
    %scan3A_6 = arith.constant 8 : i32
    %scan3A_7 = arith.constant 0 : i32
    %scan3A_8 = arith.constant 0 : i32
    %scan3A_9 = arith.constant 32 : i32
    %scan3A_10 = arith.addi %scan3A_8, %scan3A_9 : i32
    %scan3A_11 = arith.constant 1 : i32
    %scan3A_12 = scf.for %scan3A_128 = %scan3A_8 to %scan3A_10 step %scan3A_11 iter_args(%scan3A_129 = %scan3A_7) -> (i32)  : i32 {
      %broadcast_in_dim3A = arith.constant 0.000000e+00 : f32
      %broadcast_in_dim3A_130 = vector.broadcast %broadcast_in_dim3A : f32 to vector<16xf32>
      %mul3A_131 = arith.constant 16 : i32
      %mul3A_132 = arith.muli %scan3A_128, %mul3A_131 : i32
      %add3A_133 = arith.constant 128 : i32
      %add3A_134 = arith.addi %add3A_133, %mul3A_132 : i32
      %swap3A = arith.index_cast %add3A_134 : i32 to index
      %swap3A_135 = tpu.vector_load %arg9[%swap3A] {strides = array<i32>} : memref<640xf32, #tpu.memory_space<vmem>>, vector<16xf32>,
      %swap3A_136 = vector.shape_cast %swap3A_135 : vector<16xf32> to vector<16xf32>
      %swap3A_137 = vector.shape_cast %broadcast_in_dim3A_130 : vector<16xf32> to vector<16xf32>
      tpu.vector_store %arg9[%swap3A], %swap3A_137 {strides = array<i32>} : memref<640xf32, #tpu.memory_space<vmem>>, vector<16xf32>,
      %scan3A_138 = arith.constant 0 : i32
      scf.yield %scan3A_138 : i32
    }
    %scan3A_13 = arith.constant 32 : i32
    %mul3A_14 = arith.constant 640 : i32
    %mul3A_15 = arith.muli %arg1, %mul3A_14 : i32
    "tpu.region"() ({
      %run_scoped3A = tpu.sem_alloc : memref<!tpu.dma_semaphore, #tpu.memory_space<semaphore_mem>>
      %dma_start3A_128 = tpu.memref_slice %arg10[%mul3A_15] : memref<10240xf32, #tpu.memory_space<vmem_shared>> -> memref<640xf32, #tpu.memory_space<vmem_shared>>
      %dma_start3A_129 = tpu.memref_slice %arg10[%mul3A_15] : memref<10240xf32, #tpu.memory_space<vmem_shared>> -> memref<640xf32, #tpu.memory_space<vmem_shared>>
      tpu.enqueue_dma source(%arg9 : memref<640xf32, #tpu.memory_space<vmem>>) target(%dma_start3A_129 : memref<640xf32, #tpu.memory_space<vmem_shared>>) target_semaphore(%run_scoped3A : memref<!tpu.dma_semaphore, #tpu.memory_space<semaphore_mem>>)
      %dma_wait3A_130 = tpu.memref_slice %arg10[%mul3A_15] : memref<10240xf32, #tpu.memory_space<vmem_shared>> -> memref<640xf32, #tpu.memory_space<vmem_shared>>
      %dma_wait3A_131 = tpu.memref_slice %arg10[%mul3A_15] : memref<10240xf32, #tpu.memory_space<vmem_shared>> -> memref<640xf32, #tpu.memory_space<vmem_shared>>
      tpu.wait_dma2 semaphore(%run_scoped3A : memref<!tpu.dma_semaphore, #tpu.memory_space<semaphore_mem>>) src(%arg9 : memref<640xf32, #tpu.memory_space<vmem>>) dst(%dma_wait3A_131 : memref<640xf32, #tpu.memory_space<vmem_shared>>)
      tpu.yield
    }) : () -> ()
    %mul3A_16 = arith.constant 640 : i32
    %mul3A_17 = arith.muli %arg1, %mul3A_16 : i32
    "tpu.region"() ({
      %run_scoped3A = tpu.sem_alloc : memref<!tpu.dma_semaphore, #tpu.memory_space<semaphore_mem>>
      %dma_start3A_128 = tpu.memref_slice %arg11[%mul3A_17] : memref<10240xf32, #tpu.memory_space<vmem_shared>> -> memref<640xf32, #tpu.memory_space<vmem_shared>>
      %dma_start3A_129 = tpu.memref_slice %arg11[%mul3A_17] : memref<10240xf32, #tpu.memory_space<vmem_shared>> -> memref<640xf32, #tpu.memory_space<vmem_shared>>
      tpu.enqueue_dma source(%arg9 : memref<640xf32, #tpu.memory_space<vmem>>) target(%dma_start3A_129 : memref<640xf32, #tpu.memory_space<vmem_shared>>) target_semaphore(%run_scoped3A : memref<!tpu.dma_semaphore, #tpu.memory_space<semaphore_mem>>)
      %dma_wait3A_130 = tpu.memref_slice %arg11[%mul3A_17] : memref<10240xf32, #tpu.memory_space<vmem_shared>> -> memref<640xf32, #tpu.memory_space<vmem_shared>>
      %dma_wait3A_131 = tpu.memref_slice %arg11[%mul3A_17] : memref<10240xf32, #tpu.memory_space<vmem_shared>> -> memref<640xf32, #tpu.memory_space<vmem_shared>>
      tpu.wait_dma2 semaphore(%run_scoped3A : memref<!tpu.dma_semaphore, #tpu.memory_space<semaphore_mem>>) src(%arg9 : memref<640xf32, #tpu.memory_space<vmem>>) dst(%dma_wait3A_131 : memref<640xf32, #tpu.memory_space<vmem_shared>>)
      tpu.yield
    }) : () -> ()
    %barrier3A = arith.constant 0 : index
    tpu.barrier barrier_id(%barrier3A)
    "tpu.region"() ({
      %run_scoped3A = tpu.sem_alloc : memref<!tpu.dma_semaphore, #tpu.memory_space<semaphore_mem>>
      %dma_start3A_128 = arith.constant 0 : i32
      %dma_start3A_129 = arith.constant 0 : i32
      %dma_start3A_130 = tpu.memref_slice %arg2[%add3A, %dma_start3A_128, %dma_start3A_129] : memref<32x100x100xi32, #tpu.memory_space<hbm>> -> memref<1x100x100xi32, #tpu.memory_space<hbm>>
      %dma_start3A_131 = tpu.memref_squeeze %dma_start3A_130 : memref<1x100x100xi32, #tpu.memory_space<hbm>> -> memref<100x100xi32, #tpu.memory_space<hbm>>
      %dma_start3A_132 = arith.constant 0 : i32
      %dma_start3A_133 = arith.constant 0 : i32
      %dma_start3A_134 = tpu.memref_slice %arg2[%add3A, %dma_start3A_132, %dma_start3A_133] : memref<32x100x100xi32, #tpu.memory_space<hbm>> -> memref<1x100x100xi32, #tpu.memory_space<hbm>>
      %dma_start3A_135 = tpu.memref_squeeze %dma_start3A_134 : memref<1x100x100xi32, #tpu.memory_space<hbm>> -> memref<100x100xi32, #tpu.memory_space<hbm>>
      tpu.enqueue_dma source(%dma_start3A_135 : memref<100x100xi32, #tpu.memory_space<hbm>>) target(%arg6 : memref<100x100xi32, #tpu.memory_space<vmem>>) target_semaphore(%run_scoped3A : memref<!tpu.dma_semaphore, #tpu.memory_space<semaphore_mem>>)
      %dma_wait3A_136 = arith.constant 0 : i32
      %dma_wait3A_137 = arith.constant 0 : i32
      %dma_wait3A_138 = tpu.memref_slice %arg2[%add3A, %dma_wait3A_136, %dma_wait3A_137] : memref<32x100x100xi32, #tpu.memory_space<hbm>> -> memref<1x100x100xi32, #tpu.memory_space<hbm>>
      %dma_wait3A_139 = tpu.memref_squeeze %dma_wait3A_138 : memref<1x100x100xi32, #tpu.memory_space<hbm>> -> memref<100x100xi32, #tpu.memory_space<hbm>>
      %dma_wait3A_140 = arith.constant 0 : i32
      %dma_wait3A_141 = arith.constant 0 : i32
      %dma_wait3A_142 = tpu.memref_slice %arg2[%add3A, %dma_wait3A_140, %dma_wait3A_141] : memref<32x100x100xi32, #tpu.memory_space<hbm>> -> memref<1x100x100xi32, #tpu.memory_space<hbm>>
      %dma_wait3A_143 = tpu.memref_squeeze %dma_wait3A_142 : memref<1x100x100xi32, #tpu.memory_space<hbm>> -> memref<100x100xi32, #tpu.memory_space<hbm>>
      tpu.wait_dma2 semaphore(%run_scoped3A : memref<!tpu.dma_semaphore, #tpu.memory_space<semaphore_mem>>) src(%dma_wait3A_143 : memref<100x100xi32, #tpu.memory_space<hbm>>) dst(%arg6 : memref<100x100xi32, #tpu.memory_space<vmem>>)
      tpu.yield
    }) : () -> ()
    "tpu.region"() ({
      %run_scoped3A = tpu.sem_alloc : memref<!tpu.dma_semaphore, #tpu.memory_space<semaphore_mem>>
      %dma_start3A_128 = arith.constant 0 : i32
      %dma_start3A_129 = arith.constant 0 : i32
      %dma_start3A_130 = tpu.memref_slice %arg3[%add3A, %dma_start3A_128, %dma_start3A_129] : memref<32x100x100xi32, #tpu.memory_space<hbm>> -> memref<1x100x100xi32, #tpu.memory_space<hbm>>
      %dma_start3A_131 = tpu.memref_squeeze %dma_start3A_130 : memref<1x100x100xi32, #tpu.memory_space<hbm>> -> memref<100x100xi32, #tpu.memory_space<hbm>>
      %dma_start3A_132 = arith.constant 0 : i32
      %dma_start3A_133 = arith.constant 0 : i32
      %dma_start3A_134 = tpu.memref_slice %arg3[%add3A, %dma_start3A_132, %dma_start3A_133] : memref<32x100x100xi32, #tpu.memory_space<hbm>> -> memref<1x100x100xi32, #tpu.memory_space<hbm>>
      %dma_start3A_135 = tpu.memref_squeeze %dma_start3A_134 : memref<1x100x100xi32, #tpu.memory_space<hbm>> -> memref<100x100xi32, #tpu.memory_space<hbm>>
      tpu.enqueue_dma source(%dma_start3A_135 : memref<100x100xi32, #tpu.memory_space<hbm>>) target(%arg7 : memref<100x100xi32, #tpu.memory_space<vmem>>) target_semaphore(%run_scoped3A : memref<!tpu.dma_semaphore, #tpu.memory_space<semaphore_mem>>)
      %dma_wait3A_136 = arith.constant 0 : i32
      %dma_wait3A_137 = arith.constant 0 : i32
      %dma_wait3A_138 = tpu.memref_slice %arg3[%add3A, %dma_wait3A_136, %dma_wait3A_137] : memref<32x100x100xi32, #tpu.memory_space<hbm>> -> memref<1x100x100xi32, #tpu.memory_space<hbm>>
      %dma_wait3A_139 = tpu.memref_squeeze %dma_wait3A_138 : memref<1x100x100xi32, #tpu.memory_space<hbm>> -> memref<100x100xi32, #tpu.memory_space<hbm>>
      %dma_wait3A_140 = arith.constant 0 : i32
      %dma_wait3A_141 = arith.constant 0 : i32
      %dma_wait3A_142 = tpu.memref_slice %arg3[%add3A, %dma_wait3A_140, %dma_wait3A_141] : memref<32x100x100xi32, #tpu.memory_space<hbm>> -> memref<1x100x100xi32, #tpu.memory_space<hbm>>
      %dma_wait3A_143 = tpu.memref_squeeze %dma_wait3A_142 : memref<1x100x100xi32, #tpu.memory_space<hbm>> -> memref<100x100xi32, #tpu.memory_space<hbm>>
      tpu.wait_dma2 semaphore(%run_scoped3A : memref<!tpu.dma_semaphore, #tpu.memory_space<semaphore_mem>>) src(%dma_wait3A_143 : memref<100x100xi32, #tpu.memory_space<hbm>>) dst(%arg7 : memref<100x100xi32, #tpu.memory_space<vmem>>)
      tpu.yield
    }) : () -> ()
    %dma_start3A = arith.constant 0 : i32
    %dma_start3A_18 = arith.constant 0 : i32
    %dma_start3A_19 = tpu.memref_slice %arg8[%dma_start3A_18] : memref<128xf32, #tpu.memory_space<vmem>> -> memref<100xf32, #tpu.memory_space<vmem>>
    %dma_start3A_20 = arith.constant 0 : i32
    %dma_start3A_21 = tpu.memref_slice %arg6[%dma_start3A, %dma_start3A_20] : memref<100x100xi32, #tpu.memory_space<vmem>> -> memref<1x100xi32, #tpu.memory_space<vmem>>
    %dma_start3A_22 = tpu.memref_squeeze %dma_start3A_21 : memref<1x100xi32, #tpu.memory_space<vmem>> -> memref<100xi32, #tpu.memory_space<vmem>>
    %dma_start3A_23 = arith.constant 0 : i32
    %dma_start3A_24 = tpu.memref_slice %arg10[%dma_start3A_23] : memref<10240xf32, #tpu.memory_space<vmem_shared>> -> memref<10240xf32, #tpu.memory_space<vmem_shared>>
    tpu.enqueue_indirect_dma source(%dma_start3A_19 : memref<100xf32, #tpu.memory_space<vmem>>) target(%dma_start3A_24 : memref<10240xf32, #tpu.memory_space<vmem_shared>>) offsets(%dma_start3A_22 : memref<100xi32, #tpu.memory_space<vmem>>) semaphore(%arg12 : memref<!tpu.dma_semaphore, #tpu.memory_space<semaphore_mem>>) {add = true}
    %dma_start3A_25 = arith.constant 0 : i32
    %dma_start3A_26 = arith.constant 0 : i32
    %dma_start3A_27 = tpu.memref_slice %arg8[%dma_start3A_26] : memref<128xf32, #tpu.memory_space<vmem>> -> memref<100xf32, #tpu.memory_space<vmem>>
    %dma_start3A_28 = arith.constant 0 : i32
    %dma_start3A_29 = tpu.memref_slice %arg7[%dma_start3A_25, %dma_start3A_28] : memref<100x100xi32, #tpu.memory_space<vmem>> -> memref<1x100xi32, #tpu.memory_space<vmem>>
    %dma_start3A_30 = tpu.memref_squeeze %dma_start3A_29 : memref<1x100xi32, #tpu.memory_space<vmem>> -> memref<100xi32, #tpu.memory_space<vmem>>
    %dma_start3A_31 = arith.constant 0 : i32
    %dma_start3A_32 = tpu.memref_slice %arg11[%dma_start3A_31] : memref<10240xf32, #tpu.memory_space<vmem_shared>> -> memref<10240xf32, #tpu.memory_space<vmem_shared>>
    tpu.enqueue_indirect_dma source(%dma_start3A_27 : memref<100xf32, #tpu.memory_space<vmem>>) target(%dma_start3A_32 : memref<10240xf32, #tpu.memory_space<vmem_shared>>) offsets(%dma_start3A_30 : memref<100xi32, #tpu.memory_space<vmem>>) semaphore(%arg13 : memref<!tpu.dma_semaphore, #tpu.memory_space<semaphore_mem>>) {add = true}
    %dma_start3A_33 = arith.constant 1 : i32
    %dma_start3A_34 = arith.constant 0 : i32
    %dma_start3A_35 = tpu.memref_slice %arg8[%dma_start3A_34] : memref<128xf32, #tpu.memory_space<vmem>> -> memref<100xf32, #tpu.memory_space<vmem>>
    %dma_start3A_36 = arith.constant 0 : i32
    %dma_start3A_37 = tpu.memref_slice %arg6[%dma_start3A_33, %dma_start3A_36] : memref<100x100xi32, #tpu.memory_space<vmem>> -> memref<1x100xi32, #tpu.memory_space<vmem>>
    %dma_start3A_38 = tpu.memref_squeeze %dma_start3A_37 : memref<1x100xi32, #tpu.memory_space<vmem>> -> memref<100xi32, #tpu.memory_space<vmem>>
    %dma_start3A_39 = arith.constant 0 : i32
    %dma_start3A_40 = tpu.memref_slice %arg10[%dma_start3A_39] : memref<10240xf32, #tpu.memory_space<vmem_shared>> -> memref<10240xf32, #tpu.memory_space<vmem_shared>>
    tpu.enqueue_indirect_dma source(%dma_start3A_35 : memref<100xf32, #tpu.memory_space<vmem>>) target(%dma_start3A_40 : memref<10240xf32, #tpu.memory_space<vmem_shared>>) offsets(%dma_start3A_38 : memref<100xi32, #tpu.memory_space<vmem>>) semaphore(%arg12 : memref<!tpu.dma_semaphore, #tpu.memory_space<semaphore_mem>>) {add = true}
    %dma_start3A_41 = arith.constant 1 : i32
    %dma_start3A_42 = arith.constant 0 : i32
    %dma_start3A_43 = tpu.memref_slice %arg8[%dma_start3A_42] : memref<128xf32, #tpu.memory_space<vmem>> -> memref<100xf32, #tpu.memory_space<vmem>>
    %dma_start3A_44 = arith.constant 0 : i32
    %dma_start3A_45 = tpu.memref_slice %arg7[%dma_start3A_41, %dma_start3A_44] : memref<100x100xi32, #tpu.memory_space<vmem>> -> memref<1x100xi32, #tpu.memory_space<vmem>>
    %dma_start3A_46 = tpu.memref_squeeze %dma_start3A_45 : memref<1x100xi32, #tpu.memory_space<vmem>> -> memref<100xi32, #tpu.memory_space<vmem>>
    %dma_start3A_47 = arith.constant 0 : i32
    %dma_start3A_48 = tpu.memref_slice %arg11[%dma_start3A_47] : memref<10240xf32, #tpu.memory_space<vmem_shared>> -> memref<10240xf32, #tpu.memory_space<vmem_shared>>
    tpu.enqueue_indirect_dma source(%dma_start3A_43 : memref<100xf32, #tpu.memory_space<vmem>>) target(%dma_start3A_48 : memref<10240xf32, #tpu.memory_space<vmem_shared>>) offsets(%dma_start3A_46 : memref<100xi32, #tpu.memory_space<vmem>>) semaphore(%arg13 : memref<!tpu.dma_semaphore, #tpu.memory_space<semaphore_mem>>) {add = true}
    %dma_start3A_49 = arith.constant 2 : i32
    %dma_start3A_50 = arith.constant 0 : i32
    %dma_start3A_51 = tpu.memref_slice %arg8[%dma_start3A_50] : memref<128xf32, #tpu.memory_space<vmem>> -> memref<100xf32, #tpu.memory_space<vmem>>
    %dma_start3A_52 = arith.constant 0 : i32
    %dma_start3A_53 = tpu.memref_slice %arg6[%dma_start3A_49, %dma_start3A_52] : memref<100x100xi32, #tpu.memory_space<vmem>> -> memref<1x100xi32, #tpu.memory_space<vmem>>
    %dma_start3A_54 = tpu.memref_squeeze %dma_start3A_53 : memref<1x100xi32, #tpu.memory_space<vmem>> -> memref<100xi32, #tpu.memory_space<vmem>>
    %dma_start3A_55 = arith.constant 0 : i32
    %dma_start3A_56 = tpu.memref_slice %arg10[%dma_start3A_55] : memref<10240xf32, #tpu.memory_space<vmem_shared>> -> memref<10240xf32, #tpu.memory_space<vmem_shared>>
    tpu.enqueue_indirect_dma source(%dma_start3A_51 : memref<100xf32, #tpu.memory_space<vmem>>) target(%dma_start3A_56 : memref<10240xf32, #tpu.memory_space<vmem_shared>>) offsets(%dma_start3A_54 : memref<100xi32, #tpu.memory_space<vmem>>) semaphore(%arg12 : memref<!tpu.dma_semaphore, #tpu.memory_space<semaphore_mem>>) {add = true}
    %dma_start3A_57 = arith.constant 2 : i32
    %dma_start3A_58 = arith.constant 0 : i32
    %dma_start3A_59 = tpu.memref_slice %arg8[%dma_start3A_58] : memref<128xf32, #tpu.memory_space<vmem>> -> memref<100xf32, #tpu.memory_space<vmem>>
    %dma_start3A_60 = arith.constant 0 : i32
    %dma_start3A_61 = tpu.memref_slice %arg7[%dma_start3A_57, %dma_start3A_60] : memref<100x100xi32, #tpu.memory_space<vmem>> -> memref<1x100xi32, #tpu.memory_space<vmem>>
    %dma_start3A_62 = tpu.memref_squeeze %dma_start3A_61 : memref<1x100xi32, #tpu.memory_space<vmem>> -> memref<100xi32, #tpu.memory_space<vmem>>
    %dma_start3A_63 = arith.constant 0 : i32
    %dma_start3A_64 = tpu.memref_slice %arg11[%dma_start3A_63] : memref<10240xf32, #tpu.memory_space<vmem_shared>> -> memref<10240xf32, #tpu.memory_space<vmem_shared>>
    tpu.enqueue_indirect_dma source(%dma_start3A_59 : memref<100xf32, #tpu.memory_space<vmem>>) target(%dma_start3A_64 : memref<10240xf32, #tpu.memory_space<vmem_shared>>) offsets(%dma_start3A_62 : memref<100xi32, #tpu.memory_space<vmem>>) semaphore(%arg13 : memref<!tpu.dma_semaphore, #tpu.memory_space<semaphore_mem>>) {add = true}
    %scan3A_65 = arith.constant 0 : i32
    %scan3A_66 = arith.constant 3 : i32
    %scan3A_67 = arith.constant 97 : i32
    %scan3A_68 = arith.addi %scan3A_66, %scan3A_67 : i32
    %scan3A_69 = arith.constant 1 : i32
    %scan3A_70 = scf.for %scan3A_128 = %scan3A_66 to %scan3A_68 step %scan3A_69 iter_args(%scan3A_129 = %scan3A_65) -> (i32)  : i32 {
      %dma_start3A_130 = arith.constant 0 : i32
      %dma_start3A_131 = tpu.memref_slice %arg8[%dma_start3A_130] : memref<128xf32, #tpu.memory_space<vmem>> -> memref<100xf32, #tpu.memory_space<vmem>>
      %dma_start3A_132 = arith.constant 0 : i32
      %dma_start3A_133 = tpu.memref_slice %arg6[%scan3A_128, %dma_start3A_132] : memref<100x100xi32, #tpu.memory_space<vmem>> -> memref<1x100xi32, #tpu.memory_space<vmem>>
      %dma_start3A_134 = tpu.memref_squeeze %dma_start3A_133 : memref<1x100xi32, #tpu.memory_space<vmem>> -> memref<100xi32, #tpu.memory_space<vmem>>
      %dma_start3A_135 = arith.constant 0 : i32
      %dma_start3A_136 = tpu.memref_slice %arg10[%dma_start3A_135] : memref<10240xf32, #tpu.memory_space<vmem_shared>> -> memref<10240xf32, #tpu.memory_space<vmem_shared>>
      tpu.enqueue_indirect_dma source(%dma_start3A_131 : memref<100xf32, #tpu.memory_space<vmem>>) target(%dma_start3A_136 : memref<10240xf32, #tpu.memory_space<vmem_shared>>) offsets(%dma_start3A_134 : memref<100xi32, #tpu.memory_space<vmem>>) semaphore(%arg12 : memref<!tpu.dma_semaphore, #tpu.memory_space<semaphore_mem>>) {add = true}
      %dma_start3A_137 = arith.constant 0 : i32
      %dma_start3A_138 = tpu.memref_slice %arg8[%dma_start3A_137] : memref<128xf32, #tpu.memory_space<vmem>> -> memref<100xf32, #tpu.memory_space<vmem>>
      %dma_start3A_139 = arith.constant 0 : i32
      %dma_start3A_140 = tpu.memref_slice %arg7[%scan3A_128, %dma_start3A_139] : memref<100x100xi32, #tpu.memory_space<vmem>> -> memref<1x100xi32, #tpu.memory_space<vmem>>
      %dma_start3A_141 = tpu.memref_squeeze %dma_start3A_140 : memref<1x100xi32, #tpu.memory_space<vmem>> -> memref<100xi32, #tpu.memory_space<vmem>>
      %dma_start3A_142 = arith.constant 0 : i32
      %dma_start3A_143 = tpu.memref_slice %arg11[%dma_start3A_142] : memref<10240xf32, #tpu.memory_space<vmem_shared>> -> memref<10240xf32, #tpu.memory_space<vmem_shared>>
      tpu.enqueue_indirect_dma source(%dma_start3A_138 : memref<100xf32, #tpu.memory_space<vmem>>) target(%dma_start3A_143 : memref<10240xf32, #tpu.memory_space<vmem_shared>>) offsets(%dma_start3A_141 : memref<100xi32, #tpu.memory_space<vmem>>) semaphore(%arg13 : memref<!tpu.dma_semaphore, #tpu.memory_space<semaphore_mem>>) {add = true}
      %dma_wait3A_144 = arith.constant 0 : i32
      %dma_wait3A_145 = arith.constant 0 : i32
      %dma_wait3A_146 = tpu.memref_slice %arg8[%dma_wait3A_145] : memref<128xf32, #tpu.memory_space<vmem>> -> memref<100xf32, #tpu.memory_space<vmem>>
      %dma_wait3A_147 = arith.constant 0 : i32
      %dma_wait3A_148 = tpu.memref_slice %arg6[%dma_wait3A_144, %dma_wait3A_147] : memref<100x100xi32, #tpu.memory_space<vmem>> -> memref<1x100xi32, #tpu.memory_space<vmem>>
      %dma_wait3A_149 = tpu.memref_squeeze %dma_wait3A_148 : memref<1x100xi32, #tpu.memory_space<vmem>> -> memref<100xi32, #tpu.memory_space<vmem>>
      %dma_wait3A_150 = arith.constant 0 : i32
      %dma_wait3A_151 = tpu.memref_slice %arg10[%dma_wait3A_150] : memref<10240xf32, #tpu.memory_space<vmem_shared>> -> memref<10240xf32, #tpu.memory_space<vmem_shared>>
      tpu.wait_indirect_dma semaphore(%arg12 : memref<!tpu.dma_semaphore, #tpu.memory_space<semaphore_mem>>) src(%dma_wait3A_146 : memref<100xf32, #tpu.memory_space<vmem>>) dst(%dma_wait3A_151 : memref<10240xf32, #tpu.memory_space<vmem_shared>>)
      %dma_wait3A_152 = arith.constant 0 : i32
      %dma_wait3A_153 = arith.constant 0 : i32
      %dma_wait3A_154 = tpu.memref_slice %arg8[%dma_wait3A_153] : memref<128xf32, #tpu.memory_space<vmem>> -> memref<100xf32, #tpu.memory_space<vmem>>
      %dma_wait3A_155 = arith.constant 0 : i32
      %dma_wait3A_156 = tpu.memref_slice %arg7[%dma_wait3A_152, %dma_wait3A_155] : memref<100x100xi32, #tpu.memory_space<vmem>> -> memref<1x100xi32, #tpu.memory_space<vmem>>
      %dma_wait3A_157 = tpu.memref_squeeze %dma_wait3A_156 : memref<1x100xi32, #tpu.memory_space<vmem>> -> memref<100xi32, #tpu.memory_space<vmem>>
      %dma_wait3A_158 = arith.constant 0 : i32
      %dma_wait3A_159 = tpu.memref_slice %arg11[%dma_wait3A_158] : memref<10240xf32, #tpu.memory_space<vmem_shared>> -> memref<10240xf32, #tpu.memory_space<vmem_shared>>
      tpu.wait_indirect_dma semaphore(%arg13 : memref<!tpu.dma_semaphore, #tpu.memory_space<semaphore_mem>>) src(%dma_wait3A_154 : memref<100xf32, #tpu.memory_space<vmem>>) dst(%dma_wait3A_159 : memref<10240xf32, #tpu.memory_space<vmem_shared>>)
      %scan3A_160 = arith.constant 0 : i32
      scf.yield %scan3A_160 : i32
    }
    %scan3A_71 = arith.constant 97 : i32
    %dma_wait3A = arith.constant 0 : i32
    %dma_wait3A_72 = arith.constant 0 : i32
    %dma_wait3A_73 = tpu.memref_slice %arg8[%dma_wait3A_72] : memref<128xf32, #tpu.memory_space<vmem>> -> memref<100xf32, #tpu.memory_space<vmem>>
    %dma_wait3A_74 = arith.constant 0 : i32
    %dma_wait3A_75 = tpu.memref_slice %arg6[%dma_wait3A, %dma_wait3A_74] : memref<100x100xi32, #tpu.memory_space<vmem>> -> memref<1x100xi32, #tpu.memory_space<vmem>>
    %dma_wait3A_76 = tpu.memref_squeeze %dma_wait3A_75 : memref<1x100xi32, #tpu.memory_space<vmem>> -> memref<100xi32, #tpu.memory_space<vmem>>
    %dma_wait3A_77 = arith.constant 0 : i32
    %dma_wait3A_78 = tpu.memref_slice %arg10[%dma_wait3A_77] : memref<10240xf32, #tpu.memory_space<vmem_shared>> -> memref<10240xf32, #tpu.memory_space<vmem_shared>>
    tpu.wait_indirect_dma semaphore(%arg12 : memref<!tpu.dma_semaphore, #tpu.memory_space<semaphore_mem>>) src(%dma_wait3A_73 : memref<100xf32, #tpu.memory_space<vmem>>) dst(%dma_wait3A_78 : memref<10240xf32, #tpu.memory_space<vmem_shared>>)
    %dma_wait3A_79 = arith.constant 0 : i32
    %dma_wait3A_80 = arith.constant 0 : i32
    %dma_wait3A_81 = tpu.memref_slice %arg8[%dma_wait3A_80] : memref<128xf32, #tpu.memory_space<vmem>> -> memref<100xf32, #tpu.memory_space<vmem>>
    %dma_wait3A_82 = arith.constant 0 : i32
    %dma_wait3A_83 = tpu.memref_slice %arg7[%dma_wait3A_79, %dma_wait3A_82] : memref<100x100xi32, #tpu.memory_space<vmem>> -> memref<1x100xi32, #tpu.memory_space<vmem>>
    %dma_wait3A_84 = tpu.memref_squeeze %dma_wait3A_83 : memref<1x100xi32, #tpu.memory_space<vmem>> -> memref<100xi32, #tpu.memory_space<vmem>>
    %dma_wait3A_85 = arith.constant 0 : i32
    %dma_wait3A_86 = tpu.memref_slice %arg11[%dma_wait3A_85] : memref<10240xf32, #tpu.memory_space<vmem_shared>> -> memref<10240xf32, #tpu.memory_space<vmem_shared>>
    tpu.wait_indirect_dma semaphore(%arg13 : memref<!tpu.dma_semaphore, #tpu.memory_space<semaphore_mem>>) src(%dma_wait3A_81 : memref<100xf32, #tpu.memory_space<vmem>>) dst(%dma_wait3A_86 : memref<10240xf32, #tpu.memory_space<vmem_shared>>)
    %dma_wait3A_87 = arith.constant 0 : i32
    %dma_wait3A_88 = arith.constant 0 : i32
    %dma_wait3A_89 = tpu.memref_slice %arg8[%dma_wait3A_88] : memref<128xf32, #tpu.memory_space<vmem>> -> memref<100xf32, #tpu.memory_space<vmem>>
    %dma_wait3A_90 = arith.constant 0 : i32
    %dma_wait3A_91 = tpu.memref_slice %arg6[%dma_wait3A_87, %dma_wait3A_90] : memref<100x100xi32, #tpu.memory_space<vmem>> -> memref<1x100xi32, #tpu.memory_space<vmem>>
    %dma_wait3A_92 = tpu.memref_squeeze %dma_wait3A_91 : memref<1x100xi32, #tpu.memory_space<vmem>> -> memref<100xi32, #tpu.memory_space<vmem>>
    %dma_wait3A_93 = arith.constant 0 : i32
    %dma_wait3A_94 = tpu.memref_slice %arg10[%dma_wait3A_93] : memref<10240xf32, #tpu.memory_space<vmem_shared>> -> memref<10240xf32, #tpu.memory_space<vmem_shared>>
    tpu.wait_indirect_dma semaphore(%arg12 : memref<!tpu.dma_semaphore, #tpu.memory_space<semaphore_mem>>) src(%dma_wait3A_89 : memref<100xf32, #tpu.memory_space<vmem>>) dst(%dma_wait3A_94 : memref<10240xf32, #tpu.memory_space<vmem_shared>>)
    %dma_wait3A_95 = arith.constant 0 : i32
    %dma_wait3A_96 = arith.constant 0 : i32
    %dma_wait3A_97 = tpu.memref_slice %arg8[%dma_wait3A_96] : memref<128xf32, #tpu.memory_space<vmem>> -> memref<100xf32, #tpu.memory_space<vmem>>
    %dma_wait3A_98 = arith.constant 0 : i32
    %dma_wait3A_99 = tpu.memref_slice %arg7[%dma_wait3A_95, %dma_wait3A_98] : memref<100x100xi32, #tpu.memory_space<vmem>> -> memref<1x100xi32, #tpu.memory_space<vmem>>
    %dma_wait3A_100 = tpu.memref_squeeze %dma_wait3A_99 : memref<1x100xi32, #tpu.memory_space<vmem>> -> memref<100xi32, #tpu.memory_space<vmem>>
    %dma_wait3A_101 = arith.constant 0 : i32
    %dma_wait3A_102 = tpu.memref_slice %arg11[%dma_wait3A_101] : memref<10240xf32, #tpu.memory_space<vmem_shared>> -> memref<10240xf32, #tpu.memory_space<vmem_shared>>
    tpu.wait_indirect_dma semaphore(%arg13 : memref<!tpu.dma_semaphore, #tpu.memory_space<semaphore_mem>>) src(%dma_wait3A_97 : memref<100xf32, #tpu.memory_space<vmem>>) dst(%dma_wait3A_102 : memref<10240xf32, #tpu.memory_space<vmem_shared>>)
    %dma_wait3A_103 = arith.constant 0 : i32
    %dma_wait3A_104 = arith.constant 0 : i32
    %dma_wait3A_105 = tpu.memref_slice %arg8[%dma_wait3A_104] : memref<128xf32, #tpu.memory_space<vmem>> -> memref<100xf32, #tpu.memory_space<vmem>>
    %dma_wait3A_106 = arith.constant 0 : i32
    %dma_wait3A_107 = tpu.memref_slice %arg6[%dma_wait3A_103, %dma_wait3A_106] : memref<100x100xi32, #tpu.memory_space<vmem>> -> memref<1x100xi32, #tpu.memory_space<vmem>>
    %dma_wait3A_108 = tpu.memref_squeeze %dma_wait3A_107 : memref<1x100xi32, #tpu.memory_space<vmem>> -> memref<100xi32, #tpu.memory_space<vmem>>
    %dma_wait3A_109 = arith.constant 0 : i32
    %dma_wait3A_110 = tpu.memref_slice %arg10[%dma_wait3A_109] : memref<10240xf32, #tpu.memory_space<vmem_shared>> -> memref<10240xf32, #tpu.memory_space<vmem_shared>>
    tpu.wait_indirect_dma semaphore(%arg12 : memref<!tpu.dma_semaphore, #tpu.memory_space<semaphore_mem>>) src(%dma_wait3A_105 : memref<100xf32, #tpu.memory_space<vmem>>) dst(%dma_wait3A_110 : memref<10240xf32, #tpu.memory_space<vmem_shared>>)
    %dma_wait3A_111 = arith.constant 0 : i32
    %dma_wait3A_112 = arith.constant 0 : i32
    %dma_wait3A_113 = tpu.memref_slice %arg8[%dma_wait3A_112] : memref<128xf32, #tpu.memory_space<vmem>> -> memref<100xf32, #tpu.memory_space<vmem>>
    %dma_wait3A_114 = arith.constant 0 : i32
    %dma_wait3A_115 = tpu.memref_slice %arg7[%dma_wait3A_111, %dma_wait3A_114] : memref<100x100xi32, #tpu.memory_space<vmem>> -> memref<1x100xi32, #tpu.memory_space<vmem>>
    %dma_wait3A_116 = tpu.memref_squeeze %dma_wait3A_115 : memref<1x100xi32, #tpu.memory_space<vmem>> -> memref<100xi32, #tpu.memory_space<vmem>>
    %dma_wait3A_117 = arith.constant 0 : i32
    %dma_wait3A_118 = tpu.memref_slice %arg11[%dma_wait3A_117] : memref<10240xf32, #tpu.memory_space<vmem_shared>> -> memref<10240xf32, #tpu.memory_space<vmem_shared>>
    tpu.wait_indirect_dma semaphore(%arg13 : memref<!tpu.dma_semaphore, #tpu.memory_space<semaphore_mem>>) src(%dma_wait3A_113 : memref<100xf32, #tpu.memory_space<vmem>>) dst(%dma_wait3A_118 : memref<10240xf32, #tpu.memory_space<vmem_shared>>)
    %barrier3A_119 = arith.constant 0 : index
    tpu.barrier barrier_id(%barrier3A_119)
    %mul3A_120 = arith.constant 640 : i32
    %mul3A_121 = arith.muli %arg1, %mul3A_120 : i32
    %mul3A_122 = arith.constant 640 : i32
    %mul3A_123 = arith.muli %arg1, %mul3A_122 : i32
    "tpu.region"() ({
      %run_scoped3A = tpu.sem_alloc : memref<!tpu.dma_semaphore, #tpu.memory_space<semaphore_mem>>
      %dma_start3A_128 = tpu.memref_slice %arg4[%arg0, %mul3A_123] : memref<2x10240xf32, #tpu.memory_space<hbm>> -> memref<1x640xf32, #tpu.memory_space<hbm>>
      %dma_start3A_129 = tpu.memref_squeeze %dma_start3A_128 : memref<1x640xf32, #tpu.memory_space<hbm>> -> memref<640xf32, #tpu.memory_space<hbm>>
      %dma_start3A_130 = tpu.memref_slice %arg10[%mul3A_121] : memref<10240xf32, #tpu.memory_space<vmem_shared>> -> memref<640xf32, #tpu.memory_space<vmem_shared>>
      tpu.enqueue_dma source(%dma_start3A_130 : memref<640xf32, #tpu.memory_space<vmem_shared>>) target(%dma_start3A_129 : memref<640xf32, #tpu.memory_space<hbm>>) target_semaphore(%run_scoped3A : memref<!tpu.dma_semaphore, #tpu.memory_space<semaphore_mem>>)
      %dma_wait3A_131 = tpu.memref_slice %arg4[%arg0, %mul3A_123] : memref<2x10240xf32, #tpu.memory_space<hbm>> -> memref<1x640xf32, #tpu.memory_space<hbm>>
      %dma_wait3A_132 = tpu.memref_squeeze %dma_wait3A_131 : memref<1x640xf32, #tpu.memory_space<hbm>> -> memref<640xf32, #tpu.memory_space<hbm>>
      %dma_wait3A_133 = tpu.memref_slice %arg10[%mul3A_121] : memref<10240xf32, #tpu.memory_space<vmem_shared>> -> memref<640xf32, #tpu.memory_space<vmem_shared>>
      tpu.wait_dma2 semaphore(%run_scoped3A : memref<!tpu.dma_semaphore, #tpu.memory_space<semaphore_mem>>) src(%dma_wait3A_133 : memref<640xf32, #tpu.memory_space<vmem_shared>>) dst(%dma_wait3A_132 : memref<640xf32, #tpu.memory_space<hbm>>)
      tpu.yield
    }) : () -> ()
    %mul3A_124 = arith.constant 640 : i32
    %mul3A_125 = arith.muli %arg1, %mul3A_124 : i32
    %mul3A_126 = arith.constant 640 : i32
    %mul3A_127 = arith.muli %arg1, %mul3A_126 : i32
    "tpu.region"() ({
      %run_scoped3A = tpu.sem_alloc : memref<!tpu.dma_semaphore, #tpu.memory_space<semaphore_mem>>
      %dma_start3A_128 = tpu.memref_slice %arg5[%arg0, %mul3A_127] : memref<2x10240xf32, #tpu.memory_space<hbm>> -> memref<1x640xf32, #tpu.memory_space<hbm>>
      %dma_start3A_129 = tpu.memref_squeeze %dma_start3A_128 : memref<1x640xf32, #tpu.memory_space<hbm>> -> memref<640xf32, #tpu.memory_space<hbm>>
      %dma_start3A_130 = tpu.memref_slice %arg11[%mul3A_125] : memref<10240xf32, #tpu.memory_space<vmem_shared>> -> memref<640xf32, #tpu.memory_space<vmem_shared>>
      tpu.enqueue_dma source(%dma_start3A_130 : memref<640xf32, #tpu.memory_space<vmem_shared>>) target(%dma_start3A_129 : memref<640xf32, #tpu.memory_space<hbm>>) target_semaphore(%run_scoped3A : memref<!tpu.dma_semaphore, #tpu.memory_space<semaphore_mem>>)
      %dma_wait3A_131 = tpu.memref_slice %arg5[%arg0, %mul3A_127] : memref<2x10240xf32, #tpu.memory_space<hbm>> -> memref<1x640xf32, #tpu.memory_space<hbm>>
      %dma_wait3A_132 = tpu.memref_squeeze %dma_wait3A_131 : memref<1x640xf32, #tpu.memory_space<hbm>> -> memref<640xf32, #tpu.memory_space<hbm>>
      %dma_wait3A_133 = tpu.memref_slice %arg11[%mul3A_125] : memref<10240xf32, #tpu.memory_space<vmem_shared>> -> memref<640xf32, #tpu.memory_space<vmem_shared>>
      tpu.wait_dma2 semaphore(%run_scoped3A : memref<!tpu.dma_semaphore, #tpu.memory_space<semaphore_mem>>) src(%dma_wait3A_133 : memref<640xf32, #tpu.memory_space<vmem_shared>>) dst(%dma_wait3A_132 : memref<640xf32, #tpu.memory_space<hbm>>)
      tpu.yield
    }) : () -> ()
    return
  }
}

#map = affine_map<(d0, d1) -> (0, 0)>
#map1 = affine_map<(d0, d1) -> (0, 0, 0, 0)>
#map2 = affine_map<(d0, d1) -> (0, 0, 0)>
module attributes {stable_mosaic.version = 14 : i64} {
  func.func @_msg_kernel(%arg0: i32, %arg1: i32, %arg2: memref<10000x128xf32, #tpu.memory_space<hbm>>, %arg3: memref<32x100x2x100xi32, #tpu.memory_space<hbm>>, %arg4: memref<2x10240x128xf32, #tpu.memory_space<hbm>>, %arg5: memref<2x100xi32, #tpu.memory_space<vmem>>, %arg6: memref<2x100xi32, #tpu.memory_space<vmem>>, %arg7: memref<2x100xi32, #tpu.memory_space<vmem>>, %arg8: memref<2x100xi32, #tpu.memory_space<vmem>>, %arg9: memref<100x128xf32, #tpu.memory_space<vmem>>, %arg10: memref<100x128xf32, #tpu.memory_space<vmem>>, %arg11: memref<16x128xf32, #tpu.memory_space<vmem>>, %arg12: memref<10240x128xf32, #tpu.memory_space<vmem_shared>>, %arg13: memref<!tpu.dma_semaphore, #tpu.memory_space<semaphore_mem>>, %arg14: memref<!tpu.dma_semaphore, #tpu.memory_space<semaphore_mem>>, %arg15: memref<!tpu.dma_semaphore, #tpu.memory_space<semaphore_mem>>, %arg16: memref<!tpu.dma_semaphore, #tpu.memory_space<semaphore_mem>>, %arg17: memref<!tpu.dma_semaphore, #tpu.memory_space<semaphore_mem>>, %arg18: memref<!tpu.dma_semaphore, #tpu.memory_space<semaphore_mem>>, %arg19: memref<!tpu.dma_semaphore, #tpu.memory_space<semaphore_mem>>, %arg20: memref<!tpu.dma_semaphore, #tpu.memory_space<semaphore_mem>>, %arg21: memref<!tpu.dma_semaphore, #tpu.memory_space<semaphore_mem>>) attributes {dimension_semantics = [#tpu.dimension_semantics<core_parallel>, #tpu.dimension_semantics<subcore_parallel>], iteration_bounds = array<i64: 2, 16>, scalar_prefetch = 0 : i64, scratch_operands = 17 : i64, tpu.core_type = #tpu.core_type<sc_vector_subcore>, window_params = [{transform_indices = #map}, {transform_indices = #map1}, {transform_indices = #map2}]} {
    %mul3A = arith.constant 2 : i32
    %mul3A_0 = arith.muli %arg1, %mul3A : i32
    %add3A = arith.addi %mul3A_0, %arg0 : i32
    %scan3A = arith.constant 0 : i32
    %scan3A_1 = arith.constant 0 : i32
    %scan3A_2 = arith.constant 16 : i32
    %scan3A_3 = arith.addi %scan3A_1, %scan3A_2 : i32
    %scan3A_4 = arith.constant 1 : i32
    %scan3A_5 = scf.for %scan3A_461 = %scan3A_1 to %scan3A_3 step %scan3A_4 iter_args(%scan3A_462 = %scan3A) -> (i32)  : i32 {
      %broadcast_in_dim3A = arith.constant 0.000000e+00 : f32
      %broadcast_in_dim3A_463 = vector.broadcast %broadcast_in_dim3A : f32 to vector<16xf32>
      %swap3A = arith.index_cast %scan3A_461 : i32 to index
      %swap3A_464 = arith.constant 0 : index
      %swap3A_465 = tpu.vector_load %arg11[%swap3A, %swap3A_464] {strides = array<i32>} : memref<16x128xf32, #tpu.memory_space<vmem>>, vector<1x16xf32>,
      %swap3A_466 = vector.shape_cast %swap3A_465 : vector<1x16xf32> to vector<16xf32>
      %swap3A_467 = vector.shape_cast %broadcast_in_dim3A_463 : vector<16xf32> to vector<1x16xf32>
      tpu.vector_store %arg11[%swap3A, %swap3A_464], %swap3A_467 {strides = array<i32>} : memref<16x128xf32, #tpu.memory_space<vmem>>, vector<1x16xf32>,
      %broadcast_in_dim3A_468 = arith.constant 0.000000e+00 : f32
      %broadcast_in_dim3A_469 = vector.broadcast %broadcast_in_dim3A_468 : f32 to vector<16xf32>
      %swap3A_470 = arith.index_cast %scan3A_461 : i32 to index
      %swap3A_471 = arith.constant 16 : index
      %swap3A_472 = tpu.vector_load %arg11[%swap3A_470, %swap3A_471] {strides = array<i32>} : memref<16x128xf32, #tpu.memory_space<vmem>>, vector<1x16xf32>,
      %swap3A_473 = vector.shape_cast %swap3A_472 : vector<1x16xf32> to vector<16xf32>
      %swap3A_474 = vector.shape_cast %broadcast_in_dim3A_469 : vector<16xf32> to vector<1x16xf32>
      tpu.vector_store %arg11[%swap3A_470, %swap3A_471], %swap3A_474 {strides = array<i32>} : memref<16x128xf32, #tpu.memory_space<vmem>>, vector<1x16xf32>,
      %broadcast_in_dim3A_475 = arith.constant 0.000000e+00 : f32
      %broadcast_in_dim3A_476 = vector.broadcast %broadcast_in_dim3A_475 : f32 to vector<16xf32>
      %swap3A_477 = arith.index_cast %scan3A_461 : i32 to index
      %swap3A_478 = arith.constant 32 : index
      %swap3A_479 = tpu.vector_load %arg11[%swap3A_477, %swap3A_478] {strides = array<i32>} : memref<16x128xf32, #tpu.memory_space<vmem>>, vector<1x16xf32>,
      %swap3A_480 = vector.shape_cast %swap3A_479 : vector<1x16xf32> to vector<16xf32>
      %swap3A_481 = vector.shape_cast %broadcast_in_dim3A_476 : vector<16xf32> to vector<1x16xf32>
      tpu.vector_store %arg11[%swap3A_477, %swap3A_478], %swap3A_481 {strides = array<i32>} : memref<16x128xf32, #tpu.memory_space<vmem>>, vector<1x16xf32>,
      %broadcast_in_dim3A_482 = arith.constant 0.000000e+00 : f32
      %broadcast_in_dim3A_483 = vector.broadcast %broadcast_in_dim3A_482 : f32 to vector<16xf32>
      %swap3A_484 = arith.index_cast %scan3A_461 : i32 to index
      %swap3A_485 = arith.constant 48 : index
      %swap3A_486 = tpu.vector_load %arg11[%swap3A_484, %swap3A_485] {strides = array<i32>} : memref<16x128xf32, #tpu.memory_space<vmem>>, vector<1x16xf32>,
      %swap3A_487 = vector.shape_cast %swap3A_486 : vector<1x16xf32> to vector<16xf32>
      %swap3A_488 = vector.shape_cast %broadcast_in_dim3A_483 : vector<16xf32> to vector<1x16xf32>
      tpu.vector_store %arg11[%swap3A_484, %swap3A_485], %swap3A_488 {strides = array<i32>} : memref<16x128xf32, #tpu.memory_space<vmem>>, vector<1x16xf32>,
      %broadcast_in_dim3A_489 = arith.constant 0.000000e+00 : f32
      %broadcast_in_dim3A_490 = vector.broadcast %broadcast_in_dim3A_489 : f32 to vector<16xf32>
      %swap3A_491 = arith.index_cast %scan3A_461 : i32 to index
      %swap3A_492 = arith.constant 64 : index
      %swap3A_493 = tpu.vector_load %arg11[%swap3A_491, %swap3A_492] {strides = array<i32>} : memref<16x128xf32, #tpu.memory_space<vmem>>, vector<1x16xf32>,
      %swap3A_494 = vector.shape_cast %swap3A_493 : vector<1x16xf32> to vector<16xf32>
      %swap3A_495 = vector.shape_cast %broadcast_in_dim3A_490 : vector<16xf32> to vector<1x16xf32>
      tpu.vector_store %arg11[%swap3A_491, %swap3A_492], %swap3A_495 {strides = array<i32>} : memref<16x128xf32, #tpu.memory_space<vmem>>, vector<1x16xf32>,
      %broadcast_in_dim3A_496 = arith.constant 0.000000e+00 : f32
      %broadcast_in_dim3A_497 = vector.broadcast %broadcast_in_dim3A_496 : f32 to vector<16xf32>
      %swap3A_498 = arith.index_cast %scan3A_461 : i32 to index
      %swap3A_499 = arith.constant 80 : index
      %swap3A_500 = tpu.vector_load %arg11[%swap3A_498, %swap3A_499] {strides = array<i32>} : memref<16x128xf32, #tpu.memory_space<vmem>>, vector<1x16xf32>,
      %swap3A_501 = vector.shape_cast %swap3A_500 : vector<1x16xf32> to vector<16xf32>
      %swap3A_502 = vector.shape_cast %broadcast_in_dim3A_497 : vector<16xf32> to vector<1x16xf32>
      tpu.vector_store %arg11[%swap3A_498, %swap3A_499], %swap3A_502 {strides = array<i32>} : memref<16x128xf32, #tpu.memory_space<vmem>>, vector<1x16xf32>,
      %broadcast_in_dim3A_503 = arith.constant 0.000000e+00 : f32
      %broadcast_in_dim3A_504 = vector.broadcast %broadcast_in_dim3A_503 : f32 to vector<16xf32>
      %swap3A_505 = arith.index_cast %scan3A_461 : i32 to index
      %swap3A_506 = arith.constant 96 : index
      %swap3A_507 = tpu.vector_load %arg11[%swap3A_505, %swap3A_506] {strides = array<i32>} : memref<16x128xf32, #tpu.memory_space<vmem>>, vector<1x16xf32>,
      %swap3A_508 = vector.shape_cast %swap3A_507 : vector<1x16xf32> to vector<16xf32>
      %swap3A_509 = vector.shape_cast %broadcast_in_dim3A_504 : vector<16xf32> to vector<1x16xf32>
      tpu.vector_store %arg11[%swap3A_505, %swap3A_506], %swap3A_509 {strides = array<i32>} : memref<16x128xf32, #tpu.memory_space<vmem>>, vector<1x16xf32>,
      %broadcast_in_dim3A_510 = arith.constant 0.000000e+00 : f32
      %broadcast_in_dim3A_511 = vector.broadcast %broadcast_in_dim3A_510 : f32 to vector<16xf32>
      %swap3A_512 = arith.index_cast %scan3A_461 : i32 to index
      %swap3A_513 = arith.constant 112 : index
      %swap3A_514 = tpu.vector_load %arg11[%swap3A_512, %swap3A_513] {strides = array<i32>} : memref<16x128xf32, #tpu.memory_space<vmem>>, vector<1x16xf32>,
      %swap3A_515 = vector.shape_cast %swap3A_514 : vector<1x16xf32> to vector<16xf32>
      %swap3A_516 = vector.shape_cast %broadcast_in_dim3A_511 : vector<16xf32> to vector<1x16xf32>
      tpu.vector_store %arg11[%swap3A_512, %swap3A_513], %swap3A_516 {strides = array<i32>} : memref<16x128xf32, #tpu.memory_space<vmem>>, vector<1x16xf32>,
      %scan3A_517 = arith.constant 0 : i32
      scf.yield %scan3A_517 : i32
    }
    %scan3A_6 = arith.constant 16 : i32
    %mul3A_7 = arith.constant 640 : i32
    %mul3A_8 = arith.muli %arg1, %mul3A_7 : i32
    %add3A_9 = arith.constant 0 : i32
    %add3A_10 = arith.addi %mul3A_8, %add3A_9 : i32
    %dma_start3A = arith.constant 0 : i32
    %dma_start3A_11 = tpu.memref_slice %arg12[%add3A_10, %dma_start3A] : memref<10240x128xf32, #tpu.memory_space<vmem_shared>> -> memref<16x128xf32, #tpu.memory_space<vmem_shared>>
    %dma_start3A_12 = arith.constant 0 : i32
    %dma_start3A_13 = tpu.memref_slice %arg12[%add3A_10, %dma_start3A_12] : memref<10240x128xf32, #tpu.memory_space<vmem_shared>> -> memref<16x128xf32, #tpu.memory_space<vmem_shared>>
    tpu.enqueue_dma source(%arg11 : memref<16x128xf32, #tpu.memory_space<vmem>>) target(%dma_start3A_13 : memref<16x128xf32, #tpu.memory_space<vmem_shared>>) target_semaphore(%arg21 : memref<!tpu.dma_semaphore, #tpu.memory_space<semaphore_mem>>)
    %mul3A_14 = arith.constant 640 : i32
    %mul3A_15 = arith.muli %arg1, %mul3A_14 : i32
    %add3A_16 = arith.constant 16 : i32
    %add3A_17 = arith.addi %mul3A_15, %add3A_16 : i32
    %dma_start3A_18 = arith.constant 0 : i32
    %dma_start3A_19 = tpu.memref_slice %arg12[%add3A_17, %dma_start3A_18] : memref<10240x128xf32, #tpu.memory_space<vmem_shared>> -> memref<16x128xf32, #tpu.memory_space<vmem_shared>>
    %dma_start3A_20 = arith.constant 0 : i32
    %dma_start3A_21 = tpu.memref_slice %arg12[%add3A_17, %dma_start3A_20] : memref<10240x128xf32, #tpu.memory_space<vmem_shared>> -> memref<16x128xf32, #tpu.memory_space<vmem_shared>>
    tpu.enqueue_dma source(%arg11 : memref<16x128xf32, #tpu.memory_space<vmem>>) target(%dma_start3A_21 : memref<16x128xf32, #tpu.memory_space<vmem_shared>>) target_semaphore(%arg21 : memref<!tpu.dma_semaphore, #tpu.memory_space<semaphore_mem>>)
    %mul3A_22 = arith.constant 640 : i32
    %mul3A_23 = arith.muli %arg1, %mul3A_22 : i32
    %add3A_24 = arith.constant 32 : i32
    %add3A_25 = arith.addi %mul3A_23, %add3A_24 : i32
    %dma_start3A_26 = arith.constant 0 : i32
    %dma_start3A_27 = tpu.memref_slice %arg12[%add3A_25, %dma_start3A_26] : memref<10240x128xf32, #tpu.memory_space<vmem_shared>> -> memref<16x128xf32, #tpu.memory_space<vmem_shared>>
    %dma_start3A_28 = arith.constant 0 : i32
    %dma_start3A_29 = tpu.memref_slice %arg12[%add3A_25, %dma_start3A_28] : memref<10240x128xf32, #tpu.memory_space<vmem_shared>> -> memref<16x128xf32, #tpu.memory_space<vmem_shared>>
    tpu.enqueue_dma source(%arg11 : memref<16x128xf32, #tpu.memory_space<vmem>>) target(%dma_start3A_29 : memref<16x128xf32, #tpu.memory_space<vmem_shared>>) target_semaphore(%arg21 : memref<!tpu.dma_semaphore, #tpu.memory_space<semaphore_mem>>)
    %mul3A_30 = arith.constant 640 : i32
    %mul3A_31 = arith.muli %arg1, %mul3A_30 : i32
    %add3A_32 = arith.constant 48 : i32
    %add3A_33 = arith.addi %mul3A_31, %add3A_32 : i32
    %dma_start3A_34 = arith.constant 0 : i32
    %dma_start3A_35 = tpu.memref_slice %arg12[%add3A_33, %dma_start3A_34] : memref<10240x128xf32, #tpu.memory_space<vmem_shared>> -> memref<16x128xf32, #tpu.memory_space<vmem_shared>>
    %dma_start3A_36 = arith.constant 0 : i32
    %dma_start3A_37 = tpu.memref_slice %arg12[%add3A_33, %dma_start3A_36] : memref<10240x128xf32, #tpu.memory_space<vmem_shared>> -> memref<16x128xf32, #tpu.memory_space<vmem_shared>>
    tpu.enqueue_dma source(%arg11 : memref<16x128xf32, #tpu.memory_space<vmem>>) target(%dma_start3A_37 : memref<16x128xf32, #tpu.memory_space<vmem_shared>>) target_semaphore(%arg21 : memref<!tpu.dma_semaphore, #tpu.memory_space<semaphore_mem>>)
    %scan3A_38 = arith.constant 0 : i32
    %scan3A_39 = arith.constant 4 : i32
    %scan3A_40 = arith.constant 36 : i32
    %scan3A_41 = arith.addi %scan3A_39, %scan3A_40 : i32
    %scan3A_42 = arith.constant 1 : i32
    %scan3A_43 = scf.for %scan3A_461 = %scan3A_39 to %scan3A_41 step %scan3A_42 iter_args(%scan3A_462 = %scan3A_38) -> (i32)  : i32 {
      %mul3A_463 = arith.constant 640 : i32
      %mul3A_464 = arith.muli %arg1, %mul3A_463 : i32
      %mul3A_465 = arith.constant 16 : i32
      %mul3A_466 = arith.muli %scan3A_461, %mul3A_465 : i32
      %add3A_467 = arith.addi %mul3A_464, %mul3A_466 : i32
      %dma_start3A_468 = arith.constant 0 : i32
      %dma_start3A_469 = tpu.memref_slice %arg12[%add3A_467, %dma_start3A_468] : memref<10240x128xf32, #tpu.memory_space<vmem_shared>> -> memref<16x128xf32, #tpu.memory_space<vmem_shared>>
      %dma_start3A_470 = arith.constant 0 : i32
      %dma_start3A_471 = tpu.memref_slice %arg12[%add3A_467, %dma_start3A_470] : memref<10240x128xf32, #tpu.memory_space<vmem_shared>> -> memref<16x128xf32, #tpu.memory_space<vmem_shared>>
      tpu.enqueue_dma source(%arg11 : memref<16x128xf32, #tpu.memory_space<vmem>>) target(%dma_start3A_471 : memref<16x128xf32, #tpu.memory_space<vmem_shared>>) target_semaphore(%arg21 : memref<!tpu.dma_semaphore, #tpu.memory_space<semaphore_mem>>)
      %dma_wait3A_472 = arith.constant 0 : i32
      %dma_wait3A_473 = arith.constant 0 : i32
      %dma_wait3A_474 = tpu.memref_slice %arg12[%dma_wait3A_472, %dma_wait3A_473] : memref<10240x128xf32, #tpu.memory_space<vmem_shared>> -> memref<16x128xf32, #tpu.memory_space<vmem_shared>>
      %dma_wait3A_475 = arith.constant 0 : i32
      %dma_wait3A_476 = arith.constant 0 : i32
      %dma_wait3A_477 = tpu.memref_slice %arg12[%dma_wait3A_475, %dma_wait3A_476] : memref<10240x128xf32, #tpu.memory_space<vmem_shared>> -> memref<16x128xf32, #tpu.memory_space<vmem_shared>>
      tpu.wait_dma2 semaphore(%arg21 : memref<!tpu.dma_semaphore, #tpu.memory_space<semaphore_mem>>) src(%arg11 : memref<16x128xf32, #tpu.memory_space<vmem>>) dst(%dma_wait3A_477 : memref<16x128xf32, #tpu.memory_space<vmem_shared>>)
      %scan3A_478 = arith.constant 0 : i32
      scf.yield %scan3A_478 : i32
    }
    %scan3A_44 = arith.constant 36 : i32
    %dma_wait3A = arith.constant 0 : i32
    %dma_wait3A_45 = arith.constant 0 : i32
    %dma_wait3A_46 = tpu.memref_slice %arg12[%dma_wait3A, %dma_wait3A_45] : memref<10240x128xf32, #tpu.memory_space<vmem_shared>> -> memref<16x128xf32, #tpu.memory_space<vmem_shared>>
    %dma_wait3A_47 = arith.constant 0 : i32
    %dma_wait3A_48 = arith.constant 0 : i32
    %dma_wait3A_49 = tpu.memref_slice %arg12[%dma_wait3A_47, %dma_wait3A_48] : memref<10240x128xf32, #tpu.memory_space<vmem_shared>> -> memref<16x128xf32, #tpu.memory_space<vmem_shared>>
    tpu.wait_dma2 semaphore(%arg21 : memref<!tpu.dma_semaphore, #tpu.memory_space<semaphore_mem>>) src(%arg11 : memref<16x128xf32, #tpu.memory_space<vmem>>) dst(%dma_wait3A_49 : memref<16x128xf32, #tpu.memory_space<vmem_shared>>)
    %dma_wait3A_50 = arith.constant 0 : i32
    %dma_wait3A_51 = arith.constant 0 : i32
    %dma_wait3A_52 = tpu.memref_slice %arg12[%dma_wait3A_50, %dma_wait3A_51] : memref<10240x128xf32, #tpu.memory_space<vmem_shared>> -> memref<16x128xf32, #tpu.memory_space<vmem_shared>>
    %dma_wait3A_53 = arith.constant 0 : i32
    %dma_wait3A_54 = arith.constant 0 : i32
    %dma_wait3A_55 = tpu.memref_slice %arg12[%dma_wait3A_53, %dma_wait3A_54] : memref<10240x128xf32, #tpu.memory_space<vmem_shared>> -> memref<16x128xf32, #tpu.memory_space<vmem_shared>>
    tpu.wait_dma2 semaphore(%arg21 : memref<!tpu.dma_semaphore, #tpu.memory_space<semaphore_mem>>) src(%arg11 : memref<16x128xf32, #tpu.memory_space<vmem>>) dst(%dma_wait3A_55 : memref<16x128xf32, #tpu.memory_space<vmem_shared>>)
    %dma_wait3A_56 = arith.constant 0 : i32
    %dma_wait3A_57 = arith.constant 0 : i32
    %dma_wait3A_58 = tpu.memref_slice %arg12[%dma_wait3A_56, %dma_wait3A_57] : memref<10240x128xf32, #tpu.memory_space<vmem_shared>> -> memref<16x128xf32, #tpu.memory_space<vmem_shared>>
    %dma_wait3A_59 = arith.constant 0 : i32
    %dma_wait3A_60 = arith.constant 0 : i32
    %dma_wait3A_61 = tpu.memref_slice %arg12[%dma_wait3A_59, %dma_wait3A_60] : memref<10240x128xf32, #tpu.memory_space<vmem_shared>> -> memref<16x128xf32, #tpu.memory_space<vmem_shared>>
    tpu.wait_dma2 semaphore(%arg21 : memref<!tpu.dma_semaphore, #tpu.memory_space<semaphore_mem>>) src(%arg11 : memref<16x128xf32, #tpu.memory_space<vmem>>) dst(%dma_wait3A_61 : memref<16x128xf32, #tpu.memory_space<vmem_shared>>)
    %dma_wait3A_62 = arith.constant 0 : i32
    %dma_wait3A_63 = arith.constant 0 : i32
    %dma_wait3A_64 = tpu.memref_slice %arg12[%dma_wait3A_62, %dma_wait3A_63] : memref<10240x128xf32, #tpu.memory_space<vmem_shared>> -> memref<16x128xf32, #tpu.memory_space<vmem_shared>>
    %dma_wait3A_65 = arith.constant 0 : i32
    %dma_wait3A_66 = arith.constant 0 : i32
    %dma_wait3A_67 = tpu.memref_slice %arg12[%dma_wait3A_65, %dma_wait3A_66] : memref<10240x128xf32, #tpu.memory_space<vmem_shared>> -> memref<16x128xf32, #tpu.memory_space<vmem_shared>>
    tpu.wait_dma2 semaphore(%arg21 : memref<!tpu.dma_semaphore, #tpu.memory_space<semaphore_mem>>) src(%arg11 : memref<16x128xf32, #tpu.memory_space<vmem>>) dst(%dma_wait3A_67 : memref<16x128xf32, #tpu.memory_space<vmem_shared>>)
    %barrier3A = arith.constant 0 : index
    tpu.barrier barrier_id(%barrier3A)
    %run_scoped3A = arith.constant 0 : i32
    "tpu.region"() ({
      %run_scoped3A_461 = tpu.sem_alloc : memref<!tpu.dma_semaphore, #tpu.memory_space<semaphore_mem>>
      %dma_start3A_462 = arith.constant 0 : i32
      %dma_start3A_463 = arith.constant 0 : i32
      %dma_start3A_464 = tpu.memref_slice %arg3[%add3A, %run_scoped3A, %dma_start3A_462, %dma_start3A_463] : memref<32x100x2x100xi32, #tpu.memory_space<hbm>> -> memref<1x1x2x100xi32, #tpu.memory_space<hbm>>
      %dma_start3A_465 = tpu.memref_squeeze %dma_start3A_464 : memref<1x1x2x100xi32, #tpu.memory_space<hbm>> -> memref<2x100xi32, #tpu.memory_space<hbm>>
      %dma_start3A_466 = arith.constant 0 : i32
      %dma_start3A_467 = arith.constant 0 : i32
      %dma_start3A_468 = tpu.memref_slice %arg3[%add3A, %run_scoped3A, %dma_start3A_466, %dma_start3A_467] : memref<32x100x2x100xi32, #tpu.memory_space<hbm>> -> memref<1x1x2x100xi32, #tpu.memory_space<hbm>>
      %dma_start3A_469 = tpu.memref_squeeze %dma_start3A_468 : memref<1x1x2x100xi32, #tpu.memory_space<hbm>> -> memref<2x100xi32, #tpu.memory_space<hbm>>
      tpu.enqueue_dma source(%dma_start3A_469 : memref<2x100xi32, #tpu.memory_space<hbm>>) target(%arg5 : memref<2x100xi32, #tpu.memory_space<vmem>>) target_semaphore(%run_scoped3A_461 : memref<!tpu.dma_semaphore, #tpu.memory_space<semaphore_mem>>)
      %dma_wait3A_470 = arith.constant 0 : i32
      %dma_wait3A_471 = arith.constant 0 : i32
      %dma_wait3A_472 = tpu.memref_slice %arg3[%add3A, %run_scoped3A, %dma_wait3A_470, %dma_wait3A_471] : memref<32x100x2x100xi32, #tpu.memory_space<hbm>> -> memref<1x1x2x100xi32, #tpu.memory_space<hbm>>
      %dma_wait3A_473 = tpu.memref_squeeze %dma_wait3A_472 : memref<1x1x2x100xi32, #tpu.memory_space<hbm>> -> memref<2x100xi32, #tpu.memory_space<hbm>>
      %dma_wait3A_474 = arith.constant 0 : i32
      %dma_wait3A_475 = arith.constant 0 : i32
      %dma_wait3A_476 = tpu.memref_slice %arg3[%add3A, %run_scoped3A, %dma_wait3A_474, %dma_wait3A_475] : memref<32x100x2x100xi32, #tpu.memory_space<hbm>> -> memref<1x1x2x100xi32, #tpu.memory_space<hbm>>
      %dma_wait3A_477 = tpu.memref_squeeze %dma_wait3A_476 : memref<1x1x2x100xi32, #tpu.memory_space<hbm>> -> memref<2x100xi32, #tpu.memory_space<hbm>>
      tpu.wait_dma2 semaphore(%run_scoped3A_461 : memref<!tpu.dma_semaphore, #tpu.memory_space<semaphore_mem>>) src(%dma_wait3A_477 : memref<2x100xi32, #tpu.memory_space<hbm>>) dst(%arg5 : memref<2x100xi32, #tpu.memory_space<vmem>>)
      tpu.yield
    }) : () -> ()
    %dma_start3A_68 = arith.constant 0 : i32
    %dma_start3A_69 = arith.constant 0 : i32
    %dma_start3A_70 = tpu.memref_slice %arg5[%dma_start3A_68, %dma_start3A_69] : memref<2x100xi32, #tpu.memory_space<vmem>> -> memref<1x100xi32, #tpu.memory_space<vmem>>
    %dma_start3A_71 = tpu.memref_squeeze %dma_start3A_70 : memref<1x100xi32, #tpu.memory_space<vmem>> -> memref<100xi32, #tpu.memory_space<vmem>>
    %dma_start3A_72 = arith.constant 0 : i32
    %dma_start3A_73 = arith.constant 0 : i32
    %dma_start3A_74 = tpu.memref_slice %arg2[%dma_start3A_72, %dma_start3A_73] : memref<10000x128xf32, #tpu.memory_space<hbm>> -> memref<10000x128xf32, #tpu.memory_space<hbm>>
    tpu.enqueue_indirect_dma source(%dma_start3A_74 : memref<10000x128xf32, #tpu.memory_space<hbm>>) target(%arg9 : memref<100x128xf32, #tpu.memory_space<vmem>>) offsets(%dma_start3A_71 : memref<100xi32, #tpu.memory_space<vmem>>) semaphore(%arg17 : memref<!tpu.dma_semaphore, #tpu.memory_space<semaphore_mem>>)
    %dma_start3A_75 = arith.constant 1 : i32
    %dma_start3A_76 = arith.constant 0 : i32
    %dma_start3A_77 = arith.constant 0 : i32
    %dma_start3A_78 = tpu.memref_slice %arg3[%add3A, %dma_start3A_75, %dma_start3A_76, %dma_start3A_77] : memref<32x100x2x100xi32, #tpu.memory_space<hbm>> -> memref<1x1x2x100xi32, #tpu.memory_space<hbm>>
    %dma_start3A_79 = tpu.memref_squeeze %dma_start3A_78 : memref<1x1x2x100xi32, #tpu.memory_space<hbm>> -> memref<2x100xi32, #tpu.memory_space<hbm>>
    %dma_start3A_80 = arith.constant 0 : i32
    %dma_start3A_81 = arith.constant 0 : i32
    %dma_start3A_82 = tpu.memref_slice %arg3[%add3A, %dma_start3A_75, %dma_start3A_80, %dma_start3A_81] : memref<32x100x2x100xi32, #tpu.memory_space<hbm>> -> memref<1x1x2x100xi32, #tpu.memory_space<hbm>>
    %dma_start3A_83 = tpu.memref_squeeze %dma_start3A_82 : memref<1x1x2x100xi32, #tpu.memory_space<hbm>> -> memref<2x100xi32, #tpu.memory_space<hbm>>
    tpu.enqueue_dma source(%dma_start3A_83 : memref<2x100xi32, #tpu.memory_space<hbm>>) target(%arg6 : memref<2x100xi32, #tpu.memory_space<vmem>>) target_semaphore(%arg14 : memref<!tpu.dma_semaphore, #tpu.memory_space<semaphore_mem>>)
    %dma_wait3A_84 = arith.constant 0 : i32
    %dma_wait3A_85 = arith.constant 0 : i32
    %dma_wait3A_86 = arith.constant 0 : i32
    %dma_wait3A_87 = tpu.memref_slice %arg3[%add3A, %dma_wait3A_84, %dma_wait3A_85, %dma_wait3A_86] : memref<32x100x2x100xi32, #tpu.memory_space<hbm>> -> memref<1x1x2x100xi32, #tpu.memory_space<hbm>>
    %dma_wait3A_88 = tpu.memref_squeeze %dma_wait3A_87 : memref<1x1x2x100xi32, #tpu.memory_space<hbm>> -> memref<2x100xi32, #tpu.memory_space<hbm>>
    %dma_wait3A_89 = arith.constant 0 : i32
    %dma_wait3A_90 = arith.constant 0 : i32
    %dma_wait3A_91 = tpu.memref_slice %arg3[%add3A, %dma_wait3A_84, %dma_wait3A_89, %dma_wait3A_90] : memref<32x100x2x100xi32, #tpu.memory_space<hbm>> -> memref<1x1x2x100xi32, #tpu.memory_space<hbm>>
    %dma_wait3A_92 = tpu.memref_squeeze %dma_wait3A_91 : memref<1x1x2x100xi32, #tpu.memory_space<hbm>> -> memref<2x100xi32, #tpu.memory_space<hbm>>
    tpu.wait_dma2 semaphore(%arg14 : memref<!tpu.dma_semaphore, #tpu.memory_space<semaphore_mem>>) src(%dma_wait3A_92 : memref<2x100xi32, #tpu.memory_space<hbm>>) dst(%arg6 : memref<2x100xi32, #tpu.memory_space<vmem>>)
    %dma_start3A_93 = arith.constant 0 : i32
    %dma_start3A_94 = arith.constant 0 : i32
    %dma_start3A_95 = tpu.memref_slice %arg6[%dma_start3A_93, %dma_start3A_94] : memref<2x100xi32, #tpu.memory_space<vmem>> -> memref<1x100xi32, #tpu.memory_space<vmem>>
    %dma_start3A_96 = tpu.memref_squeeze %dma_start3A_95 : memref<1x100xi32, #tpu.memory_space<vmem>> -> memref<100xi32, #tpu.memory_space<vmem>>
    %dma_start3A_97 = arith.constant 0 : i32
    %dma_start3A_98 = arith.constant 0 : i32
    %dma_start3A_99 = tpu.memref_slice %arg2[%dma_start3A_97, %dma_start3A_98] : memref<10000x128xf32, #tpu.memory_space<hbm>> -> memref<10000x128xf32, #tpu.memory_space<hbm>>
    tpu.enqueue_indirect_dma source(%dma_start3A_99 : memref<10000x128xf32, #tpu.memory_space<hbm>>) target(%arg10 : memref<100x128xf32, #tpu.memory_space<vmem>>) offsets(%dma_start3A_96 : memref<100xi32, #tpu.memory_space<vmem>>) semaphore(%arg18 : memref<!tpu.dma_semaphore, #tpu.memory_space<semaphore_mem>>)
    %dma_wait3A_100 = arith.constant 0 : i32
    %dma_wait3A_101 = arith.constant 0 : i32
    %dma_wait3A_102 = tpu.memref_slice %arg5[%dma_wait3A_100, %dma_wait3A_101] : memref<2x100xi32, #tpu.memory_space<vmem>> -> memref<1x100xi32, #tpu.memory_space<vmem>>
    %dma_wait3A_103 = tpu.memref_squeeze %dma_wait3A_102 : memref<1x100xi32, #tpu.memory_space<vmem>> -> memref<100xi32, #tpu.memory_space<vmem>>
    %dma_wait3A_104 = arith.constant 0 : i32
    %dma_wait3A_105 = arith.constant 0 : i32
    %dma_wait3A_106 = tpu.memref_slice %arg2[%dma_wait3A_104, %dma_wait3A_105] : memref<10000x128xf32, #tpu.memory_space<hbm>> -> memref<10000x128xf32, #tpu.memory_space<hbm>>
    tpu.wait_indirect_dma semaphore(%arg17 : memref<!tpu.dma_semaphore, #tpu.memory_space<semaphore_mem>>) src(%dma_wait3A_106 : memref<10000x128xf32, #tpu.memory_space<hbm>>) dst(%arg9 : memref<100x128xf32, #tpu.memory_space<vmem>>)
    %dma_start3A_107 = arith.constant 1 : i32
    %dma_start3A_108 = arith.constant 0 : i32
    %dma_start3A_109 = tpu.memref_slice %arg5[%dma_start3A_107, %dma_start3A_108] : memref<2x100xi32, #tpu.memory_space<vmem>> -> memref<1x100xi32, #tpu.memory_space<vmem>>
    %dma_start3A_110 = tpu.memref_squeeze %dma_start3A_109 : memref<1x100xi32, #tpu.memory_space<vmem>> -> memref<100xi32, #tpu.memory_space<vmem>>
    %dma_start3A_111 = arith.constant 0 : i32
    %dma_start3A_112 = arith.constant 0 : i32
    %dma_start3A_113 = tpu.memref_slice %arg12[%dma_start3A_111, %dma_start3A_112] : memref<10240x128xf32, #tpu.memory_space<vmem_shared>> -> memref<10240x128xf32, #tpu.memory_space<vmem_shared>>
    tpu.enqueue_indirect_dma source(%arg9 : memref<100x128xf32, #tpu.memory_space<vmem>>) target(%dma_start3A_113 : memref<10240x128xf32, #tpu.memory_space<vmem_shared>>) offsets(%dma_start3A_110 : memref<100xi32, #tpu.memory_space<vmem>>) semaphore(%arg19 : memref<!tpu.dma_semaphore, #tpu.memory_space<semaphore_mem>>) {add = true}
    %min3A = arith.constant 2 : i32
    %min3A_114 = arith.constant 99 : i32
    %min3A_115 = arith.minsi %min3A, %min3A_114 : i32
    %dma_start3A_116 = arith.constant 0 : i32
    %dma_start3A_117 = arith.constant 0 : i32
    %dma_start3A_118 = tpu.memref_slice %arg3[%add3A, %min3A_115, %dma_start3A_116, %dma_start3A_117] : memref<32x100x2x100xi32, #tpu.memory_space<hbm>> -> memref<1x1x2x100xi32, #tpu.memory_space<hbm>>
    %dma_start3A_119 = tpu.memref_squeeze %dma_start3A_118 : memref<1x1x2x100xi32, #tpu.memory_space<hbm>> -> memref<2x100xi32, #tpu.memory_space<hbm>>
    %dma_start3A_120 = arith.constant 0 : i32
    %dma_start3A_121 = arith.constant 0 : i32
    %dma_start3A_122 = tpu.memref_slice %arg3[%add3A, %min3A_115, %dma_start3A_120, %dma_start3A_121] : memref<32x100x2x100xi32, #tpu.memory_space<hbm>> -> memref<1x1x2x100xi32, #tpu.memory_space<hbm>>
    %dma_start3A_123 = tpu.memref_squeeze %dma_start3A_122 : memref<1x1x2x100xi32, #tpu.memory_space<hbm>> -> memref<2x100xi32, #tpu.memory_space<hbm>>
    tpu.enqueue_dma source(%dma_start3A_123 : memref<2x100xi32, #tpu.memory_space<hbm>>) target(%arg7 : memref<2x100xi32, #tpu.memory_space<vmem>>) target_semaphore(%arg15 : memref<!tpu.dma_semaphore, #tpu.memory_space<semaphore_mem>>)
    %dma_wait3A_124 = arith.constant 0 : i32
    %dma_wait3A_125 = arith.constant 0 : i32
    %dma_wait3A_126 = arith.constant 0 : i32
    %dma_wait3A_127 = tpu.memref_slice %arg3[%add3A, %dma_wait3A_124, %dma_wait3A_125, %dma_wait3A_126] : memref<32x100x2x100xi32, #tpu.memory_space<hbm>> -> memref<1x1x2x100xi32, #tpu.memory_space<hbm>>
    %dma_wait3A_128 = tpu.memref_squeeze %dma_wait3A_127 : memref<1x1x2x100xi32, #tpu.memory_space<hbm>> -> memref<2x100xi32, #tpu.memory_space<hbm>>
    %dma_wait3A_129 = arith.constant 0 : i32
    %dma_wait3A_130 = arith.constant 0 : i32
    %dma_wait3A_131 = tpu.memref_slice %arg3[%add3A, %dma_wait3A_124, %dma_wait3A_129, %dma_wait3A_130] : memref<32x100x2x100xi32, #tpu.memory_space<hbm>> -> memref<1x1x2x100xi32, #tpu.memory_space<hbm>>
    %dma_wait3A_132 = tpu.memref_squeeze %dma_wait3A_131 : memref<1x1x2x100xi32, #tpu.memory_space<hbm>> -> memref<2x100xi32, #tpu.memory_space<hbm>>
    tpu.wait_dma2 semaphore(%arg15 : memref<!tpu.dma_semaphore, #tpu.memory_space<semaphore_mem>>) src(%dma_wait3A_132 : memref<2x100xi32, #tpu.memory_space<hbm>>) dst(%arg7 : memref<2x100xi32, #tpu.memory_space<vmem>>)
    %dma_wait3A_133 = arith.constant 1 : i32
    %dma_wait3A_134 = arith.constant 0 : i32
    %dma_wait3A_135 = tpu.memref_slice %arg5[%dma_wait3A_133, %dma_wait3A_134] : memref<2x100xi32, #tpu.memory_space<vmem>> -> memref<1x100xi32, #tpu.memory_space<vmem>>
    %dma_wait3A_136 = tpu.memref_squeeze %dma_wait3A_135 : memref<1x100xi32, #tpu.memory_space<vmem>> -> memref<100xi32, #tpu.memory_space<vmem>>
    %dma_wait3A_137 = arith.constant 0 : i32
    %dma_wait3A_138 = arith.constant 0 : i32
    %dma_wait3A_139 = tpu.memref_slice %arg12[%dma_wait3A_137, %dma_wait3A_138] : memref<10240x128xf32, #tpu.memory_space<vmem_shared>> -> memref<10240x128xf32, #tpu.memory_space<vmem_shared>>
    tpu.wait_indirect_dma semaphore(%arg19 : memref<!tpu.dma_semaphore, #tpu.memory_space<semaphore_mem>>) src(%arg9 : memref<100x128xf32, #tpu.memory_space<vmem>>) dst(%dma_wait3A_139 : memref<10240x128xf32, #tpu.memory_space<vmem_shared>>)
    %dma_start3A_140 = arith.constant 0 : i32
    %dma_start3A_141 = arith.constant 0 : i32
    %dma_start3A_142 = tpu.memref_slice %arg7[%dma_start3A_140, %dma_start3A_141] : memref<2x100xi32, #tpu.memory_space<vmem>> -> memref<1x100xi32, #tpu.memory_space<vmem>>
    %dma_start3A_143 = tpu.memref_squeeze %dma_start3A_142 : memref<1x100xi32, #tpu.memory_space<vmem>> -> memref<100xi32, #tpu.memory_space<vmem>>
    %dma_start3A_144 = arith.constant 0 : i32
    %dma_start3A_145 = arith.constant 0 : i32
    %dma_start3A_146 = tpu.memref_slice %arg2[%dma_start3A_144, %dma_start3A_145] : memref<10000x128xf32, #tpu.memory_space<hbm>> -> memref<10000x128xf32, #tpu.memory_space<hbm>>
    tpu.enqueue_indirect_dma source(%dma_start3A_146 : memref<10000x128xf32, #tpu.memory_space<hbm>>) target(%arg9 : memref<100x128xf32, #tpu.memory_space<vmem>>) offsets(%dma_start3A_143 : memref<100xi32, #tpu.memory_space<vmem>>) semaphore(%arg17 : memref<!tpu.dma_semaphore, #tpu.memory_space<semaphore_mem>>)
    %dma_wait3A_147 = arith.constant 0 : i32
    %dma_wait3A_148 = arith.constant 0 : i32
    %dma_wait3A_149 = tpu.memref_slice %arg6[%dma_wait3A_147, %dma_wait3A_148] : memref<2x100xi32, #tpu.memory_space<vmem>> -> memref<1x100xi32, #tpu.memory_space<vmem>>
    %dma_wait3A_150 = tpu.memref_squeeze %dma_wait3A_149 : memref<1x100xi32, #tpu.memory_space<vmem>> -> memref<100xi32, #tpu.memory_space<vmem>>
    %dma_wait3A_151 = arith.constant 0 : i32
    %dma_wait3A_152 = arith.constant 0 : i32
    %dma_wait3A_153 = tpu.memref_slice %arg2[%dma_wait3A_151, %dma_wait3A_152] : memref<10000x128xf32, #tpu.memory_space<hbm>> -> memref<10000x128xf32, #tpu.memory_space<hbm>>
    tpu.wait_indirect_dma semaphore(%arg18 : memref<!tpu.dma_semaphore, #tpu.memory_space<semaphore_mem>>) src(%dma_wait3A_153 : memref<10000x128xf32, #tpu.memory_space<hbm>>) dst(%arg10 : memref<100x128xf32, #tpu.memory_space<vmem>>)
    %dma_start3A_154 = arith.constant 1 : i32
    %dma_start3A_155 = arith.constant 0 : i32
    %dma_start3A_156 = tpu.memref_slice %arg6[%dma_start3A_154, %dma_start3A_155] : memref<2x100xi32, #tpu.memory_space<vmem>> -> memref<1x100xi32, #tpu.memory_space<vmem>>
    %dma_start3A_157 = tpu.memref_squeeze %dma_start3A_156 : memref<1x100xi32, #tpu.memory_space<vmem>> -> memref<100xi32, #tpu.memory_space<vmem>>
    %dma_start3A_158 = arith.constant 0 : i32
    %dma_start3A_159 = arith.constant 0 : i32
    %dma_start3A_160 = tpu.memref_slice %arg12[%dma_start3A_158, %dma_start3A_159] : memref<10240x128xf32, #tpu.memory_space<vmem_shared>> -> memref<10240x128xf32, #tpu.memory_space<vmem_shared>>
    tpu.enqueue_indirect_dma source(%arg10 : memref<100x128xf32, #tpu.memory_space<vmem>>) target(%dma_start3A_160 : memref<10240x128xf32, #tpu.memory_space<vmem_shared>>) offsets(%dma_start3A_157 : memref<100xi32, #tpu.memory_space<vmem>>) semaphore(%arg20 : memref<!tpu.dma_semaphore, #tpu.memory_space<semaphore_mem>>) {add = true}
    %min3A_161 = arith.constant 3 : i32
    %min3A_162 = arith.constant 99 : i32
    %min3A_163 = arith.minsi %min3A_161, %min3A_162 : i32
    %dma_start3A_164 = arith.constant 0 : i32
    %dma_start3A_165 = arith.constant 0 : i32
    %dma_start3A_166 = tpu.memref_slice %arg3[%add3A, %min3A_163, %dma_start3A_164, %dma_start3A_165] : memref<32x100x2x100xi32, #tpu.memory_space<hbm>> -> memref<1x1x2x100xi32, #tpu.memory_space<hbm>>
    %dma_start3A_167 = tpu.memref_squeeze %dma_start3A_166 : memref<1x1x2x100xi32, #tpu.memory_space<hbm>> -> memref<2x100xi32, #tpu.memory_space<hbm>>
    %dma_start3A_168 = arith.constant 0 : i32
    %dma_start3A_169 = arith.constant 0 : i32
    %dma_start3A_170 = tpu.memref_slice %arg3[%add3A, %min3A_163, %dma_start3A_168, %dma_start3A_169] : memref<32x100x2x100xi32, #tpu.memory_space<hbm>> -> memref<1x1x2x100xi32, #tpu.memory_space<hbm>>
    %dma_start3A_171 = tpu.memref_squeeze %dma_start3A_170 : memref<1x1x2x100xi32, #tpu.memory_space<hbm>> -> memref<2x100xi32, #tpu.memory_space<hbm>>
    tpu.enqueue_dma source(%dma_start3A_171 : memref<2x100xi32, #tpu.memory_space<hbm>>) target(%arg8 : memref<2x100xi32, #tpu.memory_space<vmem>>) target_semaphore(%arg16 : memref<!tpu.dma_semaphore, #tpu.memory_space<semaphore_mem>>)
    %dma_wait3A_172 = arith.constant 0 : i32
    %dma_wait3A_173 = arith.constant 0 : i32
    %dma_wait3A_174 = arith.constant 0 : i32
    %dma_wait3A_175 = tpu.memref_slice %arg3[%add3A, %dma_wait3A_172, %dma_wait3A_173, %dma_wait3A_174] : memref<32x100x2x100xi32, #tpu.memory_space<hbm>> -> memref<1x1x2x100xi32, #tpu.memory_space<hbm>>
    %dma_wait3A_176 = tpu.memref_squeeze %dma_wait3A_175 : memref<1x1x2x100xi32, #tpu.memory_space<hbm>> -> memref<2x100xi32, #tpu.memory_space<hbm>>
    %dma_wait3A_177 = arith.constant 0 : i32
    %dma_wait3A_178 = arith.constant 0 : i32
    %dma_wait3A_179 = tpu.memref_slice %arg3[%add3A, %dma_wait3A_172, %dma_wait3A_177, %dma_wait3A_178] : memref<32x100x2x100xi32, #tpu.memory_space<hbm>> -> memref<1x1x2x100xi32, #tpu.memory_space<hbm>>
    %dma_wait3A_180 = tpu.memref_squeeze %dma_wait3A_179 : memref<1x1x2x100xi32, #tpu.memory_space<hbm>> -> memref<2x100xi32, #tpu.memory_space<hbm>>
    tpu.wait_dma2 semaphore(%arg16 : memref<!tpu.dma_semaphore, #tpu.memory_space<semaphore_mem>>) src(%dma_wait3A_180 : memref<2x100xi32, #tpu.memory_space<hbm>>) dst(%arg8 : memref<2x100xi32, #tpu.memory_space<vmem>>)
    %dma_wait3A_181 = arith.constant 1 : i32
    %dma_wait3A_182 = arith.constant 0 : i32
    %dma_wait3A_183 = tpu.memref_slice %arg6[%dma_wait3A_181, %dma_wait3A_182] : memref<2x100xi32, #tpu.memory_space<vmem>> -> memref<1x100xi32, #tpu.memory_space<vmem>>
    %dma_wait3A_184 = tpu.memref_squeeze %dma_wait3A_183 : memref<1x100xi32, #tpu.memory_space<vmem>> -> memref<100xi32, #tpu.memory_space<vmem>>
    %dma_wait3A_185 = arith.constant 0 : i32
    %dma_wait3A_186 = arith.constant 0 : i32
    %dma_wait3A_187 = tpu.memref_slice %arg12[%dma_wait3A_185, %dma_wait3A_186] : memref<10240x128xf32, #tpu.memory_space<vmem_shared>> -> memref<10240x128xf32, #tpu.memory_space<vmem_shared>>
    tpu.wait_indirect_dma semaphore(%arg20 : memref<!tpu.dma_semaphore, #tpu.memory_space<semaphore_mem>>) src(%arg10 : memref<100x128xf32, #tpu.memory_space<vmem>>) dst(%dma_wait3A_187 : memref<10240x128xf32, #tpu.memory_space<vmem_shared>>)
    %dma_start3A_188 = arith.constant 0 : i32
    %dma_start3A_189 = arith.constant 0 : i32
    %dma_start3A_190 = tpu.memref_slice %arg8[%dma_start3A_188, %dma_start3A_189] : memref<2x100xi32, #tpu.memory_space<vmem>> -> memref<1x100xi32, #tpu.memory_space<vmem>>
    %dma_start3A_191 = tpu.memref_squeeze %dma_start3A_190 : memref<1x100xi32, #tpu.memory_space<vmem>> -> memref<100xi32, #tpu.memory_space<vmem>>
    %dma_start3A_192 = arith.constant 0 : i32
    %dma_start3A_193 = arith.constant 0 : i32
    %dma_start3A_194 = tpu.memref_slice %arg2[%dma_start3A_192, %dma_start3A_193] : memref<10000x128xf32, #tpu.memory_space<hbm>> -> memref<10000x128xf32, #tpu.memory_space<hbm>>
    tpu.enqueue_indirect_dma source(%dma_start3A_194 : memref<10000x128xf32, #tpu.memory_space<hbm>>) target(%arg10 : memref<100x128xf32, #tpu.memory_space<vmem>>) offsets(%dma_start3A_191 : memref<100xi32, #tpu.memory_space<vmem>>) semaphore(%arg18 : memref<!tpu.dma_semaphore, #tpu.memory_space<semaphore_mem>>)
    %dma_wait3A_195 = arith.constant 0 : i32
    %dma_wait3A_196 = arith.constant 0 : i32
    %dma_wait3A_197 = tpu.memref_slice %arg7[%dma_wait3A_195, %dma_wait3A_196] : memref<2x100xi32, #tpu.memory_space<vmem>> -> memref<1x100xi32, #tpu.memory_space<vmem>>
    %dma_wait3A_198 = tpu.memref_squeeze %dma_wait3A_197 : memref<1x100xi32, #tpu.memory_space<vmem>> -> memref<100xi32, #tpu.memory_space<vmem>>
    %dma_wait3A_199 = arith.constant 0 : i32
    %dma_wait3A_200 = arith.constant 0 : i32
    %dma_wait3A_201 = tpu.memref_slice %arg2[%dma_wait3A_199, %dma_wait3A_200] : memref<10000x128xf32, #tpu.memory_space<hbm>> -> memref<10000x128xf32, #tpu.memory_space<hbm>>
    tpu.wait_indirect_dma semaphore(%arg17 : memref<!tpu.dma_semaphore, #tpu.memory_space<semaphore_mem>>) src(%dma_wait3A_201 : memref<10000x128xf32, #tpu.memory_space<hbm>>) dst(%arg9 : memref<100x128xf32, #tpu.memory_space<vmem>>)
    %dma_start3A_202 = arith.constant 1 : i32
    %dma_start3A_203 = arith.constant 0 : i32
    %dma_start3A_204 = tpu.memref_slice %arg7[%dma_start3A_202, %dma_start3A_203] : memref<2x100xi32, #tpu.memory_space<vmem>> -> memref<1x100xi32, #tpu.memory_space<vmem>>
    %dma_start3A_205 = tpu.memref_squeeze %dma_start3A_204 : memref<1x100xi32, #tpu.memory_space<vmem>> -> memref<100xi32, #tpu.memory_space<vmem>>
    %dma_start3A_206 = arith.constant 0 : i32
    %dma_start3A_207 = arith.constant 0 : i32
    %dma_start3A_208 = tpu.memref_slice %arg12[%dma_start3A_206, %dma_start3A_207] : memref<10240x128xf32, #tpu.memory_space<vmem_shared>> -> memref<10240x128xf32, #tpu.memory_space<vmem_shared>>
    tpu.enqueue_indirect_dma source(%arg9 : memref<100x128xf32, #tpu.memory_space<vmem>>) target(%dma_start3A_208 : memref<10240x128xf32, #tpu.memory_space<vmem_shared>>) offsets(%dma_start3A_205 : memref<100xi32, #tpu.memory_space<vmem>>) semaphore(%arg19 : memref<!tpu.dma_semaphore, #tpu.memory_space<semaphore_mem>>) {add = true}
    %min3A_209 = arith.constant 4 : i32
    %min3A_210 = arith.constant 99 : i32
    %min3A_211 = arith.minsi %min3A_209, %min3A_210 : i32
    %dma_start3A_212 = arith.constant 0 : i32
    %dma_start3A_213 = arith.constant 0 : i32
    %dma_start3A_214 = tpu.memref_slice %arg3[%add3A, %min3A_211, %dma_start3A_212, %dma_start3A_213] : memref<32x100x2x100xi32, #tpu.memory_space<hbm>> -> memref<1x1x2x100xi32, #tpu.memory_space<hbm>>
    %dma_start3A_215 = tpu.memref_squeeze %dma_start3A_214 : memref<1x1x2x100xi32, #tpu.memory_space<hbm>> -> memref<2x100xi32, #tpu.memory_space<hbm>>
    %dma_start3A_216 = arith.constant 0 : i32
    %dma_start3A_217 = arith.constant 0 : i32
    %dma_start3A_218 = tpu.memref_slice %arg3[%add3A, %min3A_211, %dma_start3A_216, %dma_start3A_217] : memref<32x100x2x100xi32, #tpu.memory_space<hbm>> -> memref<1x1x2x100xi32, #tpu.memory_space<hbm>>
    %dma_start3A_219 = tpu.memref_squeeze %dma_start3A_218 : memref<1x1x2x100xi32, #tpu.memory_space<hbm>> -> memref<2x100xi32, #tpu.memory_space<hbm>>
    tpu.enqueue_dma source(%dma_start3A_219 : memref<2x100xi32, #tpu.memory_space<hbm>>) target(%arg5 : memref<2x100xi32, #tpu.memory_space<vmem>>) target_semaphore(%arg13 : memref<!tpu.dma_semaphore, #tpu.memory_space<semaphore_mem>>)
    %dma_wait3A_220 = arith.constant 0 : i32
    %dma_wait3A_221 = arith.constant 0 : i32
    %dma_wait3A_222 = arith.constant 0 : i32
    %dma_wait3A_223 = tpu.memref_slice %arg3[%add3A, %dma_wait3A_220, %dma_wait3A_221, %dma_wait3A_222] : memref<32x100x2x100xi32, #tpu.memory_space<hbm>> -> memref<1x1x2x100xi32, #tpu.memory_space<hbm>>
    %dma_wait3A_224 = tpu.memref_squeeze %dma_wait3A_223 : memref<1x1x2x100xi32, #tpu.memory_space<hbm>> -> memref<2x100xi32, #tpu.memory_space<hbm>>
    %dma_wait3A_225 = arith.constant 0 : i32
    %dma_wait3A_226 = arith.constant 0 : i32
    %dma_wait3A_227 = tpu.memref_slice %arg3[%add3A, %dma_wait3A_220, %dma_wait3A_225, %dma_wait3A_226] : memref<32x100x2x100xi32, #tpu.memory_space<hbm>> -> memref<1x1x2x100xi32, #tpu.memory_space<hbm>>
    %dma_wait3A_228 = tpu.memref_squeeze %dma_wait3A_227 : memref<1x1x2x100xi32, #tpu.memory_space<hbm>> -> memref<2x100xi32, #tpu.memory_space<hbm>>
    tpu.wait_dma2 semaphore(%arg13 : memref<!tpu.dma_semaphore, #tpu.memory_space<semaphore_mem>>) src(%dma_wait3A_228 : memref<2x100xi32, #tpu.memory_space<hbm>>) dst(%arg5 : memref<2x100xi32, #tpu.memory_space<vmem>>)
    %dma_wait3A_229 = arith.constant 1 : i32
    %dma_wait3A_230 = arith.constant 0 : i32
    %dma_wait3A_231 = tpu.memref_slice %arg7[%dma_wait3A_229, %dma_wait3A_230] : memref<2x100xi32, #tpu.memory_space<vmem>> -> memref<1x100xi32, #tpu.memory_space<vmem>>
    %dma_wait3A_232 = tpu.memref_squeeze %dma_wait3A_231 : memref<1x100xi32, #tpu.memory_space<vmem>> -> memref<100xi32, #tpu.memory_space<vmem>>
    %dma_wait3A_233 = arith.constant 0 : i32
    %dma_wait3A_234 = arith.constant 0 : i32
    %dma_wait3A_235 = tpu.memref_slice %arg12[%dma_wait3A_233, %dma_wait3A_234] : memref<10240x128xf32, #tpu.memory_space<vmem_shared>> -> memref<10240x128xf32, #tpu.memory_space<vmem_shared>>
    tpu.wait_indirect_dma semaphore(%arg19 : memref<!tpu.dma_semaphore, #tpu.memory_space<semaphore_mem>>) src(%arg9 : memref<100x128xf32, #tpu.memory_space<vmem>>) dst(%dma_wait3A_235 : memref<10240x128xf32, #tpu.memory_space<vmem_shared>>)
    %dma_start3A_236 = arith.constant 0 : i32
    %dma_start3A_237 = arith.constant 0 : i32
    %dma_start3A_238 = tpu.memref_slice %arg5[%dma_start3A_236, %dma_start3A_237] : memref<2x100xi32, #tpu.memory_space<vmem>> -> memref<1x100xi32, #tpu.memory_space<vmem>>
    %dma_start3A_239 = tpu.memref_squeeze %dma_start3A_238 : memref<1x100xi32, #tpu.memory_space<vmem>> -> memref<100xi32, #tpu.memory_space<vmem>>
    %dma_start3A_240 = arith.constant 0 : i32
    %dma_start3A_241 = arith.constant 0 : i32
    %dma_start3A_242 = tpu.memref_slice %arg2[%dma_start3A_240, %dma_start3A_241] : memref<10000x128xf32, #tpu.memory_space<hbm>> -> memref<10000x128xf32, #tpu.memory_space<hbm>>
    tpu.enqueue_indirect_dma source(%dma_start3A_242 : memref<10000x128xf32, #tpu.memory_space<hbm>>) target(%arg9 : memref<100x128xf32, #tpu.memory_space<vmem>>) offsets(%dma_start3A_239 : memref<100xi32, #tpu.memory_space<vmem>>) semaphore(%arg17 : memref<!tpu.dma_semaphore, #tpu.memory_space<semaphore_mem>>)
    %dma_wait3A_243 = arith.constant 0 : i32
    %dma_wait3A_244 = arith.constant 0 : i32
    %dma_wait3A_245 = tpu.memref_slice %arg8[%dma_wait3A_243, %dma_wait3A_244] : memref<2x100xi32, #tpu.memory_space<vmem>> -> memref<1x100xi32, #tpu.memory_space<vmem>>
    %dma_wait3A_246 = tpu.memref_squeeze %dma_wait3A_245 : memref<1x100xi32, #tpu.memory_space<vmem>> -> memref<100xi32, #tpu.memory_space<vmem>>
    %dma_wait3A_247 = arith.constant 0 : i32
    %dma_wait3A_248 = arith.constant 0 : i32
    %dma_wait3A_249 = tpu.memref_slice %arg2[%dma_wait3A_247, %dma_wait3A_248] : memref<10000x128xf32, #tpu.memory_space<hbm>> -> memref<10000x128xf32, #tpu.memory_space<hbm>>
    tpu.wait_indirect_dma semaphore(%arg18 : memref<!tpu.dma_semaphore, #tpu.memory_space<semaphore_mem>>) src(%dma_wait3A_249 : memref<10000x128xf32, #tpu.memory_space<hbm>>) dst(%arg10 : memref<100x128xf32, #tpu.memory_space<vmem>>)
    %dma_start3A_250 = arith.constant 1 : i32
    %dma_start3A_251 = arith.constant 0 : i32
    %dma_start3A_252 = tpu.memref_slice %arg8[%dma_start3A_250, %dma_start3A_251] : memref<2x100xi32, #tpu.memory_space<vmem>> -> memref<1x100xi32, #tpu.memory_space<vmem>>
    %dma_start3A_253 = tpu.memref_squeeze %dma_start3A_252 : memref<1x100xi32, #tpu.memory_space<vmem>> -> memref<100xi32, #tpu.memory_space<vmem>>
    %dma_start3A_254 = arith.constant 0 : i32
    %dma_start3A_255 = arith.constant 0 : i32
    %dma_start3A_256 = tpu.memref_slice %arg12[%dma_start3A_254, %dma_start3A_255] : memref<10240x128xf32, #tpu.memory_space<vmem_shared>> -> memref<10240x128xf32, #tpu.memory_space<vmem_shared>>
    tpu.enqueue_indirect_dma source(%arg10 : memref<100x128xf32, #tpu.memory_space<vmem>>) target(%dma_start3A_256 : memref<10240x128xf32, #tpu.memory_space<vmem_shared>>) offsets(%dma_start3A_253 : memref<100xi32, #tpu.memory_space<vmem>>) semaphore(%arg20 : memref<!tpu.dma_semaphore, #tpu.memory_space<semaphore_mem>>) {add = true}
    %min3A_257 = arith.constant 5 : i32
    %min3A_258 = arith.constant 99 : i32
    %min3A_259 = arith.minsi %min3A_257, %min3A_258 : i32
    %dma_start3A_260 = arith.constant 0 : i32
    %dma_start3A_261 = arith.constant 0 : i32
    %dma_start3A_262 = tpu.memref_slice %arg3[%add3A, %min3A_259, %dma_start3A_260, %dma_start3A_261] : memref<32x100x2x100xi32, #tpu.memory_space<hbm>> -> memref<1x1x2x100xi32, #tpu.memory_space<hbm>>
    %dma_start3A_263 = tpu.memref_squeeze %dma_start3A_262 : memref<1x1x2x100xi32, #tpu.memory_space<hbm>> -> memref<2x100xi32, #tpu.memory_space<hbm>>
    %dma_start3A_264 = arith.constant 0 : i32
    %dma_start3A_265 = arith.constant 0 : i32
    %dma_start3A_266 = tpu.memref_slice %arg3[%add3A, %min3A_259, %dma_start3A_264, %dma_start3A_265] : memref<32x100x2x100xi32, #tpu.memory_space<hbm>> -> memref<1x1x2x100xi32, #tpu.memory_space<hbm>>
    %dma_start3A_267 = tpu.memref_squeeze %dma_start3A_266 : memref<1x1x2x100xi32, #tpu.memory_space<hbm>> -> memref<2x100xi32, #tpu.memory_space<hbm>>
    tpu.enqueue_dma source(%dma_start3A_267 : memref<2x100xi32, #tpu.memory_space<hbm>>) target(%arg6 : memref<2x100xi32, #tpu.memory_space<vmem>>) target_semaphore(%arg14 : memref<!tpu.dma_semaphore, #tpu.memory_space<semaphore_mem>>)
    %scan3A_268 = arith.constant 0 : i32
    %scan3A_269 = arith.constant 1 : i32
    %scan3A_270 = arith.constant 23 : i32
    %scan3A_271 = arith.addi %scan3A_269, %scan3A_270 : i32
    %scan3A_272 = arith.constant 1 : i32
    %scan3A_273 = scf.for %scan3A_461 = %scan3A_269 to %scan3A_271 step %scan3A_272 iter_args(%scan3A_462 = %scan3A_268) -> (i32)  : i32 {
      %mul3A_463 = arith.constant 4 : i32
      %mul3A_464 = arith.muli %mul3A_463, %scan3A_461 : i32
      %dma_wait3A_465 = arith.constant 0 : i32
      %dma_wait3A_466 = arith.constant 0 : i32
      %dma_wait3A_467 = arith.constant 0 : i32
      %dma_wait3A_468 = tpu.memref_slice %arg3[%add3A, %dma_wait3A_465, %dma_wait3A_466, %dma_wait3A_467] : memref<32x100x2x100xi32, #tpu.memory_space<hbm>> -> memref<1x1x2x100xi32, #tpu.memory_space<hbm>>
      %dma_wait3A_469 = tpu.memref_squeeze %dma_wait3A_468 : memref<1x1x2x100xi32, #tpu.memory_space<hbm>> -> memref<2x100xi32, #tpu.memory_space<hbm>>
      %dma_wait3A_470 = arith.constant 0 : i32
      %dma_wait3A_471 = arith.constant 0 : i32
      %dma_wait3A_472 = tpu.memref_slice %arg3[%add3A, %dma_wait3A_465, %dma_wait3A_470, %dma_wait3A_471] : memref<32x100x2x100xi32, #tpu.memory_space<hbm>> -> memref<1x1x2x100xi32, #tpu.memory_space<hbm>>
      %dma_wait3A_473 = tpu.memref_squeeze %dma_wait3A_472 : memref<1x1x2x100xi32, #tpu.memory_space<hbm>> -> memref<2x100xi32, #tpu.memory_space<hbm>>
      tpu.wait_dma2 semaphore(%arg14 : memref<!tpu.dma_semaphore, #tpu.memory_space<semaphore_mem>>) src(%dma_wait3A_473 : memref<2x100xi32, #tpu.memory_space<hbm>>) dst(%arg6 : memref<2x100xi32, #tpu.memory_space<vmem>>)
      %dma_wait3A_474 = arith.constant 1 : i32
      %dma_wait3A_475 = arith.constant 0 : i32
      %dma_wait3A_476 = tpu.memref_slice %arg8[%dma_wait3A_474, %dma_wait3A_475] : memref<2x100xi32, #tpu.memory_space<vmem>> -> memref<1x100xi32, #tpu.memory_space<vmem>>
      %dma_wait3A_477 = tpu.memref_squeeze %dma_wait3A_476 : memref<1x100xi32, #tpu.memory_space<vmem>> -> memref<100xi32, #tpu.memory_space<vmem>>
      %dma_wait3A_478 = arith.constant 0 : i32
      %dma_wait3A_479 = arith.constant 0 : i32
      %dma_wait3A_480 = tpu.memref_slice %arg12[%dma_wait3A_478, %dma_wait3A_479] : memref<10240x128xf32, #tpu.memory_space<vmem_shared>> -> memref<10240x128xf32, #tpu.memory_space<vmem_shared>>
      tpu.wait_indirect_dma semaphore(%arg20 : memref<!tpu.dma_semaphore, #tpu.memory_space<semaphore_mem>>) src(%arg10 : memref<100x128xf32, #tpu.memory_space<vmem>>) dst(%dma_wait3A_480 : memref<10240x128xf32, #tpu.memory_space<vmem_shared>>)
      %dma_start3A_481 = arith.constant 0 : i32
      %dma_start3A_482 = arith.constant 0 : i32
      %dma_start3A_483 = tpu.memref_slice %arg6[%dma_start3A_481, %dma_start3A_482] : memref<2x100xi32, #tpu.memory_space<vmem>> -> memref<1x100xi32, #tpu.memory_space<vmem>>
      %dma_start3A_484 = tpu.memref_squeeze %dma_start3A_483 : memref<1x100xi32, #tpu.memory_space<vmem>> -> memref<100xi32, #tpu.memory_space<vmem>>
      %dma_start3A_485 = arith.constant 0 : i32
      %dma_start3A_486 = arith.constant 0 : i32
      %dma_start3A_487 = tpu.memref_slice %arg2[%dma_start3A_485, %dma_start3A_486] : memref<10000x128xf32, #tpu.memory_space<hbm>> -> memref<10000x128xf32, #tpu.memory_space<hbm>>
      tpu.enqueue_indirect_dma source(%dma_start3A_487 : memref<10000x128xf32, #tpu.memory_space<hbm>>) target(%arg10 : memref<100x128xf32, #tpu.memory_space<vmem>>) offsets(%dma_start3A_484 : memref<100xi32, #tpu.memory_space<vmem>>) semaphore(%arg18 : memref<!tpu.dma_semaphore, #tpu.memory_space<semaphore_mem>>)
      %dma_wait3A_488 = arith.constant 0 : i32
      %dma_wait3A_489 = arith.constant 0 : i32
      %dma_wait3A_490 = tpu.memref_slice %arg5[%dma_wait3A_488, %dma_wait3A_489] : memref<2x100xi32, #tpu.memory_space<vmem>> -> memref<1x100xi32, #tpu.memory_space<vmem>>
      %dma_wait3A_491 = tpu.memref_squeeze %dma_wait3A_490 : memref<1x100xi32, #tpu.memory_space<vmem>> -> memref<100xi32, #tpu.memory_space<vmem>>
      %dma_wait3A_492 = arith.constant 0 : i32
      %dma_wait3A_493 = arith.constant 0 : i32
      %dma_wait3A_494 = tpu.memref_slice %arg2[%dma_wait3A_492, %dma_wait3A_493] : memref<10000x128xf32, #tpu.memory_space<hbm>> -> memref<10000x128xf32, #tpu.memory_space<hbm>>
      tpu.wait_indirect_dma semaphore(%arg17 : memref<!tpu.dma_semaphore, #tpu.memory_space<semaphore_mem>>) src(%dma_wait3A_494 : memref<10000x128xf32, #tpu.memory_space<hbm>>) dst(%arg9 : memref<100x128xf32, #tpu.memory_space<vmem>>)
      %dma_start3A_495 = arith.constant 1 : i32
      %dma_start3A_496 = arith.constant 0 : i32
      %dma_start3A_497 = tpu.memref_slice %arg5[%dma_start3A_495, %dma_start3A_496] : memref<2x100xi32, #tpu.memory_space<vmem>> -> memref<1x100xi32, #tpu.memory_space<vmem>>
      %dma_start3A_498 = tpu.memref_squeeze %dma_start3A_497 : memref<1x100xi32, #tpu.memory_space<vmem>> -> memref<100xi32, #tpu.memory_space<vmem>>
      %dma_start3A_499 = arith.constant 0 : i32
      %dma_start3A_500 = arith.constant 0 : i32
      %dma_start3A_501 = tpu.memref_slice %arg12[%dma_start3A_499, %dma_start3A_500] : memref<10240x128xf32, #tpu.memory_space<vmem_shared>> -> memref<10240x128xf32, #tpu.memory_space<vmem_shared>>
      tpu.enqueue_indirect_dma source(%arg9 : memref<100x128xf32, #tpu.memory_space<vmem>>) target(%dma_start3A_501 : memref<10240x128xf32, #tpu.memory_space<vmem_shared>>) offsets(%dma_start3A_498 : memref<100xi32, #tpu.memory_space<vmem>>) semaphore(%arg19 : memref<!tpu.dma_semaphore, #tpu.memory_space<semaphore_mem>>) {add = true}
      %add3A_502 = arith.constant 2 : i32
      %add3A_503 = arith.addi %mul3A_464, %add3A_502 : i32
      %min3A_504 = arith.constant 99 : i32
      %min3A_505 = arith.minsi %add3A_503, %min3A_504 : i32
      %dma_start3A_506 = arith.constant 0 : i32
      %dma_start3A_507 = arith.constant 0 : i32
      %dma_start3A_508 = tpu.memref_slice %arg3[%add3A, %min3A_505, %dma_start3A_506, %dma_start3A_507] : memref<32x100x2x100xi32, #tpu.memory_space<hbm>> -> memref<1x1x2x100xi32, #tpu.memory_space<hbm>>
      %dma_start3A_509 = tpu.memref_squeeze %dma_start3A_508 : memref<1x1x2x100xi32, #tpu.memory_space<hbm>> -> memref<2x100xi32, #tpu.memory_space<hbm>>
      %dma_start3A_510 = arith.constant 0 : i32
      %dma_start3A_511 = arith.constant 0 : i32
      %dma_start3A_512 = tpu.memref_slice %arg3[%add3A, %min3A_505, %dma_start3A_510, %dma_start3A_511] : memref<32x100x2x100xi32, #tpu.memory_space<hbm>> -> memref<1x1x2x100xi32, #tpu.memory_space<hbm>>
      %dma_start3A_513 = tpu.memref_squeeze %dma_start3A_512 : memref<1x1x2x100xi32, #tpu.memory_space<hbm>> -> memref<2x100xi32, #tpu.memory_space<hbm>>
      tpu.enqueue_dma source(%dma_start3A_513 : memref<2x100xi32, #tpu.memory_space<hbm>>) target(%arg7 : memref<2x100xi32, #tpu.memory_space<vmem>>) target_semaphore(%arg15 : memref<!tpu.dma_semaphore, #tpu.memory_space<semaphore_mem>>)
      %add3A_514 = arith.constant 1 : i32
      %add3A_515 = arith.addi %mul3A_464, %add3A_514 : i32
      %dma_wait3A_516 = arith.constant 0 : i32
      %dma_wait3A_517 = arith.constant 0 : i32
      %dma_wait3A_518 = arith.constant 0 : i32
      %dma_wait3A_519 = tpu.memref_slice %arg3[%add3A, %dma_wait3A_516, %dma_wait3A_517, %dma_wait3A_518] : memref<32x100x2x100xi32, #tpu.memory_space<hbm>> -> memref<1x1x2x100xi32, #tpu.memory_space<hbm>>
      %dma_wait3A_520 = tpu.memref_squeeze %dma_wait3A_519 : memref<1x1x2x100xi32, #tpu.memory_space<hbm>> -> memref<2x100xi32, #tpu.memory_space<hbm>>
      %dma_wait3A_521 = arith.constant 0 : i32
      %dma_wait3A_522 = arith.constant 0 : i32
      %dma_wait3A_523 = tpu.memref_slice %arg3[%add3A, %dma_wait3A_516, %dma_wait3A_521, %dma_wait3A_522] : memref<32x100x2x100xi32, #tpu.memory_space<hbm>> -> memref<1x1x2x100xi32, #tpu.memory_space<hbm>>
      %dma_wait3A_524 = tpu.memref_squeeze %dma_wait3A_523 : memref<1x1x2x100xi32, #tpu.memory_space<hbm>> -> memref<2x100xi32, #tpu.memory_space<hbm>>
      tpu.wait_dma2 semaphore(%arg15 : memref<!tpu.dma_semaphore, #tpu.memory_space<semaphore_mem>>) src(%dma_wait3A_524 : memref<2x100xi32, #tpu.memory_space<hbm>>) dst(%arg7 : memref<2x100xi32, #tpu.memory_space<vmem>>)
      %dma_wait3A_525 = arith.constant 1 : i32
      %dma_wait3A_526 = arith.constant 0 : i32
      %dma_wait3A_527 = tpu.memref_slice %arg5[%dma_wait3A_525, %dma_wait3A_526] : memref<2x100xi32, #tpu.memory_space<vmem>> -> memref<1x100xi32, #tpu.memory_space<vmem>>
      %dma_wait3A_528 = tpu.memref_squeeze %dma_wait3A_527 : memref<1x100xi32, #tpu.memory_space<vmem>> -> memref<100xi32, #tpu.memory_space<vmem>>
      %dma_wait3A_529 = arith.constant 0 : i32
      %dma_wait3A_530 = arith.constant 0 : i32
      %dma_wait3A_531 = tpu.memref_slice %arg12[%dma_wait3A_529, %dma_wait3A_530] : memref<10240x128xf32, #tpu.memory_space<vmem_shared>> -> memref<10240x128xf32, #tpu.memory_space<vmem_shared>>
      tpu.wait_indirect_dma semaphore(%arg19 : memref<!tpu.dma_semaphore, #tpu.memory_space<semaphore_mem>>) src(%arg9 : memref<100x128xf32, #tpu.memory_space<vmem>>) dst(%dma_wait3A_531 : memref<10240x128xf32, #tpu.memory_space<vmem_shared>>)
      %dma_start3A_532 = arith.constant 0 : i32
      %dma_start3A_533 = arith.constant 0 : i32
      %dma_start3A_534 = tpu.memref_slice %arg7[%dma_start3A_532, %dma_start3A_533] : memref<2x100xi32, #tpu.memory_space<vmem>> -> memref<1x100xi32, #tpu.memory_space<vmem>>
      %dma_start3A_535 = tpu.memref_squeeze %dma_start3A_534 : memref<1x100xi32, #tpu.memory_space<vmem>> -> memref<100xi32, #tpu.memory_space<vmem>>
      %dma_start3A_536 = arith.constant 0 : i32
      %dma_start3A_537 = arith.constant 0 : i32
      %dma_start3A_538 = tpu.memref_slice %arg2[%dma_start3A_536, %dma_start3A_537] : memref<10000x128xf32, #tpu.memory_space<hbm>> -> memref<10000x128xf32, #tpu.memory_space<hbm>>
      tpu.enqueue_indirect_dma source(%dma_start3A_538 : memref<10000x128xf32, #tpu.memory_space<hbm>>) target(%arg9 : memref<100x128xf32, #tpu.memory_space<vmem>>) offsets(%dma_start3A_535 : memref<100xi32, #tpu.memory_space<vmem>>) semaphore(%arg17 : memref<!tpu.dma_semaphore, #tpu.memory_space<semaphore_mem>>)
      %dma_wait3A_539 = arith.constant 0 : i32
      %dma_wait3A_540 = arith.constant 0 : i32
      %dma_wait3A_541 = tpu.memref_slice %arg6[%dma_wait3A_539, %dma_wait3A_540] : memref<2x100xi32, #tpu.memory_space<vmem>> -> memref<1x100xi32, #tpu.memory_space<vmem>>
      %dma_wait3A_542 = tpu.memref_squeeze %dma_wait3A_541 : memref<1x100xi32, #tpu.memory_space<vmem>> -> memref<100xi32, #tpu.memory_space<vmem>>
      %dma_wait3A_543 = arith.constant 0 : i32
      %dma_wait3A_544 = arith.constant 0 : i32
      %dma_wait3A_545 = tpu.memref_slice %arg2[%dma_wait3A_543, %dma_wait3A_544] : memref<10000x128xf32, #tpu.memory_space<hbm>> -> memref<10000x128xf32, #tpu.memory_space<hbm>>
      tpu.wait_indirect_dma semaphore(%arg18 : memref<!tpu.dma_semaphore, #tpu.memory_space<semaphore_mem>>) src(%dma_wait3A_545 : memref<10000x128xf32, #tpu.memory_space<hbm>>) dst(%arg10 : memref<100x128xf32, #tpu.memory_space<vmem>>)
      %dma_start3A_546 = arith.constant 1 : i32
      %dma_start3A_547 = arith.constant 0 : i32
      %dma_start3A_548 = tpu.memref_slice %arg6[%dma_start3A_546, %dma_start3A_547] : memref<2x100xi32, #tpu.memory_space<vmem>> -> memref<1x100xi32, #tpu.memory_space<vmem>>
      %dma_start3A_549 = tpu.memref_squeeze %dma_start3A_548 : memref<1x100xi32, #tpu.memory_space<vmem>> -> memref<100xi32, #tpu.memory_space<vmem>>
      %dma_start3A_550 = arith.constant 0 : i32
      %dma_start3A_551 = arith.constant 0 : i32
      %dma_start3A_552 = tpu.memref_slice %arg12[%dma_start3A_550, %dma_start3A_551] : memref<10240x128xf32, #tpu.memory_space<vmem_shared>> -> memref<10240x128xf32, #tpu.memory_space<vmem_shared>>
      tpu.enqueue_indirect_dma source(%arg10 : memref<100x128xf32, #tpu.memory_space<vmem>>) target(%dma_start3A_552 : memref<10240x128xf32, #tpu.memory_space<vmem_shared>>) offsets(%dma_start3A_549 : memref<100xi32, #tpu.memory_space<vmem>>) semaphore(%arg20 : memref<!tpu.dma_semaphore, #tpu.memory_space<semaphore_mem>>) {add = true}
      %add3A_553 = arith.constant 2 : i32
      %add3A_554 = arith.addi %add3A_515, %add3A_553 : i32
      %min3A_555 = arith.constant 99 : i32
      %min3A_556 = arith.minsi %add3A_554, %min3A_555 : i32
      %dma_start3A_557 = arith.constant 0 : i32
      %dma_start3A_558 = arith.constant 0 : i32
      %dma_start3A_559 = tpu.memref_slice %arg3[%add3A, %min3A_556, %dma_start3A_557, %dma_start3A_558] : memref<32x100x2x100xi32, #tpu.memory_space<hbm>> -> memref<1x1x2x100xi32, #tpu.memory_space<hbm>>
      %dma_start3A_560 = tpu.memref_squeeze %dma_start3A_559 : memref<1x1x2x100xi32, #tpu.memory_space<hbm>> -> memref<2x100xi32, #tpu.memory_space<hbm>>
      %dma_start3A_561 = arith.constant 0 : i32
      %dma_start3A_562 = arith.constant 0 : i32
      %dma_start3A_563 = tpu.memref_slice %arg3[%add3A, %min3A_556, %dma_start3A_561, %dma_start3A_562] : memref<32x100x2x100xi32, #tpu.memory_space<hbm>> -> memref<1x1x2x100xi32, #tpu.memory_space<hbm>>
      %dma_start3A_564 = tpu.memref_squeeze %dma_start3A_563 : memref<1x1x2x100xi32, #tpu.memory_space<hbm>> -> memref<2x100xi32, #tpu.memory_space<hbm>>
      tpu.enqueue_dma source(%dma_start3A_564 : memref<2x100xi32, #tpu.memory_space<hbm>>) target(%arg8 : memref<2x100xi32, #tpu.memory_space<vmem>>) target_semaphore(%arg16 : memref<!tpu.dma_semaphore, #tpu.memory_space<semaphore_mem>>)
      %add3A_565 = arith.constant 2 : i32
      %add3A_566 = arith.addi %mul3A_464, %add3A_565 : i32
      %dma_wait3A_567 = arith.constant 0 : i32
      %dma_wait3A_568 = arith.constant 0 : i32
      %dma_wait3A_569 = arith.constant 0 : i32
      %dma_wait3A_570 = tpu.memref_slice %arg3[%add3A, %dma_wait3A_567, %dma_wait3A_568, %dma_wait3A_569] : memref<32x100x2x100xi32, #tpu.memory_space<hbm>> -> memref<1x1x2x100xi32, #tpu.memory_space<hbm>>
      %dma_wait3A_571 = tpu.memref_squeeze %dma_wait3A_570 : memref<1x1x2x100xi32, #tpu.memory_space<hbm>> -> memref<2x100xi32, #tpu.memory_space<hbm>>
      %dma_wait3A_572 = arith.constant 0 : i32
      %dma_wait3A_573 = arith.constant 0 : i32
      %dma_wait3A_574 = tpu.memref_slice %arg3[%add3A, %dma_wait3A_567, %dma_wait3A_572, %dma_wait3A_573] : memref<32x100x2x100xi32, #tpu.memory_space<hbm>> -> memref<1x1x2x100xi32, #tpu.memory_space<hbm>>
      %dma_wait3A_575 = tpu.memref_squeeze %dma_wait3A_574 : memref<1x1x2x100xi32, #tpu.memory_space<hbm>> -> memref<2x100xi32, #tpu.memory_space<hbm>>
      tpu.wait_dma2 semaphore(%arg16 : memref<!tpu.dma_semaphore, #tpu.memory_space<semaphore_mem>>) src(%dma_wait3A_575 : memref<2x100xi32, #tpu.memory_space<hbm>>) dst(%arg8 : memref<2x100xi32, #tpu.memory_space<vmem>>)
      %dma_wait3A_576 = arith.constant 1 : i32
      %dma_wait3A_577 = arith.constant 0 : i32
      %dma_wait3A_578 = tpu.memref_slice %arg6[%dma_wait3A_576, %dma_wait3A_577] : memref<2x100xi32, #tpu.memory_space<vmem>> -> memref<1x100xi32, #tpu.memory_space<vmem>>
      %dma_wait3A_579 = tpu.memref_squeeze %dma_wait3A_578 : memref<1x100xi32, #tpu.memory_space<vmem>> -> memref<100xi32, #tpu.memory_space<vmem>>
      %dma_wait3A_580 = arith.constant 0 : i32
      %dma_wait3A_581 = arith.constant 0 : i32
      %dma_wait3A_582 = tpu.memref_slice %arg12[%dma_wait3A_580, %dma_wait3A_581] : memref<10240x128xf32, #tpu.memory_space<vmem_shared>> -> memref<10240x128xf32, #tpu.memory_space<vmem_shared>>
      tpu.wait_indirect_dma semaphore(%arg20 : memref<!tpu.dma_semaphore, #tpu.memory_space<semaphore_mem>>) src(%arg10 : memref<100x128xf32, #tpu.memory_space<vmem>>) dst(%dma_wait3A_582 : memref<10240x128xf32, #tpu.memory_space<vmem_shared>>)
      %dma_start3A_583 = arith.constant 0 : i32
      %dma_start3A_584 = arith.constant 0 : i32
      %dma_start3A_585 = tpu.memref_slice %arg8[%dma_start3A_583, %dma_start3A_584] : memref<2x100xi32, #tpu.memory_space<vmem>> -> memref<1x100xi32, #tpu.memory_space<vmem>>
      %dma_start3A_586 = tpu.memref_squeeze %dma_start3A_585 : memref<1x100xi32, #tpu.memory_space<vmem>> -> memref<100xi32, #tpu.memory_space<vmem>>
      %dma_start3A_587 = arith.constant 0 : i32
      %dma_start3A_588 = arith.constant 0 : i32
      %dma_start3A_589 = tpu.memref_slice %arg2[%dma_start3A_587, %dma_start3A_588] : memref<10000x128xf32, #tpu.memory_space<hbm>> -> memref<10000x128xf32, #tpu.memory_space<hbm>>
      tpu.enqueue_indirect_dma source(%dma_start3A_589 : memref<10000x128xf32, #tpu.memory_space<hbm>>) target(%arg10 : memref<100x128xf32, #tpu.memory_space<vmem>>) offsets(%dma_start3A_586 : memref<100xi32, #tpu.memory_space<vmem>>) semaphore(%arg18 : memref<!tpu.dma_semaphore, #tpu.memory_space<semaphore_mem>>)
      %dma_wait3A_590 = arith.constant 0 : i32
      %dma_wait3A_591 = arith.constant 0 : i32
      %dma_wait3A_592 = tpu.memref_slice %arg7[%dma_wait3A_590, %dma_wait3A_591] : memref<2x100xi32, #tpu.memory_space<vmem>> -> memref<1x100xi32, #tpu.memory_space<vmem>>
      %dma_wait3A_593 = tpu.memref_squeeze %dma_wait3A_592 : memref<1x100xi32, #tpu.memory_space<vmem>> -> memref<100xi32, #tpu.memory_space<vmem>>
      %dma_wait3A_594 = arith.constant 0 : i32
      %dma_wait3A_595 = arith.constant 0 : i32
      %dma_wait3A_596 = tpu.memref_slice %arg2[%dma_wait3A_594, %dma_wait3A_595] : memref<10000x128xf32, #tpu.memory_space<hbm>> -> memref<10000x128xf32, #tpu.memory_space<hbm>>
      tpu.wait_indirect_dma semaphore(%arg17 : memref<!tpu.dma_semaphore, #tpu.memory_space<semaphore_mem>>) src(%dma_wait3A_596 : memref<10000x128xf32, #tpu.memory_space<hbm>>) dst(%arg9 : memref<100x128xf32, #tpu.memory_space<vmem>>)
      %dma_start3A_597 = arith.constant 1 : i32
      %dma_start3A_598 = arith.constant 0 : i32
      %dma_start3A_599 = tpu.memref_slice %arg7[%dma_start3A_597, %dma_start3A_598] : memref<2x100xi32, #tpu.memory_space<vmem>> -> memref<1x100xi32, #tpu.memory_space<vmem>>
      %dma_start3A_600 = tpu.memref_squeeze %dma_start3A_599 : memref<1x100xi32, #tpu.memory_space<vmem>> -> memref<100xi32, #tpu.memory_space<vmem>>
      %dma_start3A_601 = arith.constant 0 : i32
      %dma_start3A_602 = arith.constant 0 : i32
      %dma_start3A_603 = tpu.memref_slice %arg12[%dma_start3A_601, %dma_start3A_602] : memref<10240x128xf32, #tpu.memory_space<vmem_shared>> -> memref<10240x128xf32, #tpu.memory_space<vmem_shared>>
      tpu.enqueue_indirect_dma source(%arg9 : memref<100x128xf32, #tpu.memory_space<vmem>>) target(%dma_start3A_603 : memref<10240x128xf32, #tpu.memory_space<vmem_shared>>) offsets(%dma_start3A_600 : memref<100xi32, #tpu.memory_space<vmem>>) semaphore(%arg19 : memref<!tpu.dma_semaphore, #tpu.memory_space<semaphore_mem>>) {add = true}
      %add3A_604 = arith.constant 2 : i32
      %add3A_605 = arith.addi %add3A_566, %add3A_604 : i32
      %min3A_606 = arith.constant 99 : i32
      %min3A_607 = arith.minsi %add3A_605, %min3A_606 : i32
      %dma_start3A_608 = arith.constant 0 : i32
      %dma_start3A_609 = arith.constant 0 : i32
      %dma_start3A_610 = tpu.memref_slice %arg3[%add3A, %min3A_607, %dma_start3A_608, %dma_start3A_609] : memref<32x100x2x100xi32, #tpu.memory_space<hbm>> -> memref<1x1x2x100xi32, #tpu.memory_space<hbm>>
      %dma_start3A_611 = tpu.memref_squeeze %dma_start3A_610 : memref<1x1x2x100xi32, #tpu.memory_space<hbm>> -> memref<2x100xi32, #tpu.memory_space<hbm>>
      %dma_start3A_612 = arith.constant 0 : i32
      %dma_start3A_613 = arith.constant 0 : i32
      %dma_start3A_614 = tpu.memref_slice %arg3[%add3A, %min3A_607, %dma_start3A_612, %dma_start3A_613] : memref<32x100x2x100xi32, #tpu.memory_space<hbm>> -> memref<1x1x2x100xi32, #tpu.memory_space<hbm>>
      %dma_start3A_615 = tpu.memref_squeeze %dma_start3A_614 : memref<1x1x2x100xi32, #tpu.memory_space<hbm>> -> memref<2x100xi32, #tpu.memory_space<hbm>>
      tpu.enqueue_dma source(%dma_start3A_615 : memref<2x100xi32, #tpu.memory_space<hbm>>) target(%arg5 : memref<2x100xi32, #tpu.memory_space<vmem>>) target_semaphore(%arg13 : memref<!tpu.dma_semaphore, #tpu.memory_space<semaphore_mem>>)
      %add3A_616 = arith.constant 3 : i32
      %add3A_617 = arith.addi %mul3A_464, %add3A_616 : i32
      %dma_wait3A_618 = arith.constant 0 : i32
      %dma_wait3A_619 = arith.constant 0 : i32
      %dma_wait3A_620 = arith.constant 0 : i32
      %dma_wait3A_621 = tpu.memref_slice %arg3[%add3A, %dma_wait3A_618, %dma_wait3A_619, %dma_wait3A_620] : memref<32x100x2x100xi32, #tpu.memory_space<hbm>> -> memref<1x1x2x100xi32, #tpu.memory_space<hbm>>
      %dma_wait3A_622 = tpu.memref_squeeze %dma_wait3A_621 : memref<1x1x2x100xi32, #tpu.memory_space<hbm>> -> memref<2x100xi32, #tpu.memory_space<hbm>>
      %dma_wait3A_623 = arith.constant 0 : i32
      %dma_wait3A_624 = arith.constant 0 : i32
      %dma_wait3A_625 = tpu.memref_slice %arg3[%add3A, %dma_wait3A_618, %dma_wait3A_623, %dma_wait3A_624] : memref<32x100x2x100xi32, #tpu.memory_space<hbm>> -> memref<1x1x2x100xi32, #tpu.memory_space<hbm>>
      %dma_wait3A_626 = tpu.memref_squeeze %dma_wait3A_625 : memref<1x1x2x100xi32, #tpu.memory_space<hbm>> -> memref<2x100xi32, #tpu.memory_space<hbm>>
      tpu.wait_dma2 semaphore(%arg13 : memref<!tpu.dma_semaphore, #tpu.memory_space<semaphore_mem>>) src(%dma_wait3A_626 : memref<2x100xi32, #tpu.memory_space<hbm>>) dst(%arg5 : memref<2x100xi32, #tpu.memory_space<vmem>>)
      %dma_wait3A_627 = arith.constant 1 : i32
      %dma_wait3A_628 = arith.constant 0 : i32
      %dma_wait3A_629 = tpu.memref_slice %arg7[%dma_wait3A_627, %dma_wait3A_628] : memref<2x100xi32, #tpu.memory_space<vmem>> -> memref<1x100xi32, #tpu.memory_space<vmem>>
      %dma_wait3A_630 = tpu.memref_squeeze %dma_wait3A_629 : memref<1x100xi32, #tpu.memory_space<vmem>> -> memref<100xi32, #tpu.memory_space<vmem>>
      %dma_wait3A_631 = arith.constant 0 : i32
      %dma_wait3A_632 = arith.constant 0 : i32
      %dma_wait3A_633 = tpu.memref_slice %arg12[%dma_wait3A_631, %dma_wait3A_632] : memref<10240x128xf32, #tpu.memory_space<vmem_shared>> -> memref<10240x128xf32, #tpu.memory_space<vmem_shared>>
      tpu.wait_indirect_dma semaphore(%arg19 : memref<!tpu.dma_semaphore, #tpu.memory_space<semaphore_mem>>) src(%arg9 : memref<100x128xf32, #tpu.memory_space<vmem>>) dst(%dma_wait3A_633 : memref<10240x128xf32, #tpu.memory_space<vmem_shared>>)
      %dma_start3A_634 = arith.constant 0 : i32
      %dma_start3A_635 = arith.constant 0 : i32
      %dma_start3A_636 = tpu.memref_slice %arg5[%dma_start3A_634, %dma_start3A_635] : memref<2x100xi32, #tpu.memory_space<vmem>> -> memref<1x100xi32, #tpu.memory_space<vmem>>
      %dma_start3A_637 = tpu.memref_squeeze %dma_start3A_636 : memref<1x100xi32, #tpu.memory_space<vmem>> -> memref<100xi32, #tpu.memory_space<vmem>>
      %dma_start3A_638 = arith.constant 0 : i32
      %dma_start3A_639 = arith.constant 0 : i32
      %dma_start3A_640 = tpu.memref_slice %arg2[%dma_start3A_638, %dma_start3A_639] : memref<10000x128xf32, #tpu.memory_space<hbm>> -> memref<10000x128xf32, #tpu.memory_space<hbm>>
      tpu.enqueue_indirect_dma source(%dma_start3A_640 : memref<10000x128xf32, #tpu.memory_space<hbm>>) target(%arg9 : memref<100x128xf32, #tpu.memory_space<vmem>>) offsets(%dma_start3A_637 : memref<100xi32, #tpu.memory_space<vmem>>) semaphore(%arg17 : memref<!tpu.dma_semaphore, #tpu.memory_space<semaphore_mem>>)
      %dma_wait3A_641 = arith.constant 0 : i32
      %dma_wait3A_642 = arith.constant 0 : i32
      %dma_wait3A_643 = tpu.memref_slice %arg8[%dma_wait3A_641, %dma_wait3A_642] : memref<2x100xi32, #tpu.memory_space<vmem>> -> memref<1x100xi32, #tpu.memory_space<vmem>>
      %dma_wait3A_644 = tpu.memref_squeeze %dma_wait3A_643 : memref<1x100xi32, #tpu.memory_space<vmem>> -> memref<100xi32, #tpu.memory_space<vmem>>
      %dma_wait3A_645 = arith.constant 0 : i32
      %dma_wait3A_646 = arith.constant 0 : i32
      %dma_wait3A_647 = tpu.memref_slice %arg2[%dma_wait3A_645, %dma_wait3A_646] : memref<10000x128xf32, #tpu.memory_space<hbm>> -> memref<10000x128xf32, #tpu.memory_space<hbm>>
      tpu.wait_indirect_dma semaphore(%arg18 : memref<!tpu.dma_semaphore, #tpu.memory_space<semaphore_mem>>) src(%dma_wait3A_647 : memref<10000x128xf32, #tpu.memory_space<hbm>>) dst(%arg10 : memref<100x128xf32, #tpu.memory_space<vmem>>)
      %dma_start3A_648 = arith.constant 1 : i32
      %dma_start3A_649 = arith.constant 0 : i32
      %dma_start3A_650 = tpu.memref_slice %arg8[%dma_start3A_648, %dma_start3A_649] : memref<2x100xi32, #tpu.memory_space<vmem>> -> memref<1x100xi32, #tpu.memory_space<vmem>>
      %dma_start3A_651 = tpu.memref_squeeze %dma_start3A_650 : memref<1x100xi32, #tpu.memory_space<vmem>> -> memref<100xi32, #tpu.memory_space<vmem>>
      %dma_start3A_652 = arith.constant 0 : i32
      %dma_start3A_653 = arith.constant 0 : i32
      %dma_start3A_654 = tpu.memref_slice %arg12[%dma_start3A_652, %dma_start3A_653] : memref<10240x128xf32, #tpu.memory_space<vmem_shared>> -> memref<10240x128xf32, #tpu.memory_space<vmem_shared>>
      tpu.enqueue_indirect_dma source(%arg10 : memref<100x128xf32, #tpu.memory_space<vmem>>) target(%dma_start3A_654 : memref<10240x128xf32, #tpu.memory_space<vmem_shared>>) offsets(%dma_start3A_651 : memref<100xi32, #tpu.memory_space<vmem>>) semaphore(%arg20 : memref<!tpu.dma_semaphore, #tpu.memory_space<semaphore_mem>>) {add = true}
      %add3A_655 = arith.constant 2 : i32
      %add3A_656 = arith.addi %add3A_617, %add3A_655 : i32
      %min3A_657 = arith.constant 99 : i32
      %min3A_658 = arith.minsi %add3A_656, %min3A_657 : i32
      %dma_start3A_659 = arith.constant 0 : i32
      %dma_start3A_660 = arith.constant 0 : i32
      %dma_start3A_661 = tpu.memref_slice %arg3[%add3A, %min3A_658, %dma_start3A_659, %dma_start3A_660] : memref<32x100x2x100xi32, #tpu.memory_space<hbm>> -> memref<1x1x2x100xi32, #tpu.memory_space<hbm>>
      %dma_start3A_662 = tpu.memref_squeeze %dma_start3A_661 : memref<1x1x2x100xi32, #tpu.memory_space<hbm>> -> memref<2x100xi32, #tpu.memory_space<hbm>>
      %dma_start3A_663 = arith.constant 0 : i32
      %dma_start3A_664 = arith.constant 0 : i32
      %dma_start3A_665 = tpu.memref_slice %arg3[%add3A, %min3A_658, %dma_start3A_663, %dma_start3A_664] : memref<32x100x2x100xi32, #tpu.memory_space<hbm>> -> memref<1x1x2x100xi32, #tpu.memory_space<hbm>>
      %dma_start3A_666 = tpu.memref_squeeze %dma_start3A_665 : memref<1x1x2x100xi32, #tpu.memory_space<hbm>> -> memref<2x100xi32, #tpu.memory_space<hbm>>
      tpu.enqueue_dma source(%dma_start3A_666 : memref<2x100xi32, #tpu.memory_space<hbm>>) target(%arg6 : memref<2x100xi32, #tpu.memory_space<vmem>>) target_semaphore(%arg14 : memref<!tpu.dma_semaphore, #tpu.memory_space<semaphore_mem>>)
      %scan3A_667 = arith.constant 0 : i32
      scf.yield %scan3A_667 : i32
    }
    %scan3A_274 = arith.constant 23 : i32
    %dma_wait3A_275 = arith.constant 0 : i32
    %dma_wait3A_276 = arith.constant 0 : i32
    %dma_wait3A_277 = arith.constant 0 : i32
    %dma_wait3A_278 = tpu.memref_slice %arg3[%add3A, %dma_wait3A_275, %dma_wait3A_276, %dma_wait3A_277] : memref<32x100x2x100xi32, #tpu.memory_space<hbm>> -> memref<1x1x2x100xi32, #tpu.memory_space<hbm>>
    %dma_wait3A_279 = tpu.memref_squeeze %dma_wait3A_278 : memref<1x1x2x100xi32, #tpu.memory_space<hbm>> -> memref<2x100xi32, #tpu.memory_space<hbm>>
    %dma_wait3A_280 = arith.constant 0 : i32
    %dma_wait3A_281 = arith.constant 0 : i32
    %dma_wait3A_282 = tpu.memref_slice %arg3[%add3A, %dma_wait3A_275, %dma_wait3A_280, %dma_wait3A_281] : memref<32x100x2x100xi32, #tpu.memory_space<hbm>> -> memref<1x1x2x100xi32, #tpu.memory_space<hbm>>
    %dma_wait3A_283 = tpu.memref_squeeze %dma_wait3A_282 : memref<1x1x2x100xi32, #tpu.memory_space<hbm>> -> memref<2x100xi32, #tpu.memory_space<hbm>>
    tpu.wait_dma2 semaphore(%arg14 : memref<!tpu.dma_semaphore, #tpu.memory_space<semaphore_mem>>) src(%dma_wait3A_283 : memref<2x100xi32, #tpu.memory_space<hbm>>) dst(%arg6 : memref<2x100xi32, #tpu.memory_space<vmem>>)
    %dma_wait3A_284 = arith.constant 1 : i32
    %dma_wait3A_285 = arith.constant 0 : i32
    %dma_wait3A_286 = tpu.memref_slice %arg8[%dma_wait3A_284, %dma_wait3A_285] : memref<2x100xi32, #tpu.memory_space<vmem>> -> memref<1x100xi32, #tpu.memory_space<vmem>>
    %dma_wait3A_287 = tpu.memref_squeeze %dma_wait3A_286 : memref<1x100xi32, #tpu.memory_space<vmem>> -> memref<100xi32, #tpu.memory_space<vmem>>
    %dma_wait3A_288 = arith.constant 0 : i32
    %dma_wait3A_289 = arith.constant 0 : i32
    %dma_wait3A_290 = tpu.memref_slice %arg12[%dma_wait3A_288, %dma_wait3A_289] : memref<10240x128xf32, #tpu.memory_space<vmem_shared>> -> memref<10240x128xf32, #tpu.memory_space<vmem_shared>>
    tpu.wait_indirect_dma semaphore(%arg20 : memref<!tpu.dma_semaphore, #tpu.memory_space<semaphore_mem>>) src(%arg10 : memref<100x128xf32, #tpu.memory_space<vmem>>) dst(%dma_wait3A_290 : memref<10240x128xf32, #tpu.memory_space<vmem_shared>>)
    %dma_start3A_291 = arith.constant 0 : i32
    %dma_start3A_292 = arith.constant 0 : i32
    %dma_start3A_293 = tpu.memref_slice %arg6[%dma_start3A_291, %dma_start3A_292] : memref<2x100xi32, #tpu.memory_space<vmem>> -> memref<1x100xi32, #tpu.memory_space<vmem>>
    %dma_start3A_294 = tpu.memref_squeeze %dma_start3A_293 : memref<1x100xi32, #tpu.memory_space<vmem>> -> memref<100xi32, #tpu.memory_space<vmem>>
    %dma_start3A_295 = arith.constant 0 : i32
    %dma_start3A_296 = arith.constant 0 : i32
    %dma_start3A_297 = tpu.memref_slice %arg2[%dma_start3A_295, %dma_start3A_296] : memref<10000x128xf32, #tpu.memory_space<hbm>> -> memref<10000x128xf32, #tpu.memory_space<hbm>>
    tpu.enqueue_indirect_dma source(%dma_start3A_297 : memref<10000x128xf32, #tpu.memory_space<hbm>>) target(%arg10 : memref<100x128xf32, #tpu.memory_space<vmem>>) offsets(%dma_start3A_294 : memref<100xi32, #tpu.memory_space<vmem>>) semaphore(%arg18 : memref<!tpu.dma_semaphore, #tpu.memory_space<semaphore_mem>>)
    %dma_wait3A_298 = arith.constant 0 : i32
    %dma_wait3A_299 = arith.constant 0 : i32
    %dma_wait3A_300 = tpu.memref_slice %arg5[%dma_wait3A_298, %dma_wait3A_299] : memref<2x100xi32, #tpu.memory_space<vmem>> -> memref<1x100xi32, #tpu.memory_space<vmem>>
    %dma_wait3A_301 = tpu.memref_squeeze %dma_wait3A_300 : memref<1x100xi32, #tpu.memory_space<vmem>> -> memref<100xi32, #tpu.memory_space<vmem>>
    %dma_wait3A_302 = arith.constant 0 : i32
    %dma_wait3A_303 = arith.constant 0 : i32
    %dma_wait3A_304 = tpu.memref_slice %arg2[%dma_wait3A_302, %dma_wait3A_303] : memref<10000x128xf32, #tpu.memory_space<hbm>> -> memref<10000x128xf32, #tpu.memory_space<hbm>>
    tpu.wait_indirect_dma semaphore(%arg17 : memref<!tpu.dma_semaphore, #tpu.memory_space<semaphore_mem>>) src(%dma_wait3A_304 : memref<10000x128xf32, #tpu.memory_space<hbm>>) dst(%arg9 : memref<100x128xf32, #tpu.memory_space<vmem>>)
    %dma_start3A_305 = arith.constant 1 : i32
    %dma_start3A_306 = arith.constant 0 : i32
    %dma_start3A_307 = tpu.memref_slice %arg5[%dma_start3A_305, %dma_start3A_306] : memref<2x100xi32, #tpu.memory_space<vmem>> -> memref<1x100xi32, #tpu.memory_space<vmem>>
    %dma_start3A_308 = tpu.memref_squeeze %dma_start3A_307 : memref<1x100xi32, #tpu.memory_space<vmem>> -> memref<100xi32, #tpu.memory_space<vmem>>
    %dma_start3A_309 = arith.constant 0 : i32
    %dma_start3A_310 = arith.constant 0 : i32
    %dma_start3A_311 = tpu.memref_slice %arg12[%dma_start3A_309, %dma_start3A_310] : memref<10240x128xf32, #tpu.memory_space<vmem_shared>> -> memref<10240x128xf32, #tpu.memory_space<vmem_shared>>
    tpu.enqueue_indirect_dma source(%arg9 : memref<100x128xf32, #tpu.memory_space<vmem>>) target(%dma_start3A_311 : memref<10240x128xf32, #tpu.memory_space<vmem_shared>>) offsets(%dma_start3A_308 : memref<100xi32, #tpu.memory_space<vmem>>) semaphore(%arg19 : memref<!tpu.dma_semaphore, #tpu.memory_space<semaphore_mem>>) {add = true}
    %min3A_312 = arith.constant 98 : i32
    %min3A_313 = arith.constant 99 : i32
    %min3A_314 = arith.minsi %min3A_312, %min3A_313 : i32
    %dma_start3A_315 = arith.constant 0 : i32
    %dma_start3A_316 = arith.constant 0 : i32
    %dma_start3A_317 = tpu.memref_slice %arg3[%add3A, %min3A_314, %dma_start3A_315, %dma_start3A_316] : memref<32x100x2x100xi32, #tpu.memory_space<hbm>> -> memref<1x1x2x100xi32, #tpu.memory_space<hbm>>
    %dma_start3A_318 = tpu.memref_squeeze %dma_start3A_317 : memref<1x1x2x100xi32, #tpu.memory_space<hbm>> -> memref<2x100xi32, #tpu.memory_space<hbm>>
    %dma_start3A_319 = arith.constant 0 : i32
    %dma_start3A_320 = arith.constant 0 : i32
    %dma_start3A_321 = tpu.memref_slice %arg3[%add3A, %min3A_314, %dma_start3A_319, %dma_start3A_320] : memref<32x100x2x100xi32, #tpu.memory_space<hbm>> -> memref<1x1x2x100xi32, #tpu.memory_space<hbm>>
    %dma_start3A_322 = tpu.memref_squeeze %dma_start3A_321 : memref<1x1x2x100xi32, #tpu.memory_space<hbm>> -> memref<2x100xi32, #tpu.memory_space<hbm>>
    tpu.enqueue_dma source(%dma_start3A_322 : memref<2x100xi32, #tpu.memory_space<hbm>>) target(%arg7 : memref<2x100xi32, #tpu.memory_space<vmem>>) target_semaphore(%arg15 : memref<!tpu.dma_semaphore, #tpu.memory_space<semaphore_mem>>)
    %dma_wait3A_323 = arith.constant 0 : i32
    %dma_wait3A_324 = arith.constant 0 : i32
    %dma_wait3A_325 = arith.constant 0 : i32
    %dma_wait3A_326 = tpu.memref_slice %arg3[%add3A, %dma_wait3A_323, %dma_wait3A_324, %dma_wait3A_325] : memref<32x100x2x100xi32, #tpu.memory_space<hbm>> -> memref<1x1x2x100xi32, #tpu.memory_space<hbm>>
    %dma_wait3A_327 = tpu.memref_squeeze %dma_wait3A_326 : memref<1x1x2x100xi32, #tpu.memory_space<hbm>> -> memref<2x100xi32, #tpu.memory_space<hbm>>
    %dma_wait3A_328 = arith.constant 0 : i32
    %dma_wait3A_329 = arith.constant 0 : i32
    %dma_wait3A_330 = tpu.memref_slice %arg3[%add3A, %dma_wait3A_323, %dma_wait3A_328, %dma_wait3A_329] : memref<32x100x2x100xi32, #tpu.memory_space<hbm>> -> memref<1x1x2x100xi32, #tpu.memory_space<hbm>>
    %dma_wait3A_331 = tpu.memref_squeeze %dma_wait3A_330 : memref<1x1x2x100xi32, #tpu.memory_space<hbm>> -> memref<2x100xi32, #tpu.memory_space<hbm>>
    tpu.wait_dma2 semaphore(%arg15 : memref<!tpu.dma_semaphore, #tpu.memory_space<semaphore_mem>>) src(%dma_wait3A_331 : memref<2x100xi32, #tpu.memory_space<hbm>>) dst(%arg7 : memref<2x100xi32, #tpu.memory_space<vmem>>)
    %dma_wait3A_332 = arith.constant 1 : i32
    %dma_wait3A_333 = arith.constant 0 : i32
    %dma_wait3A_334 = tpu.memref_slice %arg5[%dma_wait3A_332, %dma_wait3A_333] : memref<2x100xi32, #tpu.memory_space<vmem>> -> memref<1x100xi32, #tpu.memory_space<vmem>>
    %dma_wait3A_335 = tpu.memref_squeeze %dma_wait3A_334 : memref<1x100xi32, #tpu.memory_space<vmem>> -> memref<100xi32, #tpu.memory_space<vmem>>
    %dma_wait3A_336 = arith.constant 0 : i32
    %dma_wait3A_337 = arith.constant 0 : i32
    %dma_wait3A_338 = tpu.memref_slice %arg12[%dma_wait3A_336, %dma_wait3A_337] : memref<10240x128xf32, #tpu.memory_space<vmem_shared>> -> memref<10240x128xf32, #tpu.memory_space<vmem_shared>>
    tpu.wait_indirect_dma semaphore(%arg19 : memref<!tpu.dma_semaphore, #tpu.memory_space<semaphore_mem>>) src(%arg9 : memref<100x128xf32, #tpu.memory_space<vmem>>) dst(%dma_wait3A_338 : memref<10240x128xf32, #tpu.memory_space<vmem_shared>>)
    %dma_start3A_339 = arith.constant 0 : i32
    %dma_start3A_340 = arith.constant 0 : i32
    %dma_start3A_341 = tpu.memref_slice %arg7[%dma_start3A_339, %dma_start3A_340] : memref<2x100xi32, #tpu.memory_space<vmem>> -> memref<1x100xi32, #tpu.memory_space<vmem>>
    %dma_start3A_342 = tpu.memref_squeeze %dma_start3A_341 : memref<1x100xi32, #tpu.memory_space<vmem>> -> memref<100xi32, #tpu.memory_space<vmem>>
    %dma_start3A_343 = arith.constant 0 : i32
    %dma_start3A_344 = arith.constant 0 : i32
    %dma_start3A_345 = tpu.memref_slice %arg2[%dma_start3A_343, %dma_start3A_344] : memref<10000x128xf32, #tpu.memory_space<hbm>> -> memref<10000x128xf32, #tpu.memory_space<hbm>>
    tpu.enqueue_indirect_dma source(%dma_start3A_345 : memref<10000x128xf32, #tpu.memory_space<hbm>>) target(%arg9 : memref<100x128xf32, #tpu.memory_space<vmem>>) offsets(%dma_start3A_342 : memref<100xi32, #tpu.memory_space<vmem>>) semaphore(%arg17 : memref<!tpu.dma_semaphore, #tpu.memory_space<semaphore_mem>>)
    %dma_wait3A_346 = arith.constant 0 : i32
    %dma_wait3A_347 = arith.constant 0 : i32
    %dma_wait3A_348 = tpu.memref_slice %arg6[%dma_wait3A_346, %dma_wait3A_347] : memref<2x100xi32, #tpu.memory_space<vmem>> -> memref<1x100xi32, #tpu.memory_space<vmem>>
    %dma_wait3A_349 = tpu.memref_squeeze %dma_wait3A_348 : memref<1x100xi32, #tpu.memory_space<vmem>> -> memref<100xi32, #tpu.memory_space<vmem>>
    %dma_wait3A_350 = arith.constant 0 : i32
    %dma_wait3A_351 = arith.constant 0 : i32
    %dma_wait3A_352 = tpu.memref_slice %arg2[%dma_wait3A_350, %dma_wait3A_351] : memref<10000x128xf32, #tpu.memory_space<hbm>> -> memref<10000x128xf32, #tpu.memory_space<hbm>>
    tpu.wait_indirect_dma semaphore(%arg18 : memref<!tpu.dma_semaphore, #tpu.memory_space<semaphore_mem>>) src(%dma_wait3A_352 : memref<10000x128xf32, #tpu.memory_space<hbm>>) dst(%arg10 : memref<100x128xf32, #tpu.memory_space<vmem>>)
    %dma_start3A_353 = arith.constant 1 : i32
    %dma_start3A_354 = arith.constant 0 : i32
    %dma_start3A_355 = tpu.memref_slice %arg6[%dma_start3A_353, %dma_start3A_354] : memref<2x100xi32, #tpu.memory_space<vmem>> -> memref<1x100xi32, #tpu.memory_space<vmem>>
    %dma_start3A_356 = tpu.memref_squeeze %dma_start3A_355 : memref<1x100xi32, #tpu.memory_space<vmem>> -> memref<100xi32, #tpu.memory_space<vmem>>
    %dma_start3A_357 = arith.constant 0 : i32
    %dma_start3A_358 = arith.constant 0 : i32
    %dma_start3A_359 = tpu.memref_slice %arg12[%dma_start3A_357, %dma_start3A_358] : memref<10240x128xf32, #tpu.memory_space<vmem_shared>> -> memref<10240x128xf32, #tpu.memory_space<vmem_shared>>
    tpu.enqueue_indirect_dma source(%arg10 : memref<100x128xf32, #tpu.memory_space<vmem>>) target(%dma_start3A_359 : memref<10240x128xf32, #tpu.memory_space<vmem_shared>>) offsets(%dma_start3A_356 : memref<100xi32, #tpu.memory_space<vmem>>) semaphore(%arg20 : memref<!tpu.dma_semaphore, #tpu.memory_space<semaphore_mem>>) {add = true}
    %min3A_360 = arith.constant 99 : i32
    %min3A_361 = arith.constant 99 : i32
    %min3A_362 = arith.minsi %min3A_360, %min3A_361 : i32
    %dma_start3A_363 = arith.constant 0 : i32
    %dma_start3A_364 = arith.constant 0 : i32
    %dma_start3A_365 = tpu.memref_slice %arg3[%add3A, %min3A_362, %dma_start3A_363, %dma_start3A_364] : memref<32x100x2x100xi32, #tpu.memory_space<hbm>> -> memref<1x1x2x100xi32, #tpu.memory_space<hbm>>
    %dma_start3A_366 = tpu.memref_squeeze %dma_start3A_365 : memref<1x1x2x100xi32, #tpu.memory_space<hbm>> -> memref<2x100xi32, #tpu.memory_space<hbm>>
    %dma_start3A_367 = arith.constant 0 : i32
    %dma_start3A_368 = arith.constant 0 : i32
    %dma_start3A_369 = tpu.memref_slice %arg3[%add3A, %min3A_362, %dma_start3A_367, %dma_start3A_368] : memref<32x100x2x100xi32, #tpu.memory_space<hbm>> -> memref<1x1x2x100xi32, #tpu.memory_space<hbm>>
    %dma_start3A_370 = tpu.memref_squeeze %dma_start3A_369 : memref<1x1x2x100xi32, #tpu.memory_space<hbm>> -> memref<2x100xi32, #tpu.memory_space<hbm>>
    tpu.enqueue_dma source(%dma_start3A_370 : memref<2x100xi32, #tpu.memory_space<hbm>>) target(%arg8 : memref<2x100xi32, #tpu.memory_space<vmem>>) target_semaphore(%arg16 : memref<!tpu.dma_semaphore, #tpu.memory_space<semaphore_mem>>)
    %dma_wait3A_371 = arith.constant 0 : i32
    %dma_wait3A_372 = arith.constant 0 : i32
    %dma_wait3A_373 = arith.constant 0 : i32
    %dma_wait3A_374 = tpu.memref_slice %arg3[%add3A, %dma_wait3A_371, %dma_wait3A_372, %dma_wait3A_373] : memref<32x100x2x100xi32, #tpu.memory_space<hbm>> -> memref<1x1x2x100xi32, #tpu.memory_space<hbm>>
    %dma_wait3A_375 = tpu.memref_squeeze %dma_wait3A_374 : memref<1x1x2x100xi32, #tpu.memory_space<hbm>> -> memref<2x100xi32, #tpu.memory_space<hbm>>
    %dma_wait3A_376 = arith.constant 0 : i32
    %dma_wait3A_377 = arith.constant 0 : i32
    %dma_wait3A_378 = tpu.memref_slice %arg3[%add3A, %dma_wait3A_371, %dma_wait3A_376, %dma_wait3A_377] : memref<32x100x2x100xi32, #tpu.memory_space<hbm>> -> memref<1x1x2x100xi32, #tpu.memory_space<hbm>>
    %dma_wait3A_379 = tpu.memref_squeeze %dma_wait3A_378 : memref<1x1x2x100xi32, #tpu.memory_space<hbm>> -> memref<2x100xi32, #tpu.memory_space<hbm>>
    tpu.wait_dma2 semaphore(%arg16 : memref<!tpu.dma_semaphore, #tpu.memory_space<semaphore_mem>>) src(%dma_wait3A_379 : memref<2x100xi32, #tpu.memory_space<hbm>>) dst(%arg8 : memref<2x100xi32, #tpu.memory_space<vmem>>)
    %dma_wait3A_380 = arith.constant 1 : i32
    %dma_wait3A_381 = arith.constant 0 : i32
    %dma_wait3A_382 = tpu.memref_slice %arg6[%dma_wait3A_380, %dma_wait3A_381] : memref<2x100xi32, #tpu.memory_space<vmem>> -> memref<1x100xi32, #tpu.memory_space<vmem>>
    %dma_wait3A_383 = tpu.memref_squeeze %dma_wait3A_382 : memref<1x100xi32, #tpu.memory_space<vmem>> -> memref<100xi32, #tpu.memory_space<vmem>>
    %dma_wait3A_384 = arith.constant 0 : i32
    %dma_wait3A_385 = arith.constant 0 : i32
    %dma_wait3A_386 = tpu.memref_slice %arg12[%dma_wait3A_384, %dma_wait3A_385] : memref<10240x128xf32, #tpu.memory_space<vmem_shared>> -> memref<10240x128xf32, #tpu.memory_space<vmem_shared>>
    tpu.wait_indirect_dma semaphore(%arg20 : memref<!tpu.dma_semaphore, #tpu.memory_space<semaphore_mem>>) src(%arg10 : memref<100x128xf32, #tpu.memory_space<vmem>>) dst(%dma_wait3A_386 : memref<10240x128xf32, #tpu.memory_space<vmem_shared>>)
    %dma_start3A_387 = arith.constant 0 : i32
    %dma_start3A_388 = arith.constant 0 : i32
    %dma_start3A_389 = tpu.memref_slice %arg8[%dma_start3A_387, %dma_start3A_388] : memref<2x100xi32, #tpu.memory_space<vmem>> -> memref<1x100xi32, #tpu.memory_space<vmem>>
    %dma_start3A_390 = tpu.memref_squeeze %dma_start3A_389 : memref<1x100xi32, #tpu.memory_space<vmem>> -> memref<100xi32, #tpu.memory_space<vmem>>
    %dma_start3A_391 = arith.constant 0 : i32
    %dma_start3A_392 = arith.constant 0 : i32
    %dma_start3A_393 = tpu.memref_slice %arg2[%dma_start3A_391, %dma_start3A_392] : memref<10000x128xf32, #tpu.memory_space<hbm>> -> memref<10000x128xf32, #tpu.memory_space<hbm>>
    tpu.enqueue_indirect_dma source(%dma_start3A_393 : memref<10000x128xf32, #tpu.memory_space<hbm>>) target(%arg10 : memref<100x128xf32, #tpu.memory_space<vmem>>) offsets(%dma_start3A_390 : memref<100xi32, #tpu.memory_space<vmem>>) semaphore(%arg18 : memref<!tpu.dma_semaphore, #tpu.memory_space<semaphore_mem>>)
    %dma_wait3A_394 = arith.constant 0 : i32
    %dma_wait3A_395 = arith.constant 0 : i32
    %dma_wait3A_396 = tpu.memref_slice %arg7[%dma_wait3A_394, %dma_wait3A_395] : memref<2x100xi32, #tpu.memory_space<vmem>> -> memref<1x100xi32, #tpu.memory_space<vmem>>
    %dma_wait3A_397 = tpu.memref_squeeze %dma_wait3A_396 : memref<1x100xi32, #tpu.memory_space<vmem>> -> memref<100xi32, #tpu.memory_space<vmem>>
    %dma_wait3A_398 = arith.constant 0 : i32
    %dma_wait3A_399 = arith.constant 0 : i32
    %dma_wait3A_400 = tpu.memref_slice %arg2[%dma_wait3A_398, %dma_wait3A_399] : memref<10000x128xf32, #tpu.memory_space<hbm>> -> memref<10000x128xf32, #tpu.memory_space<hbm>>
    tpu.wait_indirect_dma semaphore(%arg17 : memref<!tpu.dma_semaphore, #tpu.memory_space<semaphore_mem>>) src(%dma_wait3A_400 : memref<10000x128xf32, #tpu.memory_space<hbm>>) dst(%arg9 : memref<100x128xf32, #tpu.memory_space<vmem>>)
    %dma_start3A_401 = arith.constant 1 : i32
    %dma_start3A_402 = arith.constant 0 : i32
    %dma_start3A_403 = tpu.memref_slice %arg7[%dma_start3A_401, %dma_start3A_402] : memref<2x100xi32, #tpu.memory_space<vmem>> -> memref<1x100xi32, #tpu.memory_space<vmem>>
    %dma_start3A_404 = tpu.memref_squeeze %dma_start3A_403 : memref<1x100xi32, #tpu.memory_space<vmem>> -> memref<100xi32, #tpu.memory_space<vmem>>
    %dma_start3A_405 = arith.constant 0 : i32
    %dma_start3A_406 = arith.constant 0 : i32
    %dma_start3A_407 = tpu.memref_slice %arg12[%dma_start3A_405, %dma_start3A_406] : memref<10240x128xf32, #tpu.memory_space<vmem_shared>> -> memref<10240x128xf32, #tpu.memory_space<vmem_shared>>
    tpu.enqueue_indirect_dma source(%arg9 : memref<100x128xf32, #tpu.memory_space<vmem>>) target(%dma_start3A_407 : memref<10240x128xf32, #tpu.memory_space<vmem_shared>>) offsets(%dma_start3A_404 : memref<100xi32, #tpu.memory_space<vmem>>) semaphore(%arg19 : memref<!tpu.dma_semaphore, #tpu.memory_space<semaphore_mem>>) {add = true}
    %min3A_408 = arith.constant 100 : i32
    %min3A_409 = arith.constant 99 : i32
    %min3A_410 = arith.minsi %min3A_408, %min3A_409 : i32
    %dma_start3A_411 = arith.constant 0 : i32
    %dma_start3A_412 = arith.constant 0 : i32
    %dma_start3A_413 = tpu.memref_slice %arg3[%add3A, %min3A_410, %dma_start3A_411, %dma_start3A_412] : memref<32x100x2x100xi32, #tpu.memory_space<hbm>> -> memref<1x1x2x100xi32, #tpu.memory_space<hbm>>
    %dma_start3A_414 = tpu.memref_squeeze %dma_start3A_413 : memref<1x1x2x100xi32, #tpu.memory_space<hbm>> -> memref<2x100xi32, #tpu.memory_space<hbm>>
    %dma_start3A_415 = arith.constant 0 : i32
    %dma_start3A_416 = arith.constant 0 : i32
    %dma_start3A_417 = tpu.memref_slice %arg3[%add3A, %min3A_410, %dma_start3A_415, %dma_start3A_416] : memref<32x100x2x100xi32, #tpu.memory_space<hbm>> -> memref<1x1x2x100xi32, #tpu.memory_space<hbm>>
    %dma_start3A_418 = tpu.memref_squeeze %dma_start3A_417 : memref<1x1x2x100xi32, #tpu.memory_space<hbm>> -> memref<2x100xi32, #tpu.memory_space<hbm>>
    tpu.enqueue_dma source(%dma_start3A_418 : memref<2x100xi32, #tpu.memory_space<hbm>>) target(%arg5 : memref<2x100xi32, #tpu.memory_space<vmem>>) target_semaphore(%arg13 : memref<!tpu.dma_semaphore, #tpu.memory_space<semaphore_mem>>)
    %dma_wait3A_419 = arith.constant 0 : i32
    %dma_wait3A_420 = arith.constant 0 : i32
    %dma_wait3A_421 = arith.constant 0 : i32
    %dma_wait3A_422 = tpu.memref_slice %arg3[%add3A, %dma_wait3A_419, %dma_wait3A_420, %dma_wait3A_421] : memref<32x100x2x100xi32, #tpu.memory_space<hbm>> -> memref<1x1x2x100xi32, #tpu.memory_space<hbm>>
    %dma_wait3A_423 = tpu.memref_squeeze %dma_wait3A_422 : memref<1x1x2x100xi32, #tpu.memory_space<hbm>> -> memref<2x100xi32, #tpu.memory_space<hbm>>
    %dma_wait3A_424 = arith.constant 0 : i32
    %dma_wait3A_425 = arith.constant 0 : i32
    %dma_wait3A_426 = tpu.memref_slice %arg3[%add3A, %dma_wait3A_419, %dma_wait3A_424, %dma_wait3A_425] : memref<32x100x2x100xi32, #tpu.memory_space<hbm>> -> memref<1x1x2x100xi32, #tpu.memory_space<hbm>>
    %dma_wait3A_427 = tpu.memref_squeeze %dma_wait3A_426 : memref<1x1x2x100xi32, #tpu.memory_space<hbm>> -> memref<2x100xi32, #tpu.memory_space<hbm>>
    tpu.wait_dma2 semaphore(%arg13 : memref<!tpu.dma_semaphore, #tpu.memory_space<semaphore_mem>>) src(%dma_wait3A_427 : memref<2x100xi32, #tpu.memory_space<hbm>>) dst(%arg5 : memref<2x100xi32, #tpu.memory_space<vmem>>)
    %dma_wait3A_428 = arith.constant 1 : i32
    %dma_wait3A_429 = arith.constant 0 : i32
    %dma_wait3A_430 = tpu.memref_slice %arg7[%dma_wait3A_428, %dma_wait3A_429] : memref<2x100xi32, #tpu.memory_space<vmem>> -> memref<1x100xi32, #tpu.memory_space<vmem>>
    %dma_wait3A_431 = tpu.memref_squeeze %dma_wait3A_430 : memref<1x100xi32, #tpu.memory_space<vmem>> -> memref<100xi32, #tpu.memory_space<vmem>>
    %dma_wait3A_432 = arith.constant 0 : i32
    %dma_wait3A_433 = arith.constant 0 : i32
    %dma_wait3A_434 = tpu.memref_slice %arg12[%dma_wait3A_432, %dma_wait3A_433] : memref<10240x128xf32, #tpu.memory_space<vmem_shared>> -> memref<10240x128xf32, #tpu.memory_space<vmem_shared>>
    tpu.wait_indirect_dma semaphore(%arg19 : memref<!tpu.dma_semaphore, #tpu.memory_space<semaphore_mem>>) src(%arg9 : memref<100x128xf32, #tpu.memory_space<vmem>>) dst(%dma_wait3A_434 : memref<10240x128xf32, #tpu.memory_space<vmem_shared>>)
    %dma_wait3A_435 = arith.constant 0 : i32
    %dma_wait3A_436 = arith.constant 0 : i32
    %dma_wait3A_437 = tpu.memref_slice %arg8[%dma_wait3A_435, %dma_wait3A_436] : memref<2x100xi32, #tpu.memory_space<vmem>> -> memref<1x100xi32, #tpu.memory_space<vmem>>
    %dma_wait3A_438 = tpu.memref_squeeze %dma_wait3A_437 : memref<1x100xi32, #tpu.memory_space<vmem>> -> memref<100xi32, #tpu.memory_space<vmem>>
    %dma_wait3A_439 = arith.constant 0 : i32
    %dma_wait3A_440 = arith.constant 0 : i32
    %dma_wait3A_441 = tpu.memref_slice %arg2[%dma_wait3A_439, %dma_wait3A_440] : memref<10000x128xf32, #tpu.memory_space<hbm>> -> memref<10000x128xf32, #tpu.memory_space<hbm>>
    tpu.wait_indirect_dma semaphore(%arg18 : memref<!tpu.dma_semaphore, #tpu.memory_space<semaphore_mem>>) src(%dma_wait3A_441 : memref<10000x128xf32, #tpu.memory_space<hbm>>) dst(%arg10 : memref<100x128xf32, #tpu.memory_space<vmem>>)
    %dma_start3A_442 = arith.constant 1 : i32
    %dma_start3A_443 = arith.constant 0 : i32
    %dma_start3A_444 = tpu.memref_slice %arg8[%dma_start3A_442, %dma_start3A_443] : memref<2x100xi32, #tpu.memory_space<vmem>> -> memref<1x100xi32, #tpu.memory_space<vmem>>
    %dma_start3A_445 = tpu.memref_squeeze %dma_start3A_444 : memref<1x100xi32, #tpu.memory_space<vmem>> -> memref<100xi32, #tpu.memory_space<vmem>>
    %dma_start3A_446 = arith.constant 0 : i32
    %dma_start3A_447 = arith.constant 0 : i32
    %dma_start3A_448 = tpu.memref_slice %arg12[%dma_start3A_446, %dma_start3A_447] : memref<10240x128xf32, #tpu.memory_space<vmem_shared>> -> memref<10240x128xf32, #tpu.memory_space<vmem_shared>>
    tpu.enqueue_indirect_dma source(%arg10 : memref<100x128xf32, #tpu.memory_space<vmem>>) target(%dma_start3A_448 : memref<10240x128xf32, #tpu.memory_space<vmem_shared>>) offsets(%dma_start3A_445 : memref<100xi32, #tpu.memory_space<vmem>>) semaphore(%arg20 : memref<!tpu.dma_semaphore, #tpu.memory_space<semaphore_mem>>) {add = true}
    %dma_wait3A_449 = arith.constant 1 : i32
    %dma_wait3A_450 = arith.constant 0 : i32
    %dma_wait3A_451 = tpu.memref_slice %arg8[%dma_wait3A_449, %dma_wait3A_450] : memref<2x100xi32, #tpu.memory_space<vmem>> -> memref<1x100xi32, #tpu.memory_space<vmem>>
    %dma_wait3A_452 = tpu.memref_squeeze %dma_wait3A_451 : memref<1x100xi32, #tpu.memory_space<vmem>> -> memref<100xi32, #tpu.memory_space<vmem>>
    %dma_wait3A_453 = arith.constant 0 : i32
    %dma_wait3A_454 = arith.constant 0 : i32
    %dma_wait3A_455 = tpu.memref_slice %arg12[%dma_wait3A_453, %dma_wait3A_454] : memref<10240x128xf32, #tpu.memory_space<vmem_shared>> -> memref<10240x128xf32, #tpu.memory_space<vmem_shared>>
    tpu.wait_indirect_dma semaphore(%arg20 : memref<!tpu.dma_semaphore, #tpu.memory_space<semaphore_mem>>) src(%arg10 : memref<100x128xf32, #tpu.memory_space<vmem>>) dst(%dma_wait3A_455 : memref<10240x128xf32, #tpu.memory_space<vmem_shared>>)
    %barrier3A_456 = arith.constant 0 : index
    tpu.barrier barrier_id(%barrier3A_456)
    %mul3A_457 = arith.constant 640 : i32
    %mul3A_458 = arith.muli %arg1, %mul3A_457 : i32
    %mul3A_459 = arith.constant 640 : i32
    %mul3A_460 = arith.muli %arg1, %mul3A_459 : i32
    "tpu.region"() ({
      %run_scoped3A_461 = tpu.sem_alloc : memref<!tpu.dma_semaphore, #tpu.memory_space<semaphore_mem>>
      %dma_start3A_462 = arith.constant 0 : i32
      %dma_start3A_463 = tpu.memref_slice %arg4[%arg0, %mul3A_460, %dma_start3A_462] : memref<2x10240x128xf32, #tpu.memory_space<hbm>> -> memref<1x640x128xf32, #tpu.memory_space<hbm>>
      %dma_start3A_464 = tpu.memref_squeeze %dma_start3A_463 : memref<1x640x128xf32, #tpu.memory_space<hbm>> -> memref<640x128xf32, #tpu.memory_space<hbm>>
      %dma_start3A_465 = arith.constant 0 : i32
      %dma_start3A_466 = tpu.memref_slice %arg12[%mul3A_458, %dma_start3A_465] : memref<10240x128xf32, #tpu.memory_space<vmem_shared>> -> memref<640x128xf32, #tpu.memory_space<vmem_shared>>
      tpu.enqueue_dma source(%dma_start3A_466 : memref<640x128xf32, #tpu.memory_space<vmem_shared>>) target(%dma_start3A_464 : memref<640x128xf32, #tpu.memory_space<hbm>>) target_semaphore(%run_scoped3A_461 : memref<!tpu.dma_semaphore, #tpu.memory_space<semaphore_mem>>)
      %dma_wait3A_467 = arith.constant 0 : i32
      %dma_wait3A_468 = tpu.memref_slice %arg4[%arg0, %mul3A_460, %dma_wait3A_467] : memref<2x10240x128xf32, #tpu.memory_space<hbm>> -> memref<1x640x128xf32, #tpu.memory_space<hbm>>
      %dma_wait3A_469 = tpu.memref_squeeze %dma_wait3A_468 : memref<1x640x128xf32, #tpu.memory_space<hbm>> -> memref<640x128xf32, #tpu.memory_space<hbm>>
      %dma_wait3A_470 = arith.constant 0 : i32
      %dma_wait3A_471 = tpu.memref_slice %arg12[%mul3A_458, %dma_wait3A_470] : memref<10240x128xf32, #tpu.memory_space<vmem_shared>> -> memref<640x128xf32, #tpu.memory_space<vmem_shared>>
      tpu.wait_dma2 semaphore(%run_scoped3A_461 : memref<!tpu.dma_semaphore, #tpu.memory_space<semaphore_mem>>) src(%dma_wait3A_471 : memref<640x128xf32, #tpu.memory_space<vmem_shared>>) dst(%dma_wait3A_469 : memref<640x128xf32, #tpu.memory_space<hbm>>)
      tpu.yield
    }) : () -> ()
    return
  }
}

#map = affine_map<(d0, d1) -> (0, 0)>
#map1 = affine_map<(d0, d1) -> (0, 0, 0, 0)>
#map2 = affine_map<(d0, d1) -> (0, 0, 0)>
module attributes {stable_mosaic.version = 14 : i64} {
  func.func @_msg_kernel(%arg0: i32, %arg1: i32, %arg2: memref<10000x128xf32, #tpu.memory_space<hbm>>, %arg3: memref<32x100x2x100xi32, #tpu.memory_space<hbm>>, %arg4: memref<2x10240x128xf32, #tpu.memory_space<hbm>>, %arg5: memref<2x100xi32, #tpu.memory_space<vmem>>, %arg6: memref<2x100xi32, #tpu.memory_space<vmem>>, %arg7: memref<2x100xi32, #tpu.memory_space<vmem>>, %arg8: memref<2x100xi32, #tpu.memory_space<vmem>>, %arg9: memref<100x128xf32, #tpu.memory_space<vmem>>, %arg10: memref<100x128xf32, #tpu.memory_space<vmem>>, %arg11: memref<16x128xf32, #tpu.memory_space<vmem>>, %arg12: memref<10240x128xf32, #tpu.memory_space<vmem_shared>>, %arg13: memref<!tpu.dma_semaphore, #tpu.memory_space<semaphore_mem>>, %arg14: memref<!tpu.dma_semaphore, #tpu.memory_space<semaphore_mem>>, %arg15: memref<!tpu.dma_semaphore, #tpu.memory_space<semaphore_mem>>, %arg16: memref<!tpu.dma_semaphore, #tpu.memory_space<semaphore_mem>>, %arg17: memref<!tpu.dma_semaphore, #tpu.memory_space<semaphore_mem>>, %arg18: memref<!tpu.dma_semaphore, #tpu.memory_space<semaphore_mem>>, %arg19: memref<!tpu.dma_semaphore, #tpu.memory_space<semaphore_mem>>, %arg20: memref<!tpu.dma_semaphore, #tpu.memory_space<semaphore_mem>>, %arg21: memref<!tpu.dma_semaphore, #tpu.memory_space<semaphore_mem>>) attributes {dimension_semantics = [#tpu.dimension_semantics<core_parallel>, #tpu.dimension_semantics<subcore_parallel>], iteration_bounds = array<i64: 2, 16>, scalar_prefetch = 0 : i64, scratch_operands = 17 : i64, tpu.core_type = #tpu.core_type<sc_vector_subcore>, window_params = [{transform_indices = #map}, {transform_indices = #map1}, {transform_indices = #map2}]} {
    %mul3A = arith.constant 2 : i32
    %mul3A_0 = arith.muli %arg1, %mul3A : i32
    %add3A = arith.addi %mul3A_0, %arg0 : i32
    %scan3A = arith.constant 0 : i32
    %scan3A_1 = arith.constant 0 : i32
    %scan3A_2 = arith.constant 16 : i32
    %scan3A_3 = arith.addi %scan3A_1, %scan3A_2 : i32
    %scan3A_4 = arith.constant 1 : i32
    %scan3A_5 = scf.for %scan3A_461 = %scan3A_1 to %scan3A_3 step %scan3A_4 iter_args(%scan3A_462 = %scan3A) -> (i32)  : i32 {
      %broadcast_in_dim3A = arith.constant 0.000000e+00 : f32
      %broadcast_in_dim3A_463 = vector.broadcast %broadcast_in_dim3A : f32 to vector<16xf32>
      %swap3A = arith.index_cast %scan3A_461 : i32 to index
      %swap3A_464 = arith.constant 0 : index
      %swap3A_465 = tpu.vector_load %arg11[%swap3A, %swap3A_464] {strides = array<i32>} : memref<16x128xf32, #tpu.memory_space<vmem>>, vector<1x16xf32>,
      %swap3A_466 = vector.shape_cast %swap3A_465 : vector<1x16xf32> to vector<16xf32>
      %swap3A_467 = vector.shape_cast %broadcast_in_dim3A_463 : vector<16xf32> to vector<1x16xf32>
      tpu.vector_store %arg11[%swap3A, %swap3A_464], %swap3A_467 {strides = array<i32>} : memref<16x128xf32, #tpu.memory_space<vmem>>, vector<1x16xf32>,
      %broadcast_in_dim3A_468 = arith.constant 0.000000e+00 : f32
      %broadcast_in_dim3A_469 = vector.broadcast %broadcast_in_dim3A_468 : f32 to vector<16xf32>
      %swap3A_470 = arith.index_cast %scan3A_461 : i32 to index
      %swap3A_471 = arith.constant 16 : index
      %swap3A_472 = tpu.vector_load %arg11[%swap3A_470, %swap3A_471] {strides = array<i32>} : memref<16x128xf32, #tpu.memory_space<vmem>>, vector<1x16xf32>,
      %swap3A_473 = vector.shape_cast %swap3A_472 : vector<1x16xf32> to vector<16xf32>
      %swap3A_474 = vector.shape_cast %broadcast_in_dim3A_469 : vector<16xf32> to vector<1x16xf32>
      tpu.vector_store %arg11[%swap3A_470, %swap3A_471], %swap3A_474 {strides = array<i32>} : memref<16x128xf32, #tpu.memory_space<vmem>>, vector<1x16xf32>,
      %broadcast_in_dim3A_475 = arith.constant 0.000000e+00 : f32
      %broadcast_in_dim3A_476 = vector.broadcast %broadcast_in_dim3A_475 : f32 to vector<16xf32>
      %swap3A_477 = arith.index_cast %scan3A_461 : i32 to index
      %swap3A_478 = arith.constant 32 : index
      %swap3A_479 = tpu.vector_load %arg11[%swap3A_477, %swap3A_478] {strides = array<i32>} : memref<16x128xf32, #tpu.memory_space<vmem>>, vector<1x16xf32>,
      %swap3A_480 = vector.shape_cast %swap3A_479 : vector<1x16xf32> to vector<16xf32>
      %swap3A_481 = vector.shape_cast %broadcast_in_dim3A_476 : vector<16xf32> to vector<1x16xf32>
      tpu.vector_store %arg11[%swap3A_477, %swap3A_478], %swap3A_481 {strides = array<i32>} : memref<16x128xf32, #tpu.memory_space<vmem>>, vector<1x16xf32>,
      %broadcast_in_dim3A_482 = arith.constant 0.000000e+00 : f32
      %broadcast_in_dim3A_483 = vector.broadcast %broadcast_in_dim3A_482 : f32 to vector<16xf32>
      %swap3A_484 = arith.index_cast %scan3A_461 : i32 to index
      %swap3A_485 = arith.constant 48 : index
      %swap3A_486 = tpu.vector_load %arg11[%swap3A_484, %swap3A_485] {strides = array<i32>} : memref<16x128xf32, #tpu.memory_space<vmem>>, vector<1x16xf32>,
      %swap3A_487 = vector.shape_cast %swap3A_486 : vector<1x16xf32> to vector<16xf32>
      %swap3A_488 = vector.shape_cast %broadcast_in_dim3A_483 : vector<16xf32> to vector<1x16xf32>
      tpu.vector_store %arg11[%swap3A_484, %swap3A_485], %swap3A_488 {strides = array<i32>} : memref<16x128xf32, #tpu.memory_space<vmem>>, vector<1x16xf32>,
      %broadcast_in_dim3A_489 = arith.constant 0.000000e+00 : f32
      %broadcast_in_dim3A_490 = vector.broadcast %broadcast_in_dim3A_489 : f32 to vector<16xf32>
      %swap3A_491 = arith.index_cast %scan3A_461 : i32 to index
      %swap3A_492 = arith.constant 64 : index
      %swap3A_493 = tpu.vector_load %arg11[%swap3A_491, %swap3A_492] {strides = array<i32>} : memref<16x128xf32, #tpu.memory_space<vmem>>, vector<1x16xf32>,
      %swap3A_494 = vector.shape_cast %swap3A_493 : vector<1x16xf32> to vector<16xf32>
      %swap3A_495 = vector.shape_cast %broadcast_in_dim3A_490 : vector<16xf32> to vector<1x16xf32>
      tpu.vector_store %arg11[%swap3A_491, %swap3A_492], %swap3A_495 {strides = array<i32>} : memref<16x128xf32, #tpu.memory_space<vmem>>, vector<1x16xf32>,
      %broadcast_in_dim3A_496 = arith.constant 0.000000e+00 : f32
      %broadcast_in_dim3A_497 = vector.broadcast %broadcast_in_dim3A_496 : f32 to vector<16xf32>
      %swap3A_498 = arith.index_cast %scan3A_461 : i32 to index
      %swap3A_499 = arith.constant 80 : index
      %swap3A_500 = tpu.vector_load %arg11[%swap3A_498, %swap3A_499] {strides = array<i32>} : memref<16x128xf32, #tpu.memory_space<vmem>>, vector<1x16xf32>,
      %swap3A_501 = vector.shape_cast %swap3A_500 : vector<1x16xf32> to vector<16xf32>
      %swap3A_502 = vector.shape_cast %broadcast_in_dim3A_497 : vector<16xf32> to vector<1x16xf32>
      tpu.vector_store %arg11[%swap3A_498, %swap3A_499], %swap3A_502 {strides = array<i32>} : memref<16x128xf32, #tpu.memory_space<vmem>>, vector<1x16xf32>,
      %broadcast_in_dim3A_503 = arith.constant 0.000000e+00 : f32
      %broadcast_in_dim3A_504 = vector.broadcast %broadcast_in_dim3A_503 : f32 to vector<16xf32>
      %swap3A_505 = arith.index_cast %scan3A_461 : i32 to index
      %swap3A_506 = arith.constant 96 : index
      %swap3A_507 = tpu.vector_load %arg11[%swap3A_505, %swap3A_506] {strides = array<i32>} : memref<16x128xf32, #tpu.memory_space<vmem>>, vector<1x16xf32>,
      %swap3A_508 = vector.shape_cast %swap3A_507 : vector<1x16xf32> to vector<16xf32>
      %swap3A_509 = vector.shape_cast %broadcast_in_dim3A_504 : vector<16xf32> to vector<1x16xf32>
      tpu.vector_store %arg11[%swap3A_505, %swap3A_506], %swap3A_509 {strides = array<i32>} : memref<16x128xf32, #tpu.memory_space<vmem>>, vector<1x16xf32>,
      %broadcast_in_dim3A_510 = arith.constant 0.000000e+00 : f32
      %broadcast_in_dim3A_511 = vector.broadcast %broadcast_in_dim3A_510 : f32 to vector<16xf32>
      %swap3A_512 = arith.index_cast %scan3A_461 : i32 to index
      %swap3A_513 = arith.constant 112 : index
      %swap3A_514 = tpu.vector_load %arg11[%swap3A_512, %swap3A_513] {strides = array<i32>} : memref<16x128xf32, #tpu.memory_space<vmem>>, vector<1x16xf32>,
      %swap3A_515 = vector.shape_cast %swap3A_514 : vector<1x16xf32> to vector<16xf32>
      %swap3A_516 = vector.shape_cast %broadcast_in_dim3A_511 : vector<16xf32> to vector<1x16xf32>
      tpu.vector_store %arg11[%swap3A_512, %swap3A_513], %swap3A_516 {strides = array<i32>} : memref<16x128xf32, #tpu.memory_space<vmem>>, vector<1x16xf32>,
      %scan3A_517 = arith.constant 0 : i32
      scf.yield %scan3A_517 : i32
    }
    %scan3A_6 = arith.constant 16 : i32
    %mul3A_7 = arith.constant 640 : i32
    %mul3A_8 = arith.muli %arg1, %mul3A_7 : i32
    %add3A_9 = arith.constant 0 : i32
    %add3A_10 = arith.addi %mul3A_8, %add3A_9 : i32
    %dma_start3A = arith.constant 0 : i32
    %dma_start3A_11 = tpu.memref_slice %arg12[%add3A_10, %dma_start3A] : memref<10240x128xf32, #tpu.memory_space<vmem_shared>> -> memref<16x128xf32, #tpu.memory_space<vmem_shared>>
    %dma_start3A_12 = arith.constant 0 : i32
    %dma_start3A_13 = tpu.memref_slice %arg12[%add3A_10, %dma_start3A_12] : memref<10240x128xf32, #tpu.memory_space<vmem_shared>> -> memref<16x128xf32, #tpu.memory_space<vmem_shared>>
    tpu.enqueue_dma source(%arg11 : memref<16x128xf32, #tpu.memory_space<vmem>>) target(%dma_start3A_13 : memref<16x128xf32, #tpu.memory_space<vmem_shared>>) target_semaphore(%arg21 : memref<!tpu.dma_semaphore, #tpu.memory_space<semaphore_mem>>)
    %mul3A_14 = arith.constant 640 : i32
    %mul3A_15 = arith.muli %arg1, %mul3A_14 : i32
    %add3A_16 = arith.constant 16 : i32
    %add3A_17 = arith.addi %mul3A_15, %add3A_16 : i32
    %dma_start3A_18 = arith.constant 0 : i32
    %dma_start3A_19 = tpu.memref_slice %arg12[%add3A_17, %dma_start3A_18] : memref<10240x128xf32, #tpu.memory_space<vmem_shared>> -> memref<16x128xf32, #tpu.memory_space<vmem_shared>>
    %dma_start3A_20 = arith.constant 0 : i32
    %dma_start3A_21 = tpu.memref_slice %arg12[%add3A_17, %dma_start3A_20] : memref<10240x128xf32, #tpu.memory_space<vmem_shared>> -> memref<16x128xf32, #tpu.memory_space<vmem_shared>>
    tpu.enqueue_dma source(%arg11 : memref<16x128xf32, #tpu.memory_space<vmem>>) target(%dma_start3A_21 : memref<16x128xf32, #tpu.memory_space<vmem_shared>>) target_semaphore(%arg21 : memref<!tpu.dma_semaphore, #tpu.memory_space<semaphore_mem>>)
    %mul3A_22 = arith.constant 640 : i32
    %mul3A_23 = arith.muli %arg1, %mul3A_22 : i32
    %add3A_24 = arith.constant 32 : i32
    %add3A_25 = arith.addi %mul3A_23, %add3A_24 : i32
    %dma_start3A_26 = arith.constant 0 : i32
    %dma_start3A_27 = tpu.memref_slice %arg12[%add3A_25, %dma_start3A_26] : memref<10240x128xf32, #tpu.memory_space<vmem_shared>> -> memref<16x128xf32, #tpu.memory_space<vmem_shared>>
    %dma_start3A_28 = arith.constant 0 : i32
    %dma_start3A_29 = tpu.memref_slice %arg12[%add3A_25, %dma_start3A_28] : memref<10240x128xf32, #tpu.memory_space<vmem_shared>> -> memref<16x128xf32, #tpu.memory_space<vmem_shared>>
    tpu.enqueue_dma source(%arg11 : memref<16x128xf32, #tpu.memory_space<vmem>>) target(%dma_start3A_29 : memref<16x128xf32, #tpu.memory_space<vmem_shared>>) target_semaphore(%arg21 : memref<!tpu.dma_semaphore, #tpu.memory_space<semaphore_mem>>)
    %mul3A_30 = arith.constant 640 : i32
    %mul3A_31 = arith.muli %arg1, %mul3A_30 : i32
    %add3A_32 = arith.constant 48 : i32
    %add3A_33 = arith.addi %mul3A_31, %add3A_32 : i32
    %dma_start3A_34 = arith.constant 0 : i32
    %dma_start3A_35 = tpu.memref_slice %arg12[%add3A_33, %dma_start3A_34] : memref<10240x128xf32, #tpu.memory_space<vmem_shared>> -> memref<16x128xf32, #tpu.memory_space<vmem_shared>>
    %dma_start3A_36 = arith.constant 0 : i32
    %dma_start3A_37 = tpu.memref_slice %arg12[%add3A_33, %dma_start3A_36] : memref<10240x128xf32, #tpu.memory_space<vmem_shared>> -> memref<16x128xf32, #tpu.memory_space<vmem_shared>>
    tpu.enqueue_dma source(%arg11 : memref<16x128xf32, #tpu.memory_space<vmem>>) target(%dma_start3A_37 : memref<16x128xf32, #tpu.memory_space<vmem_shared>>) target_semaphore(%arg21 : memref<!tpu.dma_semaphore, #tpu.memory_space<semaphore_mem>>)
    %scan3A_38 = arith.constant 0 : i32
    %scan3A_39 = arith.constant 4 : i32
    %scan3A_40 = arith.constant 36 : i32
    %scan3A_41 = arith.addi %scan3A_39, %scan3A_40 : i32
    %scan3A_42 = arith.constant 1 : i32
    %scan3A_43 = scf.for %scan3A_461 = %scan3A_39 to %scan3A_41 step %scan3A_42 iter_args(%scan3A_462 = %scan3A_38) -> (i32)  : i32 {
      %mul3A_463 = arith.constant 640 : i32
      %mul3A_464 = arith.muli %arg1, %mul3A_463 : i32
      %mul3A_465 = arith.constant 16 : i32
      %mul3A_466 = arith.muli %scan3A_461, %mul3A_465 : i32
      %add3A_467 = arith.addi %mul3A_464, %mul3A_466 : i32
      %dma_start3A_468 = arith.constant 0 : i32
      %dma_start3A_469 = tpu.memref_slice %arg12[%add3A_467, %dma_start3A_468] : memref<10240x128xf32, #tpu.memory_space<vmem_shared>> -> memref<16x128xf32, #tpu.memory_space<vmem_shared>>
      %dma_start3A_470 = arith.constant 0 : i32
      %dma_start3A_471 = tpu.memref_slice %arg12[%add3A_467, %dma_start3A_470] : memref<10240x128xf32, #tpu.memory_space<vmem_shared>> -> memref<16x128xf32, #tpu.memory_space<vmem_shared>>
      tpu.enqueue_dma source(%arg11 : memref<16x128xf32, #tpu.memory_space<vmem>>) target(%dma_start3A_471 : memref<16x128xf32, #tpu.memory_space<vmem_shared>>) target_semaphore(%arg21 : memref<!tpu.dma_semaphore, #tpu.memory_space<semaphore_mem>>)
      %dma_wait3A_472 = arith.constant 0 : i32
      %dma_wait3A_473 = arith.constant 0 : i32
      %dma_wait3A_474 = tpu.memref_slice %arg12[%dma_wait3A_472, %dma_wait3A_473] : memref<10240x128xf32, #tpu.memory_space<vmem_shared>> -> memref<16x128xf32, #tpu.memory_space<vmem_shared>>
      %dma_wait3A_475 = arith.constant 0 : i32
      %dma_wait3A_476 = arith.constant 0 : i32
      %dma_wait3A_477 = tpu.memref_slice %arg12[%dma_wait3A_475, %dma_wait3A_476] : memref<10240x128xf32, #tpu.memory_space<vmem_shared>> -> memref<16x128xf32, #tpu.memory_space<vmem_shared>>
      tpu.wait_dma2 semaphore(%arg21 : memref<!tpu.dma_semaphore, #tpu.memory_space<semaphore_mem>>) src(%arg11 : memref<16x128xf32, #tpu.memory_space<vmem>>) dst(%dma_wait3A_477 : memref<16x128xf32, #tpu.memory_space<vmem_shared>>)
      %scan3A_478 = arith.constant 0 : i32
      scf.yield %scan3A_478 : i32
    }
    %scan3A_44 = arith.constant 36 : i32
    %dma_wait3A = arith.constant 0 : i32
    %dma_wait3A_45 = arith.constant 0 : i32
    %dma_wait3A_46 = tpu.memref_slice %arg12[%dma_wait3A, %dma_wait3A_45] : memref<10240x128xf32, #tpu.memory_space<vmem_shared>> -> memref<16x128xf32, #tpu.memory_space<vmem_shared>>
    %dma_wait3A_47 = arith.constant 0 : i32
    %dma_wait3A_48 = arith.constant 0 : i32
    %dma_wait3A_49 = tpu.memref_slice %arg12[%dma_wait3A_47, %dma_wait3A_48] : memref<10240x128xf32, #tpu.memory_space<vmem_shared>> -> memref<16x128xf32, #tpu.memory_space<vmem_shared>>
    tpu.wait_dma2 semaphore(%arg21 : memref<!tpu.dma_semaphore, #tpu.memory_space<semaphore_mem>>) src(%arg11 : memref<16x128xf32, #tpu.memory_space<vmem>>) dst(%dma_wait3A_49 : memref<16x128xf32, #tpu.memory_space<vmem_shared>>)
    %dma_wait3A_50 = arith.constant 0 : i32
    %dma_wait3A_51 = arith.constant 0 : i32
    %dma_wait3A_52 = tpu.memref_slice %arg12[%dma_wait3A_50, %dma_wait3A_51] : memref<10240x128xf32, #tpu.memory_space<vmem_shared>> -> memref<16x128xf32, #tpu.memory_space<vmem_shared>>
    %dma_wait3A_53 = arith.constant 0 : i32
    %dma_wait3A_54 = arith.constant 0 : i32
    %dma_wait3A_55 = tpu.memref_slice %arg12[%dma_wait3A_53, %dma_wait3A_54] : memref<10240x128xf32, #tpu.memory_space<vmem_shared>> -> memref<16x128xf32, #tpu.memory_space<vmem_shared>>
    tpu.wait_dma2 semaphore(%arg21 : memref<!tpu.dma_semaphore, #tpu.memory_space<semaphore_mem>>) src(%arg11 : memref<16x128xf32, #tpu.memory_space<vmem>>) dst(%dma_wait3A_55 : memref<16x128xf32, #tpu.memory_space<vmem_shared>>)
    %dma_wait3A_56 = arith.constant 0 : i32
    %dma_wait3A_57 = arith.constant 0 : i32
    %dma_wait3A_58 = tpu.memref_slice %arg12[%dma_wait3A_56, %dma_wait3A_57] : memref<10240x128xf32, #tpu.memory_space<vmem_shared>> -> memref<16x128xf32, #tpu.memory_space<vmem_shared>>
    %dma_wait3A_59 = arith.constant 0 : i32
    %dma_wait3A_60 = arith.constant 0 : i32
    %dma_wait3A_61 = tpu.memref_slice %arg12[%dma_wait3A_59, %dma_wait3A_60] : memref<10240x128xf32, #tpu.memory_space<vmem_shared>> -> memref<16x128xf32, #tpu.memory_space<vmem_shared>>
    tpu.wait_dma2 semaphore(%arg21 : memref<!tpu.dma_semaphore, #tpu.memory_space<semaphore_mem>>) src(%arg11 : memref<16x128xf32, #tpu.memory_space<vmem>>) dst(%dma_wait3A_61 : memref<16x128xf32, #tpu.memory_space<vmem_shared>>)
    %dma_wait3A_62 = arith.constant 0 : i32
    %dma_wait3A_63 = arith.constant 0 : i32
    %dma_wait3A_64 = tpu.memref_slice %arg12[%dma_wait3A_62, %dma_wait3A_63] : memref<10240x128xf32, #tpu.memory_space<vmem_shared>> -> memref<16x128xf32, #tpu.memory_space<vmem_shared>>
    %dma_wait3A_65 = arith.constant 0 : i32
    %dma_wait3A_66 = arith.constant 0 : i32
    %dma_wait3A_67 = tpu.memref_slice %arg12[%dma_wait3A_65, %dma_wait3A_66] : memref<10240x128xf32, #tpu.memory_space<vmem_shared>> -> memref<16x128xf32, #tpu.memory_space<vmem_shared>>
    tpu.wait_dma2 semaphore(%arg21 : memref<!tpu.dma_semaphore, #tpu.memory_space<semaphore_mem>>) src(%arg11 : memref<16x128xf32, #tpu.memory_space<vmem>>) dst(%dma_wait3A_67 : memref<16x128xf32, #tpu.memory_space<vmem_shared>>)
    %barrier3A = arith.constant 0 : index
    tpu.barrier barrier_id(%barrier3A)
    %run_scoped3A = arith.constant 0 : i32
    "tpu.region"() ({
      %run_scoped3A_461 = tpu.sem_alloc : memref<!tpu.dma_semaphore, #tpu.memory_space<semaphore_mem>>
      %dma_start3A_462 = arith.constant 0 : i32
      %dma_start3A_463 = arith.constant 0 : i32
      %dma_start3A_464 = tpu.memref_slice %arg3[%add3A, %run_scoped3A, %dma_start3A_462, %dma_start3A_463] : memref<32x100x2x100xi32, #tpu.memory_space<hbm>> -> memref<1x1x2x100xi32, #tpu.memory_space<hbm>>
      %dma_start3A_465 = tpu.memref_squeeze %dma_start3A_464 : memref<1x1x2x100xi32, #tpu.memory_space<hbm>> -> memref<2x100xi32, #tpu.memory_space<hbm>>
      %dma_start3A_466 = arith.constant 0 : i32
      %dma_start3A_467 = arith.constant 0 : i32
      %dma_start3A_468 = tpu.memref_slice %arg3[%add3A, %run_scoped3A, %dma_start3A_466, %dma_start3A_467] : memref<32x100x2x100xi32, #tpu.memory_space<hbm>> -> memref<1x1x2x100xi32, #tpu.memory_space<hbm>>
      %dma_start3A_469 = tpu.memref_squeeze %dma_start3A_468 : memref<1x1x2x100xi32, #tpu.memory_space<hbm>> -> memref<2x100xi32, #tpu.memory_space<hbm>>
      tpu.enqueue_dma source(%dma_start3A_469 : memref<2x100xi32, #tpu.memory_space<hbm>>) target(%arg5 : memref<2x100xi32, #tpu.memory_space<vmem>>) target_semaphore(%run_scoped3A_461 : memref<!tpu.dma_semaphore, #tpu.memory_space<semaphore_mem>>)
      %dma_wait3A_470 = arith.constant 0 : i32
      %dma_wait3A_471 = arith.constant 0 : i32
      %dma_wait3A_472 = tpu.memref_slice %arg3[%add3A, %run_scoped3A, %dma_wait3A_470, %dma_wait3A_471] : memref<32x100x2x100xi32, #tpu.memory_space<hbm>> -> memref<1x1x2x100xi32, #tpu.memory_space<hbm>>
      %dma_wait3A_473 = tpu.memref_squeeze %dma_wait3A_472 : memref<1x1x2x100xi32, #tpu.memory_space<hbm>> -> memref<2x100xi32, #tpu.memory_space<hbm>>
      %dma_wait3A_474 = arith.constant 0 : i32
      %dma_wait3A_475 = arith.constant 0 : i32
      %dma_wait3A_476 = tpu.memref_slice %arg3[%add3A, %run_scoped3A, %dma_wait3A_474, %dma_wait3A_475] : memref<32x100x2x100xi32, #tpu.memory_space<hbm>> -> memref<1x1x2x100xi32, #tpu.memory_space<hbm>>
      %dma_wait3A_477 = tpu.memref_squeeze %dma_wait3A_476 : memref<1x1x2x100xi32, #tpu.memory_space<hbm>> -> memref<2x100xi32, #tpu.memory_space<hbm>>
      tpu.wait_dma2 semaphore(%run_scoped3A_461 : memref<!tpu.dma_semaphore, #tpu.memory_space<semaphore_mem>>) src(%dma_wait3A_477 : memref<2x100xi32, #tpu.memory_space<hbm>>) dst(%arg5 : memref<2x100xi32, #tpu.memory_space<vmem>>)
      tpu.yield
    }) : () -> ()
    %dma_start3A_68 = arith.constant 0 : i32
    %dma_start3A_69 = arith.constant 0 : i32
    %dma_start3A_70 = tpu.memref_slice %arg5[%dma_start3A_68, %dma_start3A_69] : memref<2x100xi32, #tpu.memory_space<vmem>> -> memref<1x100xi32, #tpu.memory_space<vmem>>
    %dma_start3A_71 = tpu.memref_squeeze %dma_start3A_70 : memref<1x100xi32, #tpu.memory_space<vmem>> -> memref<100xi32, #tpu.memory_space<vmem>>
    %dma_start3A_72 = arith.constant 0 : i32
    %dma_start3A_73 = arith.constant 0 : i32
    %dma_start3A_74 = tpu.memref_slice %arg2[%dma_start3A_72, %dma_start3A_73] : memref<10000x128xf32, #tpu.memory_space<hbm>> -> memref<10000x128xf32, #tpu.memory_space<hbm>>
    tpu.enqueue_indirect_dma source(%dma_start3A_74 : memref<10000x128xf32, #tpu.memory_space<hbm>>) target(%arg9 : memref<100x128xf32, #tpu.memory_space<vmem>>) offsets(%dma_start3A_71 : memref<100xi32, #tpu.memory_space<vmem>>) semaphore(%arg17 : memref<!tpu.dma_semaphore, #tpu.memory_space<semaphore_mem>>)
    %dma_start3A_75 = arith.constant 1 : i32
    %dma_start3A_76 = arith.constant 0 : i32
    %dma_start3A_77 = arith.constant 0 : i32
    %dma_start3A_78 = tpu.memref_slice %arg3[%add3A, %dma_start3A_75, %dma_start3A_76, %dma_start3A_77] : memref<32x100x2x100xi32, #tpu.memory_space<hbm>> -> memref<1x1x2x100xi32, #tpu.memory_space<hbm>>
    %dma_start3A_79 = tpu.memref_squeeze %dma_start3A_78 : memref<1x1x2x100xi32, #tpu.memory_space<hbm>> -> memref<2x100xi32, #tpu.memory_space<hbm>>
    %dma_start3A_80 = arith.constant 0 : i32
    %dma_start3A_81 = arith.constant 0 : i32
    %dma_start3A_82 = tpu.memref_slice %arg3[%add3A, %dma_start3A_75, %dma_start3A_80, %dma_start3A_81] : memref<32x100x2x100xi32, #tpu.memory_space<hbm>> -> memref<1x1x2x100xi32, #tpu.memory_space<hbm>>
    %dma_start3A_83 = tpu.memref_squeeze %dma_start3A_82 : memref<1x1x2x100xi32, #tpu.memory_space<hbm>> -> memref<2x100xi32, #tpu.memory_space<hbm>>
    tpu.enqueue_dma source(%dma_start3A_83 : memref<2x100xi32, #tpu.memory_space<hbm>>) target(%arg6 : memref<2x100xi32, #tpu.memory_space<vmem>>) target_semaphore(%arg14 : memref<!tpu.dma_semaphore, #tpu.memory_space<semaphore_mem>>)
    %dma_wait3A_84 = arith.constant 0 : i32
    %dma_wait3A_85 = arith.constant 0 : i32
    %dma_wait3A_86 = arith.constant 0 : i32
    %dma_wait3A_87 = tpu.memref_slice %arg3[%add3A, %dma_wait3A_84, %dma_wait3A_85, %dma_wait3A_86] : memref<32x100x2x100xi32, #tpu.memory_space<hbm>> -> memref<1x1x2x100xi32, #tpu.memory_space<hbm>>
    %dma_wait3A_88 = tpu.memref_squeeze %dma_wait3A_87 : memref<1x1x2x100xi32, #tpu.memory_space<hbm>> -> memref<2x100xi32, #tpu.memory_space<hbm>>
    %dma_wait3A_89 = arith.constant 0 : i32
    %dma_wait3A_90 = arith.constant 0 : i32
    %dma_wait3A_91 = tpu.memref_slice %arg3[%add3A, %dma_wait3A_84, %dma_wait3A_89, %dma_wait3A_90] : memref<32x100x2x100xi32, #tpu.memory_space<hbm>> -> memref<1x1x2x100xi32, #tpu.memory_space<hbm>>
    %dma_wait3A_92 = tpu.memref_squeeze %dma_wait3A_91 : memref<1x1x2x100xi32, #tpu.memory_space<hbm>> -> memref<2x100xi32, #tpu.memory_space<hbm>>
    tpu.wait_dma2 semaphore(%arg14 : memref<!tpu.dma_semaphore, #tpu.memory_space<semaphore_mem>>) src(%dma_wait3A_92 : memref<2x100xi32, #tpu.memory_space<hbm>>) dst(%arg6 : memref<2x100xi32, #tpu.memory_space<vmem>>)
    %dma_start3A_93 = arith.constant 0 : i32
    %dma_start3A_94 = arith.constant 0 : i32
    %dma_start3A_95 = tpu.memref_slice %arg6[%dma_start3A_93, %dma_start3A_94] : memref<2x100xi32, #tpu.memory_space<vmem>> -> memref<1x100xi32, #tpu.memory_space<vmem>>
    %dma_start3A_96 = tpu.memref_squeeze %dma_start3A_95 : memref<1x100xi32, #tpu.memory_space<vmem>> -> memref<100xi32, #tpu.memory_space<vmem>>
    %dma_start3A_97 = arith.constant 0 : i32
    %dma_start3A_98 = arith.constant 0 : i32
    %dma_start3A_99 = tpu.memref_slice %arg2[%dma_start3A_97, %dma_start3A_98] : memref<10000x128xf32, #tpu.memory_space<hbm>> -> memref<10000x128xf32, #tpu.memory_space<hbm>>
    tpu.enqueue_indirect_dma source(%dma_start3A_99 : memref<10000x128xf32, #tpu.memory_space<hbm>>) target(%arg10 : memref<100x128xf32, #tpu.memory_space<vmem>>) offsets(%dma_start3A_96 : memref<100xi32, #tpu.memory_space<vmem>>) semaphore(%arg18 : memref<!tpu.dma_semaphore, #tpu.memory_space<semaphore_mem>>)
    %dma_wait3A_100 = arith.constant 0 : i32
    %dma_wait3A_101 = arith.constant 0 : i32
    %dma_wait3A_102 = tpu.memref_slice %arg5[%dma_wait3A_100, %dma_wait3A_101] : memref<2x100xi32, #tpu.memory_space<vmem>> -> memref<1x100xi32, #tpu.memory_space<vmem>>
    %dma_wait3A_103 = tpu.memref_squeeze %dma_wait3A_102 : memref<1x100xi32, #tpu.memory_space<vmem>> -> memref<100xi32, #tpu.memory_space<vmem>>
    %dma_wait3A_104 = arith.constant 0 : i32
    %dma_wait3A_105 = arith.constant 0 : i32
    %dma_wait3A_106 = tpu.memref_slice %arg2[%dma_wait3A_104, %dma_wait3A_105] : memref<10000x128xf32, #tpu.memory_space<hbm>> -> memref<10000x128xf32, #tpu.memory_space<hbm>>
    tpu.wait_indirect_dma semaphore(%arg17 : memref<!tpu.dma_semaphore, #tpu.memory_space<semaphore_mem>>) src(%dma_wait3A_106 : memref<10000x128xf32, #tpu.memory_space<hbm>>) dst(%arg9 : memref<100x128xf32, #tpu.memory_space<vmem>>)
    %dma_start3A_107 = arith.constant 1 : i32
    %dma_start3A_108 = arith.constant 0 : i32
    %dma_start3A_109 = tpu.memref_slice %arg5[%dma_start3A_107, %dma_start3A_108] : memref<2x100xi32, #tpu.memory_space<vmem>> -> memref<1x100xi32, #tpu.memory_space<vmem>>
    %dma_start3A_110 = tpu.memref_squeeze %dma_start3A_109 : memref<1x100xi32, #tpu.memory_space<vmem>> -> memref<100xi32, #tpu.memory_space<vmem>>
    %dma_start3A_111 = arith.constant 0 : i32
    %dma_start3A_112 = arith.constant 0 : i32
    %dma_start3A_113 = tpu.memref_slice %arg12[%dma_start3A_111, %dma_start3A_112] : memref<10240x128xf32, #tpu.memory_space<vmem_shared>> -> memref<10240x128xf32, #tpu.memory_space<vmem_shared>>
    tpu.enqueue_indirect_dma source(%arg9 : memref<100x128xf32, #tpu.memory_space<vmem>>) target(%dma_start3A_113 : memref<10240x128xf32, #tpu.memory_space<vmem_shared>>) offsets(%dma_start3A_110 : memref<100xi32, #tpu.memory_space<vmem>>) semaphore(%arg19 : memref<!tpu.dma_semaphore, #tpu.memory_space<semaphore_mem>>) {add = true}
    %min3A = arith.constant 2 : i32
    %min3A_114 = arith.constant 99 : i32
    %min3A_115 = arith.minsi %min3A, %min3A_114 : i32
    %dma_start3A_116 = arith.constant 0 : i32
    %dma_start3A_117 = arith.constant 0 : i32
    %dma_start3A_118 = tpu.memref_slice %arg3[%add3A, %min3A_115, %dma_start3A_116, %dma_start3A_117] : memref<32x100x2x100xi32, #tpu.memory_space<hbm>> -> memref<1x1x2x100xi32, #tpu.memory_space<hbm>>
    %dma_start3A_119 = tpu.memref_squeeze %dma_start3A_118 : memref<1x1x2x100xi32, #tpu.memory_space<hbm>> -> memref<2x100xi32, #tpu.memory_space<hbm>>
    %dma_start3A_120 = arith.constant 0 : i32
    %dma_start3A_121 = arith.constant 0 : i32
    %dma_start3A_122 = tpu.memref_slice %arg3[%add3A, %min3A_115, %dma_start3A_120, %dma_start3A_121] : memref<32x100x2x100xi32, #tpu.memory_space<hbm>> -> memref<1x1x2x100xi32, #tpu.memory_space<hbm>>
    %dma_start3A_123 = tpu.memref_squeeze %dma_start3A_122 : memref<1x1x2x100xi32, #tpu.memory_space<hbm>> -> memref<2x100xi32, #tpu.memory_space<hbm>>
    tpu.enqueue_dma source(%dma_start3A_123 : memref<2x100xi32, #tpu.memory_space<hbm>>) target(%arg7 : memref<2x100xi32, #tpu.memory_space<vmem>>) target_semaphore(%arg15 : memref<!tpu.dma_semaphore, #tpu.memory_space<semaphore_mem>>)
    %dma_wait3A_124 = arith.constant 0 : i32
    %dma_wait3A_125 = arith.constant 0 : i32
    %dma_wait3A_126 = arith.constant 0 : i32
    %dma_wait3A_127 = tpu.memref_slice %arg3[%add3A, %dma_wait3A_124, %dma_wait3A_125, %dma_wait3A_126] : memref<32x100x2x100xi32, #tpu.memory_space<hbm>> -> memref<1x1x2x100xi32, #tpu.memory_space<hbm>>
    %dma_wait3A_128 = tpu.memref_squeeze %dma_wait3A_127 : memref<1x1x2x100xi32, #tpu.memory_space<hbm>> -> memref<2x100xi32, #tpu.memory_space<hbm>>
    %dma_wait3A_129 = arith.constant 0 : i32
    %dma_wait3A_130 = arith.constant 0 : i32
    %dma_wait3A_131 = tpu.memref_slice %arg3[%add3A, %dma_wait3A_124, %dma_wait3A_129, %dma_wait3A_130] : memref<32x100x2x100xi32, #tpu.memory_space<hbm>> -> memref<1x1x2x100xi32, #tpu.memory_space<hbm>>
    %dma_wait3A_132 = tpu.memref_squeeze %dma_wait3A_131 : memref<1x1x2x100xi32, #tpu.memory_space<hbm>> -> memref<2x100xi32, #tpu.memory_space<hbm>>
    tpu.wait_dma2 semaphore(%arg15 : memref<!tpu.dma_semaphore, #tpu.memory_space<semaphore_mem>>) src(%dma_wait3A_132 : memref<2x100xi32, #tpu.memory_space<hbm>>) dst(%arg7 : memref<2x100xi32, #tpu.memory_space<vmem>>)
    %dma_wait3A_133 = arith.constant 1 : i32
    %dma_wait3A_134 = arith.constant 0 : i32
    %dma_wait3A_135 = tpu.memref_slice %arg5[%dma_wait3A_133, %dma_wait3A_134] : memref<2x100xi32, #tpu.memory_space<vmem>> -> memref<1x100xi32, #tpu.memory_space<vmem>>
    %dma_wait3A_136 = tpu.memref_squeeze %dma_wait3A_135 : memref<1x100xi32, #tpu.memory_space<vmem>> -> memref<100xi32, #tpu.memory_space<vmem>>
    %dma_wait3A_137 = arith.constant 0 : i32
    %dma_wait3A_138 = arith.constant 0 : i32
    %dma_wait3A_139 = tpu.memref_slice %arg12[%dma_wait3A_137, %dma_wait3A_138] : memref<10240x128xf32, #tpu.memory_space<vmem_shared>> -> memref<10240x128xf32, #tpu.memory_space<vmem_shared>>
    tpu.wait_indirect_dma semaphore(%arg19 : memref<!tpu.dma_semaphore, #tpu.memory_space<semaphore_mem>>) src(%arg9 : memref<100x128xf32, #tpu.memory_space<vmem>>) dst(%dma_wait3A_139 : memref<10240x128xf32, #tpu.memory_space<vmem_shared>>)
    %dma_start3A_140 = arith.constant 0 : i32
    %dma_start3A_141 = arith.constant 0 : i32
    %dma_start3A_142 = tpu.memref_slice %arg7[%dma_start3A_140, %dma_start3A_141] : memref<2x100xi32, #tpu.memory_space<vmem>> -> memref<1x100xi32, #tpu.memory_space<vmem>>
    %dma_start3A_143 = tpu.memref_squeeze %dma_start3A_142 : memref<1x100xi32, #tpu.memory_space<vmem>> -> memref<100xi32, #tpu.memory_space<vmem>>
    %dma_start3A_144 = arith.constant 0 : i32
    %dma_start3A_145 = arith.constant 0 : i32
    %dma_start3A_146 = tpu.memref_slice %arg2[%dma_start3A_144, %dma_start3A_145] : memref<10000x128xf32, #tpu.memory_space<hbm>> -> memref<10000x128xf32, #tpu.memory_space<hbm>>
    tpu.enqueue_indirect_dma source(%dma_start3A_146 : memref<10000x128xf32, #tpu.memory_space<hbm>>) target(%arg9 : memref<100x128xf32, #tpu.memory_space<vmem>>) offsets(%dma_start3A_143 : memref<100xi32, #tpu.memory_space<vmem>>) semaphore(%arg17 : memref<!tpu.dma_semaphore, #tpu.memory_space<semaphore_mem>>)
    %dma_wait3A_147 = arith.constant 0 : i32
    %dma_wait3A_148 = arith.constant 0 : i32
    %dma_wait3A_149 = tpu.memref_slice %arg6[%dma_wait3A_147, %dma_wait3A_148] : memref<2x100xi32, #tpu.memory_space<vmem>> -> memref<1x100xi32, #tpu.memory_space<vmem>>
    %dma_wait3A_150 = tpu.memref_squeeze %dma_wait3A_149 : memref<1x100xi32, #tpu.memory_space<vmem>> -> memref<100xi32, #tpu.memory_space<vmem>>
    %dma_wait3A_151 = arith.constant 0 : i32
    %dma_wait3A_152 = arith.constant 0 : i32
    %dma_wait3A_153 = tpu.memref_slice %arg2[%dma_wait3A_151, %dma_wait3A_152] : memref<10000x128xf32, #tpu.memory_space<hbm>> -> memref<10000x128xf32, #tpu.memory_space<hbm>>
    tpu.wait_indirect_dma semaphore(%arg18 : memref<!tpu.dma_semaphore, #tpu.memory_space<semaphore_mem>>) src(%dma_wait3A_153 : memref<10000x128xf32, #tpu.memory_space<hbm>>) dst(%arg10 : memref<100x128xf32, #tpu.memory_space<vmem>>)
    %dma_start3A_154 = arith.constant 1 : i32
    %dma_start3A_155 = arith.constant 0 : i32
    %dma_start3A_156 = tpu.memref_slice %arg6[%dma_start3A_154, %dma_start3A_155] : memref<2x100xi32, #tpu.memory_space<vmem>> -> memref<1x100xi32, #tpu.memory_space<vmem>>
    %dma_start3A_157 = tpu.memref_squeeze %dma_start3A_156 : memref<1x100xi32, #tpu.memory_space<vmem>> -> memref<100xi32, #tpu.memory_space<vmem>>
    %dma_start3A_158 = arith.constant 0 : i32
    %dma_start3A_159 = arith.constant 0 : i32
    %dma_start3A_160 = tpu.memref_slice %arg12[%dma_start3A_158, %dma_start3A_159] : memref<10240x128xf32, #tpu.memory_space<vmem_shared>> -> memref<10240x128xf32, #tpu.memory_space<vmem_shared>>
    tpu.enqueue_indirect_dma source(%arg10 : memref<100x128xf32, #tpu.memory_space<vmem>>) target(%dma_start3A_160 : memref<10240x128xf32, #tpu.memory_space<vmem_shared>>) offsets(%dma_start3A_157 : memref<100xi32, #tpu.memory_space<vmem>>) semaphore(%arg20 : memref<!tpu.dma_semaphore, #tpu.memory_space<semaphore_mem>>) {add = true}
    %min3A_161 = arith.constant 3 : i32
    %min3A_162 = arith.constant 99 : i32
    %min3A_163 = arith.minsi %min3A_161, %min3A_162 : i32
    %dma_start3A_164 = arith.constant 0 : i32
    %dma_start3A_165 = arith.constant 0 : i32
    %dma_start3A_166 = tpu.memref_slice %arg3[%add3A, %min3A_163, %dma_start3A_164, %dma_start3A_165] : memref<32x100x2x100xi32, #tpu.memory_space<hbm>> -> memref<1x1x2x100xi32, #tpu.memory_space<hbm>>
    %dma_start3A_167 = tpu.memref_squeeze %dma_start3A_166 : memref<1x1x2x100xi32, #tpu.memory_space<hbm>> -> memref<2x100xi32, #tpu.memory_space<hbm>>
    %dma_start3A_168 = arith.constant 0 : i32
    %dma_start3A_169 = arith.constant 0 : i32
    %dma_start3A_170 = tpu.memref_slice %arg3[%add3A, %min3A_163, %dma_start3A_168, %dma_start3A_169] : memref<32x100x2x100xi32, #tpu.memory_space<hbm>> -> memref<1x1x2x100xi32, #tpu.memory_space<hbm>>
    %dma_start3A_171 = tpu.memref_squeeze %dma_start3A_170 : memref<1x1x2x100xi32, #tpu.memory_space<hbm>> -> memref<2x100xi32, #tpu.memory_space<hbm>>
    tpu.enqueue_dma source(%dma_start3A_171 : memref<2x100xi32, #tpu.memory_space<hbm>>) target(%arg8 : memref<2x100xi32, #tpu.memory_space<vmem>>) target_semaphore(%arg16 : memref<!tpu.dma_semaphore, #tpu.memory_space<semaphore_mem>>)
    %dma_wait3A_172 = arith.constant 0 : i32
    %dma_wait3A_173 = arith.constant 0 : i32
    %dma_wait3A_174 = arith.constant 0 : i32
    %dma_wait3A_175 = tpu.memref_slice %arg3[%add3A, %dma_wait3A_172, %dma_wait3A_173, %dma_wait3A_174] : memref<32x100x2x100xi32, #tpu.memory_space<hbm>> -> memref<1x1x2x100xi32, #tpu.memory_space<hbm>>
    %dma_wait3A_176 = tpu.memref_squeeze %dma_wait3A_175 : memref<1x1x2x100xi32, #tpu.memory_space<hbm>> -> memref<2x100xi32, #tpu.memory_space<hbm>>
    %dma_wait3A_177 = arith.constant 0 : i32
    %dma_wait3A_178 = arith.constant 0 : i32
    %dma_wait3A_179 = tpu.memref_slice %arg3[%add3A, %dma_wait3A_172, %dma_wait3A_177, %dma_wait3A_178] : memref<32x100x2x100xi32, #tpu.memory_space<hbm>> -> memref<1x1x2x100xi32, #tpu.memory_space<hbm>>
    %dma_wait3A_180 = tpu.memref_squeeze %dma_wait3A_179 : memref<1x1x2x100xi32, #tpu.memory_space<hbm>> -> memref<2x100xi32, #tpu.memory_space<hbm>>
    tpu.wait_dma2 semaphore(%arg16 : memref<!tpu.dma_semaphore, #tpu.memory_space<semaphore_mem>>) src(%dma_wait3A_180 : memref<2x100xi32, #tpu.memory_space<hbm>>) dst(%arg8 : memref<2x100xi32, #tpu.memory_space<vmem>>)
    %dma_wait3A_181 = arith.constant 1 : i32
    %dma_wait3A_182 = arith.constant 0 : i32
    %dma_wait3A_183 = tpu.memref_slice %arg6[%dma_wait3A_181, %dma_wait3A_182] : memref<2x100xi32, #tpu.memory_space<vmem>> -> memref<1x100xi32, #tpu.memory_space<vmem>>
    %dma_wait3A_184 = tpu.memref_squeeze %dma_wait3A_183 : memref<1x100xi32, #tpu.memory_space<vmem>> -> memref<100xi32, #tpu.memory_space<vmem>>
    %dma_wait3A_185 = arith.constant 0 : i32
    %dma_wait3A_186 = arith.constant 0 : i32
    %dma_wait3A_187 = tpu.memref_slice %arg12[%dma_wait3A_185, %dma_wait3A_186] : memref<10240x128xf32, #tpu.memory_space<vmem_shared>> -> memref<10240x128xf32, #tpu.memory_space<vmem_shared>>
    tpu.wait_indirect_dma semaphore(%arg20 : memref<!tpu.dma_semaphore, #tpu.memory_space<semaphore_mem>>) src(%arg10 : memref<100x128xf32, #tpu.memory_space<vmem>>) dst(%dma_wait3A_187 : memref<10240x128xf32, #tpu.memory_space<vmem_shared>>)
    %dma_start3A_188 = arith.constant 0 : i32
    %dma_start3A_189 = arith.constant 0 : i32
    %dma_start3A_190 = tpu.memref_slice %arg8[%dma_start3A_188, %dma_start3A_189] : memref<2x100xi32, #tpu.memory_space<vmem>> -> memref<1x100xi32, #tpu.memory_space<vmem>>
    %dma_start3A_191 = tpu.memref_squeeze %dma_start3A_190 : memref<1x100xi32, #tpu.memory_space<vmem>> -> memref<100xi32, #tpu.memory_space<vmem>>
    %dma_start3A_192 = arith.constant 0 : i32
    %dma_start3A_193 = arith.constant 0 : i32
    %dma_start3A_194 = tpu.memref_slice %arg2[%dma_start3A_192, %dma_start3A_193] : memref<10000x128xf32, #tpu.memory_space<hbm>> -> memref<10000x128xf32, #tpu.memory_space<hbm>>
    tpu.enqueue_indirect_dma source(%dma_start3A_194 : memref<10000x128xf32, #tpu.memory_space<hbm>>) target(%arg10 : memref<100x128xf32, #tpu.memory_space<vmem>>) offsets(%dma_start3A_191 : memref<100xi32, #tpu.memory_space<vmem>>) semaphore(%arg18 : memref<!tpu.dma_semaphore, #tpu.memory_space<semaphore_mem>>)
    %dma_wait3A_195 = arith.constant 0 : i32
    %dma_wait3A_196 = arith.constant 0 : i32
    %dma_wait3A_197 = tpu.memref_slice %arg7[%dma_wait3A_195, %dma_wait3A_196] : memref<2x100xi32, #tpu.memory_space<vmem>> -> memref<1x100xi32, #tpu.memory_space<vmem>>
    %dma_wait3A_198 = tpu.memref_squeeze %dma_wait3A_197 : memref<1x100xi32, #tpu.memory_space<vmem>> -> memref<100xi32, #tpu.memory_space<vmem>>
    %dma_wait3A_199 = arith.constant 0 : i32
    %dma_wait3A_200 = arith.constant 0 : i32
    %dma_wait3A_201 = tpu.memref_slice %arg2[%dma_wait3A_199, %dma_wait3A_200] : memref<10000x128xf32, #tpu.memory_space<hbm>> -> memref<10000x128xf32, #tpu.memory_space<hbm>>
    tpu.wait_indirect_dma semaphore(%arg17 : memref<!tpu.dma_semaphore, #tpu.memory_space<semaphore_mem>>) src(%dma_wait3A_201 : memref<10000x128xf32, #tpu.memory_space<hbm>>) dst(%arg9 : memref<100x128xf32, #tpu.memory_space<vmem>>)
    %dma_start3A_202 = arith.constant 1 : i32
    %dma_start3A_203 = arith.constant 0 : i32
    %dma_start3A_204 = tpu.memref_slice %arg7[%dma_start3A_202, %dma_start3A_203] : memref<2x100xi32, #tpu.memory_space<vmem>> -> memref<1x100xi32, #tpu.memory_space<vmem>>
    %dma_start3A_205 = tpu.memref_squeeze %dma_start3A_204 : memref<1x100xi32, #tpu.memory_space<vmem>> -> memref<100xi32, #tpu.memory_space<vmem>>
    %dma_start3A_206 = arith.constant 0 : i32
    %dma_start3A_207 = arith.constant 0 : i32
    %dma_start3A_208 = tpu.memref_slice %arg12[%dma_start3A_206, %dma_start3A_207] : memref<10240x128xf32, #tpu.memory_space<vmem_shared>> -> memref<10240x128xf32, #tpu.memory_space<vmem_shared>>
    tpu.enqueue_indirect_dma source(%arg9 : memref<100x128xf32, #tpu.memory_space<vmem>>) target(%dma_start3A_208 : memref<10240x128xf32, #tpu.memory_space<vmem_shared>>) offsets(%dma_start3A_205 : memref<100xi32, #tpu.memory_space<vmem>>) semaphore(%arg19 : memref<!tpu.dma_semaphore, #tpu.memory_space<semaphore_mem>>) {add = true}
    %min3A_209 = arith.constant 4 : i32
    %min3A_210 = arith.constant 99 : i32
    %min3A_211 = arith.minsi %min3A_209, %min3A_210 : i32
    %dma_start3A_212 = arith.constant 0 : i32
    %dma_start3A_213 = arith.constant 0 : i32
    %dma_start3A_214 = tpu.memref_slice %arg3[%add3A, %min3A_211, %dma_start3A_212, %dma_start3A_213] : memref<32x100x2x100xi32, #tpu.memory_space<hbm>> -> memref<1x1x2x100xi32, #tpu.memory_space<hbm>>
    %dma_start3A_215 = tpu.memref_squeeze %dma_start3A_214 : memref<1x1x2x100xi32, #tpu.memory_space<hbm>> -> memref<2x100xi32, #tpu.memory_space<hbm>>
    %dma_start3A_216 = arith.constant 0 : i32
    %dma_start3A_217 = arith.constant 0 : i32
    %dma_start3A_218 = tpu.memref_slice %arg3[%add3A, %min3A_211, %dma_start3A_216, %dma_start3A_217] : memref<32x100x2x100xi32, #tpu.memory_space<hbm>> -> memref<1x1x2x100xi32, #tpu.memory_space<hbm>>
    %dma_start3A_219 = tpu.memref_squeeze %dma_start3A_218 : memref<1x1x2x100xi32, #tpu.memory_space<hbm>> -> memref<2x100xi32, #tpu.memory_space<hbm>>
    tpu.enqueue_dma source(%dma_start3A_219 : memref<2x100xi32, #tpu.memory_space<hbm>>) target(%arg5 : memref<2x100xi32, #tpu.memory_space<vmem>>) target_semaphore(%arg13 : memref<!tpu.dma_semaphore, #tpu.memory_space<semaphore_mem>>)
    %dma_wait3A_220 = arith.constant 0 : i32
    %dma_wait3A_221 = arith.constant 0 : i32
    %dma_wait3A_222 = arith.constant 0 : i32
    %dma_wait3A_223 = tpu.memref_slice %arg3[%add3A, %dma_wait3A_220, %dma_wait3A_221, %dma_wait3A_222] : memref<32x100x2x100xi32, #tpu.memory_space<hbm>> -> memref<1x1x2x100xi32, #tpu.memory_space<hbm>>
    %dma_wait3A_224 = tpu.memref_squeeze %dma_wait3A_223 : memref<1x1x2x100xi32, #tpu.memory_space<hbm>> -> memref<2x100xi32, #tpu.memory_space<hbm>>
    %dma_wait3A_225 = arith.constant 0 : i32
    %dma_wait3A_226 = arith.constant 0 : i32
    %dma_wait3A_227 = tpu.memref_slice %arg3[%add3A, %dma_wait3A_220, %dma_wait3A_225, %dma_wait3A_226] : memref<32x100x2x100xi32, #tpu.memory_space<hbm>> -> memref<1x1x2x100xi32, #tpu.memory_space<hbm>>
    %dma_wait3A_228 = tpu.memref_squeeze %dma_wait3A_227 : memref<1x1x2x100xi32, #tpu.memory_space<hbm>> -> memref<2x100xi32, #tpu.memory_space<hbm>>
    tpu.wait_dma2 semaphore(%arg13 : memref<!tpu.dma_semaphore, #tpu.memory_space<semaphore_mem>>) src(%dma_wait3A_228 : memref<2x100xi32, #tpu.memory_space<hbm>>) dst(%arg5 : memref<2x100xi32, #tpu.memory_space<vmem>>)
    %dma_wait3A_229 = arith.constant 1 : i32
    %dma_wait3A_230 = arith.constant 0 : i32
    %dma_wait3A_231 = tpu.memref_slice %arg7[%dma_wait3A_229, %dma_wait3A_230] : memref<2x100xi32, #tpu.memory_space<vmem>> -> memref<1x100xi32, #tpu.memory_space<vmem>>
    %dma_wait3A_232 = tpu.memref_squeeze %dma_wait3A_231 : memref<1x100xi32, #tpu.memory_space<vmem>> -> memref<100xi32, #tpu.memory_space<vmem>>
    %dma_wait3A_233 = arith.constant 0 : i32
    %dma_wait3A_234 = arith.constant 0 : i32
    %dma_wait3A_235 = tpu.memref_slice %arg12[%dma_wait3A_233, %dma_wait3A_234] : memref<10240x128xf32, #tpu.memory_space<vmem_shared>> -> memref<10240x128xf32, #tpu.memory_space<vmem_shared>>
    tpu.wait_indirect_dma semaphore(%arg19 : memref<!tpu.dma_semaphore, #tpu.memory_space<semaphore_mem>>) src(%arg9 : memref<100x128xf32, #tpu.memory_space<vmem>>) dst(%dma_wait3A_235 : memref<10240x128xf32, #tpu.memory_space<vmem_shared>>)
    %dma_start3A_236 = arith.constant 0 : i32
    %dma_start3A_237 = arith.constant 0 : i32
    %dma_start3A_238 = tpu.memref_slice %arg5[%dma_start3A_236, %dma_start3A_237] : memref<2x100xi32, #tpu.memory_space<vmem>> -> memref<1x100xi32, #tpu.memory_space<vmem>>
    %dma_start3A_239 = tpu.memref_squeeze %dma_start3A_238 : memref<1x100xi32, #tpu.memory_space<vmem>> -> memref<100xi32, #tpu.memory_space<vmem>>
    %dma_start3A_240 = arith.constant 0 : i32
    %dma_start3A_241 = arith.constant 0 : i32
    %dma_start3A_242 = tpu.memref_slice %arg2[%dma_start3A_240, %dma_start3A_241] : memref<10000x128xf32, #tpu.memory_space<hbm>> -> memref<10000x128xf32, #tpu.memory_space<hbm>>
    tpu.enqueue_indirect_dma source(%dma_start3A_242 : memref<10000x128xf32, #tpu.memory_space<hbm>>) target(%arg9 : memref<100x128xf32, #tpu.memory_space<vmem>>) offsets(%dma_start3A_239 : memref<100xi32, #tpu.memory_space<vmem>>) semaphore(%arg17 : memref<!tpu.dma_semaphore, #tpu.memory_space<semaphore_mem>>)
    %dma_wait3A_243 = arith.constant 0 : i32
    %dma_wait3A_244 = arith.constant 0 : i32
    %dma_wait3A_245 = tpu.memref_slice %arg8[%dma_wait3A_243, %dma_wait3A_244] : memref<2x100xi32, #tpu.memory_space<vmem>> -> memref<1x100xi32, #tpu.memory_space<vmem>>
    %dma_wait3A_246 = tpu.memref_squeeze %dma_wait3A_245 : memref<1x100xi32, #tpu.memory_space<vmem>> -> memref<100xi32, #tpu.memory_space<vmem>>
    %dma_wait3A_247 = arith.constant 0 : i32
    %dma_wait3A_248 = arith.constant 0 : i32
    %dma_wait3A_249 = tpu.memref_slice %arg2[%dma_wait3A_247, %dma_wait3A_248] : memref<10000x128xf32, #tpu.memory_space<hbm>> -> memref<10000x128xf32, #tpu.memory_space<hbm>>
    tpu.wait_indirect_dma semaphore(%arg18 : memref<!tpu.dma_semaphore, #tpu.memory_space<semaphore_mem>>) src(%dma_wait3A_249 : memref<10000x128xf32, #tpu.memory_space<hbm>>) dst(%arg10 : memref<100x128xf32, #tpu.memory_space<vmem>>)
    %dma_start3A_250 = arith.constant 1 : i32
    %dma_start3A_251 = arith.constant 0 : i32
    %dma_start3A_252 = tpu.memref_slice %arg8[%dma_start3A_250, %dma_start3A_251] : memref<2x100xi32, #tpu.memory_space<vmem>> -> memref<1x100xi32, #tpu.memory_space<vmem>>
    %dma_start3A_253 = tpu.memref_squeeze %dma_start3A_252 : memref<1x100xi32, #tpu.memory_space<vmem>> -> memref<100xi32, #tpu.memory_space<vmem>>
    %dma_start3A_254 = arith.constant 0 : i32
    %dma_start3A_255 = arith.constant 0 : i32
    %dma_start3A_256 = tpu.memref_slice %arg12[%dma_start3A_254, %dma_start3A_255] : memref<10240x128xf32, #tpu.memory_space<vmem_shared>> -> memref<10240x128xf32, #tpu.memory_space<vmem_shared>>
    tpu.enqueue_indirect_dma source(%arg10 : memref<100x128xf32, #tpu.memory_space<vmem>>) target(%dma_start3A_256 : memref<10240x128xf32, #tpu.memory_space<vmem_shared>>) offsets(%dma_start3A_253 : memref<100xi32, #tpu.memory_space<vmem>>) semaphore(%arg20 : memref<!tpu.dma_semaphore, #tpu.memory_space<semaphore_mem>>) {add = true}
    %min3A_257 = arith.constant 5 : i32
    %min3A_258 = arith.constant 99 : i32
    %min3A_259 = arith.minsi %min3A_257, %min3A_258 : i32
    %dma_start3A_260 = arith.constant 0 : i32
    %dma_start3A_261 = arith.constant 0 : i32
    %dma_start3A_262 = tpu.memref_slice %arg3[%add3A, %min3A_259, %dma_start3A_260, %dma_start3A_261] : memref<32x100x2x100xi32, #tpu.memory_space<hbm>> -> memref<1x1x2x100xi32, #tpu.memory_space<hbm>>
    %dma_start3A_263 = tpu.memref_squeeze %dma_start3A_262 : memref<1x1x2x100xi32, #tpu.memory_space<hbm>> -> memref<2x100xi32, #tpu.memory_space<hbm>>
    %dma_start3A_264 = arith.constant 0 : i32
    %dma_start3A_265 = arith.constant 0 : i32
    %dma_start3A_266 = tpu.memref_slice %arg3[%add3A, %min3A_259, %dma_start3A_264, %dma_start3A_265] : memref<32x100x2x100xi32, #tpu.memory_space<hbm>> -> memref<1x1x2x100xi32, #tpu.memory_space<hbm>>
    %dma_start3A_267 = tpu.memref_squeeze %dma_start3A_266 : memref<1x1x2x100xi32, #tpu.memory_space<hbm>> -> memref<2x100xi32, #tpu.memory_space<hbm>>
    tpu.enqueue_dma source(%dma_start3A_267 : memref<2x100xi32, #tpu.memory_space<hbm>>) target(%arg6 : memref<2x100xi32, #tpu.memory_space<vmem>>) target_semaphore(%arg14 : memref<!tpu.dma_semaphore, #tpu.memory_space<semaphore_mem>>)
    %scan3A_268 = arith.constant 0 : i32
    %scan3A_269 = arith.constant 1 : i32
    %scan3A_270 = arith.constant 23 : i32
    %scan3A_271 = arith.addi %scan3A_269, %scan3A_270 : i32
    %scan3A_272 = arith.constant 1 : i32
    %scan3A_273 = scf.for %scan3A_461 = %scan3A_269 to %scan3A_271 step %scan3A_272 iter_args(%scan3A_462 = %scan3A_268) -> (i32)  : i32 {
      %mul3A_463 = arith.constant 4 : i32
      %mul3A_464 = arith.muli %mul3A_463, %scan3A_461 : i32
      %dma_wait3A_465 = arith.constant 0 : i32
      %dma_wait3A_466 = arith.constant 0 : i32
      %dma_wait3A_467 = arith.constant 0 : i32
      %dma_wait3A_468 = tpu.memref_slice %arg3[%add3A, %dma_wait3A_465, %dma_wait3A_466, %dma_wait3A_467] : memref<32x100x2x100xi32, #tpu.memory_space<hbm>> -> memref<1x1x2x100xi32, #tpu.memory_space<hbm>>
      %dma_wait3A_469 = tpu.memref_squeeze %dma_wait3A_468 : memref<1x1x2x100xi32, #tpu.memory_space<hbm>> -> memref<2x100xi32, #tpu.memory_space<hbm>>
      %dma_wait3A_470 = arith.constant 0 : i32
      %dma_wait3A_471 = arith.constant 0 : i32
      %dma_wait3A_472 = tpu.memref_slice %arg3[%add3A, %dma_wait3A_465, %dma_wait3A_470, %dma_wait3A_471] : memref<32x100x2x100xi32, #tpu.memory_space<hbm>> -> memref<1x1x2x100xi32, #tpu.memory_space<hbm>>
      %dma_wait3A_473 = tpu.memref_squeeze %dma_wait3A_472 : memref<1x1x2x100xi32, #tpu.memory_space<hbm>> -> memref<2x100xi32, #tpu.memory_space<hbm>>
      tpu.wait_dma2 semaphore(%arg14 : memref<!tpu.dma_semaphore, #tpu.memory_space<semaphore_mem>>) src(%dma_wait3A_473 : memref<2x100xi32, #tpu.memory_space<hbm>>) dst(%arg6 : memref<2x100xi32, #tpu.memory_space<vmem>>)
      %dma_wait3A_474 = arith.constant 1 : i32
      %dma_wait3A_475 = arith.constant 0 : i32
      %dma_wait3A_476 = tpu.memref_slice %arg8[%dma_wait3A_474, %dma_wait3A_475] : memref<2x100xi32, #tpu.memory_space<vmem>> -> memref<1x100xi32, #tpu.memory_space<vmem>>
      %dma_wait3A_477 = tpu.memref_squeeze %dma_wait3A_476 : memref<1x100xi32, #tpu.memory_space<vmem>> -> memref<100xi32, #tpu.memory_space<vmem>>
      %dma_wait3A_478 = arith.constant 0 : i32
      %dma_wait3A_479 = arith.constant 0 : i32
      %dma_wait3A_480 = tpu.memref_slice %arg12[%dma_wait3A_478, %dma_wait3A_479] : memref<10240x128xf32, #tpu.memory_space<vmem_shared>> -> memref<10240x128xf32, #tpu.memory_space<vmem_shared>>
      tpu.wait_indirect_dma semaphore(%arg20 : memref<!tpu.dma_semaphore, #tpu.memory_space<semaphore_mem>>) src(%arg10 : memref<100x128xf32, #tpu.memory_space<vmem>>) dst(%dma_wait3A_480 : memref<10240x128xf32, #tpu.memory_space<vmem_shared>>)
      %dma_start3A_481 = arith.constant 0 : i32
      %dma_start3A_482 = arith.constant 0 : i32
      %dma_start3A_483 = tpu.memref_slice %arg6[%dma_start3A_481, %dma_start3A_482] : memref<2x100xi32, #tpu.memory_space<vmem>> -> memref<1x100xi32, #tpu.memory_space<vmem>>
      %dma_start3A_484 = tpu.memref_squeeze %dma_start3A_483 : memref<1x100xi32, #tpu.memory_space<vmem>> -> memref<100xi32, #tpu.memory_space<vmem>>
      %dma_start3A_485 = arith.constant 0 : i32
      %dma_start3A_486 = arith.constant 0 : i32
      %dma_start3A_487 = tpu.memref_slice %arg2[%dma_start3A_485, %dma_start3A_486] : memref<10000x128xf32, #tpu.memory_space<hbm>> -> memref<10000x128xf32, #tpu.memory_space<hbm>>
      tpu.enqueue_indirect_dma source(%dma_start3A_487 : memref<10000x128xf32, #tpu.memory_space<hbm>>) target(%arg10 : memref<100x128xf32, #tpu.memory_space<vmem>>) offsets(%dma_start3A_484 : memref<100xi32, #tpu.memory_space<vmem>>) semaphore(%arg18 : memref<!tpu.dma_semaphore, #tpu.memory_space<semaphore_mem>>)
      %dma_wait3A_488 = arith.constant 0 : i32
      %dma_wait3A_489 = arith.constant 0 : i32
      %dma_wait3A_490 = tpu.memref_slice %arg5[%dma_wait3A_488, %dma_wait3A_489] : memref<2x100xi32, #tpu.memory_space<vmem>> -> memref<1x100xi32, #tpu.memory_space<vmem>>
      %dma_wait3A_491 = tpu.memref_squeeze %dma_wait3A_490 : memref<1x100xi32, #tpu.memory_space<vmem>> -> memref<100xi32, #tpu.memory_space<vmem>>
      %dma_wait3A_492 = arith.constant 0 : i32
      %dma_wait3A_493 = arith.constant 0 : i32
      %dma_wait3A_494 = tpu.memref_slice %arg2[%dma_wait3A_492, %dma_wait3A_493] : memref<10000x128xf32, #tpu.memory_space<hbm>> -> memref<10000x128xf32, #tpu.memory_space<hbm>>
      tpu.wait_indirect_dma semaphore(%arg17 : memref<!tpu.dma_semaphore, #tpu.memory_space<semaphore_mem>>) src(%dma_wait3A_494 : memref<10000x128xf32, #tpu.memory_space<hbm>>) dst(%arg9 : memref<100x128xf32, #tpu.memory_space<vmem>>)
      %dma_start3A_495 = arith.constant 1 : i32
      %dma_start3A_496 = arith.constant 0 : i32
      %dma_start3A_497 = tpu.memref_slice %arg5[%dma_start3A_495, %dma_start3A_496] : memref<2x100xi32, #tpu.memory_space<vmem>> -> memref<1x100xi32, #tpu.memory_space<vmem>>
      %dma_start3A_498 = tpu.memref_squeeze %dma_start3A_497 : memref<1x100xi32, #tpu.memory_space<vmem>> -> memref<100xi32, #tpu.memory_space<vmem>>
      %dma_start3A_499 = arith.constant 0 : i32
      %dma_start3A_500 = arith.constant 0 : i32
      %dma_start3A_501 = tpu.memref_slice %arg12[%dma_start3A_499, %dma_start3A_500] : memref<10240x128xf32, #tpu.memory_space<vmem_shared>> -> memref<10240x128xf32, #tpu.memory_space<vmem_shared>>
      tpu.enqueue_indirect_dma source(%arg9 : memref<100x128xf32, #tpu.memory_space<vmem>>) target(%dma_start3A_501 : memref<10240x128xf32, #tpu.memory_space<vmem_shared>>) offsets(%dma_start3A_498 : memref<100xi32, #tpu.memory_space<vmem>>) semaphore(%arg19 : memref<!tpu.dma_semaphore, #tpu.memory_space<semaphore_mem>>) {add = true}
      %add3A_502 = arith.constant 2 : i32
      %add3A_503 = arith.addi %mul3A_464, %add3A_502 : i32
      %min3A_504 = arith.constant 99 : i32
      %min3A_505 = arith.minsi %add3A_503, %min3A_504 : i32
      %dma_start3A_506 = arith.constant 0 : i32
      %dma_start3A_507 = arith.constant 0 : i32
      %dma_start3A_508 = tpu.memref_slice %arg3[%add3A, %min3A_505, %dma_start3A_506, %dma_start3A_507] : memref<32x100x2x100xi32, #tpu.memory_space<hbm>> -> memref<1x1x2x100xi32, #tpu.memory_space<hbm>>
      %dma_start3A_509 = tpu.memref_squeeze %dma_start3A_508 : memref<1x1x2x100xi32, #tpu.memory_space<hbm>> -> memref<2x100xi32, #tpu.memory_space<hbm>>
      %dma_start3A_510 = arith.constant 0 : i32
      %dma_start3A_511 = arith.constant 0 : i32
      %dma_start3A_512 = tpu.memref_slice %arg3[%add3A, %min3A_505, %dma_start3A_510, %dma_start3A_511] : memref<32x100x2x100xi32, #tpu.memory_space<hbm>> -> memref<1x1x2x100xi32, #tpu.memory_space<hbm>>
      %dma_start3A_513 = tpu.memref_squeeze %dma_start3A_512 : memref<1x1x2x100xi32, #tpu.memory_space<hbm>> -> memref<2x100xi32, #tpu.memory_space<hbm>>
      tpu.enqueue_dma source(%dma_start3A_513 : memref<2x100xi32, #tpu.memory_space<hbm>>) target(%arg7 : memref<2x100xi32, #tpu.memory_space<vmem>>) target_semaphore(%arg15 : memref<!tpu.dma_semaphore, #tpu.memory_space<semaphore_mem>>)
      %add3A_514 = arith.constant 1 : i32
      %add3A_515 = arith.addi %mul3A_464, %add3A_514 : i32
      %dma_wait3A_516 = arith.constant 0 : i32
      %dma_wait3A_517 = arith.constant 0 : i32
      %dma_wait3A_518 = arith.constant 0 : i32
      %dma_wait3A_519 = tpu.memref_slice %arg3[%add3A, %dma_wait3A_516, %dma_wait3A_517, %dma_wait3A_518] : memref<32x100x2x100xi32, #tpu.memory_space<hbm>> -> memref<1x1x2x100xi32, #tpu.memory_space<hbm>>
      %dma_wait3A_520 = tpu.memref_squeeze %dma_wait3A_519 : memref<1x1x2x100xi32, #tpu.memory_space<hbm>> -> memref<2x100xi32, #tpu.memory_space<hbm>>
      %dma_wait3A_521 = arith.constant 0 : i32
      %dma_wait3A_522 = arith.constant 0 : i32
      %dma_wait3A_523 = tpu.memref_slice %arg3[%add3A, %dma_wait3A_516, %dma_wait3A_521, %dma_wait3A_522] : memref<32x100x2x100xi32, #tpu.memory_space<hbm>> -> memref<1x1x2x100xi32, #tpu.memory_space<hbm>>
      %dma_wait3A_524 = tpu.memref_squeeze %dma_wait3A_523 : memref<1x1x2x100xi32, #tpu.memory_space<hbm>> -> memref<2x100xi32, #tpu.memory_space<hbm>>
      tpu.wait_dma2 semaphore(%arg15 : memref<!tpu.dma_semaphore, #tpu.memory_space<semaphore_mem>>) src(%dma_wait3A_524 : memref<2x100xi32, #tpu.memory_space<hbm>>) dst(%arg7 : memref<2x100xi32, #tpu.memory_space<vmem>>)
      %dma_wait3A_525 = arith.constant 1 : i32
      %dma_wait3A_526 = arith.constant 0 : i32
      %dma_wait3A_527 = tpu.memref_slice %arg5[%dma_wait3A_525, %dma_wait3A_526] : memref<2x100xi32, #tpu.memory_space<vmem>> -> memref<1x100xi32, #tpu.memory_space<vmem>>
      %dma_wait3A_528 = tpu.memref_squeeze %dma_wait3A_527 : memref<1x100xi32, #tpu.memory_space<vmem>> -> memref<100xi32, #tpu.memory_space<vmem>>
      %dma_wait3A_529 = arith.constant 0 : i32
      %dma_wait3A_530 = arith.constant 0 : i32
      %dma_wait3A_531 = tpu.memref_slice %arg12[%dma_wait3A_529, %dma_wait3A_530] : memref<10240x128xf32, #tpu.memory_space<vmem_shared>> -> memref<10240x128xf32, #tpu.memory_space<vmem_shared>>
      tpu.wait_indirect_dma semaphore(%arg19 : memref<!tpu.dma_semaphore, #tpu.memory_space<semaphore_mem>>) src(%arg9 : memref<100x128xf32, #tpu.memory_space<vmem>>) dst(%dma_wait3A_531 : memref<10240x128xf32, #tpu.memory_space<vmem_shared>>)
      %dma_start3A_532 = arith.constant 0 : i32
      %dma_start3A_533 = arith.constant 0 : i32
      %dma_start3A_534 = tpu.memref_slice %arg7[%dma_start3A_532, %dma_start3A_533] : memref<2x100xi32, #tpu.memory_space<vmem>> -> memref<1x100xi32, #tpu.memory_space<vmem>>
      %dma_start3A_535 = tpu.memref_squeeze %dma_start3A_534 : memref<1x100xi32, #tpu.memory_space<vmem>> -> memref<100xi32, #tpu.memory_space<vmem>>
      %dma_start3A_536 = arith.constant 0 : i32
      %dma_start3A_537 = arith.constant 0 : i32
      %dma_start3A_538 = tpu.memref_slice %arg2[%dma_start3A_536, %dma_start3A_537] : memref<10000x128xf32, #tpu.memory_space<hbm>> -> memref<10000x128xf32, #tpu.memory_space<hbm>>
      tpu.enqueue_indirect_dma source(%dma_start3A_538 : memref<10000x128xf32, #tpu.memory_space<hbm>>) target(%arg9 : memref<100x128xf32, #tpu.memory_space<vmem>>) offsets(%dma_start3A_535 : memref<100xi32, #tpu.memory_space<vmem>>) semaphore(%arg17 : memref<!tpu.dma_semaphore, #tpu.memory_space<semaphore_mem>>)
      %dma_wait3A_539 = arith.constant 0 : i32
      %dma_wait3A_540 = arith.constant 0 : i32
      %dma_wait3A_541 = tpu.memref_slice %arg6[%dma_wait3A_539, %dma_wait3A_540] : memref<2x100xi32, #tpu.memory_space<vmem>> -> memref<1x100xi32, #tpu.memory_space<vmem>>
      %dma_wait3A_542 = tpu.memref_squeeze %dma_wait3A_541 : memref<1x100xi32, #tpu.memory_space<vmem>> -> memref<100xi32, #tpu.memory_space<vmem>>
      %dma_wait3A_543 = arith.constant 0 : i32
      %dma_wait3A_544 = arith.constant 0 : i32
      %dma_wait3A_545 = tpu.memref_slice %arg2[%dma_wait3A_543, %dma_wait3A_544] : memref<10000x128xf32, #tpu.memory_space<hbm>> -> memref<10000x128xf32, #tpu.memory_space<hbm>>
      tpu.wait_indirect_dma semaphore(%arg18 : memref<!tpu.dma_semaphore, #tpu.memory_space<semaphore_mem>>) src(%dma_wait3A_545 : memref<10000x128xf32, #tpu.memory_space<hbm>>) dst(%arg10 : memref<100x128xf32, #tpu.memory_space<vmem>>)
      %dma_start3A_546 = arith.constant 1 : i32
      %dma_start3A_547 = arith.constant 0 : i32
      %dma_start3A_548 = tpu.memref_slice %arg6[%dma_start3A_546, %dma_start3A_547] : memref<2x100xi32, #tpu.memory_space<vmem>> -> memref<1x100xi32, #tpu.memory_space<vmem>>
      %dma_start3A_549 = tpu.memref_squeeze %dma_start3A_548 : memref<1x100xi32, #tpu.memory_space<vmem>> -> memref<100xi32, #tpu.memory_space<vmem>>
      %dma_start3A_550 = arith.constant 0 : i32
      %dma_start3A_551 = arith.constant 0 : i32
      %dma_start3A_552 = tpu.memref_slice %arg12[%dma_start3A_550, %dma_start3A_551] : memref<10240x128xf32, #tpu.memory_space<vmem_shared>> -> memref<10240x128xf32, #tpu.memory_space<vmem_shared>>
      tpu.enqueue_indirect_dma source(%arg10 : memref<100x128xf32, #tpu.memory_space<vmem>>) target(%dma_start3A_552 : memref<10240x128xf32, #tpu.memory_space<vmem_shared>>) offsets(%dma_start3A_549 : memref<100xi32, #tpu.memory_space<vmem>>) semaphore(%arg20 : memref<!tpu.dma_semaphore, #tpu.memory_space<semaphore_mem>>) {add = true}
      %add3A_553 = arith.constant 2 : i32
      %add3A_554 = arith.addi %add3A_515, %add3A_553 : i32
      %min3A_555 = arith.constant 99 : i32
      %min3A_556 = arith.minsi %add3A_554, %min3A_555 : i32
      %dma_start3A_557 = arith.constant 0 : i32
      %dma_start3A_558 = arith.constant 0 : i32
      %dma_start3A_559 = tpu.memref_slice %arg3[%add3A, %min3A_556, %dma_start3A_557, %dma_start3A_558] : memref<32x100x2x100xi32, #tpu.memory_space<hbm>> -> memref<1x1x2x100xi32, #tpu.memory_space<hbm>>
      %dma_start3A_560 = tpu.memref_squeeze %dma_start3A_559 : memref<1x1x2x100xi32, #tpu.memory_space<hbm>> -> memref<2x100xi32, #tpu.memory_space<hbm>>
      %dma_start3A_561 = arith.constant 0 : i32
      %dma_start3A_562 = arith.constant 0 : i32
      %dma_start3A_563 = tpu.memref_slice %arg3[%add3A, %min3A_556, %dma_start3A_561, %dma_start3A_562] : memref<32x100x2x100xi32, #tpu.memory_space<hbm>> -> memref<1x1x2x100xi32, #tpu.memory_space<hbm>>
      %dma_start3A_564 = tpu.memref_squeeze %dma_start3A_563 : memref<1x1x2x100xi32, #tpu.memory_space<hbm>> -> memref<2x100xi32, #tpu.memory_space<hbm>>
      tpu.enqueue_dma source(%dma_start3A_564 : memref<2x100xi32, #tpu.memory_space<hbm>>) target(%arg8 : memref<2x100xi32, #tpu.memory_space<vmem>>) target_semaphore(%arg16 : memref<!tpu.dma_semaphore, #tpu.memory_space<semaphore_mem>>)
      %add3A_565 = arith.constant 2 : i32
      %add3A_566 = arith.addi %mul3A_464, %add3A_565 : i32
      %dma_wait3A_567 = arith.constant 0 : i32
      %dma_wait3A_568 = arith.constant 0 : i32
      %dma_wait3A_569 = arith.constant 0 : i32
      %dma_wait3A_570 = tpu.memref_slice %arg3[%add3A, %dma_wait3A_567, %dma_wait3A_568, %dma_wait3A_569] : memref<32x100x2x100xi32, #tpu.memory_space<hbm>> -> memref<1x1x2x100xi32, #tpu.memory_space<hbm>>
      %dma_wait3A_571 = tpu.memref_squeeze %dma_wait3A_570 : memref<1x1x2x100xi32, #tpu.memory_space<hbm>> -> memref<2x100xi32, #tpu.memory_space<hbm>>
      %dma_wait3A_572 = arith.constant 0 : i32
      %dma_wait3A_573 = arith.constant 0 : i32
      %dma_wait3A_574 = tpu.memref_slice %arg3[%add3A, %dma_wait3A_567, %dma_wait3A_572, %dma_wait3A_573] : memref<32x100x2x100xi32, #tpu.memory_space<hbm>> -> memref<1x1x2x100xi32, #tpu.memory_space<hbm>>
      %dma_wait3A_575 = tpu.memref_squeeze %dma_wait3A_574 : memref<1x1x2x100xi32, #tpu.memory_space<hbm>> -> memref<2x100xi32, #tpu.memory_space<hbm>>
      tpu.wait_dma2 semaphore(%arg16 : memref<!tpu.dma_semaphore, #tpu.memory_space<semaphore_mem>>) src(%dma_wait3A_575 : memref<2x100xi32, #tpu.memory_space<hbm>>) dst(%arg8 : memref<2x100xi32, #tpu.memory_space<vmem>>)
      %dma_wait3A_576 = arith.constant 1 : i32
      %dma_wait3A_577 = arith.constant 0 : i32
      %dma_wait3A_578 = tpu.memref_slice %arg6[%dma_wait3A_576, %dma_wait3A_577] : memref<2x100xi32, #tpu.memory_space<vmem>> -> memref<1x100xi32, #tpu.memory_space<vmem>>
      %dma_wait3A_579 = tpu.memref_squeeze %dma_wait3A_578 : memref<1x100xi32, #tpu.memory_space<vmem>> -> memref<100xi32, #tpu.memory_space<vmem>>
      %dma_wait3A_580 = arith.constant 0 : i32
      %dma_wait3A_581 = arith.constant 0 : i32
      %dma_wait3A_582 = tpu.memref_slice %arg12[%dma_wait3A_580, %dma_wait3A_581] : memref<10240x128xf32, #tpu.memory_space<vmem_shared>> -> memref<10240x128xf32, #tpu.memory_space<vmem_shared>>
      tpu.wait_indirect_dma semaphore(%arg20 : memref<!tpu.dma_semaphore, #tpu.memory_space<semaphore_mem>>) src(%arg10 : memref<100x128xf32, #tpu.memory_space<vmem>>) dst(%dma_wait3A_582 : memref<10240x128xf32, #tpu.memory_space<vmem_shared>>)
      %dma_start3A_583 = arith.constant 0 : i32
      %dma_start3A_584 = arith.constant 0 : i32
      %dma_start3A_585 = tpu.memref_slice %arg8[%dma_start3A_583, %dma_start3A_584] : memref<2x100xi32, #tpu.memory_space<vmem>> -> memref<1x100xi32, #tpu.memory_space<vmem>>
      %dma_start3A_586 = tpu.memref_squeeze %dma_start3A_585 : memref<1x100xi32, #tpu.memory_space<vmem>> -> memref<100xi32, #tpu.memory_space<vmem>>
      %dma_start3A_587 = arith.constant 0 : i32
      %dma_start3A_588 = arith.constant 0 : i32
      %dma_start3A_589 = tpu.memref_slice %arg2[%dma_start3A_587, %dma_start3A_588] : memref<10000x128xf32, #tpu.memory_space<hbm>> -> memref<10000x128xf32, #tpu.memory_space<hbm>>
      tpu.enqueue_indirect_dma source(%dma_start3A_589 : memref<10000x128xf32, #tpu.memory_space<hbm>>) target(%arg10 : memref<100x128xf32, #tpu.memory_space<vmem>>) offsets(%dma_start3A_586 : memref<100xi32, #tpu.memory_space<vmem>>) semaphore(%arg18 : memref<!tpu.dma_semaphore, #tpu.memory_space<semaphore_mem>>)
      %dma_wait3A_590 = arith.constant 0 : i32
      %dma_wait3A_591 = arith.constant 0 : i32
      %dma_wait3A_592 = tpu.memref_slice %arg7[%dma_wait3A_590, %dma_wait3A_591] : memref<2x100xi32, #tpu.memory_space<vmem>> -> memref<1x100xi32, #tpu.memory_space<vmem>>
      %dma_wait3A_593 = tpu.memref_squeeze %dma_wait3A_592 : memref<1x100xi32, #tpu.memory_space<vmem>> -> memref<100xi32, #tpu.memory_space<vmem>>
      %dma_wait3A_594 = arith.constant 0 : i32
      %dma_wait3A_595 = arith.constant 0 : i32
      %dma_wait3A_596 = tpu.memref_slice %arg2[%dma_wait3A_594, %dma_wait3A_595] : memref<10000x128xf32, #tpu.memory_space<hbm>> -> memref<10000x128xf32, #tpu.memory_space<hbm>>
      tpu.wait_indirect_dma semaphore(%arg17 : memref<!tpu.dma_semaphore, #tpu.memory_space<semaphore_mem>>) src(%dma_wait3A_596 : memref<10000x128xf32, #tpu.memory_space<hbm>>) dst(%arg9 : memref<100x128xf32, #tpu.memory_space<vmem>>)
      %dma_start3A_597 = arith.constant 1 : i32
      %dma_start3A_598 = arith.constant 0 : i32
      %dma_start3A_599 = tpu.memref_slice %arg7[%dma_start3A_597, %dma_start3A_598] : memref<2x100xi32, #tpu.memory_space<vmem>> -> memref<1x100xi32, #tpu.memory_space<vmem>>
      %dma_start3A_600 = tpu.memref_squeeze %dma_start3A_599 : memref<1x100xi32, #tpu.memory_space<vmem>> -> memref<100xi32, #tpu.memory_space<vmem>>
      %dma_start3A_601 = arith.constant 0 : i32
      %dma_start3A_602 = arith.constant 0 : i32
      %dma_start3A_603 = tpu.memref_slice %arg12[%dma_start3A_601, %dma_start3A_602] : memref<10240x128xf32, #tpu.memory_space<vmem_shared>> -> memref<10240x128xf32, #tpu.memory_space<vmem_shared>>
      tpu.enqueue_indirect_dma source(%arg9 : memref<100x128xf32, #tpu.memory_space<vmem>>) target(%dma_start3A_603 : memref<10240x128xf32, #tpu.memory_space<vmem_shared>>) offsets(%dma_start3A_600 : memref<100xi32, #tpu.memory_space<vmem>>) semaphore(%arg19 : memref<!tpu.dma_semaphore, #tpu.memory_space<semaphore_mem>>) {add = true}
      %add3A_604 = arith.constant 2 : i32
      %add3A_605 = arith.addi %add3A_566, %add3A_604 : i32
      %min3A_606 = arith.constant 99 : i32
      %min3A_607 = arith.minsi %add3A_605, %min3A_606 : i32
      %dma_start3A_608 = arith.constant 0 : i32
      %dma_start3A_609 = arith.constant 0 : i32
      %dma_start3A_610 = tpu.memref_slice %arg3[%add3A, %min3A_607, %dma_start3A_608, %dma_start3A_609] : memref<32x100x2x100xi32, #tpu.memory_space<hbm>> -> memref<1x1x2x100xi32, #tpu.memory_space<hbm>>
      %dma_start3A_611 = tpu.memref_squeeze %dma_start3A_610 : memref<1x1x2x100xi32, #tpu.memory_space<hbm>> -> memref<2x100xi32, #tpu.memory_space<hbm>>
      %dma_start3A_612 = arith.constant 0 : i32
      %dma_start3A_613 = arith.constant 0 : i32
      %dma_start3A_614 = tpu.memref_slice %arg3[%add3A, %min3A_607, %dma_start3A_612, %dma_start3A_613] : memref<32x100x2x100xi32, #tpu.memory_space<hbm>> -> memref<1x1x2x100xi32, #tpu.memory_space<hbm>>
      %dma_start3A_615 = tpu.memref_squeeze %dma_start3A_614 : memref<1x1x2x100xi32, #tpu.memory_space<hbm>> -> memref<2x100xi32, #tpu.memory_space<hbm>>
      tpu.enqueue_dma source(%dma_start3A_615 : memref<2x100xi32, #tpu.memory_space<hbm>>) target(%arg5 : memref<2x100xi32, #tpu.memory_space<vmem>>) target_semaphore(%arg13 : memref<!tpu.dma_semaphore, #tpu.memory_space<semaphore_mem>>)
      %add3A_616 = arith.constant 3 : i32
      %add3A_617 = arith.addi %mul3A_464, %add3A_616 : i32
      %dma_wait3A_618 = arith.constant 0 : i32
      %dma_wait3A_619 = arith.constant 0 : i32
      %dma_wait3A_620 = arith.constant 0 : i32
      %dma_wait3A_621 = tpu.memref_slice %arg3[%add3A, %dma_wait3A_618, %dma_wait3A_619, %dma_wait3A_620] : memref<32x100x2x100xi32, #tpu.memory_space<hbm>> -> memref<1x1x2x100xi32, #tpu.memory_space<hbm>>
      %dma_wait3A_622 = tpu.memref_squeeze %dma_wait3A_621 : memref<1x1x2x100xi32, #tpu.memory_space<hbm>> -> memref<2x100xi32, #tpu.memory_space<hbm>>
      %dma_wait3A_623 = arith.constant 0 : i32
      %dma_wait3A_624 = arith.constant 0 : i32
      %dma_wait3A_625 = tpu.memref_slice %arg3[%add3A, %dma_wait3A_618, %dma_wait3A_623, %dma_wait3A_624] : memref<32x100x2x100xi32, #tpu.memory_space<hbm>> -> memref<1x1x2x100xi32, #tpu.memory_space<hbm>>
      %dma_wait3A_626 = tpu.memref_squeeze %dma_wait3A_625 : memref<1x1x2x100xi32, #tpu.memory_space<hbm>> -> memref<2x100xi32, #tpu.memory_space<hbm>>
      tpu.wait_dma2 semaphore(%arg13 : memref<!tpu.dma_semaphore, #tpu.memory_space<semaphore_mem>>) src(%dma_wait3A_626 : memref<2x100xi32, #tpu.memory_space<hbm>>) dst(%arg5 : memref<2x100xi32, #tpu.memory_space<vmem>>)
      %dma_wait3A_627 = arith.constant 1 : i32
      %dma_wait3A_628 = arith.constant 0 : i32
      %dma_wait3A_629 = tpu.memref_slice %arg7[%dma_wait3A_627, %dma_wait3A_628] : memref<2x100xi32, #tpu.memory_space<vmem>> -> memref<1x100xi32, #tpu.memory_space<vmem>>
      %dma_wait3A_630 = tpu.memref_squeeze %dma_wait3A_629 : memref<1x100xi32, #tpu.memory_space<vmem>> -> memref<100xi32, #tpu.memory_space<vmem>>
      %dma_wait3A_631 = arith.constant 0 : i32
      %dma_wait3A_632 = arith.constant 0 : i32
      %dma_wait3A_633 = tpu.memref_slice %arg12[%dma_wait3A_631, %dma_wait3A_632] : memref<10240x128xf32, #tpu.memory_space<vmem_shared>> -> memref<10240x128xf32, #tpu.memory_space<vmem_shared>>
      tpu.wait_indirect_dma semaphore(%arg19 : memref<!tpu.dma_semaphore, #tpu.memory_space<semaphore_mem>>) src(%arg9 : memref<100x128xf32, #tpu.memory_space<vmem>>) dst(%dma_wait3A_633 : memref<10240x128xf32, #tpu.memory_space<vmem_shared>>)
      %dma_start3A_634 = arith.constant 0 : i32
      %dma_start3A_635 = arith.constant 0 : i32
      %dma_start3A_636 = tpu.memref_slice %arg5[%dma_start3A_634, %dma_start3A_635] : memref<2x100xi32, #tpu.memory_space<vmem>> -> memref<1x100xi32, #tpu.memory_space<vmem>>
      %dma_start3A_637 = tpu.memref_squeeze %dma_start3A_636 : memref<1x100xi32, #tpu.memory_space<vmem>> -> memref<100xi32, #tpu.memory_space<vmem>>
      %dma_start3A_638 = arith.constant 0 : i32
      %dma_start3A_639 = arith.constant 0 : i32
      %dma_start3A_640 = tpu.memref_slice %arg2[%dma_start3A_638, %dma_start3A_639] : memref<10000x128xf32, #tpu.memory_space<hbm>> -> memref<10000x128xf32, #tpu.memory_space<hbm>>
      tpu.enqueue_indirect_dma source(%dma_start3A_640 : memref<10000x128xf32, #tpu.memory_space<hbm>>) target(%arg9 : memref<100x128xf32, #tpu.memory_space<vmem>>) offsets(%dma_start3A_637 : memref<100xi32, #tpu.memory_space<vmem>>) semaphore(%arg17 : memref<!tpu.dma_semaphore, #tpu.memory_space<semaphore_mem>>)
      %dma_wait3A_641 = arith.constant 0 : i32
      %dma_wait3A_642 = arith.constant 0 : i32
      %dma_wait3A_643 = tpu.memref_slice %arg8[%dma_wait3A_641, %dma_wait3A_642] : memref<2x100xi32, #tpu.memory_space<vmem>> -> memref<1x100xi32, #tpu.memory_space<vmem>>
      %dma_wait3A_644 = tpu.memref_squeeze %dma_wait3A_643 : memref<1x100xi32, #tpu.memory_space<vmem>> -> memref<100xi32, #tpu.memory_space<vmem>>
      %dma_wait3A_645 = arith.constant 0 : i32
      %dma_wait3A_646 = arith.constant 0 : i32
      %dma_wait3A_647 = tpu.memref_slice %arg2[%dma_wait3A_645, %dma_wait3A_646] : memref<10000x128xf32, #tpu.memory_space<hbm>> -> memref<10000x128xf32, #tpu.memory_space<hbm>>
      tpu.wait_indirect_dma semaphore(%arg18 : memref<!tpu.dma_semaphore, #tpu.memory_space<semaphore_mem>>) src(%dma_wait3A_647 : memref<10000x128xf32, #tpu.memory_space<hbm>>) dst(%arg10 : memref<100x128xf32, #tpu.memory_space<vmem>>)
      %dma_start3A_648 = arith.constant 1 : i32
      %dma_start3A_649 = arith.constant 0 : i32
      %dma_start3A_650 = tpu.memref_slice %arg8[%dma_start3A_648, %dma_start3A_649] : memref<2x100xi32, #tpu.memory_space<vmem>> -> memref<1x100xi32, #tpu.memory_space<vmem>>
      %dma_start3A_651 = tpu.memref_squeeze %dma_start3A_650 : memref<1x100xi32, #tpu.memory_space<vmem>> -> memref<100xi32, #tpu.memory_space<vmem>>
      %dma_start3A_652 = arith.constant 0 : i32
      %dma_start3A_653 = arith.constant 0 : i32
      %dma_start3A_654 = tpu.memref_slice %arg12[%dma_start3A_652, %dma_start3A_653] : memref<10240x128xf32, #tpu.memory_space<vmem_shared>> -> memref<10240x128xf32, #tpu.memory_space<vmem_shared>>
      tpu.enqueue_indirect_dma source(%arg10 : memref<100x128xf32, #tpu.memory_space<vmem>>) target(%dma_start3A_654 : memref<10240x128xf32, #tpu.memory_space<vmem_shared>>) offsets(%dma_start3A_651 : memref<100xi32, #tpu.memory_space<vmem>>) semaphore(%arg20 : memref<!tpu.dma_semaphore, #tpu.memory_space<semaphore_mem>>) {add = true}
      %add3A_655 = arith.constant 2 : i32
      %add3A_656 = arith.addi %add3A_617, %add3A_655 : i32
      %min3A_657 = arith.constant 99 : i32
      %min3A_658 = arith.minsi %add3A_656, %min3A_657 : i32
      %dma_start3A_659 = arith.constant 0 : i32
      %dma_start3A_660 = arith.constant 0 : i32
      %dma_start3A_661 = tpu.memref_slice %arg3[%add3A, %min3A_658, %dma_start3A_659, %dma_start3A_660] : memref<32x100x2x100xi32, #tpu.memory_space<hbm>> -> memref<1x1x2x100xi32, #tpu.memory_space<hbm>>
      %dma_start3A_662 = tpu.memref_squeeze %dma_start3A_661 : memref<1x1x2x100xi32, #tpu.memory_space<hbm>> -> memref<2x100xi32, #tpu.memory_space<hbm>>
      %dma_start3A_663 = arith.constant 0 : i32
      %dma_start3A_664 = arith.constant 0 : i32
      %dma_start3A_665 = tpu.memref_slice %arg3[%add3A, %min3A_658, %dma_start3A_663, %dma_start3A_664] : memref<32x100x2x100xi32, #tpu.memory_space<hbm>> -> memref<1x1x2x100xi32, #tpu.memory_space<hbm>>
      %dma_start3A_666 = tpu.memref_squeeze %dma_start3A_665 : memref<1x1x2x100xi32, #tpu.memory_space<hbm>> -> memref<2x100xi32, #tpu.memory_space<hbm>>
      tpu.enqueue_dma source(%dma_start3A_666 : memref<2x100xi32, #tpu.memory_space<hbm>>) target(%arg6 : memref<2x100xi32, #tpu.memory_space<vmem>>) target_semaphore(%arg14 : memref<!tpu.dma_semaphore, #tpu.memory_space<semaphore_mem>>)
      %scan3A_667 = arith.constant 0 : i32
      scf.yield %scan3A_667 : i32
    }
    %scan3A_274 = arith.constant 23 : i32
    %dma_wait3A_275 = arith.constant 0 : i32
    %dma_wait3A_276 = arith.constant 0 : i32
    %dma_wait3A_277 = arith.constant 0 : i32
    %dma_wait3A_278 = tpu.memref_slice %arg3[%add3A, %dma_wait3A_275, %dma_wait3A_276, %dma_wait3A_277] : memref<32x100x2x100xi32, #tpu.memory_space<hbm>> -> memref<1x1x2x100xi32, #tpu.memory_space<hbm>>
    %dma_wait3A_279 = tpu.memref_squeeze %dma_wait3A_278 : memref<1x1x2x100xi32, #tpu.memory_space<hbm>> -> memref<2x100xi32, #tpu.memory_space<hbm>>
    %dma_wait3A_280 = arith.constant 0 : i32
    %dma_wait3A_281 = arith.constant 0 : i32
    %dma_wait3A_282 = tpu.memref_slice %arg3[%add3A, %dma_wait3A_275, %dma_wait3A_280, %dma_wait3A_281] : memref<32x100x2x100xi32, #tpu.memory_space<hbm>> -> memref<1x1x2x100xi32, #tpu.memory_space<hbm>>
    %dma_wait3A_283 = tpu.memref_squeeze %dma_wait3A_282 : memref<1x1x2x100xi32, #tpu.memory_space<hbm>> -> memref<2x100xi32, #tpu.memory_space<hbm>>
    tpu.wait_dma2 semaphore(%arg14 : memref<!tpu.dma_semaphore, #tpu.memory_space<semaphore_mem>>) src(%dma_wait3A_283 : memref<2x100xi32, #tpu.memory_space<hbm>>) dst(%arg6 : memref<2x100xi32, #tpu.memory_space<vmem>>)
    %dma_wait3A_284 = arith.constant 1 : i32
    %dma_wait3A_285 = arith.constant 0 : i32
    %dma_wait3A_286 = tpu.memref_slice %arg8[%dma_wait3A_284, %dma_wait3A_285] : memref<2x100xi32, #tpu.memory_space<vmem>> -> memref<1x100xi32, #tpu.memory_space<vmem>>
    %dma_wait3A_287 = tpu.memref_squeeze %dma_wait3A_286 : memref<1x100xi32, #tpu.memory_space<vmem>> -> memref<100xi32, #tpu.memory_space<vmem>>
    %dma_wait3A_288 = arith.constant 0 : i32
    %dma_wait3A_289 = arith.constant 0 : i32
    %dma_wait3A_290 = tpu.memref_slice %arg12[%dma_wait3A_288, %dma_wait3A_289] : memref<10240x128xf32, #tpu.memory_space<vmem_shared>> -> memref<10240x128xf32, #tpu.memory_space<vmem_shared>>
    tpu.wait_indirect_dma semaphore(%arg20 : memref<!tpu.dma_semaphore, #tpu.memory_space<semaphore_mem>>) src(%arg10 : memref<100x128xf32, #tpu.memory_space<vmem>>) dst(%dma_wait3A_290 : memref<10240x128xf32, #tpu.memory_space<vmem_shared>>)
    %dma_start3A_291 = arith.constant 0 : i32
    %dma_start3A_292 = arith.constant 0 : i32
    %dma_start3A_293 = tpu.memref_slice %arg6[%dma_start3A_291, %dma_start3A_292] : memref<2x100xi32, #tpu.memory_space<vmem>> -> memref<1x100xi32, #tpu.memory_space<vmem>>
    %dma_start3A_294 = tpu.memref_squeeze %dma_start3A_293 : memref<1x100xi32, #tpu.memory_space<vmem>> -> memref<100xi32, #tpu.memory_space<vmem>>
    %dma_start3A_295 = arith.constant 0 : i32
    %dma_start3A_296 = arith.constant 0 : i32
    %dma_start3A_297 = tpu.memref_slice %arg2[%dma_start3A_295, %dma_start3A_296] : memref<10000x128xf32, #tpu.memory_space<hbm>> -> memref<10000x128xf32, #tpu.memory_space<hbm>>
    tpu.enqueue_indirect_dma source(%dma_start3A_297 : memref<10000x128xf32, #tpu.memory_space<hbm>>) target(%arg10 : memref<100x128xf32, #tpu.memory_space<vmem>>) offsets(%dma_start3A_294 : memref<100xi32, #tpu.memory_space<vmem>>) semaphore(%arg18 : memref<!tpu.dma_semaphore, #tpu.memory_space<semaphore_mem>>)
    %dma_wait3A_298 = arith.constant 0 : i32
    %dma_wait3A_299 = arith.constant 0 : i32
    %dma_wait3A_300 = tpu.memref_slice %arg5[%dma_wait3A_298, %dma_wait3A_299] : memref<2x100xi32, #tpu.memory_space<vmem>> -> memref<1x100xi32, #tpu.memory_space<vmem>>
    %dma_wait3A_301 = tpu.memref_squeeze %dma_wait3A_300 : memref<1x100xi32, #tpu.memory_space<vmem>> -> memref<100xi32, #tpu.memory_space<vmem>>
    %dma_wait3A_302 = arith.constant 0 : i32
    %dma_wait3A_303 = arith.constant 0 : i32
    %dma_wait3A_304 = tpu.memref_slice %arg2[%dma_wait3A_302, %dma_wait3A_303] : memref<10000x128xf32, #tpu.memory_space<hbm>> -> memref<10000x128xf32, #tpu.memory_space<hbm>>
    tpu.wait_indirect_dma semaphore(%arg17 : memref<!tpu.dma_semaphore, #tpu.memory_space<semaphore_mem>>) src(%dma_wait3A_304 : memref<10000x128xf32, #tpu.memory_space<hbm>>) dst(%arg9 : memref<100x128xf32, #tpu.memory_space<vmem>>)
    %dma_start3A_305 = arith.constant 1 : i32
    %dma_start3A_306 = arith.constant 0 : i32
    %dma_start3A_307 = tpu.memref_slice %arg5[%dma_start3A_305, %dma_start3A_306] : memref<2x100xi32, #tpu.memory_space<vmem>> -> memref<1x100xi32, #tpu.memory_space<vmem>>
    %dma_start3A_308 = tpu.memref_squeeze %dma_start3A_307 : memref<1x100xi32, #tpu.memory_space<vmem>> -> memref<100xi32, #tpu.memory_space<vmem>>
    %dma_start3A_309 = arith.constant 0 : i32
    %dma_start3A_310 = arith.constant 0 : i32
    %dma_start3A_311 = tpu.memref_slice %arg12[%dma_start3A_309, %dma_start3A_310] : memref<10240x128xf32, #tpu.memory_space<vmem_shared>> -> memref<10240x128xf32, #tpu.memory_space<vmem_shared>>
    tpu.enqueue_indirect_dma source(%arg9 : memref<100x128xf32, #tpu.memory_space<vmem>>) target(%dma_start3A_311 : memref<10240x128xf32, #tpu.memory_space<vmem_shared>>) offsets(%dma_start3A_308 : memref<100xi32, #tpu.memory_space<vmem>>) semaphore(%arg19 : memref<!tpu.dma_semaphore, #tpu.memory_space<semaphore_mem>>) {add = true}
    %min3A_312 = arith.constant 98 : i32
    %min3A_313 = arith.constant 99 : i32
    %min3A_314 = arith.minsi %min3A_312, %min3A_313 : i32
    %dma_start3A_315 = arith.constant 0 : i32
    %dma_start3A_316 = arith.constant 0 : i32
    %dma_start3A_317 = tpu.memref_slice %arg3[%add3A, %min3A_314, %dma_start3A_315, %dma_start3A_316] : memref<32x100x2x100xi32, #tpu.memory_space<hbm>> -> memref<1x1x2x100xi32, #tpu.memory_space<hbm>>
    %dma_start3A_318 = tpu.memref_squeeze %dma_start3A_317 : memref<1x1x2x100xi32, #tpu.memory_space<hbm>> -> memref<2x100xi32, #tpu.memory_space<hbm>>
    %dma_start3A_319 = arith.constant 0 : i32
    %dma_start3A_320 = arith.constant 0 : i32
    %dma_start3A_321 = tpu.memref_slice %arg3[%add3A, %min3A_314, %dma_start3A_319, %dma_start3A_320] : memref<32x100x2x100xi32, #tpu.memory_space<hbm>> -> memref<1x1x2x100xi32, #tpu.memory_space<hbm>>
    %dma_start3A_322 = tpu.memref_squeeze %dma_start3A_321 : memref<1x1x2x100xi32, #tpu.memory_space<hbm>> -> memref<2x100xi32, #tpu.memory_space<hbm>>
    tpu.enqueue_dma source(%dma_start3A_322 : memref<2x100xi32, #tpu.memory_space<hbm>>) target(%arg7 : memref<2x100xi32, #tpu.memory_space<vmem>>) target_semaphore(%arg15 : memref<!tpu.dma_semaphore, #tpu.memory_space<semaphore_mem>>)
    %dma_wait3A_323 = arith.constant 0 : i32
    %dma_wait3A_324 = arith.constant 0 : i32
    %dma_wait3A_325 = arith.constant 0 : i32
    %dma_wait3A_326 = tpu.memref_slice %arg3[%add3A, %dma_wait3A_323, %dma_wait3A_324, %dma_wait3A_325] : memref<32x100x2x100xi32, #tpu.memory_space<hbm>> -> memref<1x1x2x100xi32, #tpu.memory_space<hbm>>
    %dma_wait3A_327 = tpu.memref_squeeze %dma_wait3A_326 : memref<1x1x2x100xi32, #tpu.memory_space<hbm>> -> memref<2x100xi32, #tpu.memory_space<hbm>>
    %dma_wait3A_328 = arith.constant 0 : i32
    %dma_wait3A_329 = arith.constant 0 : i32
    %dma_wait3A_330 = tpu.memref_slice %arg3[%add3A, %dma_wait3A_323, %dma_wait3A_328, %dma_wait3A_329] : memref<32x100x2x100xi32, #tpu.memory_space<hbm>> -> memref<1x1x2x100xi32, #tpu.memory_space<hbm>>
    %dma_wait3A_331 = tpu.memref_squeeze %dma_wait3A_330 : memref<1x1x2x100xi32, #tpu.memory_space<hbm>> -> memref<2x100xi32, #tpu.memory_space<hbm>>
    tpu.wait_dma2 semaphore(%arg15 : memref<!tpu.dma_semaphore, #tpu.memory_space<semaphore_mem>>) src(%dma_wait3A_331 : memref<2x100xi32, #tpu.memory_space<hbm>>) dst(%arg7 : memref<2x100xi32, #tpu.memory_space<vmem>>)
    %dma_wait3A_332 = arith.constant 1 : i32
    %dma_wait3A_333 = arith.constant 0 : i32
    %dma_wait3A_334 = tpu.memref_slice %arg5[%dma_wait3A_332, %dma_wait3A_333] : memref<2x100xi32, #tpu.memory_space<vmem>> -> memref<1x100xi32, #tpu.memory_space<vmem>>
    %dma_wait3A_335 = tpu.memref_squeeze %dma_wait3A_334 : memref<1x100xi32, #tpu.memory_space<vmem>> -> memref<100xi32, #tpu.memory_space<vmem>>
    %dma_wait3A_336 = arith.constant 0 : i32
    %dma_wait3A_337 = arith.constant 0 : i32
    %dma_wait3A_338 = tpu.memref_slice %arg12[%dma_wait3A_336, %dma_wait3A_337] : memref<10240x128xf32, #tpu.memory_space<vmem_shared>> -> memref<10240x128xf32, #tpu.memory_space<vmem_shared>>
    tpu.wait_indirect_dma semaphore(%arg19 : memref<!tpu.dma_semaphore, #tpu.memory_space<semaphore_mem>>) src(%arg9 : memref<100x128xf32, #tpu.memory_space<vmem>>) dst(%dma_wait3A_338 : memref<10240x128xf32, #tpu.memory_space<vmem_shared>>)
    %dma_start3A_339 = arith.constant 0 : i32
    %dma_start3A_340 = arith.constant 0 : i32
    %dma_start3A_341 = tpu.memref_slice %arg7[%dma_start3A_339, %dma_start3A_340] : memref<2x100xi32, #tpu.memory_space<vmem>> -> memref<1x100xi32, #tpu.memory_space<vmem>>
    %dma_start3A_342 = tpu.memref_squeeze %dma_start3A_341 : memref<1x100xi32, #tpu.memory_space<vmem>> -> memref<100xi32, #tpu.memory_space<vmem>>
    %dma_start3A_343 = arith.constant 0 : i32
    %dma_start3A_344 = arith.constant 0 : i32
    %dma_start3A_345 = tpu.memref_slice %arg2[%dma_start3A_343, %dma_start3A_344] : memref<10000x128xf32, #tpu.memory_space<hbm>> -> memref<10000x128xf32, #tpu.memory_space<hbm>>
    tpu.enqueue_indirect_dma source(%dma_start3A_345 : memref<10000x128xf32, #tpu.memory_space<hbm>>) target(%arg9 : memref<100x128xf32, #tpu.memory_space<vmem>>) offsets(%dma_start3A_342 : memref<100xi32, #tpu.memory_space<vmem>>) semaphore(%arg17 : memref<!tpu.dma_semaphore, #tpu.memory_space<semaphore_mem>>)
    %dma_wait3A_346 = arith.constant 0 : i32
    %dma_wait3A_347 = arith.constant 0 : i32
    %dma_wait3A_348 = tpu.memref_slice %arg6[%dma_wait3A_346, %dma_wait3A_347] : memref<2x100xi32, #tpu.memory_space<vmem>> -> memref<1x100xi32, #tpu.memory_space<vmem>>
    %dma_wait3A_349 = tpu.memref_squeeze %dma_wait3A_348 : memref<1x100xi32, #tpu.memory_space<vmem>> -> memref<100xi32, #tpu.memory_space<vmem>>
    %dma_wait3A_350 = arith.constant 0 : i32
    %dma_wait3A_351 = arith.constant 0 : i32
    %dma_wait3A_352 = tpu.memref_slice %arg2[%dma_wait3A_350, %dma_wait3A_351] : memref<10000x128xf32, #tpu.memory_space<hbm>> -> memref<10000x128xf32, #tpu.memory_space<hbm>>
    tpu.wait_indirect_dma semaphore(%arg18 : memref<!tpu.dma_semaphore, #tpu.memory_space<semaphore_mem>>) src(%dma_wait3A_352 : memref<10000x128xf32, #tpu.memory_space<hbm>>) dst(%arg10 : memref<100x128xf32, #tpu.memory_space<vmem>>)
    %dma_start3A_353 = arith.constant 1 : i32
    %dma_start3A_354 = arith.constant 0 : i32
    %dma_start3A_355 = tpu.memref_slice %arg6[%dma_start3A_353, %dma_start3A_354] : memref<2x100xi32, #tpu.memory_space<vmem>> -> memref<1x100xi32, #tpu.memory_space<vmem>>
    %dma_start3A_356 = tpu.memref_squeeze %dma_start3A_355 : memref<1x100xi32, #tpu.memory_space<vmem>> -> memref<100xi32, #tpu.memory_space<vmem>>
    %dma_start3A_357 = arith.constant 0 : i32
    %dma_start3A_358 = arith.constant 0 : i32
    %dma_start3A_359 = tpu.memref_slice %arg12[%dma_start3A_357, %dma_start3A_358] : memref<10240x128xf32, #tpu.memory_space<vmem_shared>> -> memref<10240x128xf32, #tpu.memory_space<vmem_shared>>
    tpu.enqueue_indirect_dma source(%arg10 : memref<100x128xf32, #tpu.memory_space<vmem>>) target(%dma_start3A_359 : memref<10240x128xf32, #tpu.memory_space<vmem_shared>>) offsets(%dma_start3A_356 : memref<100xi32, #tpu.memory_space<vmem>>) semaphore(%arg20 : memref<!tpu.dma_semaphore, #tpu.memory_space<semaphore_mem>>) {add = true}
    %min3A_360 = arith.constant 99 : i32
    %min3A_361 = arith.constant 99 : i32
    %min3A_362 = arith.minsi %min3A_360, %min3A_361 : i32
    %dma_start3A_363 = arith.constant 0 : i32
    %dma_start3A_364 = arith.constant 0 : i32
    %dma_start3A_365 = tpu.memref_slice %arg3[%add3A, %min3A_362, %dma_start3A_363, %dma_start3A_364] : memref<32x100x2x100xi32, #tpu.memory_space<hbm>> -> memref<1x1x2x100xi32, #tpu.memory_space<hbm>>
    %dma_start3A_366 = tpu.memref_squeeze %dma_start3A_365 : memref<1x1x2x100xi32, #tpu.memory_space<hbm>> -> memref<2x100xi32, #tpu.memory_space<hbm>>
    %dma_start3A_367 = arith.constant 0 : i32
    %dma_start3A_368 = arith.constant 0 : i32
    %dma_start3A_369 = tpu.memref_slice %arg3[%add3A, %min3A_362, %dma_start3A_367, %dma_start3A_368] : memref<32x100x2x100xi32, #tpu.memory_space<hbm>> -> memref<1x1x2x100xi32, #tpu.memory_space<hbm>>
    %dma_start3A_370 = tpu.memref_squeeze %dma_start3A_369 : memref<1x1x2x100xi32, #tpu.memory_space<hbm>> -> memref<2x100xi32, #tpu.memory_space<hbm>>
    tpu.enqueue_dma source(%dma_start3A_370 : memref<2x100xi32, #tpu.memory_space<hbm>>) target(%arg8 : memref<2x100xi32, #tpu.memory_space<vmem>>) target_semaphore(%arg16 : memref<!tpu.dma_semaphore, #tpu.memory_space<semaphore_mem>>)
    %dma_wait3A_371 = arith.constant 0 : i32
    %dma_wait3A_372 = arith.constant 0 : i32
    %dma_wait3A_373 = arith.constant 0 : i32
    %dma_wait3A_374 = tpu.memref_slice %arg3[%add3A, %dma_wait3A_371, %dma_wait3A_372, %dma_wait3A_373] : memref<32x100x2x100xi32, #tpu.memory_space<hbm>> -> memref<1x1x2x100xi32, #tpu.memory_space<hbm>>
    %dma_wait3A_375 = tpu.memref_squeeze %dma_wait3A_374 : memref<1x1x2x100xi32, #tpu.memory_space<hbm>> -> memref<2x100xi32, #tpu.memory_space<hbm>>
    %dma_wait3A_376 = arith.constant 0 : i32
    %dma_wait3A_377 = arith.constant 0 : i32
    %dma_wait3A_378 = tpu.memref_slice %arg3[%add3A, %dma_wait3A_371, %dma_wait3A_376, %dma_wait3A_377] : memref<32x100x2x100xi32, #tpu.memory_space<hbm>> -> memref<1x1x2x100xi32, #tpu.memory_space<hbm>>
    %dma_wait3A_379 = tpu.memref_squeeze %dma_wait3A_378 : memref<1x1x2x100xi32, #tpu.memory_space<hbm>> -> memref<2x100xi32, #tpu.memory_space<hbm>>
    tpu.wait_dma2 semaphore(%arg16 : memref<!tpu.dma_semaphore, #tpu.memory_space<semaphore_mem>>) src(%dma_wait3A_379 : memref<2x100xi32, #tpu.memory_space<hbm>>) dst(%arg8 : memref<2x100xi32, #tpu.memory_space<vmem>>)
    %dma_wait3A_380 = arith.constant 1 : i32
    %dma_wait3A_381 = arith.constant 0 : i32
    %dma_wait3A_382 = tpu.memref_slice %arg6[%dma_wait3A_380, %dma_wait3A_381] : memref<2x100xi32, #tpu.memory_space<vmem>> -> memref<1x100xi32, #tpu.memory_space<vmem>>
    %dma_wait3A_383 = tpu.memref_squeeze %dma_wait3A_382 : memref<1x100xi32, #tpu.memory_space<vmem>> -> memref<100xi32, #tpu.memory_space<vmem>>
    %dma_wait3A_384 = arith.constant 0 : i32
    %dma_wait3A_385 = arith.constant 0 : i32
    %dma_wait3A_386 = tpu.memref_slice %arg12[%dma_wait3A_384, %dma_wait3A_385] : memref<10240x128xf32, #tpu.memory_space<vmem_shared>> -> memref<10240x128xf32, #tpu.memory_space<vmem_shared>>
    tpu.wait_indirect_dma semaphore(%arg20 : memref<!tpu.dma_semaphore, #tpu.memory_space<semaphore_mem>>) src(%arg10 : memref<100x128xf32, #tpu.memory_space<vmem>>) dst(%dma_wait3A_386 : memref<10240x128xf32, #tpu.memory_space<vmem_shared>>)
    %dma_start3A_387 = arith.constant 0 : i32
    %dma_start3A_388 = arith.constant 0 : i32
    %dma_start3A_389 = tpu.memref_slice %arg8[%dma_start3A_387, %dma_start3A_388] : memref<2x100xi32, #tpu.memory_space<vmem>> -> memref<1x100xi32, #tpu.memory_space<vmem>>
    %dma_start3A_390 = tpu.memref_squeeze %dma_start3A_389 : memref<1x100xi32, #tpu.memory_space<vmem>> -> memref<100xi32, #tpu.memory_space<vmem>>
    %dma_start3A_391 = arith.constant 0 : i32
    %dma_start3A_392 = arith.constant 0 : i32
    %dma_start3A_393 = tpu.memref_slice %arg2[%dma_start3A_391, %dma_start3A_392] : memref<10000x128xf32, #tpu.memory_space<hbm>> -> memref<10000x128xf32, #tpu.memory_space<hbm>>
    tpu.enqueue_indirect_dma source(%dma_start3A_393 : memref<10000x128xf32, #tpu.memory_space<hbm>>) target(%arg10 : memref<100x128xf32, #tpu.memory_space<vmem>>) offsets(%dma_start3A_390 : memref<100xi32, #tpu.memory_space<vmem>>) semaphore(%arg18 : memref<!tpu.dma_semaphore, #tpu.memory_space<semaphore_mem>>)
    %dma_wait3A_394 = arith.constant 0 : i32
    %dma_wait3A_395 = arith.constant 0 : i32
    %dma_wait3A_396 = tpu.memref_slice %arg7[%dma_wait3A_394, %dma_wait3A_395] : memref<2x100xi32, #tpu.memory_space<vmem>> -> memref<1x100xi32, #tpu.memory_space<vmem>>
    %dma_wait3A_397 = tpu.memref_squeeze %dma_wait3A_396 : memref<1x100xi32, #tpu.memory_space<vmem>> -> memref<100xi32, #tpu.memory_space<vmem>>
    %dma_wait3A_398 = arith.constant 0 : i32
    %dma_wait3A_399 = arith.constant 0 : i32
    %dma_wait3A_400 = tpu.memref_slice %arg2[%dma_wait3A_398, %dma_wait3A_399] : memref<10000x128xf32, #tpu.memory_space<hbm>> -> memref<10000x128xf32, #tpu.memory_space<hbm>>
    tpu.wait_indirect_dma semaphore(%arg17 : memref<!tpu.dma_semaphore, #tpu.memory_space<semaphore_mem>>) src(%dma_wait3A_400 : memref<10000x128xf32, #tpu.memory_space<hbm>>) dst(%arg9 : memref<100x128xf32, #tpu.memory_space<vmem>>)
    %dma_start3A_401 = arith.constant 1 : i32
    %dma_start3A_402 = arith.constant 0 : i32
    %dma_start3A_403 = tpu.memref_slice %arg7[%dma_start3A_401, %dma_start3A_402] : memref<2x100xi32, #tpu.memory_space<vmem>> -> memref<1x100xi32, #tpu.memory_space<vmem>>
    %dma_start3A_404 = tpu.memref_squeeze %dma_start3A_403 : memref<1x100xi32, #tpu.memory_space<vmem>> -> memref<100xi32, #tpu.memory_space<vmem>>
    %dma_start3A_405 = arith.constant 0 : i32
    %dma_start3A_406 = arith.constant 0 : i32
    %dma_start3A_407 = tpu.memref_slice %arg12[%dma_start3A_405, %dma_start3A_406] : memref<10240x128xf32, #tpu.memory_space<vmem_shared>> -> memref<10240x128xf32, #tpu.memory_space<vmem_shared>>
    tpu.enqueue_indirect_dma source(%arg9 : memref<100x128xf32, #tpu.memory_space<vmem>>) target(%dma_start3A_407 : memref<10240x128xf32, #tpu.memory_space<vmem_shared>>) offsets(%dma_start3A_404 : memref<100xi32, #tpu.memory_space<vmem>>) semaphore(%arg19 : memref<!tpu.dma_semaphore, #tpu.memory_space<semaphore_mem>>) {add = true}
    %min3A_408 = arith.constant 100 : i32
    %min3A_409 = arith.constant 99 : i32
    %min3A_410 = arith.minsi %min3A_408, %min3A_409 : i32
    %dma_start3A_411 = arith.constant 0 : i32
    %dma_start3A_412 = arith.constant 0 : i32
    %dma_start3A_413 = tpu.memref_slice %arg3[%add3A, %min3A_410, %dma_start3A_411, %dma_start3A_412] : memref<32x100x2x100xi32, #tpu.memory_space<hbm>> -> memref<1x1x2x100xi32, #tpu.memory_space<hbm>>
    %dma_start3A_414 = tpu.memref_squeeze %dma_start3A_413 : memref<1x1x2x100xi32, #tpu.memory_space<hbm>> -> memref<2x100xi32, #tpu.memory_space<hbm>>
    %dma_start3A_415 = arith.constant 0 : i32
    %dma_start3A_416 = arith.constant 0 : i32
    %dma_start3A_417 = tpu.memref_slice %arg3[%add3A, %min3A_410, %dma_start3A_415, %dma_start3A_416] : memref<32x100x2x100xi32, #tpu.memory_space<hbm>> -> memref<1x1x2x100xi32, #tpu.memory_space<hbm>>
    %dma_start3A_418 = tpu.memref_squeeze %dma_start3A_417 : memref<1x1x2x100xi32, #tpu.memory_space<hbm>> -> memref<2x100xi32, #tpu.memory_space<hbm>>
    tpu.enqueue_dma source(%dma_start3A_418 : memref<2x100xi32, #tpu.memory_space<hbm>>) target(%arg5 : memref<2x100xi32, #tpu.memory_space<vmem>>) target_semaphore(%arg13 : memref<!tpu.dma_semaphore, #tpu.memory_space<semaphore_mem>>)
    %dma_wait3A_419 = arith.constant 0 : i32
    %dma_wait3A_420 = arith.constant 0 : i32
    %dma_wait3A_421 = arith.constant 0 : i32
    %dma_wait3A_422 = tpu.memref_slice %arg3[%add3A, %dma_wait3A_419, %dma_wait3A_420, %dma_wait3A_421] : memref<32x100x2x100xi32, #tpu.memory_space<hbm>> -> memref<1x1x2x100xi32, #tpu.memory_space<hbm>>
    %dma_wait3A_423 = tpu.memref_squeeze %dma_wait3A_422 : memref<1x1x2x100xi32, #tpu.memory_space<hbm>> -> memref<2x100xi32, #tpu.memory_space<hbm>>
    %dma_wait3A_424 = arith.constant 0 : i32
    %dma_wait3A_425 = arith.constant 0 : i32
    %dma_wait3A_426 = tpu.memref_slice %arg3[%add3A, %dma_wait3A_419, %dma_wait3A_424, %dma_wait3A_425] : memref<32x100x2x100xi32, #tpu.memory_space<hbm>> -> memref<1x1x2x100xi32, #tpu.memory_space<hbm>>
    %dma_wait3A_427 = tpu.memref_squeeze %dma_wait3A_426 : memref<1x1x2x100xi32, #tpu.memory_space<hbm>> -> memref<2x100xi32, #tpu.memory_space<hbm>>
    tpu.wait_dma2 semaphore(%arg13 : memref<!tpu.dma_semaphore, #tpu.memory_space<semaphore_mem>>) src(%dma_wait3A_427 : memref<2x100xi32, #tpu.memory_space<hbm>>) dst(%arg5 : memref<2x100xi32, #tpu.memory_space<vmem>>)
    %dma_wait3A_428 = arith.constant 1 : i32
    %dma_wait3A_429 = arith.constant 0 : i32
    %dma_wait3A_430 = tpu.memref_slice %arg7[%dma_wait3A_428, %dma_wait3A_429] : memref<2x100xi32, #tpu.memory_space<vmem>> -> memref<1x100xi32, #tpu.memory_space<vmem>>
    %dma_wait3A_431 = tpu.memref_squeeze %dma_wait3A_430 : memref<1x100xi32, #tpu.memory_space<vmem>> -> memref<100xi32, #tpu.memory_space<vmem>>
    %dma_wait3A_432 = arith.constant 0 : i32
    %dma_wait3A_433 = arith.constant 0 : i32
    %dma_wait3A_434 = tpu.memref_slice %arg12[%dma_wait3A_432, %dma_wait3A_433] : memref<10240x128xf32, #tpu.memory_space<vmem_shared>> -> memref<10240x128xf32, #tpu.memory_space<vmem_shared>>
    tpu.wait_indirect_dma semaphore(%arg19 : memref<!tpu.dma_semaphore, #tpu.memory_space<semaphore_mem>>) src(%arg9 : memref<100x128xf32, #tpu.memory_space<vmem>>) dst(%dma_wait3A_434 : memref<10240x128xf32, #tpu.memory_space<vmem_shared>>)
    %dma_wait3A_435 = arith.constant 0 : i32
    %dma_wait3A_436 = arith.constant 0 : i32
    %dma_wait3A_437 = tpu.memref_slice %arg8[%dma_wait3A_435, %dma_wait3A_436] : memref<2x100xi32, #tpu.memory_space<vmem>> -> memref<1x100xi32, #tpu.memory_space<vmem>>
    %dma_wait3A_438 = tpu.memref_squeeze %dma_wait3A_437 : memref<1x100xi32, #tpu.memory_space<vmem>> -> memref<100xi32, #tpu.memory_space<vmem>>
    %dma_wait3A_439 = arith.constant 0 : i32
    %dma_wait3A_440 = arith.constant 0 : i32
    %dma_wait3A_441 = tpu.memref_slice %arg2[%dma_wait3A_439, %dma_wait3A_440] : memref<10000x128xf32, #tpu.memory_space<hbm>> -> memref<10000x128xf32, #tpu.memory_space<hbm>>
    tpu.wait_indirect_dma semaphore(%arg18 : memref<!tpu.dma_semaphore, #tpu.memory_space<semaphore_mem>>) src(%dma_wait3A_441 : memref<10000x128xf32, #tpu.memory_space<hbm>>) dst(%arg10 : memref<100x128xf32, #tpu.memory_space<vmem>>)
    %dma_start3A_442 = arith.constant 1 : i32
    %dma_start3A_443 = arith.constant 0 : i32
    %dma_start3A_444 = tpu.memref_slice %arg8[%dma_start3A_442, %dma_start3A_443] : memref<2x100xi32, #tpu.memory_space<vmem>> -> memref<1x100xi32, #tpu.memory_space<vmem>>
    %dma_start3A_445 = tpu.memref_squeeze %dma_start3A_444 : memref<1x100xi32, #tpu.memory_space<vmem>> -> memref<100xi32, #tpu.memory_space<vmem>>
    %dma_start3A_446 = arith.constant 0 : i32
    %dma_start3A_447 = arith.constant 0 : i32
    %dma_start3A_448 = tpu.memref_slice %arg12[%dma_start3A_446, %dma_start3A_447] : memref<10240x128xf32, #tpu.memory_space<vmem_shared>> -> memref<10240x128xf32, #tpu.memory_space<vmem_shared>>
    tpu.enqueue_indirect_dma source(%arg10 : memref<100x128xf32, #tpu.memory_space<vmem>>) target(%dma_start3A_448 : memref<10240x128xf32, #tpu.memory_space<vmem_shared>>) offsets(%dma_start3A_445 : memref<100xi32, #tpu.memory_space<vmem>>) semaphore(%arg20 : memref<!tpu.dma_semaphore, #tpu.memory_space<semaphore_mem>>) {add = true}
    %dma_wait3A_449 = arith.constant 1 : i32
    %dma_wait3A_450 = arith.constant 0 : i32
    %dma_wait3A_451 = tpu.memref_slice %arg8[%dma_wait3A_449, %dma_wait3A_450] : memref<2x100xi32, #tpu.memory_space<vmem>> -> memref<1x100xi32, #tpu.memory_space<vmem>>
    %dma_wait3A_452 = tpu.memref_squeeze %dma_wait3A_451 : memref<1x100xi32, #tpu.memory_space<vmem>> -> memref<100xi32, #tpu.memory_space<vmem>>
    %dma_wait3A_453 = arith.constant 0 : i32
    %dma_wait3A_454 = arith.constant 0 : i32
    %dma_wait3A_455 = tpu.memref_slice %arg12[%dma_wait3A_453, %dma_wait3A_454] : memref<10240x128xf32, #tpu.memory_space<vmem_shared>> -> memref<10240x128xf32, #tpu.memory_space<vmem_shared>>
    tpu.wait_indirect_dma semaphore(%arg20 : memref<!tpu.dma_semaphore, #tpu.memory_space<semaphore_mem>>) src(%arg10 : memref<100x128xf32, #tpu.memory_space<vmem>>) dst(%dma_wait3A_455 : memref<10240x128xf32, #tpu.memory_space<vmem_shared>>)
    %barrier3A_456 = arith.constant 0 : index
    tpu.barrier barrier_id(%barrier3A_456)
    %mul3A_457 = arith.constant 640 : i32
    %mul3A_458 = arith.muli %arg1, %mul3A_457 : i32
    %mul3A_459 = arith.constant 640 : i32
    %mul3A_460 = arith.muli %arg1, %mul3A_459 : i32
    "tpu.region"() ({
      %run_scoped3A_461 = tpu.sem_alloc : memref<!tpu.dma_semaphore, #tpu.memory_space<semaphore_mem>>
      %dma_start3A_462 = arith.constant 0 : i32
      %dma_start3A_463 = tpu.memref_slice %arg4[%arg0, %mul3A_460, %dma_start3A_462] : memref<2x10240x128xf32, #tpu.memory_space<hbm>> -> memref<1x640x128xf32, #tpu.memory_space<hbm>>
      %dma_start3A_464 = tpu.memref_squeeze %dma_start3A_463 : memref<1x640x128xf32, #tpu.memory_space<hbm>> -> memref<640x128xf32, #tpu.memory_space<hbm>>
      %dma_start3A_465 = arith.constant 0 : i32
      %dma_start3A_466 = tpu.memref_slice %arg12[%mul3A_458, %dma_start3A_465] : memref<10240x128xf32, #tpu.memory_space<vmem_shared>> -> memref<640x128xf32, #tpu.memory_space<vmem_shared>>
      tpu.enqueue_dma source(%dma_start3A_466 : memref<640x128xf32, #tpu.memory_space<vmem_shared>>) target(%dma_start3A_464 : memref<640x128xf32, #tpu.memory_space<hbm>>) target_semaphore(%run_scoped3A_461 : memref<!tpu.dma_semaphore, #tpu.memory_space<semaphore_mem>>)
      %dma_wait3A_467 = arith.constant 0 : i32
      %dma_wait3A_468 = tpu.memref_slice %arg4[%arg0, %mul3A_460, %dma_wait3A_467] : memref<2x10240x128xf32, #tpu.memory_space<hbm>> -> memref<1x640x128xf32, #tpu.memory_space<hbm>>
      %dma_wait3A_469 = tpu.memref_squeeze %dma_wait3A_468 : memref<1x640x128xf32, #tpu.memory_space<hbm>> -> memref<640x128xf32, #tpu.memory_space<hbm>>
      %dma_wait3A_470 = arith.constant 0 : i32
      %dma_wait3A_471 = tpu.memref_slice %arg12[%mul3A_458, %dma_wait3A_470] : memref<10240x128xf32, #tpu.memory_space<vmem_shared>> -> memref<640x128xf32, #tpu.memory_space<vmem_shared>>
      tpu.wait_dma2 semaphore(%run_scoped3A_461 : memref<!tpu.dma_semaphore, #tpu.memory_space<semaphore_mem>>) src(%dma_wait3A_471 : memref<640x128xf32, #tpu.memory_space<vmem_shared>>) dst(%dma_wait3A_469 : memref<640x128xf32, #tpu.memory_space<hbm>>)
      tpu.yield
    }) : () -> ()
    return
  }
}

#map = affine_map<(d0, d1) -> (0, 0)>
#map1 = affine_map<(d0, d1) -> (0, 0, 0, 0)>
#map2 = affine_map<(d0, d1) -> (0, 0, 0)>
module attributes {stable_mosaic.version = 14 : i64} {
  func.func @_msg_kernel(%arg0: i32, %arg1: i32, %arg2: memref<10000x128xf32, #tpu.memory_space<hbm>>, %arg3: memref<32x100x2x100xi32, #tpu.memory_space<hbm>>, %arg4: memref<2x10240x128xf32, #tpu.memory_space<hbm>>, %arg5: memref<2x100xi32, #tpu.memory_space<vmem>>, %arg6: memref<2x100xi32, #tpu.memory_space<vmem>>, %arg7: memref<2x100xi32, #tpu.memory_space<vmem>>, %arg8: memref<2x100xi32, #tpu.memory_space<vmem>>, %arg9: memref<100x128xf32, #tpu.memory_space<vmem>>, %arg10: memref<100x128xf32, #tpu.memory_space<vmem>>, %arg11: memref<16x128xf32, #tpu.memory_space<vmem>>, %arg12: memref<10240x128xf32, #tpu.memory_space<vmem_shared>>, %arg13: memref<!tpu.dma_semaphore, #tpu.memory_space<semaphore_mem>>, %arg14: memref<!tpu.dma_semaphore, #tpu.memory_space<semaphore_mem>>, %arg15: memref<!tpu.dma_semaphore, #tpu.memory_space<semaphore_mem>>, %arg16: memref<!tpu.dma_semaphore, #tpu.memory_space<semaphore_mem>>, %arg17: memref<!tpu.dma_semaphore, #tpu.memory_space<semaphore_mem>>, %arg18: memref<!tpu.dma_semaphore, #tpu.memory_space<semaphore_mem>>, %arg19: memref<!tpu.dma_semaphore, #tpu.memory_space<semaphore_mem>>, %arg20: memref<!tpu.dma_semaphore, #tpu.memory_space<semaphore_mem>>, %arg21: memref<!tpu.dma_semaphore, #tpu.memory_space<semaphore_mem>>) attributes {dimension_semantics = [#tpu.dimension_semantics<core_parallel>, #tpu.dimension_semantics<subcore_parallel>], iteration_bounds = array<i64: 2, 16>, scalar_prefetch = 0 : i64, scratch_operands = 17 : i64, tpu.core_type = #tpu.core_type<sc_vector_subcore>, window_params = [{transform_indices = #map}, {transform_indices = #map1}, {transform_indices = #map2}]} {
    %mul3A = arith.constant 2 : i32
    %mul3A_0 = arith.muli %arg1, %mul3A : i32
    %add3A = arith.addi %mul3A_0, %arg0 : i32
    %scan3A = arith.constant 0 : i32
    %scan3A_1 = arith.constant 0 : i32
    %scan3A_2 = arith.constant 16 : i32
    %scan3A_3 = arith.addi %scan3A_1, %scan3A_2 : i32
    %scan3A_4 = arith.constant 1 : i32
    %scan3A_5 = scf.for %scan3A_461 = %scan3A_1 to %scan3A_3 step %scan3A_4 iter_args(%scan3A_462 = %scan3A) -> (i32)  : i32 {
      %broadcast_in_dim3A = arith.constant 0.000000e+00 : f32
      %broadcast_in_dim3A_463 = vector.broadcast %broadcast_in_dim3A : f32 to vector<16xf32>
      %swap3A = arith.index_cast %scan3A_461 : i32 to index
      %swap3A_464 = arith.constant 0 : index
      %swap3A_465 = tpu.vector_load %arg11[%swap3A, %swap3A_464] {strides = array<i32>} : memref<16x128xf32, #tpu.memory_space<vmem>>, vector<1x16xf32>,
      %swap3A_466 = vector.shape_cast %swap3A_465 : vector<1x16xf32> to vector<16xf32>
      %swap3A_467 = vector.shape_cast %broadcast_in_dim3A_463 : vector<16xf32> to vector<1x16xf32>
      tpu.vector_store %arg11[%swap3A, %swap3A_464], %swap3A_467 {strides = array<i32>} : memref<16x128xf32, #tpu.memory_space<vmem>>, vector<1x16xf32>,
      %broadcast_in_dim3A_468 = arith.constant 0.000000e+00 : f32
      %broadcast_in_dim3A_469 = vector.broadcast %broadcast_in_dim3A_468 : f32 to vector<16xf32>
      %swap3A_470 = arith.index_cast %scan3A_461 : i32 to index
      %swap3A_471 = arith.constant 16 : index
      %swap3A_472 = tpu.vector_load %arg11[%swap3A_470, %swap3A_471] {strides = array<i32>} : memref<16x128xf32, #tpu.memory_space<vmem>>, vector<1x16xf32>,
      %swap3A_473 = vector.shape_cast %swap3A_472 : vector<1x16xf32> to vector<16xf32>
      %swap3A_474 = vector.shape_cast %broadcast_in_dim3A_469 : vector<16xf32> to vector<1x16xf32>
      tpu.vector_store %arg11[%swap3A_470, %swap3A_471], %swap3A_474 {strides = array<i32>} : memref<16x128xf32, #tpu.memory_space<vmem>>, vector<1x16xf32>,
      %broadcast_in_dim3A_475 = arith.constant 0.000000e+00 : f32
      %broadcast_in_dim3A_476 = vector.broadcast %broadcast_in_dim3A_475 : f32 to vector<16xf32>
      %swap3A_477 = arith.index_cast %scan3A_461 : i32 to index
      %swap3A_478 = arith.constant 32 : index
      %swap3A_479 = tpu.vector_load %arg11[%swap3A_477, %swap3A_478] {strides = array<i32>} : memref<16x128xf32, #tpu.memory_space<vmem>>, vector<1x16xf32>,
      %swap3A_480 = vector.shape_cast %swap3A_479 : vector<1x16xf32> to vector<16xf32>
      %swap3A_481 = vector.shape_cast %broadcast_in_dim3A_476 : vector<16xf32> to vector<1x16xf32>
      tpu.vector_store %arg11[%swap3A_477, %swap3A_478], %swap3A_481 {strides = array<i32>} : memref<16x128xf32, #tpu.memory_space<vmem>>, vector<1x16xf32>,
      %broadcast_in_dim3A_482 = arith.constant 0.000000e+00 : f32
      %broadcast_in_dim3A_483 = vector.broadcast %broadcast_in_dim3A_482 : f32 to vector<16xf32>
      %swap3A_484 = arith.index_cast %scan3A_461 : i32 to index
      %swap3A_485 = arith.constant 48 : index
      %swap3A_486 = tpu.vector_load %arg11[%swap3A_484, %swap3A_485] {strides = array<i32>} : memref<16x128xf32, #tpu.memory_space<vmem>>, vector<1x16xf32>,
      %swap3A_487 = vector.shape_cast %swap3A_486 : vector<1x16xf32> to vector<16xf32>
      %swap3A_488 = vector.shape_cast %broadcast_in_dim3A_483 : vector<16xf32> to vector<1x16xf32>
      tpu.vector_store %arg11[%swap3A_484, %swap3A_485], %swap3A_488 {strides = array<i32>} : memref<16x128xf32, #tpu.memory_space<vmem>>, vector<1x16xf32>,
      %broadcast_in_dim3A_489 = arith.constant 0.000000e+00 : f32
      %broadcast_in_dim3A_490 = vector.broadcast %broadcast_in_dim3A_489 : f32 to vector<16xf32>
      %swap3A_491 = arith.index_cast %scan3A_461 : i32 to index
      %swap3A_492 = arith.constant 64 : index
      %swap3A_493 = tpu.vector_load %arg11[%swap3A_491, %swap3A_492] {strides = array<i32>} : memref<16x128xf32, #tpu.memory_space<vmem>>, vector<1x16xf32>,
      %swap3A_494 = vector.shape_cast %swap3A_493 : vector<1x16xf32> to vector<16xf32>
      %swap3A_495 = vector.shape_cast %broadcast_in_dim3A_490 : vector<16xf32> to vector<1x16xf32>
      tpu.vector_store %arg11[%swap3A_491, %swap3A_492], %swap3A_495 {strides = array<i32>} : memref<16x128xf32, #tpu.memory_space<vmem>>, vector<1x16xf32>,
      %broadcast_in_dim3A_496 = arith.constant 0.000000e+00 : f32
      %broadcast_in_dim3A_497 = vector.broadcast %broadcast_in_dim3A_496 : f32 to vector<16xf32>
      %swap3A_498 = arith.index_cast %scan3A_461 : i32 to index
      %swap3A_499 = arith.constant 80 : index
      %swap3A_500 = tpu.vector_load %arg11[%swap3A_498, %swap3A_499] {strides = array<i32>} : memref<16x128xf32, #tpu.memory_space<vmem>>, vector<1x16xf32>,
      %swap3A_501 = vector.shape_cast %swap3A_500 : vector<1x16xf32> to vector<16xf32>
      %swap3A_502 = vector.shape_cast %broadcast_in_dim3A_497 : vector<16xf32> to vector<1x16xf32>
      tpu.vector_store %arg11[%swap3A_498, %swap3A_499], %swap3A_502 {strides = array<i32>} : memref<16x128xf32, #tpu.memory_space<vmem>>, vector<1x16xf32>,
      %broadcast_in_dim3A_503 = arith.constant 0.000000e+00 : f32
      %broadcast_in_dim3A_504 = vector.broadcast %broadcast_in_dim3A_503 : f32 to vector<16xf32>
      %swap3A_505 = arith.index_cast %scan3A_461 : i32 to index
      %swap3A_506 = arith.constant 96 : index
      %swap3A_507 = tpu.vector_load %arg11[%swap3A_505, %swap3A_506] {strides = array<i32>} : memref<16x128xf32, #tpu.memory_space<vmem>>, vector<1x16xf32>,
      %swap3A_508 = vector.shape_cast %swap3A_507 : vector<1x16xf32> to vector<16xf32>
      %swap3A_509 = vector.shape_cast %broadcast_in_dim3A_504 : vector<16xf32> to vector<1x16xf32>
      tpu.vector_store %arg11[%swap3A_505, %swap3A_506], %swap3A_509 {strides = array<i32>} : memref<16x128xf32, #tpu.memory_space<vmem>>, vector<1x16xf32>,
      %broadcast_in_dim3A_510 = arith.constant 0.000000e+00 : f32
      %broadcast_in_dim3A_511 = vector.broadcast %broadcast_in_dim3A_510 : f32 to vector<16xf32>
      %swap3A_512 = arith.index_cast %scan3A_461 : i32 to index
      %swap3A_513 = arith.constant 112 : index
      %swap3A_514 = tpu.vector_load %arg11[%swap3A_512, %swap3A_513] {strides = array<i32>} : memref<16x128xf32, #tpu.memory_space<vmem>>, vector<1x16xf32>,
      %swap3A_515 = vector.shape_cast %swap3A_514 : vector<1x16xf32> to vector<16xf32>
      %swap3A_516 = vector.shape_cast %broadcast_in_dim3A_511 : vector<16xf32> to vector<1x16xf32>
      tpu.vector_store %arg11[%swap3A_512, %swap3A_513], %swap3A_516 {strides = array<i32>} : memref<16x128xf32, #tpu.memory_space<vmem>>, vector<1x16xf32>,
      %scan3A_517 = arith.constant 0 : i32
      scf.yield %scan3A_517 : i32
    }
    %scan3A_6 = arith.constant 16 : i32
    %mul3A_7 = arith.constant 640 : i32
    %mul3A_8 = arith.muli %arg1, %mul3A_7 : i32
    %add3A_9 = arith.constant 0 : i32
    %add3A_10 = arith.addi %mul3A_8, %add3A_9 : i32
    %dma_start3A = arith.constant 0 : i32
    %dma_start3A_11 = tpu.memref_slice %arg12[%add3A_10, %dma_start3A] : memref<10240x128xf32, #tpu.memory_space<vmem_shared>> -> memref<16x128xf32, #tpu.memory_space<vmem_shared>>
    %dma_start3A_12 = arith.constant 0 : i32
    %dma_start3A_13 = tpu.memref_slice %arg12[%add3A_10, %dma_start3A_12] : memref<10240x128xf32, #tpu.memory_space<vmem_shared>> -> memref<16x128xf32, #tpu.memory_space<vmem_shared>>
    tpu.enqueue_dma source(%arg11 : memref<16x128xf32, #tpu.memory_space<vmem>>) target(%dma_start3A_13 : memref<16x128xf32, #tpu.memory_space<vmem_shared>>) target_semaphore(%arg21 : memref<!tpu.dma_semaphore, #tpu.memory_space<semaphore_mem>>)
    %mul3A_14 = arith.constant 640 : i32
    %mul3A_15 = arith.muli %arg1, %mul3A_14 : i32
    %add3A_16 = arith.constant 16 : i32
    %add3A_17 = arith.addi %mul3A_15, %add3A_16 : i32
    %dma_start3A_18 = arith.constant 0 : i32
    %dma_start3A_19 = tpu.memref_slice %arg12[%add3A_17, %dma_start3A_18] : memref<10240x128xf32, #tpu.memory_space<vmem_shared>> -> memref<16x128xf32, #tpu.memory_space<vmem_shared>>
    %dma_start3A_20 = arith.constant 0 : i32
    %dma_start3A_21 = tpu.memref_slice %arg12[%add3A_17, %dma_start3A_20] : memref<10240x128xf32, #tpu.memory_space<vmem_shared>> -> memref<16x128xf32, #tpu.memory_space<vmem_shared>>
    tpu.enqueue_dma source(%arg11 : memref<16x128xf32, #tpu.memory_space<vmem>>) target(%dma_start3A_21 : memref<16x128xf32, #tpu.memory_space<vmem_shared>>) target_semaphore(%arg21 : memref<!tpu.dma_semaphore, #tpu.memory_space<semaphore_mem>>)
    %mul3A_22 = arith.constant 640 : i32
    %mul3A_23 = arith.muli %arg1, %mul3A_22 : i32
    %add3A_24 = arith.constant 32 : i32
    %add3A_25 = arith.addi %mul3A_23, %add3A_24 : i32
    %dma_start3A_26 = arith.constant 0 : i32
    %dma_start3A_27 = tpu.memref_slice %arg12[%add3A_25, %dma_start3A_26] : memref<10240x128xf32, #tpu.memory_space<vmem_shared>> -> memref<16x128xf32, #tpu.memory_space<vmem_shared>>
    %dma_start3A_28 = arith.constant 0 : i32
    %dma_start3A_29 = tpu.memref_slice %arg12[%add3A_25, %dma_start3A_28] : memref<10240x128xf32, #tpu.memory_space<vmem_shared>> -> memref<16x128xf32, #tpu.memory_space<vmem_shared>>
    tpu.enqueue_dma source(%arg11 : memref<16x128xf32, #tpu.memory_space<vmem>>) target(%dma_start3A_29 : memref<16x128xf32, #tpu.memory_space<vmem_shared>>) target_semaphore(%arg21 : memref<!tpu.dma_semaphore, #tpu.memory_space<semaphore_mem>>)
    %mul3A_30 = arith.constant 640 : i32
    %mul3A_31 = arith.muli %arg1, %mul3A_30 : i32
    %add3A_32 = arith.constant 48 : i32
    %add3A_33 = arith.addi %mul3A_31, %add3A_32 : i32
    %dma_start3A_34 = arith.constant 0 : i32
    %dma_start3A_35 = tpu.memref_slice %arg12[%add3A_33, %dma_start3A_34] : memref<10240x128xf32, #tpu.memory_space<vmem_shared>> -> memref<16x128xf32, #tpu.memory_space<vmem_shared>>
    %dma_start3A_36 = arith.constant 0 : i32
    %dma_start3A_37 = tpu.memref_slice %arg12[%add3A_33, %dma_start3A_36] : memref<10240x128xf32, #tpu.memory_space<vmem_shared>> -> memref<16x128xf32, #tpu.memory_space<vmem_shared>>
    tpu.enqueue_dma source(%arg11 : memref<16x128xf32, #tpu.memory_space<vmem>>) target(%dma_start3A_37 : memref<16x128xf32, #tpu.memory_space<vmem_shared>>) target_semaphore(%arg21 : memref<!tpu.dma_semaphore, #tpu.memory_space<semaphore_mem>>)
    %scan3A_38 = arith.constant 0 : i32
    %scan3A_39 = arith.constant 4 : i32
    %scan3A_40 = arith.constant 36 : i32
    %scan3A_41 = arith.addi %scan3A_39, %scan3A_40 : i32
    %scan3A_42 = arith.constant 1 : i32
    %scan3A_43 = scf.for %scan3A_461 = %scan3A_39 to %scan3A_41 step %scan3A_42 iter_args(%scan3A_462 = %scan3A_38) -> (i32)  : i32 {
      %mul3A_463 = arith.constant 640 : i32
      %mul3A_464 = arith.muli %arg1, %mul3A_463 : i32
      %mul3A_465 = arith.constant 16 : i32
      %mul3A_466 = arith.muli %scan3A_461, %mul3A_465 : i32
      %add3A_467 = arith.addi %mul3A_464, %mul3A_466 : i32
      %dma_start3A_468 = arith.constant 0 : i32
      %dma_start3A_469 = tpu.memref_slice %arg12[%add3A_467, %dma_start3A_468] : memref<10240x128xf32, #tpu.memory_space<vmem_shared>> -> memref<16x128xf32, #tpu.memory_space<vmem_shared>>
      %dma_start3A_470 = arith.constant 0 : i32
      %dma_start3A_471 = tpu.memref_slice %arg12[%add3A_467, %dma_start3A_470] : memref<10240x128xf32, #tpu.memory_space<vmem_shared>> -> memref<16x128xf32, #tpu.memory_space<vmem_shared>>
      tpu.enqueue_dma source(%arg11 : memref<16x128xf32, #tpu.memory_space<vmem>>) target(%dma_start3A_471 : memref<16x128xf32, #tpu.memory_space<vmem_shared>>) target_semaphore(%arg21 : memref<!tpu.dma_semaphore, #tpu.memory_space<semaphore_mem>>)
      %dma_wait3A_472 = arith.constant 0 : i32
      %dma_wait3A_473 = arith.constant 0 : i32
      %dma_wait3A_474 = tpu.memref_slice %arg12[%dma_wait3A_472, %dma_wait3A_473] : memref<10240x128xf32, #tpu.memory_space<vmem_shared>> -> memref<16x128xf32, #tpu.memory_space<vmem_shared>>
      %dma_wait3A_475 = arith.constant 0 : i32
      %dma_wait3A_476 = arith.constant 0 : i32
      %dma_wait3A_477 = tpu.memref_slice %arg12[%dma_wait3A_475, %dma_wait3A_476] : memref<10240x128xf32, #tpu.memory_space<vmem_shared>> -> memref<16x128xf32, #tpu.memory_space<vmem_shared>>
      tpu.wait_dma2 semaphore(%arg21 : memref<!tpu.dma_semaphore, #tpu.memory_space<semaphore_mem>>) src(%arg11 : memref<16x128xf32, #tpu.memory_space<vmem>>) dst(%dma_wait3A_477 : memref<16x128xf32, #tpu.memory_space<vmem_shared>>)
      %scan3A_478 = arith.constant 0 : i32
      scf.yield %scan3A_478 : i32
    }
    %scan3A_44 = arith.constant 36 : i32
    %dma_wait3A = arith.constant 0 : i32
    %dma_wait3A_45 = arith.constant 0 : i32
    %dma_wait3A_46 = tpu.memref_slice %arg12[%dma_wait3A, %dma_wait3A_45] : memref<10240x128xf32, #tpu.memory_space<vmem_shared>> -> memref<16x128xf32, #tpu.memory_space<vmem_shared>>
    %dma_wait3A_47 = arith.constant 0 : i32
    %dma_wait3A_48 = arith.constant 0 : i32
    %dma_wait3A_49 = tpu.memref_slice %arg12[%dma_wait3A_47, %dma_wait3A_48] : memref<10240x128xf32, #tpu.memory_space<vmem_shared>> -> memref<16x128xf32, #tpu.memory_space<vmem_shared>>
    tpu.wait_dma2 semaphore(%arg21 : memref<!tpu.dma_semaphore, #tpu.memory_space<semaphore_mem>>) src(%arg11 : memref<16x128xf32, #tpu.memory_space<vmem>>) dst(%dma_wait3A_49 : memref<16x128xf32, #tpu.memory_space<vmem_shared>>)
    %dma_wait3A_50 = arith.constant 0 : i32
    %dma_wait3A_51 = arith.constant 0 : i32
    %dma_wait3A_52 = tpu.memref_slice %arg12[%dma_wait3A_50, %dma_wait3A_51] : memref<10240x128xf32, #tpu.memory_space<vmem_shared>> -> memref<16x128xf32, #tpu.memory_space<vmem_shared>>
    %dma_wait3A_53 = arith.constant 0 : i32
    %dma_wait3A_54 = arith.constant 0 : i32
    %dma_wait3A_55 = tpu.memref_slice %arg12[%dma_wait3A_53, %dma_wait3A_54] : memref<10240x128xf32, #tpu.memory_space<vmem_shared>> -> memref<16x128xf32, #tpu.memory_space<vmem_shared>>
    tpu.wait_dma2 semaphore(%arg21 : memref<!tpu.dma_semaphore, #tpu.memory_space<semaphore_mem>>) src(%arg11 : memref<16x128xf32, #tpu.memory_space<vmem>>) dst(%dma_wait3A_55 : memref<16x128xf32, #tpu.memory_space<vmem_shared>>)
    %dma_wait3A_56 = arith.constant 0 : i32
    %dma_wait3A_57 = arith.constant 0 : i32
    %dma_wait3A_58 = tpu.memref_slice %arg12[%dma_wait3A_56, %dma_wait3A_57] : memref<10240x128xf32, #tpu.memory_space<vmem_shared>> -> memref<16x128xf32, #tpu.memory_space<vmem_shared>>
    %dma_wait3A_59 = arith.constant 0 : i32
    %dma_wait3A_60 = arith.constant 0 : i32
    %dma_wait3A_61 = tpu.memref_slice %arg12[%dma_wait3A_59, %dma_wait3A_60] : memref<10240x128xf32, #tpu.memory_space<vmem_shared>> -> memref<16x128xf32, #tpu.memory_space<vmem_shared>>
    tpu.wait_dma2 semaphore(%arg21 : memref<!tpu.dma_semaphore, #tpu.memory_space<semaphore_mem>>) src(%arg11 : memref<16x128xf32, #tpu.memory_space<vmem>>) dst(%dma_wait3A_61 : memref<16x128xf32, #tpu.memory_space<vmem_shared>>)
    %dma_wait3A_62 = arith.constant 0 : i32
    %dma_wait3A_63 = arith.constant 0 : i32
    %dma_wait3A_64 = tpu.memref_slice %arg12[%dma_wait3A_62, %dma_wait3A_63] : memref<10240x128xf32, #tpu.memory_space<vmem_shared>> -> memref<16x128xf32, #tpu.memory_space<vmem_shared>>
    %dma_wait3A_65 = arith.constant 0 : i32
    %dma_wait3A_66 = arith.constant 0 : i32
    %dma_wait3A_67 = tpu.memref_slice %arg12[%dma_wait3A_65, %dma_wait3A_66] : memref<10240x128xf32, #tpu.memory_space<vmem_shared>> -> memref<16x128xf32, #tpu.memory_space<vmem_shared>>
    tpu.wait_dma2 semaphore(%arg21 : memref<!tpu.dma_semaphore, #tpu.memory_space<semaphore_mem>>) src(%arg11 : memref<16x128xf32, #tpu.memory_space<vmem>>) dst(%dma_wait3A_67 : memref<16x128xf32, #tpu.memory_space<vmem_shared>>)
    %barrier3A = arith.constant 0 : index
    tpu.barrier barrier_id(%barrier3A)
    %run_scoped3A = arith.constant 0 : i32
    "tpu.region"() ({
      %run_scoped3A_461 = tpu.sem_alloc : memref<!tpu.dma_semaphore, #tpu.memory_space<semaphore_mem>>
      %dma_start3A_462 = arith.constant 0 : i32
      %dma_start3A_463 = arith.constant 0 : i32
      %dma_start3A_464 = tpu.memref_slice %arg3[%add3A, %run_scoped3A, %dma_start3A_462, %dma_start3A_463] : memref<32x100x2x100xi32, #tpu.memory_space<hbm>> -> memref<1x1x2x100xi32, #tpu.memory_space<hbm>>
      %dma_start3A_465 = tpu.memref_squeeze %dma_start3A_464 : memref<1x1x2x100xi32, #tpu.memory_space<hbm>> -> memref<2x100xi32, #tpu.memory_space<hbm>>
      %dma_start3A_466 = arith.constant 0 : i32
      %dma_start3A_467 = arith.constant 0 : i32
      %dma_start3A_468 = tpu.memref_slice %arg3[%add3A, %run_scoped3A, %dma_start3A_466, %dma_start3A_467] : memref<32x100x2x100xi32, #tpu.memory_space<hbm>> -> memref<1x1x2x100xi32, #tpu.memory_space<hbm>>
      %dma_start3A_469 = tpu.memref_squeeze %dma_start3A_468 : memref<1x1x2x100xi32, #tpu.memory_space<hbm>> -> memref<2x100xi32, #tpu.memory_space<hbm>>
      tpu.enqueue_dma source(%dma_start3A_469 : memref<2x100xi32, #tpu.memory_space<hbm>>) target(%arg5 : memref<2x100xi32, #tpu.memory_space<vmem>>) target_semaphore(%run_scoped3A_461 : memref<!tpu.dma_semaphore, #tpu.memory_space<semaphore_mem>>)
      %dma_wait3A_470 = arith.constant 0 : i32
      %dma_wait3A_471 = arith.constant 0 : i32
      %dma_wait3A_472 = tpu.memref_slice %arg3[%add3A, %run_scoped3A, %dma_wait3A_470, %dma_wait3A_471] : memref<32x100x2x100xi32, #tpu.memory_space<hbm>> -> memref<1x1x2x100xi32, #tpu.memory_space<hbm>>
      %dma_wait3A_473 = tpu.memref_squeeze %dma_wait3A_472 : memref<1x1x2x100xi32, #tpu.memory_space<hbm>> -> memref<2x100xi32, #tpu.memory_space<hbm>>
      %dma_wait3A_474 = arith.constant 0 : i32
      %dma_wait3A_475 = arith.constant 0 : i32
      %dma_wait3A_476 = tpu.memref_slice %arg3[%add3A, %run_scoped3A, %dma_wait3A_474, %dma_wait3A_475] : memref<32x100x2x100xi32, #tpu.memory_space<hbm>> -> memref<1x1x2x100xi32, #tpu.memory_space<hbm>>
      %dma_wait3A_477 = tpu.memref_squeeze %dma_wait3A_476 : memref<1x1x2x100xi32, #tpu.memory_space<hbm>> -> memref<2x100xi32, #tpu.memory_space<hbm>>
      tpu.wait_dma2 semaphore(%run_scoped3A_461 : memref<!tpu.dma_semaphore, #tpu.memory_space<semaphore_mem>>) src(%dma_wait3A_477 : memref<2x100xi32, #tpu.memory_space<hbm>>) dst(%arg5 : memref<2x100xi32, #tpu.memory_space<vmem>>)
      tpu.yield
    }) : () -> ()
    %dma_start3A_68 = arith.constant 0 : i32
    %dma_start3A_69 = arith.constant 0 : i32
    %dma_start3A_70 = tpu.memref_slice %arg5[%dma_start3A_68, %dma_start3A_69] : memref<2x100xi32, #tpu.memory_space<vmem>> -> memref<1x100xi32, #tpu.memory_space<vmem>>
    %dma_start3A_71 = tpu.memref_squeeze %dma_start3A_70 : memref<1x100xi32, #tpu.memory_space<vmem>> -> memref<100xi32, #tpu.memory_space<vmem>>
    %dma_start3A_72 = arith.constant 0 : i32
    %dma_start3A_73 = arith.constant 0 : i32
    %dma_start3A_74 = tpu.memref_slice %arg2[%dma_start3A_72, %dma_start3A_73] : memref<10000x128xf32, #tpu.memory_space<hbm>> -> memref<10000x128xf32, #tpu.memory_space<hbm>>
    tpu.enqueue_indirect_dma source(%dma_start3A_74 : memref<10000x128xf32, #tpu.memory_space<hbm>>) target(%arg9 : memref<100x128xf32, #tpu.memory_space<vmem>>) offsets(%dma_start3A_71 : memref<100xi32, #tpu.memory_space<vmem>>) semaphore(%arg17 : memref<!tpu.dma_semaphore, #tpu.memory_space<semaphore_mem>>)
    %dma_start3A_75 = arith.constant 1 : i32
    %dma_start3A_76 = arith.constant 0 : i32
    %dma_start3A_77 = arith.constant 0 : i32
    %dma_start3A_78 = tpu.memref_slice %arg3[%add3A, %dma_start3A_75, %dma_start3A_76, %dma_start3A_77] : memref<32x100x2x100xi32, #tpu.memory_space<hbm>> -> memref<1x1x2x100xi32, #tpu.memory_space<hbm>>
    %dma_start3A_79 = tpu.memref_squeeze %dma_start3A_78 : memref<1x1x2x100xi32, #tpu.memory_space<hbm>> -> memref<2x100xi32, #tpu.memory_space<hbm>>
    %dma_start3A_80 = arith.constant 0 : i32
    %dma_start3A_81 = arith.constant 0 : i32
    %dma_start3A_82 = tpu.memref_slice %arg3[%add3A, %dma_start3A_75, %dma_start3A_80, %dma_start3A_81] : memref<32x100x2x100xi32, #tpu.memory_space<hbm>> -> memref<1x1x2x100xi32, #tpu.memory_space<hbm>>
    %dma_start3A_83 = tpu.memref_squeeze %dma_start3A_82 : memref<1x1x2x100xi32, #tpu.memory_space<hbm>> -> memref<2x100xi32, #tpu.memory_space<hbm>>
    tpu.enqueue_dma source(%dma_start3A_83 : memref<2x100xi32, #tpu.memory_space<hbm>>) target(%arg6 : memref<2x100xi32, #tpu.memory_space<vmem>>) target_semaphore(%arg14 : memref<!tpu.dma_semaphore, #tpu.memory_space<semaphore_mem>>)
    %dma_wait3A_84 = arith.constant 0 : i32
    %dma_wait3A_85 = arith.constant 0 : i32
    %dma_wait3A_86 = arith.constant 0 : i32
    %dma_wait3A_87 = tpu.memref_slice %arg3[%add3A, %dma_wait3A_84, %dma_wait3A_85, %dma_wait3A_86] : memref<32x100x2x100xi32, #tpu.memory_space<hbm>> -> memref<1x1x2x100xi32, #tpu.memory_space<hbm>>
    %dma_wait3A_88 = tpu.memref_squeeze %dma_wait3A_87 : memref<1x1x2x100xi32, #tpu.memory_space<hbm>> -> memref<2x100xi32, #tpu.memory_space<hbm>>
    %dma_wait3A_89 = arith.constant 0 : i32
    %dma_wait3A_90 = arith.constant 0 : i32
    %dma_wait3A_91 = tpu.memref_slice %arg3[%add3A, %dma_wait3A_84, %dma_wait3A_89, %dma_wait3A_90] : memref<32x100x2x100xi32, #tpu.memory_space<hbm>> -> memref<1x1x2x100xi32, #tpu.memory_space<hbm>>
    %dma_wait3A_92 = tpu.memref_squeeze %dma_wait3A_91 : memref<1x1x2x100xi32, #tpu.memory_space<hbm>> -> memref<2x100xi32, #tpu.memory_space<hbm>>
    tpu.wait_dma2 semaphore(%arg14 : memref<!tpu.dma_semaphore, #tpu.memory_space<semaphore_mem>>) src(%dma_wait3A_92 : memref<2x100xi32, #tpu.memory_space<hbm>>) dst(%arg6 : memref<2x100xi32, #tpu.memory_space<vmem>>)
    %dma_start3A_93 = arith.constant 0 : i32
    %dma_start3A_94 = arith.constant 0 : i32
    %dma_start3A_95 = tpu.memref_slice %arg6[%dma_start3A_93, %dma_start3A_94] : memref<2x100xi32, #tpu.memory_space<vmem>> -> memref<1x100xi32, #tpu.memory_space<vmem>>
    %dma_start3A_96 = tpu.memref_squeeze %dma_start3A_95 : memref<1x100xi32, #tpu.memory_space<vmem>> -> memref<100xi32, #tpu.memory_space<vmem>>
    %dma_start3A_97 = arith.constant 0 : i32
    %dma_start3A_98 = arith.constant 0 : i32
    %dma_start3A_99 = tpu.memref_slice %arg2[%dma_start3A_97, %dma_start3A_98] : memref<10000x128xf32, #tpu.memory_space<hbm>> -> memref<10000x128xf32, #tpu.memory_space<hbm>>
    tpu.enqueue_indirect_dma source(%dma_start3A_99 : memref<10000x128xf32, #tpu.memory_space<hbm>>) target(%arg10 : memref<100x128xf32, #tpu.memory_space<vmem>>) offsets(%dma_start3A_96 : memref<100xi32, #tpu.memory_space<vmem>>) semaphore(%arg18 : memref<!tpu.dma_semaphore, #tpu.memory_space<semaphore_mem>>)
    %dma_wait3A_100 = arith.constant 0 : i32
    %dma_wait3A_101 = arith.constant 0 : i32
    %dma_wait3A_102 = tpu.memref_slice %arg5[%dma_wait3A_100, %dma_wait3A_101] : memref<2x100xi32, #tpu.memory_space<vmem>> -> memref<1x100xi32, #tpu.memory_space<vmem>>
    %dma_wait3A_103 = tpu.memref_squeeze %dma_wait3A_102 : memref<1x100xi32, #tpu.memory_space<vmem>> -> memref<100xi32, #tpu.memory_space<vmem>>
    %dma_wait3A_104 = arith.constant 0 : i32
    %dma_wait3A_105 = arith.constant 0 : i32
    %dma_wait3A_106 = tpu.memref_slice %arg2[%dma_wait3A_104, %dma_wait3A_105] : memref<10000x128xf32, #tpu.memory_space<hbm>> -> memref<10000x128xf32, #tpu.memory_space<hbm>>
    tpu.wait_indirect_dma semaphore(%arg17 : memref<!tpu.dma_semaphore, #tpu.memory_space<semaphore_mem>>) src(%dma_wait3A_106 : memref<10000x128xf32, #tpu.memory_space<hbm>>) dst(%arg9 : memref<100x128xf32, #tpu.memory_space<vmem>>)
    %dma_start3A_107 = arith.constant 1 : i32
    %dma_start3A_108 = arith.constant 0 : i32
    %dma_start3A_109 = tpu.memref_slice %arg5[%dma_start3A_107, %dma_start3A_108] : memref<2x100xi32, #tpu.memory_space<vmem>> -> memref<1x100xi32, #tpu.memory_space<vmem>>
    %dma_start3A_110 = tpu.memref_squeeze %dma_start3A_109 : memref<1x100xi32, #tpu.memory_space<vmem>> -> memref<100xi32, #tpu.memory_space<vmem>>
    %dma_start3A_111 = arith.constant 0 : i32
    %dma_start3A_112 = arith.constant 0 : i32
    %dma_start3A_113 = tpu.memref_slice %arg12[%dma_start3A_111, %dma_start3A_112] : memref<10240x128xf32, #tpu.memory_space<vmem_shared>> -> memref<10240x128xf32, #tpu.memory_space<vmem_shared>>
    tpu.enqueue_indirect_dma source(%arg9 : memref<100x128xf32, #tpu.memory_space<vmem>>) target(%dma_start3A_113 : memref<10240x128xf32, #tpu.memory_space<vmem_shared>>) offsets(%dma_start3A_110 : memref<100xi32, #tpu.memory_space<vmem>>) semaphore(%arg19 : memref<!tpu.dma_semaphore, #tpu.memory_space<semaphore_mem>>) {add = true}
    %min3A = arith.constant 2 : i32
    %min3A_114 = arith.constant 99 : i32
    %min3A_115 = arith.minsi %min3A, %min3A_114 : i32
    %dma_start3A_116 = arith.constant 0 : i32
    %dma_start3A_117 = arith.constant 0 : i32
    %dma_start3A_118 = tpu.memref_slice %arg3[%add3A, %min3A_115, %dma_start3A_116, %dma_start3A_117] : memref<32x100x2x100xi32, #tpu.memory_space<hbm>> -> memref<1x1x2x100xi32, #tpu.memory_space<hbm>>
    %dma_start3A_119 = tpu.memref_squeeze %dma_start3A_118 : memref<1x1x2x100xi32, #tpu.memory_space<hbm>> -> memref<2x100xi32, #tpu.memory_space<hbm>>
    %dma_start3A_120 = arith.constant 0 : i32
    %dma_start3A_121 = arith.constant 0 : i32
    %dma_start3A_122 = tpu.memref_slice %arg3[%add3A, %min3A_115, %dma_start3A_120, %dma_start3A_121] : memref<32x100x2x100xi32, #tpu.memory_space<hbm>> -> memref<1x1x2x100xi32, #tpu.memory_space<hbm>>
    %dma_start3A_123 = tpu.memref_squeeze %dma_start3A_122 : memref<1x1x2x100xi32, #tpu.memory_space<hbm>> -> memref<2x100xi32, #tpu.memory_space<hbm>>
    tpu.enqueue_dma source(%dma_start3A_123 : memref<2x100xi32, #tpu.memory_space<hbm>>) target(%arg7 : memref<2x100xi32, #tpu.memory_space<vmem>>) target_semaphore(%arg15 : memref<!tpu.dma_semaphore, #tpu.memory_space<semaphore_mem>>)
    %dma_wait3A_124 = arith.constant 0 : i32
    %dma_wait3A_125 = arith.constant 0 : i32
    %dma_wait3A_126 = arith.constant 0 : i32
    %dma_wait3A_127 = tpu.memref_slice %arg3[%add3A, %dma_wait3A_124, %dma_wait3A_125, %dma_wait3A_126] : memref<32x100x2x100xi32, #tpu.memory_space<hbm>> -> memref<1x1x2x100xi32, #tpu.memory_space<hbm>>
    %dma_wait3A_128 = tpu.memref_squeeze %dma_wait3A_127 : memref<1x1x2x100xi32, #tpu.memory_space<hbm>> -> memref<2x100xi32, #tpu.memory_space<hbm>>
    %dma_wait3A_129 = arith.constant 0 : i32
    %dma_wait3A_130 = arith.constant 0 : i32
    %dma_wait3A_131 = tpu.memref_slice %arg3[%add3A, %dma_wait3A_124, %dma_wait3A_129, %dma_wait3A_130] : memref<32x100x2x100xi32, #tpu.memory_space<hbm>> -> memref<1x1x2x100xi32, #tpu.memory_space<hbm>>
    %dma_wait3A_132 = tpu.memref_squeeze %dma_wait3A_131 : memref<1x1x2x100xi32, #tpu.memory_space<hbm>> -> memref<2x100xi32, #tpu.memory_space<hbm>>
    tpu.wait_dma2 semaphore(%arg15 : memref<!tpu.dma_semaphore, #tpu.memory_space<semaphore_mem>>) src(%dma_wait3A_132 : memref<2x100xi32, #tpu.memory_space<hbm>>) dst(%arg7 : memref<2x100xi32, #tpu.memory_space<vmem>>)
    %dma_wait3A_133 = arith.constant 1 : i32
    %dma_wait3A_134 = arith.constant 0 : i32
    %dma_wait3A_135 = tpu.memref_slice %arg5[%dma_wait3A_133, %dma_wait3A_134] : memref<2x100xi32, #tpu.memory_space<vmem>> -> memref<1x100xi32, #tpu.memory_space<vmem>>
    %dma_wait3A_136 = tpu.memref_squeeze %dma_wait3A_135 : memref<1x100xi32, #tpu.memory_space<vmem>> -> memref<100xi32, #tpu.memory_space<vmem>>
    %dma_wait3A_137 = arith.constant 0 : i32
    %dma_wait3A_138 = arith.constant 0 : i32
    %dma_wait3A_139 = tpu.memref_slice %arg12[%dma_wait3A_137, %dma_wait3A_138] : memref<10240x128xf32, #tpu.memory_space<vmem_shared>> -> memref<10240x128xf32, #tpu.memory_space<vmem_shared>>
    tpu.wait_indirect_dma semaphore(%arg19 : memref<!tpu.dma_semaphore, #tpu.memory_space<semaphore_mem>>) src(%arg9 : memref<100x128xf32, #tpu.memory_space<vmem>>) dst(%dma_wait3A_139 : memref<10240x128xf32, #tpu.memory_space<vmem_shared>>)
    %dma_start3A_140 = arith.constant 0 : i32
    %dma_start3A_141 = arith.constant 0 : i32
    %dma_start3A_142 = tpu.memref_slice %arg7[%dma_start3A_140, %dma_start3A_141] : memref<2x100xi32, #tpu.memory_space<vmem>> -> memref<1x100xi32, #tpu.memory_space<vmem>>
    %dma_start3A_143 = tpu.memref_squeeze %dma_start3A_142 : memref<1x100xi32, #tpu.memory_space<vmem>> -> memref<100xi32, #tpu.memory_space<vmem>>
    %dma_start3A_144 = arith.constant 0 : i32
    %dma_start3A_145 = arith.constant 0 : i32
    %dma_start3A_146 = tpu.memref_slice %arg2[%dma_start3A_144, %dma_start3A_145] : memref<10000x128xf32, #tpu.memory_space<hbm>> -> memref<10000x128xf32, #tpu.memory_space<hbm>>
    tpu.enqueue_indirect_dma source(%dma_start3A_146 : memref<10000x128xf32, #tpu.memory_space<hbm>>) target(%arg9 : memref<100x128xf32, #tpu.memory_space<vmem>>) offsets(%dma_start3A_143 : memref<100xi32, #tpu.memory_space<vmem>>) semaphore(%arg17 : memref<!tpu.dma_semaphore, #tpu.memory_space<semaphore_mem>>)
    %dma_wait3A_147 = arith.constant 0 : i32
    %dma_wait3A_148 = arith.constant 0 : i32
    %dma_wait3A_149 = tpu.memref_slice %arg6[%dma_wait3A_147, %dma_wait3A_148] : memref<2x100xi32, #tpu.memory_space<vmem>> -> memref<1x100xi32, #tpu.memory_space<vmem>>
    %dma_wait3A_150 = tpu.memref_squeeze %dma_wait3A_149 : memref<1x100xi32, #tpu.memory_space<vmem>> -> memref<100xi32, #tpu.memory_space<vmem>>
    %dma_wait3A_151 = arith.constant 0 : i32
    %dma_wait3A_152 = arith.constant 0 : i32
    %dma_wait3A_153 = tpu.memref_slice %arg2[%dma_wait3A_151, %dma_wait3A_152] : memref<10000x128xf32, #tpu.memory_space<hbm>> -> memref<10000x128xf32, #tpu.memory_space<hbm>>
    tpu.wait_indirect_dma semaphore(%arg18 : memref<!tpu.dma_semaphore, #tpu.memory_space<semaphore_mem>>) src(%dma_wait3A_153 : memref<10000x128xf32, #tpu.memory_space<hbm>>) dst(%arg10 : memref<100x128xf32, #tpu.memory_space<vmem>>)
    %dma_start3A_154 = arith.constant 1 : i32
    %dma_start3A_155 = arith.constant 0 : i32
    %dma_start3A_156 = tpu.memref_slice %arg6[%dma_start3A_154, %dma_start3A_155] : memref<2x100xi32, #tpu.memory_space<vmem>> -> memref<1x100xi32, #tpu.memory_space<vmem>>
    %dma_start3A_157 = tpu.memref_squeeze %dma_start3A_156 : memref<1x100xi32, #tpu.memory_space<vmem>> -> memref<100xi32, #tpu.memory_space<vmem>>
    %dma_start3A_158 = arith.constant 0 : i32
    %dma_start3A_159 = arith.constant 0 : i32
    %dma_start3A_160 = tpu.memref_slice %arg12[%dma_start3A_158, %dma_start3A_159] : memref<10240x128xf32, #tpu.memory_space<vmem_shared>> -> memref<10240x128xf32, #tpu.memory_space<vmem_shared>>
    tpu.enqueue_indirect_dma source(%arg10 : memref<100x128xf32, #tpu.memory_space<vmem>>) target(%dma_start3A_160 : memref<10240x128xf32, #tpu.memory_space<vmem_shared>>) offsets(%dma_start3A_157 : memref<100xi32, #tpu.memory_space<vmem>>) semaphore(%arg20 : memref<!tpu.dma_semaphore, #tpu.memory_space<semaphore_mem>>) {add = true}
    %min3A_161 = arith.constant 3 : i32
    %min3A_162 = arith.constant 99 : i32
    %min3A_163 = arith.minsi %min3A_161, %min3A_162 : i32
    %dma_start3A_164 = arith.constant 0 : i32
    %dma_start3A_165 = arith.constant 0 : i32
    %dma_start3A_166 = tpu.memref_slice %arg3[%add3A, %min3A_163, %dma_start3A_164, %dma_start3A_165] : memref<32x100x2x100xi32, #tpu.memory_space<hbm>> -> memref<1x1x2x100xi32, #tpu.memory_space<hbm>>
    %dma_start3A_167 = tpu.memref_squeeze %dma_start3A_166 : memref<1x1x2x100xi32, #tpu.memory_space<hbm>> -> memref<2x100xi32, #tpu.memory_space<hbm>>
    %dma_start3A_168 = arith.constant 0 : i32
    %dma_start3A_169 = arith.constant 0 : i32
    %dma_start3A_170 = tpu.memref_slice %arg3[%add3A, %min3A_163, %dma_start3A_168, %dma_start3A_169] : memref<32x100x2x100xi32, #tpu.memory_space<hbm>> -> memref<1x1x2x100xi32, #tpu.memory_space<hbm>>
    %dma_start3A_171 = tpu.memref_squeeze %dma_start3A_170 : memref<1x1x2x100xi32, #tpu.memory_space<hbm>> -> memref<2x100xi32, #tpu.memory_space<hbm>>
    tpu.enqueue_dma source(%dma_start3A_171 : memref<2x100xi32, #tpu.memory_space<hbm>>) target(%arg8 : memref<2x100xi32, #tpu.memory_space<vmem>>) target_semaphore(%arg16 : memref<!tpu.dma_semaphore, #tpu.memory_space<semaphore_mem>>)
    %dma_wait3A_172 = arith.constant 0 : i32
    %dma_wait3A_173 = arith.constant 0 : i32
    %dma_wait3A_174 = arith.constant 0 : i32
    %dma_wait3A_175 = tpu.memref_slice %arg3[%add3A, %dma_wait3A_172, %dma_wait3A_173, %dma_wait3A_174] : memref<32x100x2x100xi32, #tpu.memory_space<hbm>> -> memref<1x1x2x100xi32, #tpu.memory_space<hbm>>
    %dma_wait3A_176 = tpu.memref_squeeze %dma_wait3A_175 : memref<1x1x2x100xi32, #tpu.memory_space<hbm>> -> memref<2x100xi32, #tpu.memory_space<hbm>>
    %dma_wait3A_177 = arith.constant 0 : i32
    %dma_wait3A_178 = arith.constant 0 : i32
    %dma_wait3A_179 = tpu.memref_slice %arg3[%add3A, %dma_wait3A_172, %dma_wait3A_177, %dma_wait3A_178] : memref<32x100x2x100xi32, #tpu.memory_space<hbm>> -> memref<1x1x2x100xi32, #tpu.memory_space<hbm>>
    %dma_wait3A_180 = tpu.memref_squeeze %dma_wait3A_179 : memref<1x1x2x100xi32, #tpu.memory_space<hbm>> -> memref<2x100xi32, #tpu.memory_space<hbm>>
    tpu.wait_dma2 semaphore(%arg16 : memref<!tpu.dma_semaphore, #tpu.memory_space<semaphore_mem>>) src(%dma_wait3A_180 : memref<2x100xi32, #tpu.memory_space<hbm>>) dst(%arg8 : memref<2x100xi32, #tpu.memory_space<vmem>>)
    %dma_wait3A_181 = arith.constant 1 : i32
    %dma_wait3A_182 = arith.constant 0 : i32
    %dma_wait3A_183 = tpu.memref_slice %arg6[%dma_wait3A_181, %dma_wait3A_182] : memref<2x100xi32, #tpu.memory_space<vmem>> -> memref<1x100xi32, #tpu.memory_space<vmem>>
    %dma_wait3A_184 = tpu.memref_squeeze %dma_wait3A_183 : memref<1x100xi32, #tpu.memory_space<vmem>> -> memref<100xi32, #tpu.memory_space<vmem>>
    %dma_wait3A_185 = arith.constant 0 : i32
    %dma_wait3A_186 = arith.constant 0 : i32
    %dma_wait3A_187 = tpu.memref_slice %arg12[%dma_wait3A_185, %dma_wait3A_186] : memref<10240x128xf32, #tpu.memory_space<vmem_shared>> -> memref<10240x128xf32, #tpu.memory_space<vmem_shared>>
    tpu.wait_indirect_dma semaphore(%arg20 : memref<!tpu.dma_semaphore, #tpu.memory_space<semaphore_mem>>) src(%arg10 : memref<100x128xf32, #tpu.memory_space<vmem>>) dst(%dma_wait3A_187 : memref<10240x128xf32, #tpu.memory_space<vmem_shared>>)
    %dma_start3A_188 = arith.constant 0 : i32
    %dma_start3A_189 = arith.constant 0 : i32
    %dma_start3A_190 = tpu.memref_slice %arg8[%dma_start3A_188, %dma_start3A_189] : memref<2x100xi32, #tpu.memory_space<vmem>> -> memref<1x100xi32, #tpu.memory_space<vmem>>
    %dma_start3A_191 = tpu.memref_squeeze %dma_start3A_190 : memref<1x100xi32, #tpu.memory_space<vmem>> -> memref<100xi32, #tpu.memory_space<vmem>>
    %dma_start3A_192 = arith.constant 0 : i32
    %dma_start3A_193 = arith.constant 0 : i32
    %dma_start3A_194 = tpu.memref_slice %arg2[%dma_start3A_192, %dma_start3A_193] : memref<10000x128xf32, #tpu.memory_space<hbm>> -> memref<10000x128xf32, #tpu.memory_space<hbm>>
    tpu.enqueue_indirect_dma source(%dma_start3A_194 : memref<10000x128xf32, #tpu.memory_space<hbm>>) target(%arg10 : memref<100x128xf32, #tpu.memory_space<vmem>>) offsets(%dma_start3A_191 : memref<100xi32, #tpu.memory_space<vmem>>) semaphore(%arg18 : memref<!tpu.dma_semaphore, #tpu.memory_space<semaphore_mem>>)
    %dma_wait3A_195 = arith.constant 0 : i32
    %dma_wait3A_196 = arith.constant 0 : i32
    %dma_wait3A_197 = tpu.memref_slice %arg7[%dma_wait3A_195, %dma_wait3A_196] : memref<2x100xi32, #tpu.memory_space<vmem>> -> memref<1x100xi32, #tpu.memory_space<vmem>>
    %dma_wait3A_198 = tpu.memref_squeeze %dma_wait3A_197 : memref<1x100xi32, #tpu.memory_space<vmem>> -> memref<100xi32, #tpu.memory_space<vmem>>
    %dma_wait3A_199 = arith.constant 0 : i32
    %dma_wait3A_200 = arith.constant 0 : i32
    %dma_wait3A_201 = tpu.memref_slice %arg2[%dma_wait3A_199, %dma_wait3A_200] : memref<10000x128xf32, #tpu.memory_space<hbm>> -> memref<10000x128xf32, #tpu.memory_space<hbm>>
    tpu.wait_indirect_dma semaphore(%arg17 : memref<!tpu.dma_semaphore, #tpu.memory_space<semaphore_mem>>) src(%dma_wait3A_201 : memref<10000x128xf32, #tpu.memory_space<hbm>>) dst(%arg9 : memref<100x128xf32, #tpu.memory_space<vmem>>)
    %dma_start3A_202 = arith.constant 1 : i32
    %dma_start3A_203 = arith.constant 0 : i32
    %dma_start3A_204 = tpu.memref_slice %arg7[%dma_start3A_202, %dma_start3A_203] : memref<2x100xi32, #tpu.memory_space<vmem>> -> memref<1x100xi32, #tpu.memory_space<vmem>>
    %dma_start3A_205 = tpu.memref_squeeze %dma_start3A_204 : memref<1x100xi32, #tpu.memory_space<vmem>> -> memref<100xi32, #tpu.memory_space<vmem>>
    %dma_start3A_206 = arith.constant 0 : i32
    %dma_start3A_207 = arith.constant 0 : i32
    %dma_start3A_208 = tpu.memref_slice %arg12[%dma_start3A_206, %dma_start3A_207] : memref<10240x128xf32, #tpu.memory_space<vmem_shared>> -> memref<10240x128xf32, #tpu.memory_space<vmem_shared>>
    tpu.enqueue_indirect_dma source(%arg9 : memref<100x128xf32, #tpu.memory_space<vmem>>) target(%dma_start3A_208 : memref<10240x128xf32, #tpu.memory_space<vmem_shared>>) offsets(%dma_start3A_205 : memref<100xi32, #tpu.memory_space<vmem>>) semaphore(%arg19 : memref<!tpu.dma_semaphore, #tpu.memory_space<semaphore_mem>>) {add = true}
    %min3A_209 = arith.constant 4 : i32
    %min3A_210 = arith.constant 99 : i32
    %min3A_211 = arith.minsi %min3A_209, %min3A_210 : i32
    %dma_start3A_212 = arith.constant 0 : i32
    %dma_start3A_213 = arith.constant 0 : i32
    %dma_start3A_214 = tpu.memref_slice %arg3[%add3A, %min3A_211, %dma_start3A_212, %dma_start3A_213] : memref<32x100x2x100xi32, #tpu.memory_space<hbm>> -> memref<1x1x2x100xi32, #tpu.memory_space<hbm>>
    %dma_start3A_215 = tpu.memref_squeeze %dma_start3A_214 : memref<1x1x2x100xi32, #tpu.memory_space<hbm>> -> memref<2x100xi32, #tpu.memory_space<hbm>>
    %dma_start3A_216 = arith.constant 0 : i32
    %dma_start3A_217 = arith.constant 0 : i32
    %dma_start3A_218 = tpu.memref_slice %arg3[%add3A, %min3A_211, %dma_start3A_216, %dma_start3A_217] : memref<32x100x2x100xi32, #tpu.memory_space<hbm>> -> memref<1x1x2x100xi32, #tpu.memory_space<hbm>>
    %dma_start3A_219 = tpu.memref_squeeze %dma_start3A_218 : memref<1x1x2x100xi32, #tpu.memory_space<hbm>> -> memref<2x100xi32, #tpu.memory_space<hbm>>
    tpu.enqueue_dma source(%dma_start3A_219 : memref<2x100xi32, #tpu.memory_space<hbm>>) target(%arg5 : memref<2x100xi32, #tpu.memory_space<vmem>>) target_semaphore(%arg13 : memref<!tpu.dma_semaphore, #tpu.memory_space<semaphore_mem>>)
    %dma_wait3A_220 = arith.constant 0 : i32
    %dma_wait3A_221 = arith.constant 0 : i32
    %dma_wait3A_222 = arith.constant 0 : i32
    %dma_wait3A_223 = tpu.memref_slice %arg3[%add3A, %dma_wait3A_220, %dma_wait3A_221, %dma_wait3A_222] : memref<32x100x2x100xi32, #tpu.memory_space<hbm>> -> memref<1x1x2x100xi32, #tpu.memory_space<hbm>>
    %dma_wait3A_224 = tpu.memref_squeeze %dma_wait3A_223 : memref<1x1x2x100xi32, #tpu.memory_space<hbm>> -> memref<2x100xi32, #tpu.memory_space<hbm>>
    %dma_wait3A_225 = arith.constant 0 : i32
    %dma_wait3A_226 = arith.constant 0 : i32
    %dma_wait3A_227 = tpu.memref_slice %arg3[%add3A, %dma_wait3A_220, %dma_wait3A_225, %dma_wait3A_226] : memref<32x100x2x100xi32, #tpu.memory_space<hbm>> -> memref<1x1x2x100xi32, #tpu.memory_space<hbm>>
    %dma_wait3A_228 = tpu.memref_squeeze %dma_wait3A_227 : memref<1x1x2x100xi32, #tpu.memory_space<hbm>> -> memref<2x100xi32, #tpu.memory_space<hbm>>
    tpu.wait_dma2 semaphore(%arg13 : memref<!tpu.dma_semaphore, #tpu.memory_space<semaphore_mem>>) src(%dma_wait3A_228 : memref<2x100xi32, #tpu.memory_space<hbm>>) dst(%arg5 : memref<2x100xi32, #tpu.memory_space<vmem>>)
    %dma_wait3A_229 = arith.constant 1 : i32
    %dma_wait3A_230 = arith.constant 0 : i32
    %dma_wait3A_231 = tpu.memref_slice %arg7[%dma_wait3A_229, %dma_wait3A_230] : memref<2x100xi32, #tpu.memory_space<vmem>> -> memref<1x100xi32, #tpu.memory_space<vmem>>
    %dma_wait3A_232 = tpu.memref_squeeze %dma_wait3A_231 : memref<1x100xi32, #tpu.memory_space<vmem>> -> memref<100xi32, #tpu.memory_space<vmem>>
    %dma_wait3A_233 = arith.constant 0 : i32
    %dma_wait3A_234 = arith.constant 0 : i32
    %dma_wait3A_235 = tpu.memref_slice %arg12[%dma_wait3A_233, %dma_wait3A_234] : memref<10240x128xf32, #tpu.memory_space<vmem_shared>> -> memref<10240x128xf32, #tpu.memory_space<vmem_shared>>
    tpu.wait_indirect_dma semaphore(%arg19 : memref<!tpu.dma_semaphore, #tpu.memory_space<semaphore_mem>>) src(%arg9 : memref<100x128xf32, #tpu.memory_space<vmem>>) dst(%dma_wait3A_235 : memref<10240x128xf32, #tpu.memory_space<vmem_shared>>)
    %dma_start3A_236 = arith.constant 0 : i32
    %dma_start3A_237 = arith.constant 0 : i32
    %dma_start3A_238 = tpu.memref_slice %arg5[%dma_start3A_236, %dma_start3A_237] : memref<2x100xi32, #tpu.memory_space<vmem>> -> memref<1x100xi32, #tpu.memory_space<vmem>>
    %dma_start3A_239 = tpu.memref_squeeze %dma_start3A_238 : memref<1x100xi32, #tpu.memory_space<vmem>> -> memref<100xi32, #tpu.memory_space<vmem>>
    %dma_start3A_240 = arith.constant 0 : i32
    %dma_start3A_241 = arith.constant 0 : i32
    %dma_start3A_242 = tpu.memref_slice %arg2[%dma_start3A_240, %dma_start3A_241] : memref<10000x128xf32, #tpu.memory_space<hbm>> -> memref<10000x128xf32, #tpu.memory_space<hbm>>
    tpu.enqueue_indirect_dma source(%dma_start3A_242 : memref<10000x128xf32, #tpu.memory_space<hbm>>) target(%arg9 : memref<100x128xf32, #tpu.memory_space<vmem>>) offsets(%dma_start3A_239 : memref<100xi32, #tpu.memory_space<vmem>>) semaphore(%arg17 : memref<!tpu.dma_semaphore, #tpu.memory_space<semaphore_mem>>)
    %dma_wait3A_243 = arith.constant 0 : i32
    %dma_wait3A_244 = arith.constant 0 : i32
    %dma_wait3A_245 = tpu.memref_slice %arg8[%dma_wait3A_243, %dma_wait3A_244] : memref<2x100xi32, #tpu.memory_space<vmem>> -> memref<1x100xi32, #tpu.memory_space<vmem>>
    %dma_wait3A_246 = tpu.memref_squeeze %dma_wait3A_245 : memref<1x100xi32, #tpu.memory_space<vmem>> -> memref<100xi32, #tpu.memory_space<vmem>>
    %dma_wait3A_247 = arith.constant 0 : i32
    %dma_wait3A_248 = arith.constant 0 : i32
    %dma_wait3A_249 = tpu.memref_slice %arg2[%dma_wait3A_247, %dma_wait3A_248] : memref<10000x128xf32, #tpu.memory_space<hbm>> -> memref<10000x128xf32, #tpu.memory_space<hbm>>
    tpu.wait_indirect_dma semaphore(%arg18 : memref<!tpu.dma_semaphore, #tpu.memory_space<semaphore_mem>>) src(%dma_wait3A_249 : memref<10000x128xf32, #tpu.memory_space<hbm>>) dst(%arg10 : memref<100x128xf32, #tpu.memory_space<vmem>>)
    %dma_start3A_250 = arith.constant 1 : i32
    %dma_start3A_251 = arith.constant 0 : i32
    %dma_start3A_252 = tpu.memref_slice %arg8[%dma_start3A_250, %dma_start3A_251] : memref<2x100xi32, #tpu.memory_space<vmem>> -> memref<1x100xi32, #tpu.memory_space<vmem>>
    %dma_start3A_253 = tpu.memref_squeeze %dma_start3A_252 : memref<1x100xi32, #tpu.memory_space<vmem>> -> memref<100xi32, #tpu.memory_space<vmem>>
    %dma_start3A_254 = arith.constant 0 : i32
    %dma_start3A_255 = arith.constant 0 : i32
    %dma_start3A_256 = tpu.memref_slice %arg12[%dma_start3A_254, %dma_start3A_255] : memref<10240x128xf32, #tpu.memory_space<vmem_shared>> -> memref<10240x128xf32, #tpu.memory_space<vmem_shared>>
    tpu.enqueue_indirect_dma source(%arg10 : memref<100x128xf32, #tpu.memory_space<vmem>>) target(%dma_start3A_256 : memref<10240x128xf32, #tpu.memory_space<vmem_shared>>) offsets(%dma_start3A_253 : memref<100xi32, #tpu.memory_space<vmem>>) semaphore(%arg20 : memref<!tpu.dma_semaphore, #tpu.memory_space<semaphore_mem>>) {add = true}
    %min3A_257 = arith.constant 5 : i32
    %min3A_258 = arith.constant 99 : i32
    %min3A_259 = arith.minsi %min3A_257, %min3A_258 : i32
    %dma_start3A_260 = arith.constant 0 : i32
    %dma_start3A_261 = arith.constant 0 : i32
    %dma_start3A_262 = tpu.memref_slice %arg3[%add3A, %min3A_259, %dma_start3A_260, %dma_start3A_261] : memref<32x100x2x100xi32, #tpu.memory_space<hbm>> -> memref<1x1x2x100xi32, #tpu.memory_space<hbm>>
    %dma_start3A_263 = tpu.memref_squeeze %dma_start3A_262 : memref<1x1x2x100xi32, #tpu.memory_space<hbm>> -> memref<2x100xi32, #tpu.memory_space<hbm>>
    %dma_start3A_264 = arith.constant 0 : i32
    %dma_start3A_265 = arith.constant 0 : i32
    %dma_start3A_266 = tpu.memref_slice %arg3[%add3A, %min3A_259, %dma_start3A_264, %dma_start3A_265] : memref<32x100x2x100xi32, #tpu.memory_space<hbm>> -> memref<1x1x2x100xi32, #tpu.memory_space<hbm>>
    %dma_start3A_267 = tpu.memref_squeeze %dma_start3A_266 : memref<1x1x2x100xi32, #tpu.memory_space<hbm>> -> memref<2x100xi32, #tpu.memory_space<hbm>>
    tpu.enqueue_dma source(%dma_start3A_267 : memref<2x100xi32, #tpu.memory_space<hbm>>) target(%arg6 : memref<2x100xi32, #tpu.memory_space<vmem>>) target_semaphore(%arg14 : memref<!tpu.dma_semaphore, #tpu.memory_space<semaphore_mem>>)
    %scan3A_268 = arith.constant 0 : i32
    %scan3A_269 = arith.constant 1 : i32
    %scan3A_270 = arith.constant 23 : i32
    %scan3A_271 = arith.addi %scan3A_269, %scan3A_270 : i32
    %scan3A_272 = arith.constant 1 : i32
    %scan3A_273 = scf.for %scan3A_461 = %scan3A_269 to %scan3A_271 step %scan3A_272 iter_args(%scan3A_462 = %scan3A_268) -> (i32)  : i32 {
      %mul3A_463 = arith.constant 4 : i32
      %mul3A_464 = arith.muli %mul3A_463, %scan3A_461 : i32
      %dma_wait3A_465 = arith.constant 0 : i32
      %dma_wait3A_466 = arith.constant 0 : i32
      %dma_wait3A_467 = arith.constant 0 : i32
      %dma_wait3A_468 = tpu.memref_slice %arg3[%add3A, %dma_wait3A_465, %dma_wait3A_466, %dma_wait3A_467] : memref<32x100x2x100xi32, #tpu.memory_space<hbm>> -> memref<1x1x2x100xi32, #tpu.memory_space<hbm>>
      %dma_wait3A_469 = tpu.memref_squeeze %dma_wait3A_468 : memref<1x1x2x100xi32, #tpu.memory_space<hbm>> -> memref<2x100xi32, #tpu.memory_space<hbm>>
      %dma_wait3A_470 = arith.constant 0 : i32
      %dma_wait3A_471 = arith.constant 0 : i32
      %dma_wait3A_472 = tpu.memref_slice %arg3[%add3A, %dma_wait3A_465, %dma_wait3A_470, %dma_wait3A_471] : memref<32x100x2x100xi32, #tpu.memory_space<hbm>> -> memref<1x1x2x100xi32, #tpu.memory_space<hbm>>
      %dma_wait3A_473 = tpu.memref_squeeze %dma_wait3A_472 : memref<1x1x2x100xi32, #tpu.memory_space<hbm>> -> memref<2x100xi32, #tpu.memory_space<hbm>>
      tpu.wait_dma2 semaphore(%arg14 : memref<!tpu.dma_semaphore, #tpu.memory_space<semaphore_mem>>) src(%dma_wait3A_473 : memref<2x100xi32, #tpu.memory_space<hbm>>) dst(%arg6 : memref<2x100xi32, #tpu.memory_space<vmem>>)
      %dma_wait3A_474 = arith.constant 1 : i32
      %dma_wait3A_475 = arith.constant 0 : i32
      %dma_wait3A_476 = tpu.memref_slice %arg8[%dma_wait3A_474, %dma_wait3A_475] : memref<2x100xi32, #tpu.memory_space<vmem>> -> memref<1x100xi32, #tpu.memory_space<vmem>>
      %dma_wait3A_477 = tpu.memref_squeeze %dma_wait3A_476 : memref<1x100xi32, #tpu.memory_space<vmem>> -> memref<100xi32, #tpu.memory_space<vmem>>
      %dma_wait3A_478 = arith.constant 0 : i32
      %dma_wait3A_479 = arith.constant 0 : i32
      %dma_wait3A_480 = tpu.memref_slice %arg12[%dma_wait3A_478, %dma_wait3A_479] : memref<10240x128xf32, #tpu.memory_space<vmem_shared>> -> memref<10240x128xf32, #tpu.memory_space<vmem_shared>>
      tpu.wait_indirect_dma semaphore(%arg20 : memref<!tpu.dma_semaphore, #tpu.memory_space<semaphore_mem>>) src(%arg10 : memref<100x128xf32, #tpu.memory_space<vmem>>) dst(%dma_wait3A_480 : memref<10240x128xf32, #tpu.memory_space<vmem_shared>>)
      %dma_start3A_481 = arith.constant 0 : i32
      %dma_start3A_482 = arith.constant 0 : i32
      %dma_start3A_483 = tpu.memref_slice %arg6[%dma_start3A_481, %dma_start3A_482] : memref<2x100xi32, #tpu.memory_space<vmem>> -> memref<1x100xi32, #tpu.memory_space<vmem>>
      %dma_start3A_484 = tpu.memref_squeeze %dma_start3A_483 : memref<1x100xi32, #tpu.memory_space<vmem>> -> memref<100xi32, #tpu.memory_space<vmem>>
      %dma_start3A_485 = arith.constant 0 : i32
      %dma_start3A_486 = arith.constant 0 : i32
      %dma_start3A_487 = tpu.memref_slice %arg2[%dma_start3A_485, %dma_start3A_486] : memref<10000x128xf32, #tpu.memory_space<hbm>> -> memref<10000x128xf32, #tpu.memory_space<hbm>>
      tpu.enqueue_indirect_dma source(%dma_start3A_487 : memref<10000x128xf32, #tpu.memory_space<hbm>>) target(%arg10 : memref<100x128xf32, #tpu.memory_space<vmem>>) offsets(%dma_start3A_484 : memref<100xi32, #tpu.memory_space<vmem>>) semaphore(%arg18 : memref<!tpu.dma_semaphore, #tpu.memory_space<semaphore_mem>>)
      %dma_wait3A_488 = arith.constant 0 : i32
      %dma_wait3A_489 = arith.constant 0 : i32
      %dma_wait3A_490 = tpu.memref_slice %arg5[%dma_wait3A_488, %dma_wait3A_489] : memref<2x100xi32, #tpu.memory_space<vmem>> -> memref<1x100xi32, #tpu.memory_space<vmem>>
      %dma_wait3A_491 = tpu.memref_squeeze %dma_wait3A_490 : memref<1x100xi32, #tpu.memory_space<vmem>> -> memref<100xi32, #tpu.memory_space<vmem>>
      %dma_wait3A_492 = arith.constant 0 : i32
      %dma_wait3A_493 = arith.constant 0 : i32
      %dma_wait3A_494 = tpu.memref_slice %arg2[%dma_wait3A_492, %dma_wait3A_493] : memref<10000x128xf32, #tpu.memory_space<hbm>> -> memref<10000x128xf32, #tpu.memory_space<hbm>>
      tpu.wait_indirect_dma semaphore(%arg17 : memref<!tpu.dma_semaphore, #tpu.memory_space<semaphore_mem>>) src(%dma_wait3A_494 : memref<10000x128xf32, #tpu.memory_space<hbm>>) dst(%arg9 : memref<100x128xf32, #tpu.memory_space<vmem>>)
      %dma_start3A_495 = arith.constant 1 : i32
      %dma_start3A_496 = arith.constant 0 : i32
      %dma_start3A_497 = tpu.memref_slice %arg5[%dma_start3A_495, %dma_start3A_496] : memref<2x100xi32, #tpu.memory_space<vmem>> -> memref<1x100xi32, #tpu.memory_space<vmem>>
      %dma_start3A_498 = tpu.memref_squeeze %dma_start3A_497 : memref<1x100xi32, #tpu.memory_space<vmem>> -> memref<100xi32, #tpu.memory_space<vmem>>
      %dma_start3A_499 = arith.constant 0 : i32
      %dma_start3A_500 = arith.constant 0 : i32
      %dma_start3A_501 = tpu.memref_slice %arg12[%dma_start3A_499, %dma_start3A_500] : memref<10240x128xf32, #tpu.memory_space<vmem_shared>> -> memref<10240x128xf32, #tpu.memory_space<vmem_shared>>
      tpu.enqueue_indirect_dma source(%arg9 : memref<100x128xf32, #tpu.memory_space<vmem>>) target(%dma_start3A_501 : memref<10240x128xf32, #tpu.memory_space<vmem_shared>>) offsets(%dma_start3A_498 : memref<100xi32, #tpu.memory_space<vmem>>) semaphore(%arg19 : memref<!tpu.dma_semaphore, #tpu.memory_space<semaphore_mem>>) {add = true}
      %add3A_502 = arith.constant 2 : i32
      %add3A_503 = arith.addi %mul3A_464, %add3A_502 : i32
      %min3A_504 = arith.constant 99 : i32
      %min3A_505 = arith.minsi %add3A_503, %min3A_504 : i32
      %dma_start3A_506 = arith.constant 0 : i32
      %dma_start3A_507 = arith.constant 0 : i32
      %dma_start3A_508 = tpu.memref_slice %arg3[%add3A, %min3A_505, %dma_start3A_506, %dma_start3A_507] : memref<32x100x2x100xi32, #tpu.memory_space<hbm>> -> memref<1x1x2x100xi32, #tpu.memory_space<hbm>>
      %dma_start3A_509 = tpu.memref_squeeze %dma_start3A_508 : memref<1x1x2x100xi32, #tpu.memory_space<hbm>> -> memref<2x100xi32, #tpu.memory_space<hbm>>
      %dma_start3A_510 = arith.constant 0 : i32
      %dma_start3A_511 = arith.constant 0 : i32
      %dma_start3A_512 = tpu.memref_slice %arg3[%add3A, %min3A_505, %dma_start3A_510, %dma_start3A_511] : memref<32x100x2x100xi32, #tpu.memory_space<hbm>> -> memref<1x1x2x100xi32, #tpu.memory_space<hbm>>
      %dma_start3A_513 = tpu.memref_squeeze %dma_start3A_512 : memref<1x1x2x100xi32, #tpu.memory_space<hbm>> -> memref<2x100xi32, #tpu.memory_space<hbm>>
      tpu.enqueue_dma source(%dma_start3A_513 : memref<2x100xi32, #tpu.memory_space<hbm>>) target(%arg7 : memref<2x100xi32, #tpu.memory_space<vmem>>) target_semaphore(%arg15 : memref<!tpu.dma_semaphore, #tpu.memory_space<semaphore_mem>>)
      %add3A_514 = arith.constant 1 : i32
      %add3A_515 = arith.addi %mul3A_464, %add3A_514 : i32
      %dma_wait3A_516 = arith.constant 0 : i32
      %dma_wait3A_517 = arith.constant 0 : i32
      %dma_wait3A_518 = arith.constant 0 : i32
      %dma_wait3A_519 = tpu.memref_slice %arg3[%add3A, %dma_wait3A_516, %dma_wait3A_517, %dma_wait3A_518] : memref<32x100x2x100xi32, #tpu.memory_space<hbm>> -> memref<1x1x2x100xi32, #tpu.memory_space<hbm>>
      %dma_wait3A_520 = tpu.memref_squeeze %dma_wait3A_519 : memref<1x1x2x100xi32, #tpu.memory_space<hbm>> -> memref<2x100xi32, #tpu.memory_space<hbm>>
      %dma_wait3A_521 = arith.constant 0 : i32
      %dma_wait3A_522 = arith.constant 0 : i32
      %dma_wait3A_523 = tpu.memref_slice %arg3[%add3A, %dma_wait3A_516, %dma_wait3A_521, %dma_wait3A_522] : memref<32x100x2x100xi32, #tpu.memory_space<hbm>> -> memref<1x1x2x100xi32, #tpu.memory_space<hbm>>
      %dma_wait3A_524 = tpu.memref_squeeze %dma_wait3A_523 : memref<1x1x2x100xi32, #tpu.memory_space<hbm>> -> memref<2x100xi32, #tpu.memory_space<hbm>>
      tpu.wait_dma2 semaphore(%arg15 : memref<!tpu.dma_semaphore, #tpu.memory_space<semaphore_mem>>) src(%dma_wait3A_524 : memref<2x100xi32, #tpu.memory_space<hbm>>) dst(%arg7 : memref<2x100xi32, #tpu.memory_space<vmem>>)
      %dma_wait3A_525 = arith.constant 1 : i32
      %dma_wait3A_526 = arith.constant 0 : i32
      %dma_wait3A_527 = tpu.memref_slice %arg5[%dma_wait3A_525, %dma_wait3A_526] : memref<2x100xi32, #tpu.memory_space<vmem>> -> memref<1x100xi32, #tpu.memory_space<vmem>>
      %dma_wait3A_528 = tpu.memref_squeeze %dma_wait3A_527 : memref<1x100xi32, #tpu.memory_space<vmem>> -> memref<100xi32, #tpu.memory_space<vmem>>
      %dma_wait3A_529 = arith.constant 0 : i32
      %dma_wait3A_530 = arith.constant 0 : i32
      %dma_wait3A_531 = tpu.memref_slice %arg12[%dma_wait3A_529, %dma_wait3A_530] : memref<10240x128xf32, #tpu.memory_space<vmem_shared>> -> memref<10240x128xf32, #tpu.memory_space<vmem_shared>>
      tpu.wait_indirect_dma semaphore(%arg19 : memref<!tpu.dma_semaphore, #tpu.memory_space<semaphore_mem>>) src(%arg9 : memref<100x128xf32, #tpu.memory_space<vmem>>) dst(%dma_wait3A_531 : memref<10240x128xf32, #tpu.memory_space<vmem_shared>>)
      %dma_start3A_532 = arith.constant 0 : i32
      %dma_start3A_533 = arith.constant 0 : i32
      %dma_start3A_534 = tpu.memref_slice %arg7[%dma_start3A_532, %dma_start3A_533] : memref<2x100xi32, #tpu.memory_space<vmem>> -> memref<1x100xi32, #tpu.memory_space<vmem>>
      %dma_start3A_535 = tpu.memref_squeeze %dma_start3A_534 : memref<1x100xi32, #tpu.memory_space<vmem>> -> memref<100xi32, #tpu.memory_space<vmem>>
      %dma_start3A_536 = arith.constant 0 : i32
      %dma_start3A_537 = arith.constant 0 : i32
      %dma_start3A_538 = tpu.memref_slice %arg2[%dma_start3A_536, %dma_start3A_537] : memref<10000x128xf32, #tpu.memory_space<hbm>> -> memref<10000x128xf32, #tpu.memory_space<hbm>>
      tpu.enqueue_indirect_dma source(%dma_start3A_538 : memref<10000x128xf32, #tpu.memory_space<hbm>>) target(%arg9 : memref<100x128xf32, #tpu.memory_space<vmem>>) offsets(%dma_start3A_535 : memref<100xi32, #tpu.memory_space<vmem>>) semaphore(%arg17 : memref<!tpu.dma_semaphore, #tpu.memory_space<semaphore_mem>>)
      %dma_wait3A_539 = arith.constant 0 : i32
      %dma_wait3A_540 = arith.constant 0 : i32
      %dma_wait3A_541 = tpu.memref_slice %arg6[%dma_wait3A_539, %dma_wait3A_540] : memref<2x100xi32, #tpu.memory_space<vmem>> -> memref<1x100xi32, #tpu.memory_space<vmem>>
      %dma_wait3A_542 = tpu.memref_squeeze %dma_wait3A_541 : memref<1x100xi32, #tpu.memory_space<vmem>> -> memref<100xi32, #tpu.memory_space<vmem>>
      %dma_wait3A_543 = arith.constant 0 : i32
      %dma_wait3A_544 = arith.constant 0 : i32
      %dma_wait3A_545 = tpu.memref_slice %arg2[%dma_wait3A_543, %dma_wait3A_544] : memref<10000x128xf32, #tpu.memory_space<hbm>> -> memref<10000x128xf32, #tpu.memory_space<hbm>>
      tpu.wait_indirect_dma semaphore(%arg18 : memref<!tpu.dma_semaphore, #tpu.memory_space<semaphore_mem>>) src(%dma_wait3A_545 : memref<10000x128xf32, #tpu.memory_space<hbm>>) dst(%arg10 : memref<100x128xf32, #tpu.memory_space<vmem>>)
      %dma_start3A_546 = arith.constant 1 : i32
      %dma_start3A_547 = arith.constant 0 : i32
      %dma_start3A_548 = tpu.memref_slice %arg6[%dma_start3A_546, %dma_start3A_547] : memref<2x100xi32, #tpu.memory_space<vmem>> -> memref<1x100xi32, #tpu.memory_space<vmem>>
      %dma_start3A_549 = tpu.memref_squeeze %dma_start3A_548 : memref<1x100xi32, #tpu.memory_space<vmem>> -> memref<100xi32, #tpu.memory_space<vmem>>
      %dma_start3A_550 = arith.constant 0 : i32
      %dma_start3A_551 = arith.constant 0 : i32
      %dma_start3A_552 = tpu.memref_slice %arg12[%dma_start3A_550, %dma_start3A_551] : memref<10240x128xf32, #tpu.memory_space<vmem_shared>> -> memref<10240x128xf32, #tpu.memory_space<vmem_shared>>
      tpu.enqueue_indirect_dma source(%arg10 : memref<100x128xf32, #tpu.memory_space<vmem>>) target(%dma_start3A_552 : memref<10240x128xf32, #tpu.memory_space<vmem_shared>>) offsets(%dma_start3A_549 : memref<100xi32, #tpu.memory_space<vmem>>) semaphore(%arg20 : memref<!tpu.dma_semaphore, #tpu.memory_space<semaphore_mem>>) {add = true}
      %add3A_553 = arith.constant 2 : i32
      %add3A_554 = arith.addi %add3A_515, %add3A_553 : i32
      %min3A_555 = arith.constant 99 : i32
      %min3A_556 = arith.minsi %add3A_554, %min3A_555 : i32
      %dma_start3A_557 = arith.constant 0 : i32
      %dma_start3A_558 = arith.constant 0 : i32
      %dma_start3A_559 = tpu.memref_slice %arg3[%add3A, %min3A_556, %dma_start3A_557, %dma_start3A_558] : memref<32x100x2x100xi32, #tpu.memory_space<hbm>> -> memref<1x1x2x100xi32, #tpu.memory_space<hbm>>
      %dma_start3A_560 = tpu.memref_squeeze %dma_start3A_559 : memref<1x1x2x100xi32, #tpu.memory_space<hbm>> -> memref<2x100xi32, #tpu.memory_space<hbm>>
      %dma_start3A_561 = arith.constant 0 : i32
      %dma_start3A_562 = arith.constant 0 : i32
      %dma_start3A_563 = tpu.memref_slice %arg3[%add3A, %min3A_556, %dma_start3A_561, %dma_start3A_562] : memref<32x100x2x100xi32, #tpu.memory_space<hbm>> -> memref<1x1x2x100xi32, #tpu.memory_space<hbm>>
      %dma_start3A_564 = tpu.memref_squeeze %dma_start3A_563 : memref<1x1x2x100xi32, #tpu.memory_space<hbm>> -> memref<2x100xi32, #tpu.memory_space<hbm>>
      tpu.enqueue_dma source(%dma_start3A_564 : memref<2x100xi32, #tpu.memory_space<hbm>>) target(%arg8 : memref<2x100xi32, #tpu.memory_space<vmem>>) target_semaphore(%arg16 : memref<!tpu.dma_semaphore, #tpu.memory_space<semaphore_mem>>)
      %add3A_565 = arith.constant 2 : i32
      %add3A_566 = arith.addi %mul3A_464, %add3A_565 : i32
      %dma_wait3A_567 = arith.constant 0 : i32
      %dma_wait3A_568 = arith.constant 0 : i32
      %dma_wait3A_569 = arith.constant 0 : i32
      %dma_wait3A_570 = tpu.memref_slice %arg3[%add3A, %dma_wait3A_567, %dma_wait3A_568, %dma_wait3A_569] : memref<32x100x2x100xi32, #tpu.memory_space<hbm>> -> memref<1x1x2x100xi32, #tpu.memory_space<hbm>>
      %dma_wait3A_571 = tpu.memref_squeeze %dma_wait3A_570 : memref<1x1x2x100xi32, #tpu.memory_space<hbm>> -> memref<2x100xi32, #tpu.memory_space<hbm>>
      %dma_wait3A_572 = arith.constant 0 : i32
      %dma_wait3A_573 = arith.constant 0 : i32
      %dma_wait3A_574 = tpu.memref_slice %arg3[%add3A, %dma_wait3A_567, %dma_wait3A_572, %dma_wait3A_573] : memref<32x100x2x100xi32, #tpu.memory_space<hbm>> -> memref<1x1x2x100xi32, #tpu.memory_space<hbm>>
      %dma_wait3A_575 = tpu.memref_squeeze %dma_wait3A_574 : memref<1x1x2x100xi32, #tpu.memory_space<hbm>> -> memref<2x100xi32, #tpu.memory_space<hbm>>
      tpu.wait_dma2 semaphore(%arg16 : memref<!tpu.dma_semaphore, #tpu.memory_space<semaphore_mem>>) src(%dma_wait3A_575 : memref<2x100xi32, #tpu.memory_space<hbm>>) dst(%arg8 : memref<2x100xi32, #tpu.memory_space<vmem>>)
      %dma_wait3A_576 = arith.constant 1 : i32
      %dma_wait3A_577 = arith.constant 0 : i32
      %dma_wait3A_578 = tpu.memref_slice %arg6[%dma_wait3A_576, %dma_wait3A_577] : memref<2x100xi32, #tpu.memory_space<vmem>> -> memref<1x100xi32, #tpu.memory_space<vmem>>
      %dma_wait3A_579 = tpu.memref_squeeze %dma_wait3A_578 : memref<1x100xi32, #tpu.memory_space<vmem>> -> memref<100xi32, #tpu.memory_space<vmem>>
      %dma_wait3A_580 = arith.constant 0 : i32
      %dma_wait3A_581 = arith.constant 0 : i32
      %dma_wait3A_582 = tpu.memref_slice %arg12[%dma_wait3A_580, %dma_wait3A_581] : memref<10240x128xf32, #tpu.memory_space<vmem_shared>> -> memref<10240x128xf32, #tpu.memory_space<vmem_shared>>
      tpu.wait_indirect_dma semaphore(%arg20 : memref<!tpu.dma_semaphore, #tpu.memory_space<semaphore_mem>>) src(%arg10 : memref<100x128xf32, #tpu.memory_space<vmem>>) dst(%dma_wait3A_582 : memref<10240x128xf32, #tpu.memory_space<vmem_shared>>)
      %dma_start3A_583 = arith.constant 0 : i32
      %dma_start3A_584 = arith.constant 0 : i32
      %dma_start3A_585 = tpu.memref_slice %arg8[%dma_start3A_583, %dma_start3A_584] : memref<2x100xi32, #tpu.memory_space<vmem>> -> memref<1x100xi32, #tpu.memory_space<vmem>>
      %dma_start3A_586 = tpu.memref_squeeze %dma_start3A_585 : memref<1x100xi32, #tpu.memory_space<vmem>> -> memref<100xi32, #tpu.memory_space<vmem>>
      %dma_start3A_587 = arith.constant 0 : i32
      %dma_start3A_588 = arith.constant 0 : i32
      %dma_start3A_589 = tpu.memref_slice %arg2[%dma_start3A_587, %dma_start3A_588] : memref<10000x128xf32, #tpu.memory_space<hbm>> -> memref<10000x128xf32, #tpu.memory_space<hbm>>
      tpu.enqueue_indirect_dma source(%dma_start3A_589 : memref<10000x128xf32, #tpu.memory_space<hbm>>) target(%arg10 : memref<100x128xf32, #tpu.memory_space<vmem>>) offsets(%dma_start3A_586 : memref<100xi32, #tpu.memory_space<vmem>>) semaphore(%arg18 : memref<!tpu.dma_semaphore, #tpu.memory_space<semaphore_mem>>)
      %dma_wait3A_590 = arith.constant 0 : i32
      %dma_wait3A_591 = arith.constant 0 : i32
      %dma_wait3A_592 = tpu.memref_slice %arg7[%dma_wait3A_590, %dma_wait3A_591] : memref<2x100xi32, #tpu.memory_space<vmem>> -> memref<1x100xi32, #tpu.memory_space<vmem>>
      %dma_wait3A_593 = tpu.memref_squeeze %dma_wait3A_592 : memref<1x100xi32, #tpu.memory_space<vmem>> -> memref<100xi32, #tpu.memory_space<vmem>>
      %dma_wait3A_594 = arith.constant 0 : i32
      %dma_wait3A_595 = arith.constant 0 : i32
      %dma_wait3A_596 = tpu.memref_slice %arg2[%dma_wait3A_594, %dma_wait3A_595] : memref<10000x128xf32, #tpu.memory_space<hbm>> -> memref<10000x128xf32, #tpu.memory_space<hbm>>
      tpu.wait_indirect_dma semaphore(%arg17 : memref<!tpu.dma_semaphore, #tpu.memory_space<semaphore_mem>>) src(%dma_wait3A_596 : memref<10000x128xf32, #tpu.memory_space<hbm>>) dst(%arg9 : memref<100x128xf32, #tpu.memory_space<vmem>>)
      %dma_start3A_597 = arith.constant 1 : i32
      %dma_start3A_598 = arith.constant 0 : i32
      %dma_start3A_599 = tpu.memref_slice %arg7[%dma_start3A_597, %dma_start3A_598] : memref<2x100xi32, #tpu.memory_space<vmem>> -> memref<1x100xi32, #tpu.memory_space<vmem>>
      %dma_start3A_600 = tpu.memref_squeeze %dma_start3A_599 : memref<1x100xi32, #tpu.memory_space<vmem>> -> memref<100xi32, #tpu.memory_space<vmem>>
      %dma_start3A_601 = arith.constant 0 : i32
      %dma_start3A_602 = arith.constant 0 : i32
      %dma_start3A_603 = tpu.memref_slice %arg12[%dma_start3A_601, %dma_start3A_602] : memref<10240x128xf32, #tpu.memory_space<vmem_shared>> -> memref<10240x128xf32, #tpu.memory_space<vmem_shared>>
      tpu.enqueue_indirect_dma source(%arg9 : memref<100x128xf32, #tpu.memory_space<vmem>>) target(%dma_start3A_603 : memref<10240x128xf32, #tpu.memory_space<vmem_shared>>) offsets(%dma_start3A_600 : memref<100xi32, #tpu.memory_space<vmem>>) semaphore(%arg19 : memref<!tpu.dma_semaphore, #tpu.memory_space<semaphore_mem>>) {add = true}
      %add3A_604 = arith.constant 2 : i32
      %add3A_605 = arith.addi %add3A_566, %add3A_604 : i32
      %min3A_606 = arith.constant 99 : i32
      %min3A_607 = arith.minsi %add3A_605, %min3A_606 : i32
      %dma_start3A_608 = arith.constant 0 : i32
      %dma_start3A_609 = arith.constant 0 : i32
      %dma_start3A_610 = tpu.memref_slice %arg3[%add3A, %min3A_607, %dma_start3A_608, %dma_start3A_609] : memref<32x100x2x100xi32, #tpu.memory_space<hbm>> -> memref<1x1x2x100xi32, #tpu.memory_space<hbm>>
      %dma_start3A_611 = tpu.memref_squeeze %dma_start3A_610 : memref<1x1x2x100xi32, #tpu.memory_space<hbm>> -> memref<2x100xi32, #tpu.memory_space<hbm>>
      %dma_start3A_612 = arith.constant 0 : i32
      %dma_start3A_613 = arith.constant 0 : i32
      %dma_start3A_614 = tpu.memref_slice %arg3[%add3A, %min3A_607, %dma_start3A_612, %dma_start3A_613] : memref<32x100x2x100xi32, #tpu.memory_space<hbm>> -> memref<1x1x2x100xi32, #tpu.memory_space<hbm>>
      %dma_start3A_615 = tpu.memref_squeeze %dma_start3A_614 : memref<1x1x2x100xi32, #tpu.memory_space<hbm>> -> memref<2x100xi32, #tpu.memory_space<hbm>>
      tpu.enqueue_dma source(%dma_start3A_615 : memref<2x100xi32, #tpu.memory_space<hbm>>) target(%arg5 : memref<2x100xi32, #tpu.memory_space<vmem>>) target_semaphore(%arg13 : memref<!tpu.dma_semaphore, #tpu.memory_space<semaphore_mem>>)
      %add3A_616 = arith.constant 3 : i32
      %add3A_617 = arith.addi %mul3A_464, %add3A_616 : i32
      %dma_wait3A_618 = arith.constant 0 : i32
      %dma_wait3A_619 = arith.constant 0 : i32
      %dma_wait3A_620 = arith.constant 0 : i32
      %dma_wait3A_621 = tpu.memref_slice %arg3[%add3A, %dma_wait3A_618, %dma_wait3A_619, %dma_wait3A_620] : memref<32x100x2x100xi32, #tpu.memory_space<hbm>> -> memref<1x1x2x100xi32, #tpu.memory_space<hbm>>
      %dma_wait3A_622 = tpu.memref_squeeze %dma_wait3A_621 : memref<1x1x2x100xi32, #tpu.memory_space<hbm>> -> memref<2x100xi32, #tpu.memory_space<hbm>>
      %dma_wait3A_623 = arith.constant 0 : i32
      %dma_wait3A_624 = arith.constant 0 : i32
      %dma_wait3A_625 = tpu.memref_slice %arg3[%add3A, %dma_wait3A_618, %dma_wait3A_623, %dma_wait3A_624] : memref<32x100x2x100xi32, #tpu.memory_space<hbm>> -> memref<1x1x2x100xi32, #tpu.memory_space<hbm>>
      %dma_wait3A_626 = tpu.memref_squeeze %dma_wait3A_625 : memref<1x1x2x100xi32, #tpu.memory_space<hbm>> -> memref<2x100xi32, #tpu.memory_space<hbm>>
      tpu.wait_dma2 semaphore(%arg13 : memref<!tpu.dma_semaphore, #tpu.memory_space<semaphore_mem>>) src(%dma_wait3A_626 : memref<2x100xi32, #tpu.memory_space<hbm>>) dst(%arg5 : memref<2x100xi32, #tpu.memory_space<vmem>>)
      %dma_wait3A_627 = arith.constant 1 : i32
      %dma_wait3A_628 = arith.constant 0 : i32
      %dma_wait3A_629 = tpu.memref_slice %arg7[%dma_wait3A_627, %dma_wait3A_628] : memref<2x100xi32, #tpu.memory_space<vmem>> -> memref<1x100xi32, #tpu.memory_space<vmem>>
      %dma_wait3A_630 = tpu.memref_squeeze %dma_wait3A_629 : memref<1x100xi32, #tpu.memory_space<vmem>> -> memref<100xi32, #tpu.memory_space<vmem>>
      %dma_wait3A_631 = arith.constant 0 : i32
      %dma_wait3A_632 = arith.constant 0 : i32
      %dma_wait3A_633 = tpu.memref_slice %arg12[%dma_wait3A_631, %dma_wait3A_632] : memref<10240x128xf32, #tpu.memory_space<vmem_shared>> -> memref<10240x128xf32, #tpu.memory_space<vmem_shared>>
      tpu.wait_indirect_dma semaphore(%arg19 : memref<!tpu.dma_semaphore, #tpu.memory_space<semaphore_mem>>) src(%arg9 : memref<100x128xf32, #tpu.memory_space<vmem>>) dst(%dma_wait3A_633 : memref<10240x128xf32, #tpu.memory_space<vmem_shared>>)
      %dma_start3A_634 = arith.constant 0 : i32
      %dma_start3A_635 = arith.constant 0 : i32
      %dma_start3A_636 = tpu.memref_slice %arg5[%dma_start3A_634, %dma_start3A_635] : memref<2x100xi32, #tpu.memory_space<vmem>> -> memref<1x100xi32, #tpu.memory_space<vmem>>
      %dma_start3A_637 = tpu.memref_squeeze %dma_start3A_636 : memref<1x100xi32, #tpu.memory_space<vmem>> -> memref<100xi32, #tpu.memory_space<vmem>>
      %dma_start3A_638 = arith.constant 0 : i32
      %dma_start3A_639 = arith.constant 0 : i32
      %dma_start3A_640 = tpu.memref_slice %arg2[%dma_start3A_638, %dma_start3A_639] : memref<10000x128xf32, #tpu.memory_space<hbm>> -> memref<10000x128xf32, #tpu.memory_space<hbm>>
      tpu.enqueue_indirect_dma source(%dma_start3A_640 : memref<10000x128xf32, #tpu.memory_space<hbm>>) target(%arg9 : memref<100x128xf32, #tpu.memory_space<vmem>>) offsets(%dma_start3A_637 : memref<100xi32, #tpu.memory_space<vmem>>) semaphore(%arg17 : memref<!tpu.dma_semaphore, #tpu.memory_space<semaphore_mem>>)
      %dma_wait3A_641 = arith.constant 0 : i32
      %dma_wait3A_642 = arith.constant 0 : i32
      %dma_wait3A_643 = tpu.memref_slice %arg8[%dma_wait3A_641, %dma_wait3A_642] : memref<2x100xi32, #tpu.memory_space<vmem>> -> memref<1x100xi32, #tpu.memory_space<vmem>>
      %dma_wait3A_644 = tpu.memref_squeeze %dma_wait3A_643 : memref<1x100xi32, #tpu.memory_space<vmem>> -> memref<100xi32, #tpu.memory_space<vmem>>
      %dma_wait3A_645 = arith.constant 0 : i32
      %dma_wait3A_646 = arith.constant 0 : i32
      %dma_wait3A_647 = tpu.memref_slice %arg2[%dma_wait3A_645, %dma_wait3A_646] : memref<10000x128xf32, #tpu.memory_space<hbm>> -> memref<10000x128xf32, #tpu.memory_space<hbm>>
      tpu.wait_indirect_dma semaphore(%arg18 : memref<!tpu.dma_semaphore, #tpu.memory_space<semaphore_mem>>) src(%dma_wait3A_647 : memref<10000x128xf32, #tpu.memory_space<hbm>>) dst(%arg10 : memref<100x128xf32, #tpu.memory_space<vmem>>)
      %dma_start3A_648 = arith.constant 1 : i32
      %dma_start3A_649 = arith.constant 0 : i32
      %dma_start3A_650 = tpu.memref_slice %arg8[%dma_start3A_648, %dma_start3A_649] : memref<2x100xi32, #tpu.memory_space<vmem>> -> memref<1x100xi32, #tpu.memory_space<vmem>>
      %dma_start3A_651 = tpu.memref_squeeze %dma_start3A_650 : memref<1x100xi32, #tpu.memory_space<vmem>> -> memref<100xi32, #tpu.memory_space<vmem>>
      %dma_start3A_652 = arith.constant 0 : i32
      %dma_start3A_653 = arith.constant 0 : i32
      %dma_start3A_654 = tpu.memref_slice %arg12[%dma_start3A_652, %dma_start3A_653] : memref<10240x128xf32, #tpu.memory_space<vmem_shared>> -> memref<10240x128xf32, #tpu.memory_space<vmem_shared>>
      tpu.enqueue_indirect_dma source(%arg10 : memref<100x128xf32, #tpu.memory_space<vmem>>) target(%dma_start3A_654 : memref<10240x128xf32, #tpu.memory_space<vmem_shared>>) offsets(%dma_start3A_651 : memref<100xi32, #tpu.memory_space<vmem>>) semaphore(%arg20 : memref<!tpu.dma_semaphore, #tpu.memory_space<semaphore_mem>>) {add = true}
      %add3A_655 = arith.constant 2 : i32
      %add3A_656 = arith.addi %add3A_617, %add3A_655 : i32
      %min3A_657 = arith.constant 99 : i32
      %min3A_658 = arith.minsi %add3A_656, %min3A_657 : i32
      %dma_start3A_659 = arith.constant 0 : i32
      %dma_start3A_660 = arith.constant 0 : i32
      %dma_start3A_661 = tpu.memref_slice %arg3[%add3A, %min3A_658, %dma_start3A_659, %dma_start3A_660] : memref<32x100x2x100xi32, #tpu.memory_space<hbm>> -> memref<1x1x2x100xi32, #tpu.memory_space<hbm>>
      %dma_start3A_662 = tpu.memref_squeeze %dma_start3A_661 : memref<1x1x2x100xi32, #tpu.memory_space<hbm>> -> memref<2x100xi32, #tpu.memory_space<hbm>>
      %dma_start3A_663 = arith.constant 0 : i32
      %dma_start3A_664 = arith.constant 0 : i32
      %dma_start3A_665 = tpu.memref_slice %arg3[%add3A, %min3A_658, %dma_start3A_663, %dma_start3A_664] : memref<32x100x2x100xi32, #tpu.memory_space<hbm>> -> memref<1x1x2x100xi32, #tpu.memory_space<hbm>>
      %dma_start3A_666 = tpu.memref_squeeze %dma_start3A_665 : memref<1x1x2x100xi32, #tpu.memory_space<hbm>> -> memref<2x100xi32, #tpu.memory_space<hbm>>
      tpu.enqueue_dma source(%dma_start3A_666 : memref<2x100xi32, #tpu.memory_space<hbm>>) target(%arg6 : memref<2x100xi32, #tpu.memory_space<vmem>>) target_semaphore(%arg14 : memref<!tpu.dma_semaphore, #tpu.memory_space<semaphore_mem>>)
      %scan3A_667 = arith.constant 0 : i32
      scf.yield %scan3A_667 : i32
    }
    %scan3A_274 = arith.constant 23 : i32
    %dma_wait3A_275 = arith.constant 0 : i32
    %dma_wait3A_276 = arith.constant 0 : i32
    %dma_wait3A_277 = arith.constant 0 : i32
    %dma_wait3A_278 = tpu.memref_slice %arg3[%add3A, %dma_wait3A_275, %dma_wait3A_276, %dma_wait3A_277] : memref<32x100x2x100xi32, #tpu.memory_space<hbm>> -> memref<1x1x2x100xi32, #tpu.memory_space<hbm>>
    %dma_wait3A_279 = tpu.memref_squeeze %dma_wait3A_278 : memref<1x1x2x100xi32, #tpu.memory_space<hbm>> -> memref<2x100xi32, #tpu.memory_space<hbm>>
    %dma_wait3A_280 = arith.constant 0 : i32
    %dma_wait3A_281 = arith.constant 0 : i32
    %dma_wait3A_282 = tpu.memref_slice %arg3[%add3A, %dma_wait3A_275, %dma_wait3A_280, %dma_wait3A_281] : memref<32x100x2x100xi32, #tpu.memory_space<hbm>> -> memref<1x1x2x100xi32, #tpu.memory_space<hbm>>
    %dma_wait3A_283 = tpu.memref_squeeze %dma_wait3A_282 : memref<1x1x2x100xi32, #tpu.memory_space<hbm>> -> memref<2x100xi32, #tpu.memory_space<hbm>>
    tpu.wait_dma2 semaphore(%arg14 : memref<!tpu.dma_semaphore, #tpu.memory_space<semaphore_mem>>) src(%dma_wait3A_283 : memref<2x100xi32, #tpu.memory_space<hbm>>) dst(%arg6 : memref<2x100xi32, #tpu.memory_space<vmem>>)
    %dma_wait3A_284 = arith.constant 1 : i32
    %dma_wait3A_285 = arith.constant 0 : i32
    %dma_wait3A_286 = tpu.memref_slice %arg8[%dma_wait3A_284, %dma_wait3A_285] : memref<2x100xi32, #tpu.memory_space<vmem>> -> memref<1x100xi32, #tpu.memory_space<vmem>>
    %dma_wait3A_287 = tpu.memref_squeeze %dma_wait3A_286 : memref<1x100xi32, #tpu.memory_space<vmem>> -> memref<100xi32, #tpu.memory_space<vmem>>
    %dma_wait3A_288 = arith.constant 0 : i32
    %dma_wait3A_289 = arith.constant 0 : i32
    %dma_wait3A_290 = tpu.memref_slice %arg12[%dma_wait3A_288, %dma_wait3A_289] : memref<10240x128xf32, #tpu.memory_space<vmem_shared>> -> memref<10240x128xf32, #tpu.memory_space<vmem_shared>>
    tpu.wait_indirect_dma semaphore(%arg20 : memref<!tpu.dma_semaphore, #tpu.memory_space<semaphore_mem>>) src(%arg10 : memref<100x128xf32, #tpu.memory_space<vmem>>) dst(%dma_wait3A_290 : memref<10240x128xf32, #tpu.memory_space<vmem_shared>>)
    %dma_start3A_291 = arith.constant 0 : i32
    %dma_start3A_292 = arith.constant 0 : i32
    %dma_start3A_293 = tpu.memref_slice %arg6[%dma_start3A_291, %dma_start3A_292] : memref<2x100xi32, #tpu.memory_space<vmem>> -> memref<1x100xi32, #tpu.memory_space<vmem>>
    %dma_start3A_294 = tpu.memref_squeeze %dma_start3A_293 : memref<1x100xi32, #tpu.memory_space<vmem>> -> memref<100xi32, #tpu.memory_space<vmem>>
    %dma_start3A_295 = arith.constant 0 : i32
    %dma_start3A_296 = arith.constant 0 : i32
    %dma_start3A_297 = tpu.memref_slice %arg2[%dma_start3A_295, %dma_start3A_296] : memref<10000x128xf32, #tpu.memory_space<hbm>> -> memref<10000x128xf32, #tpu.memory_space<hbm>>
    tpu.enqueue_indirect_dma source(%dma_start3A_297 : memref<10000x128xf32, #tpu.memory_space<hbm>>) target(%arg10 : memref<100x128xf32, #tpu.memory_space<vmem>>) offsets(%dma_start3A_294 : memref<100xi32, #tpu.memory_space<vmem>>) semaphore(%arg18 : memref<!tpu.dma_semaphore, #tpu.memory_space<semaphore_mem>>)
    %dma_wait3A_298 = arith.constant 0 : i32
    %dma_wait3A_299 = arith.constant 0 : i32
    %dma_wait3A_300 = tpu.memref_slice %arg5[%dma_wait3A_298, %dma_wait3A_299] : memref<2x100xi32, #tpu.memory_space<vmem>> -> memref<1x100xi32, #tpu.memory_space<vmem>>
    %dma_wait3A_301 = tpu.memref_squeeze %dma_wait3A_300 : memref<1x100xi32, #tpu.memory_space<vmem>> -> memref<100xi32, #tpu.memory_space<vmem>>
    %dma_wait3A_302 = arith.constant 0 : i32
    %dma_wait3A_303 = arith.constant 0 : i32
    %dma_wait3A_304 = tpu.memref_slice %arg2[%dma_wait3A_302, %dma_wait3A_303] : memref<10000x128xf32, #tpu.memory_space<hbm>> -> memref<10000x128xf32, #tpu.memory_space<hbm>>
    tpu.wait_indirect_dma semaphore(%arg17 : memref<!tpu.dma_semaphore, #tpu.memory_space<semaphore_mem>>) src(%dma_wait3A_304 : memref<10000x128xf32, #tpu.memory_space<hbm>>) dst(%arg9 : memref<100x128xf32, #tpu.memory_space<vmem>>)
    %dma_start3A_305 = arith.constant 1 : i32
    %dma_start3A_306 = arith.constant 0 : i32
    %dma_start3A_307 = tpu.memref_slice %arg5[%dma_start3A_305, %dma_start3A_306] : memref<2x100xi32, #tpu.memory_space<vmem>> -> memref<1x100xi32, #tpu.memory_space<vmem>>
    %dma_start3A_308 = tpu.memref_squeeze %dma_start3A_307 : memref<1x100xi32, #tpu.memory_space<vmem>> -> memref<100xi32, #tpu.memory_space<vmem>>
    %dma_start3A_309 = arith.constant 0 : i32
    %dma_start3A_310 = arith.constant 0 : i32
    %dma_start3A_311 = tpu.memref_slice %arg12[%dma_start3A_309, %dma_start3A_310] : memref<10240x128xf32, #tpu.memory_space<vmem_shared>> -> memref<10240x128xf32, #tpu.memory_space<vmem_shared>>
    tpu.enqueue_indirect_dma source(%arg9 : memref<100x128xf32, #tpu.memory_space<vmem>>) target(%dma_start3A_311 : memref<10240x128xf32, #tpu.memory_space<vmem_shared>>) offsets(%dma_start3A_308 : memref<100xi32, #tpu.memory_space<vmem>>) semaphore(%arg19 : memref<!tpu.dma_semaphore, #tpu.memory_space<semaphore_mem>>) {add = true}
    %min3A_312 = arith.constant 98 : i32
    %min3A_313 = arith.constant 99 : i32
    %min3A_314 = arith.minsi %min3A_312, %min3A_313 : i32
    %dma_start3A_315 = arith.constant 0 : i32
    %dma_start3A_316 = arith.constant 0 : i32
    %dma_start3A_317 = tpu.memref_slice %arg3[%add3A, %min3A_314, %dma_start3A_315, %dma_start3A_316] : memref<32x100x2x100xi32, #tpu.memory_space<hbm>> -> memref<1x1x2x100xi32, #tpu.memory_space<hbm>>
    %dma_start3A_318 = tpu.memref_squeeze %dma_start3A_317 : memref<1x1x2x100xi32, #tpu.memory_space<hbm>> -> memref<2x100xi32, #tpu.memory_space<hbm>>
    %dma_start3A_319 = arith.constant 0 : i32
    %dma_start3A_320 = arith.constant 0 : i32
    %dma_start3A_321 = tpu.memref_slice %arg3[%add3A, %min3A_314, %dma_start3A_319, %dma_start3A_320] : memref<32x100x2x100xi32, #tpu.memory_space<hbm>> -> memref<1x1x2x100xi32, #tpu.memory_space<hbm>>
    %dma_start3A_322 = tpu.memref_squeeze %dma_start3A_321 : memref<1x1x2x100xi32, #tpu.memory_space<hbm>> -> memref<2x100xi32, #tpu.memory_space<hbm>>
    tpu.enqueue_dma source(%dma_start3A_322 : memref<2x100xi32, #tpu.memory_space<hbm>>) target(%arg7 : memref<2x100xi32, #tpu.memory_space<vmem>>) target_semaphore(%arg15 : memref<!tpu.dma_semaphore, #tpu.memory_space<semaphore_mem>>)
    %dma_wait3A_323 = arith.constant 0 : i32
    %dma_wait3A_324 = arith.constant 0 : i32
    %dma_wait3A_325 = arith.constant 0 : i32
    %dma_wait3A_326 = tpu.memref_slice %arg3[%add3A, %dma_wait3A_323, %dma_wait3A_324, %dma_wait3A_325] : memref<32x100x2x100xi32, #tpu.memory_space<hbm>> -> memref<1x1x2x100xi32, #tpu.memory_space<hbm>>
    %dma_wait3A_327 = tpu.memref_squeeze %dma_wait3A_326 : memref<1x1x2x100xi32, #tpu.memory_space<hbm>> -> memref<2x100xi32, #tpu.memory_space<hbm>>
    %dma_wait3A_328 = arith.constant 0 : i32
    %dma_wait3A_329 = arith.constant 0 : i32
    %dma_wait3A_330 = tpu.memref_slice %arg3[%add3A, %dma_wait3A_323, %dma_wait3A_328, %dma_wait3A_329] : memref<32x100x2x100xi32, #tpu.memory_space<hbm>> -> memref<1x1x2x100xi32, #tpu.memory_space<hbm>>
    %dma_wait3A_331 = tpu.memref_squeeze %dma_wait3A_330 : memref<1x1x2x100xi32, #tpu.memory_space<hbm>> -> memref<2x100xi32, #tpu.memory_space<hbm>>
    tpu.wait_dma2 semaphore(%arg15 : memref<!tpu.dma_semaphore, #tpu.memory_space<semaphore_mem>>) src(%dma_wait3A_331 : memref<2x100xi32, #tpu.memory_space<hbm>>) dst(%arg7 : memref<2x100xi32, #tpu.memory_space<vmem>>)
    %dma_wait3A_332 = arith.constant 1 : i32
    %dma_wait3A_333 = arith.constant 0 : i32
    %dma_wait3A_334 = tpu.memref_slice %arg5[%dma_wait3A_332, %dma_wait3A_333] : memref<2x100xi32, #tpu.memory_space<vmem>> -> memref<1x100xi32, #tpu.memory_space<vmem>>
    %dma_wait3A_335 = tpu.memref_squeeze %dma_wait3A_334 : memref<1x100xi32, #tpu.memory_space<vmem>> -> memref<100xi32, #tpu.memory_space<vmem>>
    %dma_wait3A_336 = arith.constant 0 : i32
    %dma_wait3A_337 = arith.constant 0 : i32
    %dma_wait3A_338 = tpu.memref_slice %arg12[%dma_wait3A_336, %dma_wait3A_337] : memref<10240x128xf32, #tpu.memory_space<vmem_shared>> -> memref<10240x128xf32, #tpu.memory_space<vmem_shared>>
    tpu.wait_indirect_dma semaphore(%arg19 : memref<!tpu.dma_semaphore, #tpu.memory_space<semaphore_mem>>) src(%arg9 : memref<100x128xf32, #tpu.memory_space<vmem>>) dst(%dma_wait3A_338 : memref<10240x128xf32, #tpu.memory_space<vmem_shared>>)
    %dma_start3A_339 = arith.constant 0 : i32
    %dma_start3A_340 = arith.constant 0 : i32
    %dma_start3A_341 = tpu.memref_slice %arg7[%dma_start3A_339, %dma_start3A_340] : memref<2x100xi32, #tpu.memory_space<vmem>> -> memref<1x100xi32, #tpu.memory_space<vmem>>
    %dma_start3A_342 = tpu.memref_squeeze %dma_start3A_341 : memref<1x100xi32, #tpu.memory_space<vmem>> -> memref<100xi32, #tpu.memory_space<vmem>>
    %dma_start3A_343 = arith.constant 0 : i32
    %dma_start3A_344 = arith.constant 0 : i32
    %dma_start3A_345 = tpu.memref_slice %arg2[%dma_start3A_343, %dma_start3A_344] : memref<10000x128xf32, #tpu.memory_space<hbm>> -> memref<10000x128xf32, #tpu.memory_space<hbm>>
    tpu.enqueue_indirect_dma source(%dma_start3A_345 : memref<10000x128xf32, #tpu.memory_space<hbm>>) target(%arg9 : memref<100x128xf32, #tpu.memory_space<vmem>>) offsets(%dma_start3A_342 : memref<100xi32, #tpu.memory_space<vmem>>) semaphore(%arg17 : memref<!tpu.dma_semaphore, #tpu.memory_space<semaphore_mem>>)
    %dma_wait3A_346 = arith.constant 0 : i32
    %dma_wait3A_347 = arith.constant 0 : i32
    %dma_wait3A_348 = tpu.memref_slice %arg6[%dma_wait3A_346, %dma_wait3A_347] : memref<2x100xi32, #tpu.memory_space<vmem>> -> memref<1x100xi32, #tpu.memory_space<vmem>>
    %dma_wait3A_349 = tpu.memref_squeeze %dma_wait3A_348 : memref<1x100xi32, #tpu.memory_space<vmem>> -> memref<100xi32, #tpu.memory_space<vmem>>
    %dma_wait3A_350 = arith.constant 0 : i32
    %dma_wait3A_351 = arith.constant 0 : i32
    %dma_wait3A_352 = tpu.memref_slice %arg2[%dma_wait3A_350, %dma_wait3A_351] : memref<10000x128xf32, #tpu.memory_space<hbm>> -> memref<10000x128xf32, #tpu.memory_space<hbm>>
    tpu.wait_indirect_dma semaphore(%arg18 : memref<!tpu.dma_semaphore, #tpu.memory_space<semaphore_mem>>) src(%dma_wait3A_352 : memref<10000x128xf32, #tpu.memory_space<hbm>>) dst(%arg10 : memref<100x128xf32, #tpu.memory_space<vmem>>)
    %dma_start3A_353 = arith.constant 1 : i32
    %dma_start3A_354 = arith.constant 0 : i32
    %dma_start3A_355 = tpu.memref_slice %arg6[%dma_start3A_353, %dma_start3A_354] : memref<2x100xi32, #tpu.memory_space<vmem>> -> memref<1x100xi32, #tpu.memory_space<vmem>>
    %dma_start3A_356 = tpu.memref_squeeze %dma_start3A_355 : memref<1x100xi32, #tpu.memory_space<vmem>> -> memref<100xi32, #tpu.memory_space<vmem>>
    %dma_start3A_357 = arith.constant 0 : i32
    %dma_start3A_358 = arith.constant 0 : i32
    %dma_start3A_359 = tpu.memref_slice %arg12[%dma_start3A_357, %dma_start3A_358] : memref<10240x128xf32, #tpu.memory_space<vmem_shared>> -> memref<10240x128xf32, #tpu.memory_space<vmem_shared>>
    tpu.enqueue_indirect_dma source(%arg10 : memref<100x128xf32, #tpu.memory_space<vmem>>) target(%dma_start3A_359 : memref<10240x128xf32, #tpu.memory_space<vmem_shared>>) offsets(%dma_start3A_356 : memref<100xi32, #tpu.memory_space<vmem>>) semaphore(%arg20 : memref<!tpu.dma_semaphore, #tpu.memory_space<semaphore_mem>>) {add = true}
    %min3A_360 = arith.constant 99 : i32
    %min3A_361 = arith.constant 99 : i32
    %min3A_362 = arith.minsi %min3A_360, %min3A_361 : i32
    %dma_start3A_363 = arith.constant 0 : i32
    %dma_start3A_364 = arith.constant 0 : i32
    %dma_start3A_365 = tpu.memref_slice %arg3[%add3A, %min3A_362, %dma_start3A_363, %dma_start3A_364] : memref<32x100x2x100xi32, #tpu.memory_space<hbm>> -> memref<1x1x2x100xi32, #tpu.memory_space<hbm>>
    %dma_start3A_366 = tpu.memref_squeeze %dma_start3A_365 : memref<1x1x2x100xi32, #tpu.memory_space<hbm>> -> memref<2x100xi32, #tpu.memory_space<hbm>>
    %dma_start3A_367 = arith.constant 0 : i32
    %dma_start3A_368 = arith.constant 0 : i32
    %dma_start3A_369 = tpu.memref_slice %arg3[%add3A, %min3A_362, %dma_start3A_367, %dma_start3A_368] : memref<32x100x2x100xi32, #tpu.memory_space<hbm>> -> memref<1x1x2x100xi32, #tpu.memory_space<hbm>>
    %dma_start3A_370 = tpu.memref_squeeze %dma_start3A_369 : memref<1x1x2x100xi32, #tpu.memory_space<hbm>> -> memref<2x100xi32, #tpu.memory_space<hbm>>
    tpu.enqueue_dma source(%dma_start3A_370 : memref<2x100xi32, #tpu.memory_space<hbm>>) target(%arg8 : memref<2x100xi32, #tpu.memory_space<vmem>>) target_semaphore(%arg16 : memref<!tpu.dma_semaphore, #tpu.memory_space<semaphore_mem>>)
    %dma_wait3A_371 = arith.constant 0 : i32
    %dma_wait3A_372 = arith.constant 0 : i32
    %dma_wait3A_373 = arith.constant 0 : i32
    %dma_wait3A_374 = tpu.memref_slice %arg3[%add3A, %dma_wait3A_371, %dma_wait3A_372, %dma_wait3A_373] : memref<32x100x2x100xi32, #tpu.memory_space<hbm>> -> memref<1x1x2x100xi32, #tpu.memory_space<hbm>>
    %dma_wait3A_375 = tpu.memref_squeeze %dma_wait3A_374 : memref<1x1x2x100xi32, #tpu.memory_space<hbm>> -> memref<2x100xi32, #tpu.memory_space<hbm>>
    %dma_wait3A_376 = arith.constant 0 : i32
    %dma_wait3A_377 = arith.constant 0 : i32
    %dma_wait3A_378 = tpu.memref_slice %arg3[%add3A, %dma_wait3A_371, %dma_wait3A_376, %dma_wait3A_377] : memref<32x100x2x100xi32, #tpu.memory_space<hbm>> -> memref<1x1x2x100xi32, #tpu.memory_space<hbm>>
    %dma_wait3A_379 = tpu.memref_squeeze %dma_wait3A_378 : memref<1x1x2x100xi32, #tpu.memory_space<hbm>> -> memref<2x100xi32, #tpu.memory_space<hbm>>
    tpu.wait_dma2 semaphore(%arg16 : memref<!tpu.dma_semaphore, #tpu.memory_space<semaphore_mem>>) src(%dma_wait3A_379 : memref<2x100xi32, #tpu.memory_space<hbm>>) dst(%arg8 : memref<2x100xi32, #tpu.memory_space<vmem>>)
    %dma_wait3A_380 = arith.constant 1 : i32
    %dma_wait3A_381 = arith.constant 0 : i32
    %dma_wait3A_382 = tpu.memref_slice %arg6[%dma_wait3A_380, %dma_wait3A_381] : memref<2x100xi32, #tpu.memory_space<vmem>> -> memref<1x100xi32, #tpu.memory_space<vmem>>
    %dma_wait3A_383 = tpu.memref_squeeze %dma_wait3A_382 : memref<1x100xi32, #tpu.memory_space<vmem>> -> memref<100xi32, #tpu.memory_space<vmem>>
    %dma_wait3A_384 = arith.constant 0 : i32
    %dma_wait3A_385 = arith.constant 0 : i32
    %dma_wait3A_386 = tpu.memref_slice %arg12[%dma_wait3A_384, %dma_wait3A_385] : memref<10240x128xf32, #tpu.memory_space<vmem_shared>> -> memref<10240x128xf32, #tpu.memory_space<vmem_shared>>
    tpu.wait_indirect_dma semaphore(%arg20 : memref<!tpu.dma_semaphore, #tpu.memory_space<semaphore_mem>>) src(%arg10 : memref<100x128xf32, #tpu.memory_space<vmem>>) dst(%dma_wait3A_386 : memref<10240x128xf32, #tpu.memory_space<vmem_shared>>)
    %dma_start3A_387 = arith.constant 0 : i32
    %dma_start3A_388 = arith.constant 0 : i32
    %dma_start3A_389 = tpu.memref_slice %arg8[%dma_start3A_387, %dma_start3A_388] : memref<2x100xi32, #tpu.memory_space<vmem>> -> memref<1x100xi32, #tpu.memory_space<vmem>>
    %dma_start3A_390 = tpu.memref_squeeze %dma_start3A_389 : memref<1x100xi32, #tpu.memory_space<vmem>> -> memref<100xi32, #tpu.memory_space<vmem>>
    %dma_start3A_391 = arith.constant 0 : i32
    %dma_start3A_392 = arith.constant 0 : i32
    %dma_start3A_393 = tpu.memref_slice %arg2[%dma_start3A_391, %dma_start3A_392] : memref<10000x128xf32, #tpu.memory_space<hbm>> -> memref<10000x128xf32, #tpu.memory_space<hbm>>
    tpu.enqueue_indirect_dma source(%dma_start3A_393 : memref<10000x128xf32, #tpu.memory_space<hbm>>) target(%arg10 : memref<100x128xf32, #tpu.memory_space<vmem>>) offsets(%dma_start3A_390 : memref<100xi32, #tpu.memory_space<vmem>>) semaphore(%arg18 : memref<!tpu.dma_semaphore, #tpu.memory_space<semaphore_mem>>)
    %dma_wait3A_394 = arith.constant 0 : i32
    %dma_wait3A_395 = arith.constant 0 : i32
    %dma_wait3A_396 = tpu.memref_slice %arg7[%dma_wait3A_394, %dma_wait3A_395] : memref<2x100xi32, #tpu.memory_space<vmem>> -> memref<1x100xi32, #tpu.memory_space<vmem>>
    %dma_wait3A_397 = tpu.memref_squeeze %dma_wait3A_396 : memref<1x100xi32, #tpu.memory_space<vmem>> -> memref<100xi32, #tpu.memory_space<vmem>>
    %dma_wait3A_398 = arith.constant 0 : i32
    %dma_wait3A_399 = arith.constant 0 : i32
    %dma_wait3A_400 = tpu.memref_slice %arg2[%dma_wait3A_398, %dma_wait3A_399] : memref<10000x128xf32, #tpu.memory_space<hbm>> -> memref<10000x128xf32, #tpu.memory_space<hbm>>
    tpu.wait_indirect_dma semaphore(%arg17 : memref<!tpu.dma_semaphore, #tpu.memory_space<semaphore_mem>>) src(%dma_wait3A_400 : memref<10000x128xf32, #tpu.memory_space<hbm>>) dst(%arg9 : memref<100x128xf32, #tpu.memory_space<vmem>>)
    %dma_start3A_401 = arith.constant 1 : i32
    %dma_start3A_402 = arith.constant 0 : i32
    %dma_start3A_403 = tpu.memref_slice %arg7[%dma_start3A_401, %dma_start3A_402] : memref<2x100xi32, #tpu.memory_space<vmem>> -> memref<1x100xi32, #tpu.memory_space<vmem>>
    %dma_start3A_404 = tpu.memref_squeeze %dma_start3A_403 : memref<1x100xi32, #tpu.memory_space<vmem>> -> memref<100xi32, #tpu.memory_space<vmem>>
    %dma_start3A_405 = arith.constant 0 : i32
    %dma_start3A_406 = arith.constant 0 : i32
    %dma_start3A_407 = tpu.memref_slice %arg12[%dma_start3A_405, %dma_start3A_406] : memref<10240x128xf32, #tpu.memory_space<vmem_shared>> -> memref<10240x128xf32, #tpu.memory_space<vmem_shared>>
    tpu.enqueue_indirect_dma source(%arg9 : memref<100x128xf32, #tpu.memory_space<vmem>>) target(%dma_start3A_407 : memref<10240x128xf32, #tpu.memory_space<vmem_shared>>) offsets(%dma_start3A_404 : memref<100xi32, #tpu.memory_space<vmem>>) semaphore(%arg19 : memref<!tpu.dma_semaphore, #tpu.memory_space<semaphore_mem>>) {add = true}
    %min3A_408 = arith.constant 100 : i32
    %min3A_409 = arith.constant 99 : i32
    %min3A_410 = arith.minsi %min3A_408, %min3A_409 : i32
    %dma_start3A_411 = arith.constant 0 : i32
    %dma_start3A_412 = arith.constant 0 : i32
    %dma_start3A_413 = tpu.memref_slice %arg3[%add3A, %min3A_410, %dma_start3A_411, %dma_start3A_412] : memref<32x100x2x100xi32, #tpu.memory_space<hbm>> -> memref<1x1x2x100xi32, #tpu.memory_space<hbm>>
    %dma_start3A_414 = tpu.memref_squeeze %dma_start3A_413 : memref<1x1x2x100xi32, #tpu.memory_space<hbm>> -> memref<2x100xi32, #tpu.memory_space<hbm>>
    %dma_start3A_415 = arith.constant 0 : i32
    %dma_start3A_416 = arith.constant 0 : i32
    %dma_start3A_417 = tpu.memref_slice %arg3[%add3A, %min3A_410, %dma_start3A_415, %dma_start3A_416] : memref<32x100x2x100xi32, #tpu.memory_space<hbm>> -> memref<1x1x2x100xi32, #tpu.memory_space<hbm>>
    %dma_start3A_418 = tpu.memref_squeeze %dma_start3A_417 : memref<1x1x2x100xi32, #tpu.memory_space<hbm>> -> memref<2x100xi32, #tpu.memory_space<hbm>>
    tpu.enqueue_dma source(%dma_start3A_418 : memref<2x100xi32, #tpu.memory_space<hbm>>) target(%arg5 : memref<2x100xi32, #tpu.memory_space<vmem>>) target_semaphore(%arg13 : memref<!tpu.dma_semaphore, #tpu.memory_space<semaphore_mem>>)
    %dma_wait3A_419 = arith.constant 0 : i32
    %dma_wait3A_420 = arith.constant 0 : i32
    %dma_wait3A_421 = arith.constant 0 : i32
    %dma_wait3A_422 = tpu.memref_slice %arg3[%add3A, %dma_wait3A_419, %dma_wait3A_420, %dma_wait3A_421] : memref<32x100x2x100xi32, #tpu.memory_space<hbm>> -> memref<1x1x2x100xi32, #tpu.memory_space<hbm>>
    %dma_wait3A_423 = tpu.memref_squeeze %dma_wait3A_422 : memref<1x1x2x100xi32, #tpu.memory_space<hbm>> -> memref<2x100xi32, #tpu.memory_space<hbm>>
    %dma_wait3A_424 = arith.constant 0 : i32
    %dma_wait3A_425 = arith.constant 0 : i32
    %dma_wait3A_426 = tpu.memref_slice %arg3[%add3A, %dma_wait3A_419, %dma_wait3A_424, %dma_wait3A_425] : memref<32x100x2x100xi32, #tpu.memory_space<hbm>> -> memref<1x1x2x100xi32, #tpu.memory_space<hbm>>
    %dma_wait3A_427 = tpu.memref_squeeze %dma_wait3A_426 : memref<1x1x2x100xi32, #tpu.memory_space<hbm>> -> memref<2x100xi32, #tpu.memory_space<hbm>>
    tpu.wait_dma2 semaphore(%arg13 : memref<!tpu.dma_semaphore, #tpu.memory_space<semaphore_mem>>) src(%dma_wait3A_427 : memref<2x100xi32, #tpu.memory_space<hbm>>) dst(%arg5 : memref<2x100xi32, #tpu.memory_space<vmem>>)
    %dma_wait3A_428 = arith.constant 1 : i32
    %dma_wait3A_429 = arith.constant 0 : i32
    %dma_wait3A_430 = tpu.memref_slice %arg7[%dma_wait3A_428, %dma_wait3A_429] : memref<2x100xi32, #tpu.memory_space<vmem>> -> memref<1x100xi32, #tpu.memory_space<vmem>>
    %dma_wait3A_431 = tpu.memref_squeeze %dma_wait3A_430 : memref<1x100xi32, #tpu.memory_space<vmem>> -> memref<100xi32, #tpu.memory_space<vmem>>
    %dma_wait3A_432 = arith.constant 0 : i32
    %dma_wait3A_433 = arith.constant 0 : i32
    %dma_wait3A_434 = tpu.memref_slice %arg12[%dma_wait3A_432, %dma_wait3A_433] : memref<10240x128xf32, #tpu.memory_space<vmem_shared>> -> memref<10240x128xf32, #tpu.memory_space<vmem_shared>>
    tpu.wait_indirect_dma semaphore(%arg19 : memref<!tpu.dma_semaphore, #tpu.memory_space<semaphore_mem>>) src(%arg9 : memref<100x128xf32, #tpu.memory_space<vmem>>) dst(%dma_wait3A_434 : memref<10240x128xf32, #tpu.memory_space<vmem_shared>>)
    %dma_wait3A_435 = arith.constant 0 : i32
    %dma_wait3A_436 = arith.constant 0 : i32
    %dma_wait3A_437 = tpu.memref_slice %arg8[%dma_wait3A_435, %dma_wait3A_436] : memref<2x100xi32, #tpu.memory_space<vmem>> -> memref<1x100xi32, #tpu.memory_space<vmem>>
    %dma_wait3A_438 = tpu.memref_squeeze %dma_wait3A_437 : memref<1x100xi32, #tpu.memory_space<vmem>> -> memref<100xi32, #tpu.memory_space<vmem>>
    %dma_wait3A_439 = arith.constant 0 : i32
    %dma_wait3A_440 = arith.constant 0 : i32
    %dma_wait3A_441 = tpu.memref_slice %arg2[%dma_wait3A_439, %dma_wait3A_440] : memref<10000x128xf32, #tpu.memory_space<hbm>> -> memref<10000x128xf32, #tpu.memory_space<hbm>>
    tpu.wait_indirect_dma semaphore(%arg18 : memref<!tpu.dma_semaphore, #tpu.memory_space<semaphore_mem>>) src(%dma_wait3A_441 : memref<10000x128xf32, #tpu.memory_space<hbm>>) dst(%arg10 : memref<100x128xf32, #tpu.memory_space<vmem>>)
    %dma_start3A_442 = arith.constant 1 : i32
    %dma_start3A_443 = arith.constant 0 : i32
    %dma_start3A_444 = tpu.memref_slice %arg8[%dma_start3A_442, %dma_start3A_443] : memref<2x100xi32, #tpu.memory_space<vmem>> -> memref<1x100xi32, #tpu.memory_space<vmem>>
    %dma_start3A_445 = tpu.memref_squeeze %dma_start3A_444 : memref<1x100xi32, #tpu.memory_space<vmem>> -> memref<100xi32, #tpu.memory_space<vmem>>
    %dma_start3A_446 = arith.constant 0 : i32
    %dma_start3A_447 = arith.constant 0 : i32
    %dma_start3A_448 = tpu.memref_slice %arg12[%dma_start3A_446, %dma_start3A_447] : memref<10240x128xf32, #tpu.memory_space<vmem_shared>> -> memref<10240x128xf32, #tpu.memory_space<vmem_shared>>
    tpu.enqueue_indirect_dma source(%arg10 : memref<100x128xf32, #tpu.memory_space<vmem>>) target(%dma_start3A_448 : memref<10240x128xf32, #tpu.memory_space<vmem_shared>>) offsets(%dma_start3A_445 : memref<100xi32, #tpu.memory_space<vmem>>) semaphore(%arg20 : memref<!tpu.dma_semaphore, #tpu.memory_space<semaphore_mem>>) {add = true}
    %dma_wait3A_449 = arith.constant 1 : i32
    %dma_wait3A_450 = arith.constant 0 : i32
    %dma_wait3A_451 = tpu.memref_slice %arg8[%dma_wait3A_449, %dma_wait3A_450] : memref<2x100xi32, #tpu.memory_space<vmem>> -> memref<1x100xi32, #tpu.memory_space<vmem>>
    %dma_wait3A_452 = tpu.memref_squeeze %dma_wait3A_451 : memref<1x100xi32, #tpu.memory_space<vmem>> -> memref<100xi32, #tpu.memory_space<vmem>>
    %dma_wait3A_453 = arith.constant 0 : i32
    %dma_wait3A_454 = arith.constant 0 : i32
    %dma_wait3A_455 = tpu.memref_slice %arg12[%dma_wait3A_453, %dma_wait3A_454] : memref<10240x128xf32, #tpu.memory_space<vmem_shared>> -> memref<10240x128xf32, #tpu.memory_space<vmem_shared>>
    tpu.wait_indirect_dma semaphore(%arg20 : memref<!tpu.dma_semaphore, #tpu.memory_space<semaphore_mem>>) src(%arg10 : memref<100x128xf32, #tpu.memory_space<vmem>>) dst(%dma_wait3A_455 : memref<10240x128xf32, #tpu.memory_space<vmem_shared>>)
    %barrier3A_456 = arith.constant 0 : index
    tpu.barrier barrier_id(%barrier3A_456)
    %mul3A_457 = arith.constant 640 : i32
    %mul3A_458 = arith.muli %arg1, %mul3A_457 : i32
    %mul3A_459 = arith.constant 640 : i32
    %mul3A_460 = arith.muli %arg1, %mul3A_459 : i32
    "tpu.region"() ({
      %run_scoped3A_461 = tpu.sem_alloc : memref<!tpu.dma_semaphore, #tpu.memory_space<semaphore_mem>>
      %dma_start3A_462 = arith.constant 0 : i32
      %dma_start3A_463 = tpu.memref_slice %arg4[%arg0, %mul3A_460, %dma_start3A_462] : memref<2x10240x128xf32, #tpu.memory_space<hbm>> -> memref<1x640x128xf32, #tpu.memory_space<hbm>>
      %dma_start3A_464 = tpu.memref_squeeze %dma_start3A_463 : memref<1x640x128xf32, #tpu.memory_space<hbm>> -> memref<640x128xf32, #tpu.memory_space<hbm>>
      %dma_start3A_465 = arith.constant 0 : i32
      %dma_start3A_466 = tpu.memref_slice %arg12[%mul3A_458, %dma_start3A_465] : memref<10240x128xf32, #tpu.memory_space<vmem_shared>> -> memref<640x128xf32, #tpu.memory_space<vmem_shared>>
      tpu.enqueue_dma source(%dma_start3A_466 : memref<640x128xf32, #tpu.memory_space<vmem_shared>>) target(%dma_start3A_464 : memref<640x128xf32, #tpu.memory_space<hbm>>) target_semaphore(%run_scoped3A_461 : memref<!tpu.dma_semaphore, #tpu.memory_space<semaphore_mem>>)
      %dma_wait3A_467 = arith.constant 0 : i32
      %dma_wait3A_468 = tpu.memref_slice %arg4[%arg0, %mul3A_460, %dma_wait3A_467] : memref<2x10240x128xf32, #tpu.memory_space<hbm>> -> memref<1x640x128xf32, #tpu.memory_space<hbm>>
      %dma_wait3A_469 = tpu.memref_squeeze %dma_wait3A_468 : memref<1x640x128xf32, #tpu.memory_space<hbm>> -> memref<640x128xf32, #tpu.memory_space<hbm>>
      %dma_wait3A_470 = arith.constant 0 : i32
      %dma_wait3A_471 = tpu.memref_slice %arg12[%mul3A_458, %dma_wait3A_470] : memref<10240x128xf32, #tpu.memory_space<vmem_shared>> -> memref<640x128xf32, #tpu.memory_space<vmem_shared>>
      tpu.wait_dma2 semaphore(%run_scoped3A_461 : memref<!tpu.dma_semaphore, #tpu.memory_space<semaphore_mem>>) src(%dma_wait3A_471 : memref<640x128xf32, #tpu.memory_space<vmem_shared>>) dst(%dma_wait3A_469 : memref<640x128xf32, #tpu.memory_space<hbm>>)
      tpu.yield
    }) : () -> ()
    return
  }
}

module attributes {stable_mosaic.version = 14 : i64} {
  func.func @_pre_body(%arg0: i32, %arg1: memref<2000x128xf32, #tpu.memory_space<vmem>>, %arg2: memref<2000x1xf32, #tpu.memory_space<vmem>>, %arg3: memref<2000x1xf32, #tpu.memory_space<vmem>>, %arg4: memref<128x128xf32, #tpu.memory_space<vmem>>, %arg5: memref<2000x128xf32, #tpu.memory_space<vmem>>) attributes {dimension_semantics = [#tpu.dimension_semantics<arbitrary>], iteration_bounds = array<i64: 5>, scalar_prefetch = 0 : i64, scratch_operands = 0 : i64, tpu.core_type = #tpu.core_type<tc>, window_params = [{transform_indices = @transform_0, window_bounds = array<i64: 2000, 128>}, {transform_indices = @transform_1, window_bounds = array<i64: 2000, 1>}, {transform_indices = @transform_2, window_bounds = array<i64: 2000, 1>}, {pipeline_mode = #tpu.pipeline_mode<synchronous>, transform_indices = @transform_3, window_bounds = array<i64: 128, 128>}, {transform_indices = @transform_4, window_bounds = array<i64: 2000, 128>}]} {
    %get3A = arith.constant 0 : index
    %get3A_0 = arith.constant 0 : index
    %get3A_1 = vector.load %arg2[%get3A, %get3A_0] : memref<2000x1xf32, #tpu.memory_space<vmem>>, vector<2000x1xf32>
    %get3A_2 = arith.constant 0 : index
    %get3A_3 = arith.constant 0 : index
    %get3A_4 = vector.load %arg3[%get3A_2, %get3A_3] : memref<2000x1xf32, #tpu.memory_space<vmem>>, vector<2000x1xf32>
    %add3A = arith.addf %get3A_1, %get3A_4 : vector<2000x1xf32>
    %gt3A = arith.constant 0.000000e+00 : f32
    %gt3A_5 = vector.broadcast %gt3A : f32 to vector<2000x1xf32>
    %gt3A_6 = arith.cmpf ogt, %add3A, %gt3A_5 : vector<2000x1xf32>
    %max3A = arith.constant 1.000000e+00 : f32
    %max3A_7 = vector.broadcast %max3A : f32 to vector<2000x1xf32>
    %max3A_8 = arith.maximumf %add3A, %max3A_7 : vector<2000x1xf32>
    %rsqrt3A = math.rsqrt %max3A_8 : vector<2000x1xf32>
    %jit3A = arith.constant 0.000000e+00 : f32
    %broadcast_in_dim3A = vector.broadcast %jit3A : f32 to vector<2000x1xf32>
    %select_n3A = arith.select %gt3A_6, %rsqrt3A, %broadcast_in_dim3A : vector<2000x1xi1>, vector<2000x1xf32>
    %get3A_9 = arith.constant 0 : index
    %get3A_10 = arith.constant 0 : index
    %get3A_11 = vector.load %arg1[%get3A_9, %get3A_10] : memref<2000x128xf32, #tpu.memory_space<vmem>>, vector<2000x128xf32>
    %mul3A = vector.broadcast %select_n3A : vector<2000x1xf32> to vector<2000x128xf32>
    %mul3A_12 = arith.mulf %get3A_11, %mul3A : vector<2000x128xf32>
    %get3A_13 = arith.constant 0 : index
    %get3A_14 = arith.constant 0 : index
    %get3A_15 = vector.load %arg4[%get3A_13, %get3A_14] : memref<128x128xf32, #tpu.memory_space<vmem>>, vector<128x128xf32>
    %dot_general3A = arith.constant dense<0.000000e+00> : vector<2000x128xf32>
    %dot_general3A_16 = tpu.matmul %mul3A_12, %get3A_15, %dot_general3A {dimension_numbers = #tpu.dot_dimension_numbers<[1], [0], [0], [1], [0, 0, 1, 1], [], []>, transpose_lhs_hint = false} : vector<2000x128xf32>, vector<128x128xf32>, vector<2000x128xf32> -> vector<2000x128xf32>
    %swap3A = arith.constant 0 : index
    %swap3A_17 = arith.constant 0 : index
    %swap3A_18 = vector.load %arg5[%swap3A, %swap3A_17] : memref<2000x128xf32, #tpu.memory_space<vmem>>, vector<2000x128xf32>
    tpu.vector_store %arg5[%swap3A, %swap3A_17], %dot_general3A_16 {strides = array<i32>} : memref<2000x128xf32, #tpu.memory_space<vmem>>, vector<2000x128xf32>,
    return
  }
  func.func @transform_0(%arg0: i32) -> (i32, i32) {
    %c0_i32 = arith.constant 0 : i32
    %c0_i32_0 = arith.constant 0 : i32
    return %arg0, %c0_i32 : i32, i32
  }
  func.func @transform_1(%arg0: i32) -> (i32, i32) {
    %c0_i32 = arith.constant 0 : i32
    %c0_i32_0 = arith.constant 0 : i32
    return %arg0, %c0_i32 : i32, i32
  }
  func.func @transform_2(%arg0: i32) -> (i32, i32) {
    %c0_i32 = arith.constant 0 : i32
    %c0_i32_0 = arith.constant 0 : i32
    return %arg0, %c0_i32 : i32, i32
  }
  func.func @transform_3(%arg0: i32) -> (i32, i32) {
    %c0_i32 = arith.constant 0 : i32
    %c0_i32_0 = arith.constant 0 : i32
    %c0_i32_1 = arith.constant 0 : i32
    return %c0_i32, %c0_i32_0 : i32, i32
  }
  func.func @transform_4(%arg0: i32) -> (i32, i32) {
    %c0_i32 = arith.constant 0 : i32
    %c0_i32_0 = arith.constant 0 : i32
    return %arg0, %c0_i32 : i32, i32
  }
}

module attributes {stable_mosaic.version = 14 : i64} {
  func.func @_postpre_body(%arg0: i32, %arg1: memref<1x2000x128xf32, #tpu.memory_space<vmem>>, %arg2: memref<1x2000x128xf32, #tpu.memory_space<vmem>>, %arg3: memref<2000x1xf32, #tpu.memory_space<vmem>>, %arg4: memref<2000x1xf32, #tpu.memory_space<vmem>>, %arg5: memref<1x128xf32, #tpu.memory_space<vmem>>, %arg6: memref<2000x1xf32, #tpu.memory_space<vmem>>, %arg7: memref<2000x1xf32, #tpu.memory_space<vmem>>, %arg8: memref<128x128xf32, #tpu.memory_space<vmem>>, %arg9: memref<2000x128xf32, #tpu.memory_space<vmem>>, %arg10: memref<2000x128xf32, #tpu.memory_space<vmem>>) attributes {dimension_semantics = [#tpu.dimension_semantics<arbitrary>], iteration_bounds = array<i64: 5>, scalar_prefetch = 0 : i64, scratch_operands = 0 : i64, tpu.core_type = #tpu.core_type<tc>, window_params = [{transform_indices = @transform_0, window_bounds = array<i64: 1, 2000, 128>}, {transform_indices = @transform_1, window_bounds = array<i64: 1, 2000, 128>}, {transform_indices = @transform_2, window_bounds = array<i64: 2000, 1>}, {transform_indices = @transform_3, window_bounds = array<i64: 2000, 1>}, {pipeline_mode = #tpu.pipeline_mode<synchronous>, transform_indices = @transform_4, window_bounds = array<i64: 1, 128>}, {transform_indices = @transform_5, window_bounds = array<i64: 2000, 1>}, {transform_indices = @transform_6, window_bounds = array<i64: 2000, 1>}, {pipeline_mode = #tpu.pipeline_mode<synchronous>, transform_indices = @transform_7, window_bounds = array<i64: 128, 128>}, {transform_indices = @transform_8, window_bounds = array<i64: 2000, 128>}, {transform_indices = @transform_9, window_bounds = array<i64: 2000, 128>}]} {
    %get3A = arith.constant 0 : index
    %get3A_0 = arith.constant 0 : index
    %get3A_1 = vector.load %arg3[%get3A, %get3A_0] : memref<2000x1xf32, #tpu.memory_space<vmem>>, vector<2000x1xf32>
    %get3A_2 = arith.constant 0 : index
    %get3A_3 = arith.constant 0 : index
    %get3A_4 = vector.load %arg4[%get3A_2, %get3A_3] : memref<2000x1xf32, #tpu.memory_space<vmem>>, vector<2000x1xf32>
    %add3A = arith.addf %get3A_1, %get3A_4 : vector<2000x1xf32>
    %gt3A = arith.constant 0.000000e+00 : f32
    %gt3A_5 = vector.broadcast %gt3A : f32 to vector<2000x1xf32>
    %gt3A_6 = arith.cmpf ogt, %add3A, %gt3A_5 : vector<2000x1xf32>
    %max3A = arith.constant 1.000000e+00 : f32
    %max3A_7 = vector.broadcast %max3A : f32 to vector<2000x1xf32>
    %max3A_8 = arith.maximumf %add3A, %max3A_7 : vector<2000x1xf32>
    %rsqrt3A = math.rsqrt %max3A_8 : vector<2000x1xf32>
    %jit3A = arith.constant 0.000000e+00 : f32
    %broadcast_in_dim3A = vector.broadcast %jit3A : f32 to vector<2000x1xf32>
    %select_n3A = arith.select %gt3A_6, %rsqrt3A, %broadcast_in_dim3A : vector<2000x1xi1>, vector<2000x1xf32>
    %get3A_9 = arith.constant 0 : index
    %get3A_10 = arith.constant 0 : index
    %get3A_11 = arith.constant 0 : index
    %get3A_12 = vector.load %arg1[%get3A_9, %get3A_10, %get3A_11] : memref<1x2000x128xf32, #tpu.memory_space<vmem>>, vector<1x2000x128xf32>
    %get3A_13 = vector.shape_cast %get3A_12 : vector<1x2000x128xf32> to vector<2000x128xf32>
    %get3A_14 = arith.constant 0 : index
    %get3A_15 = arith.constant 0 : index
    %get3A_16 = arith.constant 0 : index
    %get3A_17 = vector.load %arg2[%get3A_14, %get3A_15, %get3A_16] : memref<1x2000x128xf32, #tpu.memory_space<vmem>>, vector<1x2000x128xf32>
    %get3A_18 = vector.shape_cast %get3A_17 : vector<1x2000x128xf32> to vector<2000x128xf32>
    %add3A_19 = arith.addf %get3A_13, %get3A_18 : vector<2000x128xf32>
    %mul3A = vector.broadcast %select_n3A : vector<2000x1xf32> to vector<2000x128xf32>
    %mul3A_20 = arith.mulf %add3A_19, %mul3A : vector<2000x128xf32>
    %get3A_21 = arith.constant 0 : index
    %get3A_22 = arith.constant 0 : index
    %get3A_23 = vector.load %arg5[%get3A_21, %get3A_22] : memref<1x128xf32, #tpu.memory_space<vmem>>, vector<1x128xf32>
    %add3A_24 = vector.broadcast %get3A_23 : vector<1x128xf32> to vector<2000x128xf32>
    %add3A_25 = arith.addf %mul3A_20, %add3A_24 : vector<2000x128xf32>
    %max3A_26 = arith.constant 0.000000e+00 : f32
    %max3A_27 = vector.broadcast %max3A_26 : f32 to vector<2000x128xf32>
    %max3A_28 = arith.maximumf %add3A_25, %max3A_27 : vector<2000x128xf32>
    %swap3A = arith.constant 0 : index
    %swap3A_29 = arith.constant 0 : index
    %swap3A_30 = vector.load %arg9[%swap3A, %swap3A_29] : memref<2000x128xf32, #tpu.memory_space<vmem>>, vector<2000x128xf32>
    tpu.vector_store %arg9[%swap3A, %swap3A_29], %max3A_28 {strides = array<i32>} : memref<2000x128xf32, #tpu.memory_space<vmem>>, vector<2000x128xf32>,
    %get3A_31 = arith.constant 0 : index
    %get3A_32 = arith.constant 0 : index
    %get3A_33 = vector.load %arg6[%get3A_31, %get3A_32] : memref<2000x1xf32, #tpu.memory_space<vmem>>, vector<2000x1xf32>
    %get3A_34 = arith.constant 0 : index
    %get3A_35 = arith.constant 0 : index
    %get3A_36 = vector.load %arg7[%get3A_34, %get3A_35] : memref<2000x1xf32, #tpu.memory_space<vmem>>, vector<2000x1xf32>
    %add3A_37 = arith.addf %get3A_33, %get3A_36 : vector<2000x1xf32>
    %gt3A_38 = arith.constant 0.000000e+00 : f32
    %gt3A_39 = vector.broadcast %gt3A_38 : f32 to vector<2000x1xf32>
    %gt3A_40 = arith.cmpf ogt, %add3A_37, %gt3A_39 : vector<2000x1xf32>
    %max3A_41 = arith.constant 1.000000e+00 : f32
    %max3A_42 = vector.broadcast %max3A_41 : f32 to vector<2000x1xf32>
    %max3A_43 = arith.maximumf %add3A_37, %max3A_42 : vector<2000x1xf32>
    %rsqrt3A_44 = math.rsqrt %max3A_43 : vector<2000x1xf32>
    %jit3A_45 = arith.constant 0.000000e+00 : f32
    %broadcast_in_dim3A_46 = vector.broadcast %jit3A_45 : f32 to vector<2000x1xf32>
    %select_n3A_47 = arith.select %gt3A_40, %rsqrt3A_44, %broadcast_in_dim3A_46 : vector<2000x1xi1>, vector<2000x1xf32>
    %mul3A_48 = vector.broadcast %select_n3A_47 : vector<2000x1xf32> to vector<2000x128xf32>
    %mul3A_49 = arith.mulf %max3A_28, %mul3A_48 : vector<2000x128xf32>
    %get3A_50 = arith.constant 0 : index
    %get3A_51 = arith.constant 0 : index
    %get3A_52 = vector.load %arg8[%get3A_50, %get3A_51] : memref<128x128xf32, #tpu.memory_space<vmem>>, vector<128x128xf32>
    %dot_general3A = arith.constant dense<0.000000e+00> : vector<2000x128xf32>
    %dot_general3A_53 = tpu.matmul %mul3A_49, %get3A_52, %dot_general3A {dimension_numbers = #tpu.dot_dimension_numbers<[1], [0], [0], [1], [0, 0, 1, 1], [], []>, transpose_lhs_hint = false} : vector<2000x128xf32>, vector<128x128xf32>, vector<2000x128xf32> -> vector<2000x128xf32>
    %swap3A_54 = arith.constant 0 : index
    %swap3A_55 = arith.constant 0 : index
    %swap3A_56 = vector.load %arg10[%swap3A_54, %swap3A_55] : memref<2000x128xf32, #tpu.memory_space<vmem>>, vector<2000x128xf32>
    tpu.vector_store %arg10[%swap3A_54, %swap3A_55], %dot_general3A_53 {strides = array<i32>} : memref<2000x128xf32, #tpu.memory_space<vmem>>, vector<2000x128xf32>,
    return
  }
  func.func @transform_0(%arg0: i32) -> (i32, i32, i32) {
    %c0_i32 = arith.constant 0 : i32
    %c0_i32_0 = arith.constant 0 : i32
    %c0_i32_1 = arith.constant 0 : i32
    return %c0_i32, %arg0, %c0_i32_0 : i32, i32, i32
  }
  func.func @transform_1(%arg0: i32) -> (i32, i32, i32) {
    %c1_i32 = arith.constant 1 : i32
    %c0_i32 = arith.constant 0 : i32
    %c0_i32_0 = arith.constant 0 : i32
    return %c1_i32, %arg0, %c0_i32 : i32, i32, i32
  }
  func.func @transform_2(%arg0: i32) -> (i32, i32) {
    %c0_i32 = arith.constant 0 : i32
    %c0_i32_0 = arith.constant 0 : i32
    return %arg0, %c0_i32 : i32, i32
  }
  func.func @transform_3(%arg0: i32) -> (i32, i32) {
    %c0_i32 = arith.constant 0 : i32
    %c0_i32_0 = arith.constant 0 : i32
    return %arg0, %c0_i32 : i32, i32
  }
  func.func @transform_4(%arg0: i32) -> (i32, i32) {
    %c0_i32 = arith.constant 0 : i32
    %c0_i32_0 = arith.constant 0 : i32
    %c0_i32_1 = arith.constant 0 : i32
    return %c0_i32, %c0_i32_0 : i32, i32
  }
  func.func @transform_5(%arg0: i32) -> (i32, i32) {
    %c0_i32 = arith.constant 0 : i32
    %c0_i32_0 = arith.constant 0 : i32
    return %arg0, %c0_i32 : i32, i32
  }
  func.func @transform_6(%arg0: i32) -> (i32, i32) {
    %c0_i32 = arith.constant 0 : i32
    %c0_i32_0 = arith.constant 0 : i32
    return %arg0, %c0_i32 : i32, i32
  }
  func.func @transform_7(%arg0: i32) -> (i32, i32) {
    %c0_i32 = arith.constant 0 : i32
    %c0_i32_0 = arith.constant 0 : i32
    %c0_i32_1 = arith.constant 0 : i32
    return %c0_i32, %c0_i32_0 : i32, i32
  }
  func.func @transform_8(%arg0: i32) -> (i32, i32) {
    %c0_i32 = arith.constant 0 : i32
    %c0_i32_0 = arith.constant 0 : i32
    return %arg0, %c0_i32 : i32, i32
  }
  func.func @transform_9(%arg0: i32) -> (i32, i32) {
    %c0_i32 = arith.constant 0 : i32
    %c0_i32_0 = arith.constant 0 : i32
    return %arg0, %c0_i32 : i32, i32
  }
}

module attributes {stable_mosaic.version = 14 : i64} {
  func.func @_post_body(%arg0: i32, %arg1: memref<1x2000x128xf32, #tpu.memory_space<vmem>>, %arg2: memref<1x2000x128xf32, #tpu.memory_space<vmem>>, %arg3: memref<2000x1xf32, #tpu.memory_space<vmem>>, %arg4: memref<2000x1xf32, #tpu.memory_space<vmem>>, %arg5: memref<1x128xf32, #tpu.memory_space<vmem>>, %arg6: memref<2000x128xf32, #tpu.memory_space<vmem>>) attributes {dimension_semantics = [#tpu.dimension_semantics<arbitrary>], iteration_bounds = array<i64: 5>, scalar_prefetch = 0 : i64, scratch_operands = 0 : i64, tpu.core_type = #tpu.core_type<tc>, window_params = [{transform_indices = @transform_0, window_bounds = array<i64: 1, 2000, 128>}, {transform_indices = @transform_1, window_bounds = array<i64: 1, 2000, 128>}, {transform_indices = @transform_2, window_bounds = array<i64: 2000, 1>}, {transform_indices = @transform_3, window_bounds = array<i64: 2000, 1>}, {pipeline_mode = #tpu.pipeline_mode<synchronous>, transform_indices = @transform_4, window_bounds = array<i64: 1, 128>}, {transform_indices = @transform_5, window_bounds = array<i64: 2000, 128>}]} {
    %get3A = arith.constant 0 : index
    %get3A_0 = arith.constant 0 : index
    %get3A_1 = vector.load %arg3[%get3A, %get3A_0] : memref<2000x1xf32, #tpu.memory_space<vmem>>, vector<2000x1xf32>
    %get3A_2 = arith.constant 0 : index
    %get3A_3 = arith.constant 0 : index
    %get3A_4 = vector.load %arg4[%get3A_2, %get3A_3] : memref<2000x1xf32, #tpu.memory_space<vmem>>, vector<2000x1xf32>
    %add3A = arith.addf %get3A_1, %get3A_4 : vector<2000x1xf32>
    %gt3A = arith.constant 0.000000e+00 : f32
    %gt3A_5 = vector.broadcast %gt3A : f32 to vector<2000x1xf32>
    %gt3A_6 = arith.cmpf ogt, %add3A, %gt3A_5 : vector<2000x1xf32>
    %max3A = arith.constant 1.000000e+00 : f32
    %max3A_7 = vector.broadcast %max3A : f32 to vector<2000x1xf32>
    %max3A_8 = arith.maximumf %add3A, %max3A_7 : vector<2000x1xf32>
    %rsqrt3A = math.rsqrt %max3A_8 : vector<2000x1xf32>
    %jit3A = arith.constant 0.000000e+00 : f32
    %broadcast_in_dim3A = vector.broadcast %jit3A : f32 to vector<2000x1xf32>
    %select_n3A = arith.select %gt3A_6, %rsqrt3A, %broadcast_in_dim3A : vector<2000x1xi1>, vector<2000x1xf32>
    %get3A_9 = arith.constant 0 : index
    %get3A_10 = arith.constant 0 : index
    %get3A_11 = arith.constant 0 : index
    %get3A_12 = vector.load %arg1[%get3A_9, %get3A_10, %get3A_11] : memref<1x2000x128xf32, #tpu.memory_space<vmem>>, vector<1x2000x128xf32>
    %get3A_13 = vector.shape_cast %get3A_12 : vector<1x2000x128xf32> to vector<2000x128xf32>
    %get3A_14 = arith.constant 0 : index
    %get3A_15 = arith.constant 0 : index
    %get3A_16 = arith.constant 0 : index
    %get3A_17 = vector.load %arg2[%get3A_14, %get3A_15, %get3A_16] : memref<1x2000x128xf32, #tpu.memory_space<vmem>>, vector<1x2000x128xf32>
    %get3A_18 = vector.shape_cast %get3A_17 : vector<1x2000x128xf32> to vector<2000x128xf32>
    %add3A_19 = arith.addf %get3A_13, %get3A_18 : vector<2000x128xf32>
    %mul3A = vector.broadcast %select_n3A : vector<2000x1xf32> to vector<2000x128xf32>
    %mul3A_20 = arith.mulf %add3A_19, %mul3A : vector<2000x128xf32>
    %get3A_21 = arith.constant 0 : index
    %get3A_22 = arith.constant 0 : index
    %get3A_23 = vector.load %arg5[%get3A_21, %get3A_22] : memref<1x128xf32, #tpu.memory_space<vmem>>, vector<1x128xf32>
    %add3A_24 = vector.broadcast %get3A_23 : vector<1x128xf32> to vector<2000x128xf32>
    %add3A_25 = arith.addf %mul3A_20, %add3A_24 : vector<2000x128xf32>
    %swap3A = arith.constant 0 : index
    %swap3A_26 = arith.constant 0 : index
    %swap3A_27 = vector.load %arg6[%swap3A, %swap3A_26] : memref<2000x128xf32, #tpu.memory_space<vmem>>, vector<2000x128xf32>
    tpu.vector_store %arg6[%swap3A, %swap3A_26], %add3A_25 {strides = array<i32>} : memref<2000x128xf32, #tpu.memory_space<vmem>>, vector<2000x128xf32>,
    return
  }
  func.func @transform_0(%arg0: i32) -> (i32, i32, i32) {
    %c0_i32 = arith.constant 0 : i32
    %c0_i32_0 = arith.constant 0 : i32
    %c0_i32_1 = arith.constant 0 : i32
    return %c0_i32, %arg0, %c0_i32_0 : i32, i32, i32
  }
  func.func @transform_1(%arg0: i32) -> (i32, i32, i32) {
    %c1_i32 = arith.constant 1 : i32
    %c0_i32 = arith.constant 0 : i32
    %c0_i32_0 = arith.constant 0 : i32
    return %c1_i32, %arg0, %c0_i32 : i32, i32, i32
  }
  func.func @transform_2(%arg0: i32) -> (i32, i32) {
    %c0_i32 = arith.constant 0 : i32
    %c0_i32_0 = arith.constant 0 : i32
    return %arg0, %c0_i32 : i32, i32
  }
  func.func @transform_3(%arg0: i32) -> (i32, i32) {
    %c0_i32 = arith.constant 0 : i32
    %c0_i32_0 = arith.constant 0 : i32
    return %arg0, %c0_i32 : i32, i32
  }
  func.func @transform_4(%arg0: i32) -> (i32, i32) {
    %c0_i32 = arith.constant 0 : i32
    %c0_i32_0 = arith.constant 0 : i32
    %c0_i32_1 = arith.constant 0 : i32
    return %c0_i32, %c0_i32_0 : i32, i32
  }
  func.func @transform_5(%arg0: i32) -> (i32, i32) {
    %c0_i32 = arith.constant 0 : i32
    %c0_i32_0 = arith.constant 0 : i32
    return %arg0, %c0_i32 : i32, i32
  }
}

</mosaic_0001>

<sc_bundles>
// kernel: kernel.10.cloned.1.call-start
scs
__scs_entry_jumppad:
0x0: {  	(pc) =	sbr.rel $0x88, $3  }
0x1: {  	(tag) =	ssettag $0x0;
	lr =	simm.s32 $0x1  }
0x2: {  	[smem:$0x3F98] =	sst lr;
	_ =	strace $0xD0000000  }
0x3: {  	_ = 	snop  }
0x4: {  	_ = 	snop  }
0x5: {  	_ = 	snop  }
0x6: {  	_ = 	snop  }
0x7: {  	_ = 	snop  }
__scs_overlays_trampoline_lowered:
0x8: {  	[smem:$0x3FA7] =	sst s0  }
0x9: {  	[smem:$0x3FA8] =	sst s1  }
0xa: {  	[smem:$0x3FA9] =	sst s2  }
0xb: {  	[smem:$0x3FAA] =	sst s3  }
0xc: {  	[smem:$0x3FAB] =	sst s4  }
0xd: {  	[smem:$0x3FAC] =	sst s5  }
0xe: {  	[smem:$0x3FAD] =	sst s6  }
0xf: {  	[smem:$0x3FAE] =	sst s7  }
0x10: {  	[smem:$0x3FAF] =	sst s8  }
0x11: {  	[smem:$0x3FB0] =	sst s9;
	s0 =	simm.s32 @!p0 $0x0  }
0x12: {  	s1 =	sld [smem:$0x3F96];
	s0 =	simm.s32 @p0 $0x1  }
0x13: {  	[smem:$0x3FB1] =	sst s0;
	s0 =	simm.s32 @!p1 $0x0  }
0x14: {  	s2 =	sld [smem:$0x3F95];
	s0 =	simm.s32 @p1 $0x1  }
0x15: {  	[smem:$0x3FB2] =	sst s0;
	s0 =	simm.s32 @!p2 $0x0  }
0x16: {  	s3 =	sld [smem:$0x3FDB];
	s0 =	simm.s32 @p2 $0x1  }
0x17: {  	s4 =	simm.s32 $0x1BF5;
	[smem:$0x3FB4] =	sst s0  }
0x18: {  	s0 =	sld [smem:$0x3F97];
	_ =	swait.ge [sflag:s4], $0x0  }
0x19: {  	s7 =	sld [smem:$0x3F98]  }
0x1a: {  	s8 =	sadd.s32 $0xFFFFE003, lr  }
0x1b: {  	s9 =	sadd.s32 $0xFFFFFEF7, lr;
	s5 =	simm.s32 $0xFFFFFFFF;
	p2 =	slt.u32 s8, $0xFFFFF086  }
0x1c: {  	p1 =	slt.u32 s9, $0xF7A;
	s5 =	simm.s32 @!p2 $0x0  }
0x1d: {  	s5 =	simm.s32 @p1 $0x1;
	p0 =	seq.s32 s7, s2  }
0x1e: {  	s7 =	smul.u32 @!p0 $0xF7A, s2;
	p2 =	seq.s32 @!p0 s5, $0x0  }
0x1f: {  	s9 =	smul.u32 $0xF7A, s1;
	s8 =	simm.s32 @!p0 $0x1BF5;
	p2 =	por !p2, p0  }
0x20: {  	[sflag:s8] =	ssyncset.s32 @!p0 $0xFFFFF086;
	s6 =	sadd.s32 @!p0 s3, s7;
	s7 =	simm.s32 @!p0 $0x108  }
0x21: {  	s3 =	sadd.s32 s3, s9;
	s6 =	sadd.s32 @!p0 $0x88, s6;
	s7 =	simm.s32 @p2 $0x1082  }
0x22: {  	[simem:s7], [sflag:s8] =	dma.local @!p0 [hbm:s6], $0xF7A  }
0x23: {  	s9 =	sor.u32 $0xD0000000, s2;
	s6 =	simm.s32 $0x108;
	_ =	swait.ge @!p0 [sflag:s8], $0x0  }
0x24: {  	s3 =	sadd.s32 $0x88, s3;
	s6 =	simm.s32 @!p1 $0x1082;
	[sflag:s4] =	ssyncset.s32 $0xFFFFF086  }
0x25: {  	[simem:s6], [sflag:s4] =	dma.local [hbm:s3], $0xF7A  }
0x26: {  	[smem:$0x3F98] =	sst s1;
	(tag) =	ssettag s2;
	_ =	strace s9  }
0x27: {  	s1 =	sld [smem:$0x3FA8]  }
0x28: {  	s2 =	sld [smem:$0x3FA9]  }
0x29: {  	s4 =	sld [smem:$0x3FAB]  }
0x2a: {  	p0 =	seq.s32 s5, $0x0;
	s5 =	sld [smem:$0x3FAC]  }
0x2b: {  	s6 =	sld [smem:$0x3FAD]  }
0x2c: {  	s7 =	sld [smem:$0x3FAE]  }
0x2d: {  	s3 =	simm.s32 $0x108;
	s8 =	sld [smem:$0x3FAF]  }
0x2e: {  	s3 =	simm.s32 @!p0 $0x1082;
	s9 =	sld [smem:$0x3FB0]  }
0x2f: {  	lr =	sadd.s32 s0, s3;
	s0 =	sld [smem:$0x3FA7]  }
0x30: {  	s3 =	sld [smem:$0x3FAA]  }
0x31: {  	[smem:$0x3FB3] =	sst s10  }
0x32: {  	s10 =	sld [smem:$0x3FB1];
	_ =	sdelay $0x3  }
0x33: {  	p0 =	seq.s32 s10, $0x1;
	s10 =	sld [smem:$0x3FB3];
	_ =	sdelay $0x3  }
0x34: {  	[smem:$0x3FB3] =	sst s10  }
0x35: {  	s10 =	sld [smem:$0x3FB2];
	_ =	sdelay $0x3  }
0x36: {  	p1 =	seq.s32 s10, $0x1;
	s10 =	sld [smem:$0x3FB3];
	_ =	sdelay $0x3  }
0x37: {  	[smem:$0x3FB3] =	sst s10  }
0x38: {  	s10 =	sld [smem:$0x3FB4]  }
0x39: {  	_ = 	snop;
	(pc) =	sbr.ind lr, $3  }
0x3a: {  	_ = 	snop  }
0x3b: {  	_ = 	snop  }
0x3c: {  	p2 =	seq.s32 s10, $0x1;
	s10 =	sld [smem:$0x3FB3]  }
0x3d: {  	_ =	shalt  }
0x3e: {  	_ =	shalt  }
0x3f: {  	_ =	shalt  }
0x40: {  	_ =	shalt  }
0x41: {  	_ =	shalt  }
0x42: {  	_ =	shalt  }
0x43: {  	_ =	shalt  }
0x44: {  	_ =	shalt  }
0x45: {  	_ =	shalt  }
0x46: {  	_ =	shalt  }
0x47: {  	_ =	shalt  }
0x48: {  	_ =	shalt  }
0x49: {  	_ =	shalt  }
0x4a: {  	_ =	shalt  }
0x4b: {  	_ =	shalt  }
0x4c: {  	_ =	shalt  }
0x4d: {  	_ =	shalt  }
0x4e: {  	_ =	shalt  }
0x4f: {  	_ =	shalt  }
0x50: {  	_ =	shalt  }
0x51: {  	_ =	shalt  }
0x52: {  	_ =	shalt  }
0x53: {  	_ =	shalt  }
0x54: {  	_ =	shalt  }
0x55: {  	_ =	shalt  }
0x56: {  	_ =	shalt  }
0x57: {  	_ =	shalt  }
0x58: {  	_ =	shalt  }
0x59: {  	_ =	shalt  }
0x5a: {  	_ =	shalt  }
0x5b: {  	_ =	shalt  }
0x5c: {  	_ =	shalt  }
0x5d: {  	_ =	shalt  }
0x5e: {  	_ =	shalt  }
0x5f: {  	_ =	shalt  }
0x60: {  	_ =	shalt  }
0x61: {  	_ =	shalt  }
0x62: {  	_ =	shalt  }
0x63: {  	_ =	shalt  }
0x64: {  	_ =	shalt  }
0x65: {  	_ =	shalt  }
0x66: {  	_ =	shalt  }
0x67: {  	_ =	shalt  }
0x68: {  	_ =	shalt  }
0x69: {  	_ =	shalt  }
0x6a: {  	_ =	shalt  }
0x6b: {  	_ =	shalt  }
0x6c: {  	_ =	shalt  }
0x6d: {  	_ =	shalt  }
0x6e: {  	_ =	shalt  }
0x6f: {  	_ =	shalt  }
0x70: {  	_ =	shalt  }
0x71: {  	_ =	shalt  }
0x72: {  	_ =	shalt  }
0x73: {  	_ =	shalt  }
0x74: {  	_ =	shalt  }
0x75: {  	_ =	shalt  }
0x76: {  	_ =	shalt  }
0x77: {  	_ =	shalt  }
0x78: {  	_ =	shalt  }
0x79: {  	_ =	shalt  }
0x7a: {  	_ =	shalt  }
0x7b: {  	_ =	shalt  }
0x7c: {  	_ =	shalt  }
0x7d: {  	_ =	shalt  }
0x7e: {  	_ =	shalt  }
0x7f: {  	_ =	shalt  }
0x80: {  	_ =	shalt  }
0x81: {  	_ =	shalt  }
0x82: {  	_ =	shalt  }
0x83: {  	_ =	shalt  }
0x84: {  	_ =	shalt  }
0x85: {  	_ =	shalt  }
0x86: {  	_ =	shalt  }
0x87: {  	_ =	shalt  }
.Lfunc_end0:
.L_simem_size_0:
called_computation_lowered:
.L_overlay_start_0:
0x88: {  	s2 =	sld [smem:$0x3FD9]  }
0x89: {  	s3 =	sld [smem:$0x3FFE];
	_ =	sdelay $0x1  }
0x8a: {  	s1 =	srdreg.scid  }
0x8b: {  	s0 =	sand.u32 $0x1, s1  }
0x8c: {  	s14 =	sshll.u32 s0, $0xA;
	s2 =	sadd.s32 s3, s2  }
0x8d: {  	s2 =	sadd.s32 s2, s14  }
0x8e: {  	[smem:$0x3FBF] =	sst s2  }
0x8f: {  	_ = 	snop  }
0x90: {  	s2 =	sld [smem:$0x3FD0];
	_ =	sdelay $0x2  }
0x91: {  	s15 =	simm.s32 $0xA;
	s4 =	simm.s32 $0x10  }
0x92: {  	[smem:s4], [sflag:s15] =	dma.local [hbm:s2], $0x1  }
0x93: {  	_ =	swait.eq [sflag:s15], $0x1  }
0x94: {  	s16 =	sld [smem:$0x10];
	[sflag:s15] =	ssyncset.done $0x0  }
0x95: {  	s17 =	sld [smem:$0x11];
	[sflag:s15] =	ssyncadd.s32 $0xFFFFFFFF  }
0x96: {  	s18 =	sld [smem:$0x12];
	(tm) =	ssettm $0x1  }
0x97: {  	s5 =	sld [smem:$0x3FFB];
	_ =	sdelay $0x3  }
0x98: {  	_ =	strace s5  }
0x99: {  	s5 =	sld [smem:$0x3FFC];
	_ =	sdelay $0x3  }
0x9a: {  	_ =	strace s5  }
0x9b: {  	s5 =	sld [smem:$0x3FFD];
	_ =	sdelay $0x3  }
0x9c: {  	_ =	strace s5  }
0x9d: {  	_ =	strace $0x8FFFFFFF  }
0x9e: {  	s19 =	sld [smem:$0x3FDB];
	_ =	sdelay $0x1  }
0x9f: {  	s6 =	simm.s32 $_scs_section_size  }
0xa0: {  	s7 =	simm.s32 $_size__tile_overlayer_lowered;
	s8 =	simm.s32 $_tile_overlayer_lowered  }
0xa1: {  	s22 =	simm.s32 $0x1BFF;
	s21 =	sshll.u32 s8, $0x1;
	s5 =	sadd.s32 s6, s19  }
0xa2: {  	s9 =	simm.s32 $0x0;
	s20 =	sshll.u32 s7, $0x1;
	s7 =	sadd.s32 s21, s5  }
0xa3: {  	[timem:s9], [sflag:s22] =	dma.local [hbm:s7], s20  }
0xa4: {  	_ =	swait.ge [sflag:s22], s20  }
0xa5: {  	s6 =	ssub.s32 $0x0, s20;
	[sflag:s22] =	ssyncset.done $0x0  }
0xa6: {  	[sflag:s22] =	ssyncadd.s32 s6;
	_ =	sdelay $0x1  }
0xa7: {  	s23 =	simm.s32 $0x1B8B  }
0xa8: {  	_ =	swait.ge [sflag:s23], $0x1  }
0xa9: {  	[sflag:s23] =	ssyncset.done $0x0  }
0xaa: {  	s25 =	simm.s32 $0x1B8E;
	s24 =	sld [smem:$0x3FFE];
	[sflag:s23] =	ssyncadd.s32 $0xFFFFFFFF  }
0xab: {  	s26 =	simm.s32 $execute0_lowered;
	[smem:$0x3FD2] =	sst s25  }
0xac: {  	s7 =	sshll.u32 s26, $0x1;
	_ =	strace $0x80000046;
	[dreg:$0x1] =	wrdreg $0xFFFFFFFF  }
0xad: {  	s28 =	simm.s32 $_size_execute0_lowered;
	s5 =	sadd.s32 s5, s7;
	[dreg:$0x0] =	wrdreg $0x0  }
0xae: {  	s7 =	sshll.u32 s28, $0x1;
	[dreg:$0x2] =	wrdreg s5  }
0xaf: {  	[dreg:$0x3] =	wrdreg s7  }
0xb0: {  	[dreg:$0x4] =	wrdreg $0xC0  }
0xb1: {  	_ =	task [dreg:s9], $0x5FFFF  }
0xb2: {  	[dreg:$0x1] =	wrdreg $0xFFFFFFFF  }
0xb3: {  	[dreg:$0x0] =	wrdreg $0x60  }
0xb4: {  	[dreg:$0x2] =	wrdreg s18  }
0xb5: {  	[dreg:$0x3] =	wrdreg s17  }
0xb6: {  	[dreg:$0x4] =	wrdreg s16  }
0xb7: {  	[dreg:$0x5] =	wrdreg s24  }
0xb8: {  	[dreg:$0x6] =	wrdreg $0x6B000  }
0xb9: {  	[dreg:$0x7] =	wrdreg $0x6D800  }
0xba: {  	[dreg:$0x8] =	wrdreg $0x9  }
0xbb: {  	_ =	task.clear_ibuf [dreg:s9], $0x9FFFF;
	_ =	strace $0x90000046  }
0xbc: {  	s29 =	simm.s32 $0x9;
	_ =	strace $0x80000048  }
0xbd: {  	_ =	swait.ge [sflag:s29], $0x1  }
0xbe: {  	[sflag:s29] =	ssyncadd.s32 $0xFFFFFFFF  }
0xbf: {  	_ =	strace $0x90000048  }
0xc0: {  	_ =	sfence  }
0xc1: {  	s30 =	sld [smem:$0x0];
	_ =	sdelay $0x2  }
0xc2: {  	s31 =	sshll.u32 s1, $0xD;
	s1 =	sshrl.u32 s1, $0x2  }
0xc3: {  	s3 =	sand.u32 $0x4000, s31;
	s1 =	sadd.s32 s1, s30  }
0xc4: {  	s0 =	sor.u32 s3, s0;
	s1 =	sshll.u32 s1, $0x11  }
0xc5: {  	s0 =	sor.u32 s1, s0  }
0xc6: {  	s0 =	sadd.s32 $0x8F2B, s0  }
0xc7: {  	[sflag:s0] =	ssyncadd.remote.s32 $0x1  }
0xc8: {  	_ =	sfence.sel $0xFFFF  }
0xc9: {  	[dreg:$0x0] =	wrdreg $0xFFFFFFFF;
	(pc) =	sbr.abs _section_cstart, $3  }
0xca: {  	[dreg:$0x1] =	wrdreg $0xFFFFFFFF  }
0xcb: {  	_ =	task.clear_ibuf [dreg:s9], $0x2FFFF;
	_ =	strace $0x9FFFFFFF  }
0xcc: {  	(tm) =	ssettm $0x7FFFFFFF  }
0xcd: {  	_ =	shalt  }
tec
execute0_lowered:
.L_overlay_start_1:
0x0: {  	(tag) =	ssettag $0x1  }
0x1: {  	s7 =	rddreg [dreg:$0x0]  }
0x2: {  	s8 =	rddreg [dreg:$0x1]  }
0x3: {  	s9 =	rddreg [dreg:$0x2]  }
0x4: {  	s5 =	rddreg [dreg:$0x3]  }
0x5: {  	s2 =	rddreg [dreg:$0x4]  }
0x6: {  	s1 =	srdreg.scid;
	s0 =	stileid.u32  }
0x7: {  	s3 =	rddreg [dreg:$0x5];
	s4 =	simm.s32 $0x0;
	s16 =	simm.s32 $0x6800  }
0x8: {  	s17 =	simm.s32 $0x80;
	s18 =	simm.s32 $0x3480;
	s19 =	simm.s32 $0x100  }
0x9: {  	s20 =	simm.s32 $0x3500;
	s21 =	simm.s32 $0x1;
	s22 =	simm.s32 $0x2  }
0xa: {  	s23 =	simm.s32 $0x20;
	s24 =	simm.s32 $0x10;
	s25 =	simm.s32 $0x0  }
0xb: {  	s6 =	sand.u32 $0x1, s1;
	s10 =	smul.u32 $0x500, s0;
	s1 =	rddreg [dreg:$0x6]  }
0xc: {  	[smem:$0x7FF] =	sst s4;
	s30 =	sshll.u32 s0, $0x1;
	s31 =	smul.u32 $0x280, s0  }
0xd: {  	s11 =	sshll.u32 s6, $0x7;
	s12 =	ssub.s32 $0x2, s6;
	s6 =	sor.u32 s6, s30  }
0xe: {  	_ =	strace $0x80000047;
	s10 =	sor.u32 s11, s10;
	s13 =	sshrl.u32 s12, $0x1  }
0xf: {  	s14 =	smul.u32 $0x680, s6;
	s6 =	sadd.s32 s31, s3;
	s10 =	sshrl.u32 s10, $0x3  }
0x10: {  	s12 =	ssub.s32 s12, s13;
	s13 =	simm.s32 $0x3;
	s15 =	sadd.s32 s10, s5  }
0x11: {  	s5 =	sadd.s32 s31, s2;
	s7 =	sadd.s32 s7, s14;
	s8 =	sadd.s32 s8, s14  }
0x12: {  	s9 =	sadd.s32 s9, s10;
	s11 =	smax.u32 s12, $0x1;
	s12 =	simm.s32 $0x6880  }
0x13: {  	v0 =	vimm.f32 $1.000000000e+00;
	v1 =	vimm.f32 $0.0e+00;
	s14 =	simm.s32 $0x3400;
	s10 =	sadd.s32 $0x4200, s15;
	s15 =	simm.s32 $0x64  }
.LBB2_1:
0x14: {  	[tilespmem:$0x6800] =	vst v0  }
0x15: {  	[tilespmem:$0x6880] =	vst v1  }
0x16: {  	[tilespmem:$0x6810] =	vst v0  }
0x17: {  	[tilespmem:$0x6890] =	vst v1  }
0x18: {  	[tilespmem:$0x6820] =	vst v0  }
0x19: {  	[tilespmem:$0x68A0] =	vst v1  }
0x1a: {  	[tilespmem:$0x6830] =	vst v0  }
0x1b: {  	[tilespmem:$0x68B0] =	vst v1  }
0x1c: {  	[tilespmem:$0x6840] =	vst v0  }
0x1d: {  	[tilespmem:$0x68C0] =	vst v1  }
0x1e: {  	[tilespmem:$0x6850] =	vst v0  }
0x1f: {  	[tilespmem:$0x68D0] =	vst v1  }
0x20: {  	[tilespmem:$0x6860] =	vst v0  }
0x21: {  	[tilespmem:$0x68E0] =	vst v1  }
0x22: {  	[tilespmem:$0x6870] =	vst v0  }
0x23: {  	[tilespmem:$0x68F0] =	vst v1;
	s26 =	simm.s32 $0x10;
	s28 =	sand.u32 $0x1F0, s4  }
.LBB2_2:
0x24: {  	p0 =	sne.s32 s26, $0x1F0;
	[tilespmem:s28+$0x6900] =	vst v1;
	s28 =	smov.u32 s26;
	s26 =	sadd.s32 $0x10, s26  }
.Ltmp0:
0x25: {  	(pc) =	sbr.rel @p0 .LBB2_2-.Ltmp0, $2  }
0x26: {  	_ =	sdelay $0x2  }
0x27: {  	s28 =	sand.u32 $0x1F0, s28  }
0x28: {  	[tilespmem:s28+$0x6900] =	vst v1  }
0x29: {  	[spmem:s5] =	stream.linear.scatter [tilespmem:s12], [sflag:$0x3], $0x280, $0x38;
	[tilespmem:$0x7000] =	vst v63  }
0x2a: {  	_ =	swait.ge [sflag:s13], $0x280  }
0x2b: {  	[sflag:s13] =	ssyncset.done $0x0  }
0x2c: {  	[sflag:s13] =	ssyncadd.s32 $0xFFFFFD80  }
0x2d: {  	[spmem:s6] =	stream.linear.scatter [tilespmem:s12], [sflag:$0x3], $0x280, $0x38;
	[tilespmem:$0x7000] =	vst v63  }
0x2e: {  	_ =	swait.ge [sflag:s13], $0x280  }
0x2f: {  	[sflag:s13] =	ssyncset.done $0x0  }
0x30: {  	[sflag:s13] =	ssyncadd.s32 $0xFFFFFD80  }
0x31: {  	[bflag:$0x0] =	sbarrier.arrive $0xFFFF  }
0x32: {  	[tilespmem:s4], [sflag:$0x3] =	stream.linear.gather [hbm4b:s7+s4], $0x3200, $0x38;
	[tilespmem:$0x7000] =	vst v63  }
0x33: {  	_ =	swait.ge [sflag:s13], $0x3200  }
0x34: {  	[sflag:s13] =	ssyncset.done $0x0  }
0x35: {  	[sflag:s13] =	ssyncadd.s32 $0xFFFFCE00  }
0x36: {  	[tilespmem:s14], [sflag:$0x3] =	stream.linear.gather [hbm4b:s8+s4], $0x3200, $0x38;
	[tilespmem:$0x7000] =	vst v63  }
0x37: {  	_ =	swait.ge [sflag:s13], $0x3200  }
0x38: {  	[sflag:s13] =	ssyncset.done $0x0  }
0x39: {  	[sflag:s13] =	ssyncadd.s32 $0xFFFFCE00  }
0x3a: {  	[spmem:s2] =	stream.indirect.scatter.add.f32 [tilespmem:s16], [sflag:$0x1], $0x1, s4, s15, $0xb8;
	[tilespmem:$0x7000] =	vst v63  }
0x3b: {  	_ = 	snop  }
0x3c: {  	[spmem:s3] =	stream.indirect.scatter.add.f32 [tilespmem:s16], [sflag:$0x2], $0x1, s14, s15, $0xb8;
	[tilespmem:$0x7000] =	vst v63  }
0x3d: {  	_ = 	snop  }
0x3e: {  	[spmem:s2] =	stream.indirect.scatter.add.f32 [tilespmem:s16], [sflag:$0x1], $0x1, s17, s15, $0xb8;
	[tilespmem:$0x7000] =	vst v63  }
0x3f: {  	_ = 	snop  }
0x40: {  	[spmem:s3] =	stream.indirect.scatter.add.f32 [tilespmem:s16], [sflag:$0x2], $0x1, s18, s15, $0xb8;
	[tilespmem:$0x7000] =	vst v63  }
0x41: {  	_ = 	snop  }
0x42: {  	[spmem:s2] =	stream.indirect.scatter.add.f32 [tilespmem:s16], [sflag:$0x1], $0x1, s19, s15, $0xb8;
	[tilespmem:$0x7000] =	vst v63  }
0x43: {  	_ = 	snop  }
0x44: {  	[spmem:s3] =	stream.indirect.scatter.add.f32 [tilespmem:s16], [sflag:$0x2], $0x1, s20, s15, $0xb8;
	[tilespmem:$0x7000] =	vst v63  }
0x45: {  	s26 =	simm.s32 $0x180  }
0x46: {  	[spmem:s2] =	stream.indirect.scatter.add.f32 [tilespmem:s16], [sflag:$0x1], $0x1, s26, s15, $0xb8;
	[tilespmem:$0x7000] =	vst v63  }
0x47: {  	s31 =	simm.s32 $0x3580  }
0x48: {  	[spmem:s3] =	stream.indirect.scatter.add.f32 [tilespmem:s16], [sflag:$0x2], $0x1, s31, s15, $0xb8;
	[tilespmem:$0x7000] =	vst v63  }
0x49: {  	_ =	swait.ge [sflag:s21], $0x64  }
0x4a: {  	[sflag:s21] =	ssyncset.done $0x0  }
0x4b: {  	[sflag:s21] =	ssyncadd.s32 $0xFFFFFF9C  }
0x4c: {  	_ =	swait.ge [sflag:s22], $0x64  }
0x4d: {  	s28 =	simm.s32 $0xA00;
	s26 =	simm.s32 $0x800;
	[sflag:s22] =	ssyncset.done $0x0  }
.LBB2_4:
0x4e: {  	s29 =	sshra.s32 s26, $0x2  }
0x4f: {  	[sflag:s22] =	ssyncadd.s32 $0xFFFFFF9C;
	s26 =	smov.u32 s28;
	s30 =	sadd.s32 $0x200, s28  }
0x50: {  	[spmem:s2] =	stream.indirect.scatter.add.f32 [tilespmem:s16], [sflag:$0x1], $0x1, s29, s15, $0xb8;
	[tilespmem:$0x7000] =	vst v63  }
0x51: {  	p0 =	sne.s32 s28, $0xC600;
	s28 =	sadd.s32 $0x3400, s29  }
0x52: {  	[spmem:s3] =	stream.indirect.scatter.add.f32 [tilespmem:s16], [sflag:$0x2], $0x1, s28, s15, $0xb8;
	[tilespmem:$0x7000] =	vst v63  }
.Ltmp1:
0x53: {  	_ =	swait.ge [sflag:s21], $0x64;
	(pc) =	sbr.rel @p0 .LBB2_4-.Ltmp1, $4  }
0x54: {  	[sflag:s21] =	ssyncset.done $0x0  }
0x55: {  	[sflag:s21] =	ssyncadd.s32 $0xFFFFFF9C  }
0x56: {  	_ =	swait.ge [sflag:s22], $0x64  }
0x57: {  	s28 =	smov.u32 s30;
	[sflag:s22] =	ssyncset.done $0x0  }
0x58: {  	s26 =	sshra.s32 s26, $0x2;
	[sflag:s22] =	ssyncadd.s32 $0xFFFFFF9C  }
0x59: {  	[spmem:s2] =	stream.indirect.scatter.add.f32 [tilespmem:s16], [sflag:$0x1], $0x1, s26, s15, $0xb8;
	[tilespmem:$0x7000] =	vst v63  }
0x5a: {  	s26 =	sadd.s32 $0x3400, s26  }
0x5b: {  	[spmem:s3] =	stream.indirect.scatter.add.f32 [tilespmem:s16], [sflag:$0x2], $0x1, s26, s15, $0xb8;
	[tilespmem:$0x7000] =	vst v63  }
0x5c: {  	_ =	swait.ge [sflag:s21], $0x64  }
0x5d: {  	[sflag:s21] =	ssyncset.done $0x0  }
0x5e: {  	[sflag:s21] =	ssyncadd.s32 $0xFFFFFF9C  }
0x5f: {  	_ =	swait.ge [sflag:s22], $0x64  }
0x60: {  	[sflag:s22] =	ssyncset.done $0x0  }
0x61: {  	[sflag:s22] =	ssyncadd.s32 $0xFFFFFF9C  }
0x62: {  	_ =	swait.ge [sflag:s21], $0x64  }
0x63: {  	[sflag:s21] =	ssyncset.done $0x0  }
0x64: {  	[sflag:s21] =	ssyncadd.s32 $0xFFFFFF9C  }
0x65: {  	_ =	swait.ge [sflag:s22], $0x64  }
0x66: {  	[sflag:s22] =	ssyncset.done $0x0  }
0x67: {  	[sflag:s22] =	ssyncadd.s32 $0xFFFFFF9C  }
0x68: {  	_ =	swait.ge [sflag:s21], $0x64  }
0x69: {  	[sflag:s21] =	ssyncset.done $0x0  }
0x6a: {  	[sflag:s21] =	ssyncadd.s32 $0xFFFFFF9C  }
0x6b: {  	_ =	swait.ge [sflag:s22], $0x64  }
0x6c: {  	[sflag:s22] =	ssyncset.done $0x0  }
0x6d: {  	[sflag:s22] =	ssyncadd.s32 $0xFFFFFF9C  }
0x6e: {  	_ =	swait.ge [sflag:s21], $0x64  }
0x6f: {  	[sflag:s21] =	ssyncset.done $0x0  }
0x70: {  	[sflag:s21] =	ssyncadd.s32 $0xFFFFFF9C  }
0x71: {  	_ =	swait.ge [sflag:s22], $0x64  }
0x72: {  	[sflag:s22] =	ssyncset.done $0x0  }
0x73: {  	s30 =	sshll.u32 s0, $0x6;
	[sflag:s22] =	ssyncadd.s32 $0xFFFFFF9C  }
0x74: {  	s28 =	sshrl.u32 s5, $0x3;
	s26 =	sor.u32 $0x1C03, s30;
	[bflag:$0x0] =	sbarrier.arrive $0xFFFF  }
0x75: {  	[hbm:s9@s23], [sflag:s26] =	dma.strided [spmem:s28@s24], $0x50, s21, $0x10   }
0x76: {  	s25 =	sadd.s32 $0x1, s25;
	_ =	swait.ge [sflag:s13], $0x50  }
0x77: {  	p0 =	sne.s32 s25, s11;
	[sflag:s13] =	ssyncset.done $0x0  }
.Ltmp2:
0x78: {  	s31 =	sshrl.u32 s6, $0x3;
	[sflag:s13] =	ssyncadd.s32 $0xFFFFFFB0;
	(pc) =	sbr.rel @p0 .LBB2_1-.Ltmp2, $4  }
0x79: {  	[hbm:s10@s23], [sflag:s26] =	dma.strided [spmem:s31@s24], $0x50, s21, $0x10   }
0x7a: {  	_ =	swait.ge [sflag:s13], $0x50  }
0x7b: {  	[sflag:s13] =	ssyncset.done $0x0  }
0x7c: {  	[sflag:s13] =	ssyncadd.s32 $0xFFFFFFB0  }
0x7d: {  	_ =	sfence.sel $0x180000  }
0x7e: {  	[bflag:$0x0] =	sbarrier.arrive $0xFFFF  }
0x7f: {  	p0 =	sne.s32 s0, $0x0;
	_ =	strace $0x90000047  }
0x80: {  	s0 =	sadd.s32 @!p0 $0x100000, s1;
	[bflag:$0x2] =	sbarrier.arrive $0xFFFF  }
0x81: {  	[sflag:s0] =	ssyncadd.tile.s32 @!p0 $0x1;
	_ =	shalt  }
.Lfunc_end2:
_tile_overlayer_lowered:
.L_overlay_start_2:
0x82: {  	(tag) =	ssettag $0x2  }
0x83: {  	s0 =	rddreg [dreg:$0x0];
	s2 =	stileid.u32  }
0x84: {  	s1 =	rddreg [dreg:$0x1];
	p0 =	sne.s32 s2, $0x0  }
0x85: {  	s3 =	rddreg [dreg:$0x2];
	[bflag:$0x3] =	sbarrier.arrive $0xFFFF;
	s2 =	simm.s32 @!p0 $0x1C03  }
0x86: {  	[timem:s3], [sflag:s2] =	dma.local @!p0 [hbm:s0], s1  }
0x87: {  	s0 =	simm.s32 @!p0 $0x3  }
0x88: {  	_ =	swait.ge @!p0 [sflag:s0], s1  }
0x89: {  	s1 =	ssub.s32 @!p0 $0x0, s1;
	[sflag:s0] =	ssyncset.done @!p0 $0x0  }
0x8a: {  	[sflag:s0] =	ssyncadd.s32 @!p0 s1  }
0x8b: {  	[bflag:$0x3] =	sbarrier.arrive $0xFFFF  }
0x8c: {  	_ =	shalt  }

// kernel: kernel.13.cloned.1.call-start
scs
__scs_entry_jumppad:
0x0: {  	(pc) =	sbr.rel $0x88, $3  }
0x1: {  	(tag) =	ssettag $0x0;
	lr =	simm.s32 $0x1  }
0x2: {  	[smem:$0x3F98] =	sst lr;
	_ =	strace $0xD0000000  }
0x3: {  	_ = 	snop  }
0x4: {  	_ = 	snop  }
0x5: {  	_ = 	snop  }
0x6: {  	_ = 	snop  }
0x7: {  	_ = 	snop  }
__scs_overlays_trampoline_lowered:
0x8: {  	[smem:$0x3FA7] =	sst s0  }
0x9: {  	[smem:$0x3FA8] =	sst s1  }
0xa: {  	[smem:$0x3FA9] =	sst s2  }
0xb: {  	[smem:$0x3FAA] =	sst s3  }
0xc: {  	[smem:$0x3FAB] =	sst s4  }
0xd: {  	[smem:$0x3FAC] =	sst s5  }
0xe: {  	[smem:$0x3FAD] =	sst s6  }
0xf: {  	[smem:$0x3FAE] =	sst s7  }
0x10: {  	[smem:$0x3FAF] =	sst s8  }
0x11: {  	[smem:$0x3FB0] =	sst s9;
	s0 =	simm.s32 @!p0 $0x0  }
0x12: {  	s1 =	sld [smem:$0x3F96];
	s0 =	simm.s32 @p0 $0x1  }
0x13: {  	[smem:$0x3FB1] =	sst s0;
	s0 =	simm.s32 @!p1 $0x0  }
0x14: {  	s2 =	sld [smem:$0x3F95];
	s0 =	simm.s32 @p1 $0x1  }
0x15: {  	[smem:$0x3FB2] =	sst s0;
	s0 =	simm.s32 @!p2 $0x0  }
0x16: {  	s3 =	sld [smem:$0x3FDB];
	s0 =	simm.s32 @p2 $0x1  }
0x17: {  	s4 =	simm.s32 $0x1BF5;
	[smem:$0x3FB4] =	sst s0  }
0x18: {  	s0 =	sld [smem:$0x3F97];
	_ =	swait.ge [sflag:s4], $0x0  }
0x19: {  	s7 =	sld [smem:$0x3F98]  }
0x1a: {  	s8 =	sadd.s32 $0xFFFFE003, lr  }
0x1b: {  	s9 =	sadd.s32 $0xFFFFFEF7, lr;
	s5 =	simm.s32 $0xFFFFFFFF;
	p2 =	slt.u32 s8, $0xFFFFF086  }
0x1c: {  	p1 =	slt.u32 s9, $0xF7A;
	s5 =	simm.s32 @!p2 $0x0  }
0x1d: {  	s5 =	simm.s32 @p1 $0x1;
	p0 =	seq.s32 s7, s2  }
0x1e: {  	s7 =	smul.u32 @!p0 $0xF7A, s2;
	p2 =	seq.s32 @!p0 s5, $0x0  }
0x1f: {  	s9 =	smul.u32 $0xF7A, s1;
	s8 =	simm.s32 @!p0 $0x1BF5;
	p2 =	por !p2, p0  }
0x20: {  	[sflag:s8] =	ssyncset.s32 @!p0 $0xFFFFF086;
	s6 =	sadd.s32 @!p0 s3, s7;
	s7 =	simm.s32 @!p0 $0x108  }
0x21: {  	s3 =	sadd.s32 s3, s9;
	s6 =	sadd.s32 @!p0 $0x88, s6;
	s7 =	simm.s32 @p2 $0x1082  }
0x22: {  	[simem:s7], [sflag:s8] =	dma.local @!p0 [hbm:s6], $0xF7A  }
0x23: {  	s9 =	sor.u32 $0xD0000000, s2;
	s6 =	simm.s32 $0x108;
	_ =	swait.ge @!p0 [sflag:s8], $0x0  }
0x24: {  	s3 =	sadd.s32 $0x88, s3;
	s6 =	simm.s32 @!p1 $0x1082;
	[sflag:s4] =	ssyncset.s32 $0xFFFFF086  }
0x25: {  	[simem:s6], [sflag:s4] =	dma.local [hbm:s3], $0xF7A  }
0x26: {  	[smem:$0x3F98] =	sst s1;
	(tag) =	ssettag s2;
	_ =	strace s9  }
0x27: {  	s1 =	sld [smem:$0x3FA8]  }
0x28: {  	s2 =	sld [smem:$0x3FA9]  }
0x29: {  	s4 =	sld [smem:$0x3FAB]  }
0x2a: {  	p0 =	seq.s32 s5, $0x0;
	s5 =	sld [smem:$0x3FAC]  }
0x2b: {  	s6 =	sld [smem:$0x3FAD]  }
0x2c: {  	s7 =	sld [smem:$0x3FAE]  }
0x2d: {  	s3 =	simm.s32 $0x108;
	s8 =	sld [smem:$0x3FAF]  }
0x2e: {  	s3 =	simm.s32 @!p0 $0x1082;
	s9 =	sld [smem:$0x3FB0]  }
0x2f: {  	lr =	sadd.s32 s0, s3;
	s0 =	sld [smem:$0x3FA7]  }
0x30: {  	s3 =	sld [smem:$0x3FAA]  }
0x31: {  	[smem:$0x3FB3] =	sst s10  }
0x32: {  	s10 =	sld [smem:$0x3FB1];
	_ =	sdelay $0x3  }
0x33: {  	p0 =	seq.s32 s10, $0x1;
	s10 =	sld [smem:$0x3FB3];
	_ =	sdelay $0x3  }
0x34: {  	[smem:$0x3FB3] =	sst s10  }
0x35: {  	s10 =	sld [smem:$0x3FB2];
	_ =	sdelay $0x3  }
0x36: {  	p1 =	seq.s32 s10, $0x1;
	s10 =	sld [smem:$0x3FB3];
	_ =	sdelay $0x3  }
0x37: {  	[smem:$0x3FB3] =	sst s10  }
0x38: {  	s10 =	sld [smem:$0x3FB4]  }
0x39: {  	_ = 	snop;
	(pc) =	sbr.ind lr, $3  }
0x3a: {  	_ = 	snop  }
0x3b: {  	_ = 	snop  }
0x3c: {  	p2 =	seq.s32 s10, $0x1;
	s10 =	sld [smem:$0x3FB3]  }
0x3d: {  	_ =	shalt  }
0x3e: {  	_ =	shalt  }
0x3f: {  	_ =	shalt  }
0x40: {  	_ =	shalt  }
0x41: {  	_ =	shalt  }
0x42: {  	_ =	shalt  }
0x43: {  	_ =	shalt  }
0x44: {  	_ =	shalt  }
0x45: {  	_ =	shalt  }
0x46: {  	_ =	shalt  }
0x47: {  	_ =	shalt  }
0x48: {  	_ =	shalt  }
0x49: {  	_ =	shalt  }
0x4a: {  	_ =	shalt  }
0x4b: {  	_ =	shalt  }
0x4c: {  	_ =	shalt  }
0x4d: {  	_ =	shalt  }
0x4e: {  	_ =	shalt  }
0x4f: {  	_ =	shalt  }
0x50: {  	_ =	shalt  }
0x51: {  	_ =	shalt  }
0x52: {  	_ =	shalt  }
0x53: {  	_ =	shalt  }
0x54: {  	_ =	shalt  }
0x55: {  	_ =	shalt  }
0x56: {  	_ =	shalt  }
0x57: {  	_ =	shalt  }
0x58: {  	_ =	shalt  }
0x59: {  	_ =	shalt  }
0x5a: {  	_ =	shalt  }
0x5b: {  	_ =	shalt  }
0x5c: {  	_ =	shalt  }
0x5d: {  	_ =	shalt  }
0x5e: {  	_ =	shalt  }
0x5f: {  	_ =	shalt  }
0x60: {  	_ =	shalt  }
0x61: {  	_ =	shalt  }
0x62: {  	_ =	shalt  }
0x63: {  	_ =	shalt  }
0x64: {  	_ =	shalt  }
0x65: {  	_ =	shalt  }
0x66: {  	_ =	shalt  }
0x67: {  	_ =	shalt  }
0x68: {  	_ =	shalt  }
0x69: {  	_ =	shalt  }
0x6a: {  	_ =	shalt  }
0x6b: {  	_ =	shalt  }
0x6c: {  	_ =	shalt  }
0x6d: {  	_ =	shalt  }
0x6e: {  	_ =	shalt  }
0x6f: {  	_ =	shalt  }
0x70: {  	_ =	shalt  }
0x71: {  	_ =	shalt  }
0x72: {  	_ =	shalt  }
0x73: {  	_ =	shalt  }
0x74: {  	_ =	shalt  }
0x75: {  	_ =	shalt  }
0x76: {  	_ =	shalt  }
0x77: {  	_ =	shalt  }
0x78: {  	_ =	shalt  }
0x79: {  	_ =	shalt  }
0x7a: {  	_ =	shalt  }
0x7b: {  	_ =	shalt  }
0x7c: {  	_ =	shalt  }
0x7d: {  	_ =	shalt  }
0x7e: {  	_ =	shalt  }
0x7f: {  	_ =	shalt  }
0x80: {  	_ =	shalt  }
0x81: {  	_ =	shalt  }
0x82: {  	_ =	shalt  }
0x83: {  	_ =	shalt  }
0x84: {  	_ =	shalt  }
0x85: {  	_ =	shalt  }
0x86: {  	_ =	shalt  }
0x87: {  	_ =	shalt  }
.Lfunc_end0:
.L_simem_size_0:
called_computation.1_lowered:
.L_overlay_start_0:
0x88: {  	s2 =	sld [smem:$0x3FD9]  }
0x89: {  	s3 =	sld [smem:$0x3FFE];
	_ =	sdelay $0x1  }
0x8a: {  	s1 =	srdreg.scid  }
0x8b: {  	s0 =	sand.u32 $0x1, s1  }
0x8c: {  	s14 =	sshll.u32 s0, $0xA;
	s2 =	sadd.s32 s3, s2  }
0x8d: {  	s2 =	sadd.s32 s2, s14  }
0x8e: {  	[smem:$0x3FBF] =	sst s2  }
0x8f: {  	_ = 	snop  }
0x90: {  	s2 =	sld [smem:$0x3FD0];
	_ =	sdelay $0x2  }
0x91: {  	s15 =	simm.s32 $0xA;
	s4 =	simm.s32 $0x10  }
0x92: {  	[smem:s4], [sflag:s15] =	dma.local [hbm:s2], $0x1  }
0x93: {  	_ =	swait.eq [sflag:s15], $0x1  }
0x94: {  	[sflag:s15] =	ssyncset.done $0x0  }
0x95: {  	[sflag:s15] =	ssyncadd.s32 $0xFFFFFFFF  }
0x96: {  	s16 =	sld [smem:$0x12];
	(tm) =	ssettm $0x1  }
0x97: {  	s17 =	sld [smem:$0x3FFB];
	_ =	sdelay $0x3  }
0x98: {  	_ =	strace s17  }
0x99: {  	s3 =	sld [smem:$0x3FFC];
	_ =	sdelay $0x3  }
0x9a: {  	_ =	strace s3  }
0x9b: {  	s3 =	sld [smem:$0x3FFD];
	_ =	sdelay $0x3  }
0x9c: {  	_ =	strace s3  }
0x9d: {  	_ =	strace $0x8FFFFFFF  }
0x9e: {  	s18 =	sld [smem:$0x3FDB];
	_ =	sdelay $0x1  }
0x9f: {  	s19 =	simm.s32 $_scs_section_size  }
0xa0: {  	s5 =	simm.s32 $_size__tile_overlayer_lowered;
	s6 =	simm.s32 $_tile_overlayer_lowered  }
0xa1: {  	s22 =	simm.s32 $0x1BFF;
	s21 =	sshll.u32 s6, $0x1;
	s3 =	sadd.s32 s19, s18  }
0xa2: {  	s7 =	simm.s32 $0x0;
	s20 =	sshll.u32 s5, $0x1;
	s5 =	sadd.s32 s21, s3  }
0xa3: {  	[timem:s7], [sflag:s22] =	dma.local [hbm:s5], s20  }
0xa4: {  	_ =	swait.ge [sflag:s22], s20  }
0xa5: {  	s4 =	ssub.s32 $0x0, s20;
	[sflag:s22] =	ssyncset.done $0x0  }
0xa6: {  	[sflag:s22] =	ssyncadd.s32 s4;
	_ =	sdelay $0x1  }
0xa7: {  	s23 =	simm.s32 $0x1B8B  }
0xa8: {  	_ =	swait.ge [sflag:s23], $0x1  }
0xa9: {  	[sflag:s23] =	ssyncset.done $0x0  }
0xaa: {  	s25 =	simm.s32 $0x1B8E;
	s24 =	sld [smem:$0x3FFE];
	[sflag:s23] =	ssyncadd.s32 $0xFFFFFFFF  }
0xab: {  	s26 =	simm.s32 $execute0_lowered;
	[smem:$0x3FD2] =	sst s25  }
0xac: {  	s5 =	sshll.u32 s26, $0x1;
	_ =	strace $0x80000049;
	[dreg:$0x1] =	wrdreg $0xFFFFFFFF  }
0xad: {  	s28 =	simm.s32 $_size_execute0_lowered;
	s3 =	sadd.s32 s3, s5;
	[dreg:$0x0] =	wrdreg $0x0  }
0xae: {  	s5 =	sshll.u32 s28, $0x1;
	[dreg:$0x2] =	wrdreg s3  }
0xaf: {  	[dreg:$0x3] =	wrdreg s5  }
0xb0: {  	[dreg:$0x4] =	wrdreg $0xC0  }
0xb1: {  	_ =	task [dreg:s7], $0x5FFFF  }
0xb2: {  	[dreg:$0x1] =	wrdreg $0xFFFFFFFF  }
0xb3: {  	[dreg:$0x0] =	wrdreg $0x60  }
0xb4: {  	[dreg:$0x2] =	wrdreg s16  }
0xb5: {  	[dreg:$0x3] =	wrdreg s24  }
0xb6: {  	[dreg:$0x4] =	wrdreg $0x74000  }
0xb7: {  	[dreg:$0x5] =	wrdreg $0x9  }
0xb8: {  	_ =	task.clear_ibuf [dreg:s7], $0x6FFFF;
	_ =	strace $0x90000049  }
0xb9: {  	s29 =	simm.s32 $0x9;
	_ =	strace $0x8000004B  }
0xba: {  	_ =	swait.ge [sflag:s29], $0x1  }
0xbb: {  	[sflag:s29] =	ssyncadd.s32 $0xFFFFFFFF  }
0xbc: {  	_ =	strace $0x9000004B  }
0xbd: {  	_ =	sfence  }
0xbe: {  	s30 =	sld [smem:$0x0];
	_ =	sdelay $0x2  }
0xbf: {  	s31 =	sshll.u32 s1, $0xD;
	s1 =	sshrl.u32 s1, $0x2  }
0xc0: {  	s3 =	sand.u32 $0x4000, s31;
	s1 =	sadd.s32 s1, s30  }
0xc1: {  	s0 =	sor.u32 s3, s0;
	s1 =	sshll.u32 s1, $0x11  }
0xc2: {  	s0 =	sor.u32 s1, s0  }
0xc3: {  	s0 =	sadd.s32 $0x8F2B, s0  }
0xc4: {  	[sflag:s0] =	ssyncadd.remote.s32 $0x1  }
0xc5: {  	_ =	sfence.sel $0xFFFF  }
0xc6: {  	[dreg:$0x0] =	wrdreg $0xFFFFFFFF;
	(pc) =	sbr.abs _section_cstart, $3  }
0xc7: {  	[dreg:$0x1] =	wrdreg $0xFFFFFFFF  }
0xc8: {  	_ =	task.clear_ibuf [dreg:s7], $0x2FFFF;
	_ =	strace $0x9FFFFFFF  }
0xc9: {  	(tm) =	ssettm $0x7FFFFFFF  }
tec
execute0_lowered:
.L_overlay_start_1:
0x0: {  	(tag) =	ssettag $0x1  }
0x1: {  	s1 =	rddreg [dreg:$0x0]  }
0x2: {  	s0 =	rddreg [dreg:$0x1]  }
0x3: {  	s2 =	rddreg [dreg:$0x2]  }
0x4: {  	s3 =	srdreg.scid;
	s4 =	simm.s32 $0x0;
	s11 =	stileid.u32  }
0x5: {  	s28 =	simm.s32 $0x400;
	s29 =	simm.s32 $0x100;
	s30 =	simm.s32 $0x2  }
0x6: {  	s31 =	simm.s32 $0x3800;
	s3 =	sand.u32 $0x1, s3;
	s6 =	smul.u32 $0x14000, s11  }
0x7: {  	[smem:$0x7FF] =	sst s4;
	s7 =	sadd.s32 $0x4C00, s0;
	s8 =	smul.u32 $0x50000, s11  }
0x8: {  	s25 =	sshll.u32 s11, $0x1;
	s5 =	smul.u32 $0x140000, s3;
	s9 =	ssub.s32 $0x2, s3  }
0x9: {  	s26 =	smul.u32 $0xC800, s11;
	_ =	strace $0x8000004A;
	s10 =	sshrl.u32 s9, $0x1  }
0xa: {  	s8 =	sshrl.u32 s8, $0x2;
	s5 =	sadd.s32 s6, s5;
	s6 =	sor.u32 s3, s25  }
0xb: {  	s9 =	ssub.s32 s9, s10;
	s3 =	smul.u32 $0x6400, s3;
	s10 =	simm.s32 $0x6  }
0xc: {  	s5 =	sshrl.u32 s5, $0x3;
	s6 =	smul.u32 $0x6400, s6;
	s23 =	smax.u32 s9, $0x1  }
0xd: {  	s9 =	simm.s32 $0x7;
	s0 =	sadd.s32 s5, s0;
	s5 =	sadd.s32 s8, s2  }
0xe: {  	s3 =	sadd.s32 s3, s26;
	[dreg:$0x10] =	wrdreg s23;
	s23 =	simm.s32 $0x6C00  }
0xf: {  	s8 =	sadd.s32 $0x800, s5;
	s6 =	sshrl.u32 s6, $0x3;
	s11 =	sadd.s32 $0x1000, s5  }
0x10: {  	s13 =	sadd.s32 $0x1800, s5;
	s20 =	sadd.s32 $0x800, s3;
	[dreg:$0x4] =	wrdreg s8  }
0x11: {  	s0 =	sadd.s32 $0x1DC00, s0;
	s24 =	sadd.s32 $0x700, s3;
	[dreg:$0x5] =	wrdreg s11  }
0x12: {  	s25 =	sadd.s32 $0x600, s3;
	s3 =	sadd.s32 $0x900, s3;
	[dreg:$0x7] =	wrdreg s13  }
0x13: {  	s12 =	sadd.s32 s7, s6;
	[dreg:$0xf] =	wrdreg s0;
	s22 =	sshrl.u32 s20, $0x3  }
0x14: {  	s0 =	sshrl.u32 s24, $0x3;
	s26 =	sshrl.u32 s25, $0x3;
	s3 =	sshrl.u32 s3, $0x3  }
0x15: {  	s24 =	simm.s32 $0x9;
	s14 =	sadd.s32 $0x20, s12;
	[dreg:$0x6] =	wrdreg s12  }
0x16: {  	s6 =	simm.s32 $0x200;
	s15 =	sadd.s32 $0x40, s12;
	[dreg:$0x8] =	wrdreg s14  }
0x17: {  	s11 =	simm.s32 $0x180;
	s16 =	sadd.s32 $0x60, s12;
	[dreg:$0x9] =	wrdreg s15  }
0x18: {  	s13 =	simm.s32 $0x4;
	s17 =	sadd.s32 $0x80, s12;
	[dreg:$0xa] =	wrdreg s16  }
0x19: {  	s25 =	simm.s32 $0x0;
	s18 =	sadd.s32 $0xA0, s12;
	[dreg:$0xb] =	wrdreg s17  }
0x1a: {  	s19 =	sadd.s32 $0xC40, s12;
	s21 =	sadd.s32 $0xC60, s12;
	[dreg:$0xc] =	wrdreg s18  }
0x1b: {  	s20 =	sadd.s32 s0, s7;
	s0 =	simm.s32 $0x5;
	[dreg:$0xd] =	wrdreg s19  }
0x1c: {  	s12 =	simm.s32 $0x300;
	[dreg:$0xe] =	wrdreg s21;
	s19 =	sadd.s32 s22, s7  }
0x1d: {  	s21 =	sadd.s32 s26, s7;
	s22 =	sadd.s32 s3, s7;
	s26 =	simm.s32 $0x64  }
0x1e: {  	s3 =	simm.s32 $0x80;
	s7 =	simm.s32 $0x3;
	s14 =	simm.s32 $0x8  }
0x1f: {  	v0 =	vimm.f32 $0.0e+00;
	s15 =	simm.s32 $0x280;
	s17 =	simm.s32 $0x1;
	s18 =	simm.s32 $0x380  }
.LBB2_1:
0x20: {  	[dreg:$0x11] =	wrdreg s25;
	s16 =	simm.s32 $0x0;
	s25 =	simm.s32 $0x200  }
.LBB2_2:
0x21: {  	p0 =	sne.s32 s25, $0x1E00;
	[tilespmem:s16+$0x6C70] =	vst v0  }
0x22: {  	[tilespmem:s16+$0x6C00] =	vst v0  }
0x23: {  	[tilespmem:s16+$0x6C10] =	vst v0  }
.Ltmp0:
0x24: {  	[tilespmem:s16+$0x6C20] =	vst v0;
	(pc) =	sbr.rel @p0 .LBB2_2-.Ltmp0, $4  }
0x25: {  	[tilespmem:s16+$0x6C30] =	vst v0  }
0x26: {  	[tilespmem:s16+$0x6C40] =	vst v0  }
0x27: {  	[tilespmem:s16+$0x6C50] =	vst v0  }
0x28: {  	[tilespmem:s16+$0x6C60] =	vst v0;
	s16 =	sshra.s32 s25, $0x2;
	s25 =	sadd.s32 $0x200, s25  }
0x29: {  	[tilespmem:s16+$0x6C70] =	vst v0  }
0x2a: {  	[tilespmem:s16+$0x6C00] =	vst v0  }
0x2b: {  	[tilespmem:s16+$0x6C10] =	vst v0  }
0x2c: {  	[tilespmem:s16+$0x6C20] =	vst v0  }
0x2d: {  	[tilespmem:s16+$0x6C30] =	vst v0  }
0x2e: {  	[tilespmem:s16+$0x6C40] =	vst v0  }
0x2f: {  	[tilespmem:s16+$0x6C50] =	vst v0  }
0x30: {  	[tilespmem:s16+$0x6C60] =	vst v0  }
0x31: {  	[spmem:s5] =	stream.linear.scatter [tilespmem:s23], [sflag:$0x9], $0x800, $0x38;
	[tilespmem:$0x1B400] =	vst v63  }
0x32: {  	s8 =	rddreg [dreg:$0x4]  }
0x33: {  	[spmem:s8] =	stream.linear.scatter [tilespmem:s23], [sflag:$0x9], $0x800, $0x38;
	[tilespmem:$0x1B400] =	vst v63  }
0x34: {  	s25 =	rddreg [dreg:$0x5]  }
0x35: {  	[spmem:s25] =	stream.linear.scatter [tilespmem:s23], [sflag:$0x9], $0x800, $0x38;
	[tilespmem:$0x1B400] =	vst v63  }
0x36: {  	s16 =	rddreg [dreg:$0x7]  }
0x37: {  	[spmem:s16] =	stream.linear.scatter [tilespmem:s23], [sflag:$0x9], $0x800, $0x38;
	[tilespmem:$0x1B400] =	vst v63  }
0x38: {  	s25 =	sadd.s32 $0x2000, s5  }
0x39: {  	[spmem:s25] =	stream.linear.scatter [tilespmem:s23], [sflag:$0x9], $0x800, $0x38;
	[tilespmem:$0x1B400] =	vst v63  }
0x3a: {  	s16 =	simm.s32 $0xA000;
	_ =	swait.ge [sflag:s24], $0x800  }
.LBB2_4:
0x3b: {  	s25 =	sshra.s32 s16, $0x2;
	[sflag:s24] =	ssyncset.done $0x0;
	p0 =	sne.s32 s16, $0x4E000  }
.Ltmp1:
0x3c: {  	s25 =	sadd.s32 s25, s5;
	[sflag:s24] =	ssyncadd.s32 $0xFFFFF800;
	(pc) =	sbr.rel @p0 .LBB2_4-.Ltmp1, $3  }
0x3d: {  	[spmem:s25] =	stream.linear.scatter [tilespmem:s23], [sflag:$0x9], $0x800, $0x38;
	[tilespmem:$0x1B400] =	vst v63  }
0x3e: {  	s16 =	sadd.s32 $0x2000, s16;
	_ =	sdelay $0x1  }
0x3f: {  	_ =	swait.ge [sflag:s24], $0x800  }
0x40: {  	[sflag:s24] =	ssyncset.done $0x0  }
0x41: {  	[sflag:s24] =	ssyncadd.s32 $0xFFFFF800  }
0x42: {  	_ =	swait.ge [sflag:s24], $0x800  }
0x43: {  	[sflag:s24] =	ssyncset.done $0x0  }
0x44: {  	[sflag:s24] =	ssyncadd.s32 $0xFFFFF800  }
0x45: {  	_ =	swait.ge [sflag:s24], $0x800  }
0x46: {  	[sflag:s24] =	ssyncset.done $0x0  }
0x47: {  	[sflag:s24] =	ssyncadd.s32 $0xFFFFF800  }
0x48: {  	_ =	swait.ge [sflag:s24], $0x800  }
0x49: {  	[sflag:s24] =	ssyncset.done $0x0  }
0x4a: {  	[sflag:s24] =	ssyncadd.s32 $0xFFFFF800  }
0x4b: {  	_ =	swait.ge [sflag:s24], $0x800  }
0x4c: {  	[sflag:s24] =	ssyncset.done $0x0  }
0x4d: {  	[sflag:s24] =	ssyncadd.s32 $0xFFFFF800  }
0x4e: {  	[bflag:$0x0] =	sbarrier.arrive $0xFFFF  }
0x4f: {  	s16 =	simm.s32 $0x0;
	s25 =	simm.s32 $0xA;
	s8 =	rddreg [dreg:$0x6]  }
0x50: {  	[tilespmem:s16], [sflag:$0xA] =	stream.linear.gather [hbm4b:s8+s16], $0x100, $0x38;
	[tilespmem:$0x1B400] =	vst v63  }
0x51: {  	_ =	swait.ge [sflag:s25], $0x100  }
0x52: {  	[sflag:s25] =	ssyncset.done $0x0  }
0x53: {  	[sflag:s25] =	ssyncadd.s32 $0xFFFFFF00  }
0x54: {  	[tilespmem:s28], [sflag:$0x5] =	stream.indirect.gather [hbm4b:s1+s26], $0x80, s16, s26, $0xb8;
	[tilespmem:$0x1B400] =	vst v63  }
0x55: {  	s25 =	rddreg [dreg:$0x8]  }
0x56: {  	[tilespmem:s29], [sflag:$0x2] =	stream.linear.gather [hbm4b:s25+s16], $0x100, $0x38;
	[tilespmem:$0x1B400] =	vst v63  }
0x57: {  	_ =	swait.ge [sflag:s30], $0x100  }
0x58: {  	[sflag:s30] =	ssyncset.done $0x0  }
0x59: {  	[sflag:s30] =	ssyncadd.s32 $0xFFFFFF00  }
0x5a: {  	[tilespmem:s31], [sflag:$0x6] =	stream.indirect.gather [hbm4b:s1+s26], $0x80, s29, s26, $0xb8;
	[tilespmem:$0x1B400] =	vst v63  }
0x5b: {  	_ =	swait.ge [sflag:s0], $0x3200  }
0x5c: {  	[sflag:s0] =	ssyncset.done $0x0  }
0x5d: {  	[sflag:s0] =	ssyncadd.s32 $0xFFFFCE00  }
0x5e: {  	[spmem:s2] =	stream.indirect.scatter.add.f32 [tilespmem:s28], [sflag:$0x7], $0x80, s3, s26, $0xb8;
	[tilespmem:$0x1B400] =	vst v63  }
0x5f: {  	s25 =	rddreg [dreg:$0x9]  }
0x60: {  	[tilespmem:s6], [sflag:$0x3] =	stream.linear.gather [hbm4b:s25+s16], $0x100, $0x38;
	[tilespmem:$0x1B400] =	vst v63  }
0x61: {  	_ =	swait.ge [sflag:s7], $0x100  }
0x62: {  	[sflag:s7] =	ssyncset.done $0x0  }
0x63: {  	[sflag:s7] =	ssyncadd.s32 $0xFFFFFF00  }
0x64: {  	_ =	swait.ge [sflag:s9], $0x3200  }
0x65: {  	[sflag:s9] =	ssyncset.done $0x0  }
0x66: {  	[sflag:s9] =	ssyncadd.s32 $0xFFFFCE00  }
0x67: {  	[tilespmem:s28], [sflag:$0x5] =	stream.indirect.gather [hbm4b:s1+s26], $0x80, s6, s26, $0xb8;
	[tilespmem:$0x1B400] =	vst v63  }
0x68: {  	_ =	swait.ge [sflag:s10], $0x3200  }
0x69: {  	[sflag:s10] =	ssyncset.done $0x0  }
0x6a: {  	[sflag:s10] =	ssyncadd.s32 $0xFFFFCE00  }
0x6b: {  	[spmem:s2] =	stream.indirect.scatter.add.f32 [tilespmem:s31], [sflag:$0x8], $0x80, s11, s26, $0xb8;
	[tilespmem:$0x1B400] =	vst v63  }
0x6c: {  	s25 =	rddreg [dreg:$0xa]  }
0x6d: {  	[tilespmem:s12], [sflag:$0x4] =	stream.linear.gather [hbm4b:s25+s16], $0x100, $0x38;
	[tilespmem:$0x1B400] =	vst v63  }
0x6e: {  	_ =	swait.ge [sflag:s13], $0x100  }
0x6f: {  	[sflag:s13] =	ssyncset.done $0x0  }
0x70: {  	[sflag:s13] =	ssyncadd.s32 $0xFFFFFF00  }
0x71: {  	_ =	swait.ge [sflag:s14], $0x3200  }
0x72: {  	[sflag:s14] =	ssyncset.done $0x0  }
0x73: {  	[sflag:s14] =	ssyncadd.s32 $0xFFFFCE00  }
0x74: {  	[tilespmem:s31], [sflag:$0x6] =	stream.indirect.gather [hbm4b:s1+s26], $0x80, s12, s26, $0xb8;
	[tilespmem:$0x1B400] =	vst v63  }
0x75: {  	_ =	swait.ge [sflag:s0], $0x3200  }
0x76: {  	[sflag:s0] =	ssyncset.done $0x0  }
0x77: {  	[sflag:s0] =	ssyncadd.s32 $0xFFFFCE00  }
0x78: {  	[spmem:s2] =	stream.indirect.scatter.add.f32 [tilespmem:s28], [sflag:$0x7], $0x80, s15, s26, $0xb8;
	[tilespmem:$0x1B400] =	vst v63  }
0x79: {  	s25 =	rddreg [dreg:$0xb]  }
0x7a: {  	[tilespmem:s16], [sflag:$0x1] =	stream.linear.gather [hbm4b:s25+s16], $0x100, $0x38;
	[tilespmem:$0x1B400] =	vst v63  }
0x7b: {  	_ =	swait.ge [sflag:s17], $0x100  }
0x7c: {  	[sflag:s17] =	ssyncset.done $0x0  }
0x7d: {  	[sflag:s17] =	ssyncadd.s32 $0xFFFFFF00  }
0x7e: {  	_ =	swait.ge [sflag:s9], $0x3200  }
0x7f: {  	[sflag:s9] =	ssyncset.done $0x0  }
0x80: {  	[sflag:s9] =	ssyncadd.s32 $0xFFFFCE00  }
0x81: {  	[tilespmem:s28], [sflag:$0x5] =	stream.indirect.gather [hbm4b:s1+s26], $0x80, s16, s26, $0xb8;
	[tilespmem:$0x1B400] =	vst v63  }
0x82: {  	_ =	swait.ge [sflag:s10], $0x3200  }
0x83: {  	[sflag:s10] =	ssyncset.done $0x0  }
0x84: {  	[sflag:s10] =	ssyncadd.s32 $0xFFFFCE00  }
0x85: {  	[spmem:s2] =	stream.indirect.scatter.add.f32 [tilespmem:s31], [sflag:$0x8], $0x80, s18, s26, $0xb8;
	[tilespmem:$0x1B400] =	vst v63  }
0x86: {  	s25 =	rddreg [dreg:$0xc]  }
0x87: {  	[tilespmem:s29], [sflag:$0x2] =	stream.linear.gather [hbm4b:s25+s16], $0x100, $0x38;
	[tilespmem:$0x1B400] =	vst v63  }
0x88: {  	_ =	swait.ge [sflag:s30], $0x100  }
0x89: {  	[sflag:s30] =	ssyncset.done $0x0  }
0x8a: {  	[sflag:s30] =	ssyncadd.s32 $0xFFFFFF00  }
0x8b: {  	_ =	swait.ge [sflag:s14], $0x3200  }
0x8c: {  	[sflag:s14] =	ssyncset.done $0x0  }
0x8d: {  	[sflag:s14] =	ssyncadd.s32 $0xFFFFCE00  }
0x8e: {  	[tilespmem:s31], [sflag:$0x6] =	stream.indirect.gather [hbm4b:s1+s26], $0x80, s29, s26, $0xb8;
	[tilespmem:$0x1B400] =	vst v63  }
0x8f: {  	_ =	swait.ge [sflag:s0], $0x3200  }
0x90: {  	[sflag:s0] =	ssyncset.done $0x0  }
0x91: {  	[sflag:s0] =	ssyncadd.s32 $0xFFFFCE00  }
0x92: {  	[spmem:s2] =	stream.indirect.scatter.add.f32 [tilespmem:s28], [sflag:$0x7], $0x80, s3, s26, $0xb8;
	[tilespmem:$0x1B400] =	vst v63  }
0x93: {  	s25 =	sadd.s32 $0x0, s21  }
0x94: {  	[tilespmem:s6], [sflag:$0x3] =	stream.linear.gather [hbm4b:s25+s4], $0x100, $0x38;
	[tilespmem:$0x1B400] =	vst v63  }
0x95: {  	_ =	swait.ge [sflag:s7], $0x100  }
0x96: {  	[sflag:s7] =	ssyncset.done $0x0  }
0x97: {  	[sflag:s7] =	ssyncadd.s32 $0xFFFFFF00  }
0x98: {  	_ =	swait.ge [sflag:s9], $0x3200  }
0x99: {  	[sflag:s9] =	ssyncset.done $0x0  }
0x9a: {  	[sflag:s9] =	ssyncadd.s32 $0xFFFFCE00  }
0x9b: {  	[tilespmem:s28], [sflag:$0x5] =	stream.indirect.gather [hbm4b:s1+s26], $0x80, s6, s26, $0xb8;
	[tilespmem:$0x1B400] =	vst v63  }
0x9c: {  	_ =	swait.ge [sflag:s10], $0x3200  }
0x9d: {  	[sflag:s10] =	ssyncset.done $0x0  }
0x9e: {  	[sflag:s10] =	ssyncadd.s32 $0xFFFFCE00  }
0x9f: {  	[spmem:s2] =	stream.indirect.scatter.add.f32 [tilespmem:s31], [sflag:$0x8], $0x80, s11, s26, $0xb8;
	[tilespmem:$0x1B400] =	vst v63  }
0xa0: {  	s8 =	sadd.s32 $0x0, s20  }
0xa1: {  	[tilespmem:s12], [sflag:$0x4] =	stream.linear.gather [hbm4b:s8+s4], $0x100, $0x38;
	[tilespmem:$0x1B400] =	vst v63  }
0xa2: {  	_ =	swait.ge [sflag:s13], $0x100  }
0xa3: {  	[sflag:s13] =	ssyncset.done $0x0  }
0xa4: {  	[sflag:s13] =	ssyncadd.s32 $0xFFFFFF00  }
0xa5: {  	_ =	swait.ge [sflag:s14], $0x3200  }
0xa6: {  	[sflag:s14] =	ssyncset.done $0x0  }
0xa7: {  	[sflag:s14] =	ssyncadd.s32 $0xFFFFCE00  }
0xa8: {  	[tilespmem:s31], [sflag:$0x6] =	stream.indirect.gather [hbm4b:s1+s26], $0x80, s12, s26, $0xb8;
	[tilespmem:$0x1B400] =	vst v63  }
0xa9: {  	_ =	swait.ge [sflag:s0], $0x3200  }
0xaa: {  	[sflag:s0] =	ssyncset.done $0x0  }
0xab: {  	[sflag:s0] =	ssyncadd.s32 $0xFFFFCE00  }
0xac: {  	[spmem:s2] =	stream.indirect.scatter.add.f32 [tilespmem:s28], [sflag:$0x7], $0x80, s15, s26, $0xb8;
	[tilespmem:$0x1B400] =	vst v63  }
0xad: {  	s25 =	sadd.s32 $0x0, s19  }
0xae: {  	[tilespmem:s4], [sflag:$0x1] =	stream.linear.gather [hbm4b:s25+s4], $0x100, $0x38;
	[tilespmem:$0x1B400] =	vst v63  }
0xaf: {  	_ =	swait.ge [sflag:s17], $0x100  }
0xb0: {  	[sflag:s17] =	ssyncset.done $0x0  }
0xb1: {  	[sflag:s17] =	ssyncadd.s32 $0xFFFFFF00  }
0xb2: {  	_ =	swait.ge [sflag:s9], $0x3200  }
0xb3: {  	[sflag:s9] =	ssyncset.done $0x0  }
0xb4: {  	[sflag:s9] =	ssyncadd.s32 $0xFFFFCE00  }
0xb5: {  	[tilespmem:s28], [sflag:$0x5] =	stream.indirect.gather [hbm4b:s1+s26], $0x80, s4, s26, $0xb8;
	[tilespmem:$0x1B400] =	vst v63  }
0xb6: {  	_ =	swait.ge [sflag:s10], $0x3200  }
0xb7: {  	[sflag:s10] =	ssyncset.done $0x0  }
0xb8: {  	s16 =	simm.s32 $0x80;
	s25 =	sadd.s32 $0x0, s22;
	[sflag:s10] =	ssyncadd.s32 $0xFFFFCE00  }
0xb9: {  	[spmem:s2] =	stream.indirect.scatter.add.f32 [tilespmem:s31], [sflag:$0x8], $0x80, s18, s26, $0xb8;
	[tilespmem:$0x1B400] =	vst v63  }
.LBB2_6:
0xba: {  	[tilespmem:s29], [sflag:$0x2] =	stream.linear.gather [hbm4b:s25+s4], $0x100, $0x38;
	[tilespmem:$0x1B400] =	vst v63  }
0xbb: {  	s25 =	smov.u32 s16  }
0xbc: {  	p0 =	sne.s32 s16, $0xB00;
	s16 =	sadd.s32 $0x80, s16;
	_ =	swait.ge [sflag:s30], $0x100  }
0xbd: {  	[sflag:s30] =	ssyncset.done $0x0  }
0xbe: {  	[sflag:s30] =	ssyncadd.s32 $0xFFFFFF00  }
0xbf: {  	_ =	swait.ge [sflag:s14], $0x3200  }
0xc0: {  	[sflag:s14] =	ssyncset.done $0x0  }
0xc1: {  	[sflag:s14] =	ssyncadd.s32 $0xFFFFCE00  }
0xc2: {  	[tilespmem:s31], [sflag:$0x6] =	stream.indirect.gather [hbm4b:s1+s26], $0x80, s29, s26, $0xb8;
	[tilespmem:$0x1B400] =	vst v63  }
0xc3: {  	_ =	swait.ge [sflag:s0], $0x3200  }
0xc4: {  	[sflag:s0] =	ssyncset.done $0x0  }
0xc5: {  	[sflag:s0] =	ssyncadd.s32 $0xFFFFCE00  }
0xc6: {  	[spmem:s2] =	stream.indirect.scatter.add.f32 [tilespmem:s28], [sflag:$0x7], $0x80, s3, s26, $0xb8;
	[tilespmem:$0x1B400] =	vst v63  }
0xc7: {  	s8 =	sadd.s32 s25, s21  }
0xc8: {  	[tilespmem:s6], [sflag:$0x3] =	stream.linear.gather [hbm4b:s8+s4], $0x100, $0x38;
	[tilespmem:$0x1B400] =	vst v63  }
0xc9: {  	_ =	swait.ge [sflag:s7], $0x100  }
0xca: {  	[sflag:s7] =	ssyncset.done $0x0  }
0xcb: {  	[sflag:s7] =	ssyncadd.s32 $0xFFFFFF00  }
0xcc: {  	_ =	swait.ge [sflag:s9], $0x3200  }
0xcd: {  	[sflag:s9] =	ssyncset.done $0x0  }
0xce: {  	[sflag:s9] =	ssyncadd.s32 $0xFFFFCE00  }
0xcf: {  	[tilespmem:s28], [sflag:$0x5] =	stream.indirect.gather [hbm4b:s1+s26], $0x80, s6, s26, $0xb8;
	[tilespmem:$0x1B400] =	vst v63  }
0xd0: {  	_ =	swait.ge [sflag:s10], $0x3200  }
0xd1: {  	[sflag:s10] =	ssyncset.done $0x0  }
0xd2: {  	[sflag:s10] =	ssyncadd.s32 $0xFFFFCE00  }
0xd3: {  	[spmem:s2] =	stream.indirect.scatter.add.f32 [tilespmem:s31], [sflag:$0x8], $0x80, s11, s26, $0xb8;
	[tilespmem:$0x1B400] =	vst v63  }
0xd4: {  	s8 =	sadd.s32 s25, s20  }
0xd5: {  	[tilespmem:s12], [sflag:$0x4] =	stream.linear.gather [hbm4b:s8+s4], $0x100, $0x38;
	[tilespmem:$0x1B400] =	vst v63  }
0xd6: {  	_ =	swait.ge [sflag:s13], $0x100  }
0xd7: {  	[sflag:s13] =	ssyncset.done $0x0  }
0xd8: {  	[sflag:s13] =	ssyncadd.s32 $0xFFFFFF00  }
0xd9: {  	_ =	swait.ge [sflag:s14], $0x3200  }
0xda: {  	[sflag:s14] =	ssyncset.done $0x0  }
0xdb: {  	[sflag:s14] =	ssyncadd.s32 $0xFFFFCE00  }
0xdc: {  	[tilespmem:s31], [sflag:$0x6] =	stream.indirect.gather [hbm4b:s1+s26], $0x80, s12, s26, $0xb8;
	[tilespmem:$0x1B400] =	vst v63  }
0xdd: {  	_ =	swait.ge [sflag:s0], $0x3200  }
0xde: {  	[sflag:s0] =	ssyncset.done $0x0  }
0xdf: {  	[sflag:s0] =	ssyncadd.s32 $0xFFFFCE00  }
0xe0: {  	[spmem:s2] =	stream.indirect.scatter.add.f32 [tilespmem:s28], [sflag:$0x7], $0x80, s15, s26, $0xb8;
	[tilespmem:$0x1B400] =	vst v63  }
0xe1: {  	s8 =	sadd.s32 s25, s19  }
0xe2: {  	[tilespmem:s4], [sflag:$0x1] =	stream.linear.gather [hbm4b:s8+s4], $0x100, $0x38;
	[tilespmem:$0x1B400] =	vst v63  }
0xe3: {  	_ =	swait.ge [sflag:s17], $0x100  }
0xe4: {  	[sflag:s17] =	ssyncset.done $0x0  }
0xe5: {  	[sflag:s17] =	ssyncadd.s32 $0xFFFFFF00  }
0xe6: {  	_ =	swait.ge [sflag:s9], $0x3200  }
0xe7: {  	[sflag:s9] =	ssyncset.done $0x0  }
0xe8: {  	[sflag:s9] =	ssyncadd.s32 $0xFFFFCE00  }
0xe9: {  	[tilespmem:s28], [sflag:$0x5] =	stream.indirect.gather [hbm4b:s1+s26], $0x80, s4, s26, $0xb8;
	[tilespmem:$0x1B400] =	vst v63  }
.Ltmp2:
0xea: {  	_ =	swait.ge [sflag:s10], $0x3200;
	(pc) =	sbr.rel @p0 .LBB2_6-.Ltmp2, $4  }
0xeb: {  	[sflag:s10] =	ssyncset.done $0x0  }
0xec: {  	[sflag:s10] =	ssyncadd.s32 $0xFFFFCE00  }
0xed: {  	[spmem:s2] =	stream.indirect.scatter.add.f32 [tilespmem:s31], [sflag:$0x8], $0x80, s18, s26, $0xb8;
	[tilespmem:$0x1B400] =	vst v63  }
0xee: {  	s25 =	sadd.s32 s25, s22  }
0xef: {  	[tilespmem:s29], [sflag:$0x2] =	stream.linear.gather [hbm4b:s25+s4], $0x100, $0x38;
	[tilespmem:$0x1B400] =	vst v63  }
0xf0: {  	_ =	swait.ge [sflag:s30], $0x100  }
0xf1: {  	[sflag:s30] =	ssyncset.done $0x0  }
0xf2: {  	[sflag:s30] =	ssyncadd.s32 $0xFFFFFF00  }
0xf3: {  	_ =	swait.ge [sflag:s14], $0x3200  }
0xf4: {  	[sflag:s14] =	ssyncset.done $0x0  }
0xf5: {  	[sflag:s14] =	ssyncadd.s32 $0xFFFFCE00  }
0xf6: {  	[tilespmem:s31], [sflag:$0x6] =	stream.indirect.gather [hbm4b:s1+s26], $0x80, s29, s26, $0xb8;
	[tilespmem:$0x1B400] =	vst v63  }
0xf7: {  	_ =	swait.ge [sflag:s0], $0x3200  }
0xf8: {  	[sflag:s0] =	ssyncset.done $0x0  }
0xf9: {  	[sflag:s0] =	ssyncadd.s32 $0xFFFFCE00  }
0xfa: {  	[spmem:s2] =	stream.indirect.scatter.add.f32 [tilespmem:s28], [sflag:$0x7], $0x80, s3, s26, $0xb8;
	[tilespmem:$0x1B400] =	vst v63  }
0xfb: {  	s8 =	rddreg [dreg:$0xd]  }
0xfc: {  	[tilespmem:s6], [sflag:$0x3] =	stream.linear.gather [hbm4b:s8+s4], $0x100, $0x38;
	[tilespmem:$0x1B400] =	vst v63  }
0xfd: {  	_ =	swait.ge [sflag:s7], $0x100  }
0xfe: {  	[sflag:s7] =	ssyncset.done $0x0  }
0xff: {  	[sflag:s7] =	ssyncadd.s32 $0xFFFFFF00  }
0x100: {  	_ =	swait.ge [sflag:s9], $0x3200  }
0x101: {  	[sflag:s9] =	ssyncset.done $0x0  }
0x102: {  	[sflag:s9] =	ssyncadd.s32 $0xFFFFCE00  }
0x103: {  	[tilespmem:s28], [sflag:$0x5] =	stream.indirect.gather [hbm4b:s1+s26], $0x80, s6, s26, $0xb8;
	[tilespmem:$0x1B400] =	vst v63  }
0x104: {  	_ =	swait.ge [sflag:s10], $0x3200  }
0x105: {  	[sflag:s10] =	ssyncset.done $0x0  }
0x106: {  	[sflag:s10] =	ssyncadd.s32 $0xFFFFCE00  }
0x107: {  	[spmem:s2] =	stream.indirect.scatter.add.f32 [tilespmem:s31], [sflag:$0x8], $0x80, s11, s26, $0xb8;
	[tilespmem:$0x1B400] =	vst v63  }
0x108: {  	s16 =	rddreg [dreg:$0xe]  }
0x109: {  	[tilespmem:s12], [sflag:$0x4] =	stream.linear.gather [hbm4b:s16+s4], $0x100, $0x38;
	[tilespmem:$0x1B400] =	vst v63  }
0x10a: {  	_ =	swait.ge [sflag:s13], $0x100  }
0x10b: {  	[sflag:s13] =	ssyncset.done $0x0  }
0x10c: {  	[sflag:s13] =	ssyncadd.s32 $0xFFFFFF00  }
0x10d: {  	_ =	swait.ge [sflag:s14], $0x3200  }
0x10e: {  	[sflag:s14] =	ssyncset.done $0x0  }
0x10f: {  	[sflag:s14] =	ssyncadd.s32 $0xFFFFCE00  }
0x110: {  	[tilespmem:s31], [sflag:$0x6] =	stream.indirect.gather [hbm4b:s1+s26], $0x80, s12, s26, $0xb8;
	[tilespmem:$0x1B400] =	vst v63  }
0x111: {  	_ =	swait.ge [sflag:s0], $0x3200  }
0x112: {  	[sflag:s0] =	ssyncset.done $0x0  }
0x113: {  	[sflag:s0] =	ssyncadd.s32 $0xFFFFCE00  }
0x114: {  	[spmem:s2] =	stream.indirect.scatter.add.f32 [tilespmem:s28], [sflag:$0x7], $0x80, s15, s26, $0xb8;
	[tilespmem:$0x1B400] =	vst v63  }
0x115: {  	_ = 	snop  }
0x116: {  	[tilespmem:s4], [sflag:$0x1] =	stream.linear.gather [hbm4b:s16+s4], $0x100, $0x38;
	[tilespmem:$0x1B400] =	vst v63  }
0x117: {  	_ =	swait.ge [sflag:s17], $0x100  }
0x118: {  	[sflag:s17] =	ssyncset.done $0x0  }
0x119: {  	[sflag:s17] =	ssyncadd.s32 $0xFFFFFF00  }
0x11a: {  	_ =	swait.ge [sflag:s9], $0x3200  }
0x11b: {  	[sflag:s9] =	ssyncset.done $0x0  }
0x11c: {  	[sflag:s9] =	ssyncadd.s32 $0xFFFFCE00  }
0x11d: {  	_ =	swait.ge [sflag:s10], $0x3200  }
0x11e: {  	[sflag:s10] =	ssyncset.done $0x0  }
0x11f: {  	[sflag:s10] =	ssyncadd.s32 $0xFFFFCE00  }
0x120: {  	[spmem:s2] =	stream.indirect.scatter.add.f32 [tilespmem:s31], [sflag:$0x8], $0x80, s18, s26, $0xb8;
	[tilespmem:$0x1B400] =	vst v63  }
0x121: {  	_ =	swait.ge [sflag:s14], $0x3200  }
0x122: {  	[sflag:s14] =	ssyncset.done $0x0  }
0x123: {  	s25 =	stileid.u32;
	[sflag:s14] =	ssyncadd.s32 $0xFFFFCE00  }
0x124: {  	s8 =	sshll.u32 s25, $0x6;
	[bflag:$0x0] =	sbarrier.arrive $0xFFFF  }
0x125: {  	s8 =	sor.u32 $0x1C0A, s8;
	s16 =	sshrl.u32 s5, $0x3;
	s25 =	rddreg [dreg:$0xf]  }
0x126: {  	[hbm:s25], [sflag:s8] =	dma.local [spmem:s16], $0x2800  }
0x127: {  	s16 =	simm.s32 $0xA  }
0x128: {  	_ =	swait.ge [sflag:s16], $0x2800  }
0x129: {  	s8 =	rddreg [dreg:$0x11]  }
0x12a: {  	s25 =	sadd.s32 $0x1, s8;
	s8 =	rddreg [dreg:$0x10]  }
0x12b: {  	p0 =	sne.s32 s25, s8  }
.Ltmp3:
0x12c: {  	_ = 	snop;
	(pc) =	sbr.rel @p0 .LBB2_1-.Ltmp3, $3  }
0x12d: {  	_ =	sdelay $0x1  }
0x12e: {  	[sflag:s16] =	ssyncset.done $0x0  }
0x12f: {  	[sflag:s16] =	ssyncadd.s32 $0xFFFFD800  }
0x130: {  	_ =	sfence.sel $0x180000  }
0x131: {  	[bflag:$0x0] =	sbarrier.arrive $0xFFFF  }
0x132: {  	_ =	strace $0x9000004A  }
0x133: {  	s0 =	stileid.u32;
	[bflag:$0x2] =	sbarrier.arrive $0xFFFF  }
0x134: {  	p0 =	sne.s32 s0, $0x0;
	s0 =	rddreg [dreg:$0x3]  }
0x135: {  	s0 =	sadd.s32 @!p0 $0x100000, s0  }
0x136: {  	[sflag:s0] =	ssyncadd.tile.s32 @!p0 $0x1;
	_ =	shalt  }
.Lfunc_end2:
_tile_overlayer_lowered:
.L_overlay_start_2:
0x137: {  	(tag) =	ssettag $0x2  }
0x138: {  	s0 =	rddreg [dreg:$0x0];
	s2 =	stileid.u32  }
0x139: {  	s1 =	rddreg [dreg:$0x1];
	p0 =	sne.s32 s2, $0x0  }
0x13a: {  	s3 =	rddreg [dreg:$0x2];
	[bflag:$0x3] =	sbarrier.arrive $0xFFFF;
	s2 =	simm.s32 @!p0 $0x1C0A  }
0x13b: {  	[timem:s3], [sflag:s2] =	dma.local @!p0 [hbm:s0], s1  }
0x13c: {  	s0 =	simm.s32 @!p0 $0xA  }
0x13d: {  	_ =	swait.ge @!p0 [sflag:s0], s1  }
0x13e: {  	s1 =	ssub.s32 @!p0 $0x0, s1;
	[sflag:s0] =	ssyncset.done @!p0 $0x0  }
0x13f: {  	[sflag:s0] =	ssyncadd.s32 @!p0 s1  }
0x140: {  	[bflag:$0x3] =	sbarrier.arrive $0xFFFF  }
0x141: {  	_ =	shalt  }

// kernel: kernel.16.cloned.1.call-start
scs
__scs_entry_jumppad:
0x0: {  	(pc) =	sbr.rel $0x88, $3  }
0x1: {  	(tag) =	ssettag $0x0;
	lr =	simm.s32 $0x1  }
0x2: {  	[smem:$0x3F98] =	sst lr;
	_ =	strace $0xD0000000  }
0x3: {  	_ = 	snop  }
0x4: {  	_ = 	snop  }
0x5: {  	_ = 	snop  }
0x6: {  	_ = 	snop  }
0x7: {  	_ = 	snop  }
__scs_overlays_trampoline_lowered:
0x8: {  	[smem:$0x3FA7] =	sst s0  }
0x9: {  	[smem:$0x3FA8] =	sst s1  }
0xa: {  	[smem:$0x3FA9] =	sst s2  }
0xb: {  	[smem:$0x3FAA] =	sst s3  }
0xc: {  	[smem:$0x3FAB] =	sst s4  }
0xd: {  	[smem:$0x3FAC] =	sst s5  }
0xe: {  	[smem:$0x3FAD] =	sst s6  }
0xf: {  	[smem:$0x3FAE] =	sst s7  }
0x10: {  	[smem:$0x3FAF] =	sst s8  }
0x11: {  	[smem:$0x3FB0] =	sst s9;
	s0 =	simm.s32 @!p0 $0x0  }
0x12: {  	s1 =	sld [smem:$0x3F96];
	s0 =	simm.s32 @p0 $0x1  }
0x13: {  	[smem:$0x3FB1] =	sst s0;
	s0 =	simm.s32 @!p1 $0x0  }
0x14: {  	s2 =	sld [smem:$0x3F95];
	s0 =	simm.s32 @p1 $0x1  }
0x15: {  	[smem:$0x3FB2] =	sst s0;
	s0 =	simm.s32 @!p2 $0x0  }
0x16: {  	s3 =	sld [smem:$0x3FDB];
	s0 =	simm.s32 @p2 $0x1  }
0x17: {  	s4 =	simm.s32 $0x1BF5;
	[smem:$0x3FB4] =	sst s0  }
0x18: {  	s0 =	sld [smem:$0x3F97];
	_ =	swait.ge [sflag:s4], $0x0  }
0x19: {  	s7 =	sld [smem:$0x3F98]  }
0x1a: {  	s8 =	sadd.s32 $0xFFFFE003, lr  }
0x1b: {  	s9 =	sadd.s32 $0xFFFFFEF7, lr;
	s5 =	simm.s32 $0xFFFFFFFF;
	p2 =	slt.u32 s8, $0xFFFFF086  }
0x1c: {  	p1 =	slt.u32 s9, $0xF7A;
	s5 =	simm.s32 @!p2 $0x0  }
0x1d: {  	s5 =	simm.s32 @p1 $0x1;
	p0 =	seq.s32 s7, s2  }
0x1e: {  	s7 =	smul.u32 @!p0 $0xF7A, s2;
	p2 =	seq.s32 @!p0 s5, $0x0  }
0x1f: {  	s9 =	smul.u32 $0xF7A, s1;
	s8 =	simm.s32 @!p0 $0x1BF5;
	p2 =	por !p2, p0  }
0x20: {  	[sflag:s8] =	ssyncset.s32 @!p0 $0xFFFFF086;
	s6 =	sadd.s32 @!p0 s3, s7;
	s7 =	simm.s32 @!p0 $0x108  }
0x21: {  	s3 =	sadd.s32 s3, s9;
	s6 =	sadd.s32 @!p0 $0x88, s6;
	s7 =	simm.s32 @p2 $0x1082  }
0x22: {  	[simem:s7], [sflag:s8] =	dma.local @!p0 [hbm:s6], $0xF7A  }
0x23: {  	s9 =	sor.u32 $0xD0000000, s2;
	s6 =	simm.s32 $0x108;
	_ =	swait.ge @!p0 [sflag:s8], $0x0  }
0x24: {  	s3 =	sadd.s32 $0x88, s3;
	s6 =	simm.s32 @!p1 $0x1082;
	[sflag:s4] =	ssyncset.s32 $0xFFFFF086  }
0x25: {  	[simem:s6], [sflag:s4] =	dma.local [hbm:s3], $0xF7A  }
0x26: {  	[smem:$0x3F98] =	sst s1;
	(tag) =	ssettag s2;
	_ =	strace s9  }
0x27: {  	s1 =	sld [smem:$0x3FA8]  }
0x28: {  	s2 =	sld [smem:$0x3FA9]  }
0x29: {  	s4 =	sld [smem:$0x3FAB]  }
0x2a: {  	p0 =	seq.s32 s5, $0x0;
	s5 =	sld [smem:$0x3FAC]  }
0x2b: {  	s6 =	sld [smem:$0x3FAD]  }
0x2c: {  	s7 =	sld [smem:$0x3FAE]  }
0x2d: {  	s3 =	simm.s32 $0x108;
	s8 =	sld [smem:$0x3FAF]  }
0x2e: {  	s3 =	simm.s32 @!p0 $0x1082;
	s9 =	sld [smem:$0x3FB0]  }
0x2f: {  	lr =	sadd.s32 s0, s3;
	s0 =	sld [smem:$0x3FA7]  }
0x30: {  	s3 =	sld [smem:$0x3FAA]  }
0x31: {  	[smem:$0x3FB3] =	sst s10  }
0x32: {  	s10 =	sld [smem:$0x3FB1];
	_ =	sdelay $0x3  }
0x33: {  	p0 =	seq.s32 s10, $0x1;
	s10 =	sld [smem:$0x3FB3];
	_ =	sdelay $0x3  }
0x34: {  	[smem:$0x3FB3] =	sst s10  }
0x35: {  	s10 =	sld [smem:$0x3FB2];
	_ =	sdelay $0x3  }
0x36: {  	p1 =	seq.s32 s10, $0x1;
	s10 =	sld [smem:$0x3FB3];
	_ =	sdelay $0x3  }
0x37: {  	[smem:$0x3FB3] =	sst s10  }
0x38: {  	s10 =	sld [smem:$0x3FB4]  }
0x39: {  	_ = 	snop;
	(pc) =	sbr.ind lr, $3  }
0x3a: {  	_ = 	snop  }
0x3b: {  	_ = 	snop  }
0x3c: {  	p2 =	seq.s32 s10, $0x1;
	s10 =	sld [smem:$0x3FB3]  }
0x3d: {  	_ =	shalt  }
0x3e: {  	_ =	shalt  }
0x3f: {  	_ =	shalt  }
0x40: {  	_ =	shalt  }
0x41: {  	_ =	shalt  }
0x42: {  	_ =	shalt  }
0x43: {  	_ =	shalt  }
0x44: {  	_ =	shalt  }
0x45: {  	_ =	shalt  }
0x46: {  	_ =	shalt  }
0x47: {  	_ =	shalt  }
0x48: {  	_ =	shalt  }
0x49: {  	_ =	shalt  }
0x4a: {  	_ =	shalt  }
0x4b: {  	_ =	shalt  }
0x4c: {  	_ =	shalt  }
0x4d: {  	_ =	shalt  }
0x4e: {  	_ =	shalt  }
0x4f: {  	_ =	shalt  }
0x50: {  	_ =	shalt  }
0x51: {  	_ =	shalt  }
0x52: {  	_ =	shalt  }
0x53: {  	_ =	shalt  }
0x54: {  	_ =	shalt  }
0x55: {  	_ =	shalt  }
0x56: {  	_ =	shalt  }
0x57: {  	_ =	shalt  }
0x58: {  	_ =	shalt  }
0x59: {  	_ =	shalt  }
0x5a: {  	_ =	shalt  }
0x5b: {  	_ =	shalt  }
0x5c: {  	_ =	shalt  }
0x5d: {  	_ =	shalt  }
0x5e: {  	_ =	shalt  }
0x5f: {  	_ =	shalt  }
0x60: {  	_ =	shalt  }
0x61: {  	_ =	shalt  }
0x62: {  	_ =	shalt  }
0x63: {  	_ =	shalt  }
0x64: {  	_ =	shalt  }
0x65: {  	_ =	shalt  }
0x66: {  	_ =	shalt  }
0x67: {  	_ =	shalt  }
0x68: {  	_ =	shalt  }
0x69: {  	_ =	shalt  }
0x6a: {  	_ =	shalt  }
0x6b: {  	_ =	shalt  }
0x6c: {  	_ =	shalt  }
0x6d: {  	_ =	shalt  }
0x6e: {  	_ =	shalt  }
0x6f: {  	_ =	shalt  }
0x70: {  	_ =	shalt  }
0x71: {  	_ =	shalt  }
0x72: {  	_ =	shalt  }
0x73: {  	_ =	shalt  }
0x74: {  	_ =	shalt  }
0x75: {  	_ =	shalt  }
0x76: {  	_ =	shalt  }
0x77: {  	_ =	shalt  }
0x78: {  	_ =	shalt  }
0x79: {  	_ =	shalt  }
0x7a: {  	_ =	shalt  }
0x7b: {  	_ =	shalt  }
0x7c: {  	_ =	shalt  }
0x7d: {  	_ =	shalt  }
0x7e: {  	_ =	shalt  }
0x7f: {  	_ =	shalt  }
0x80: {  	_ =	shalt  }
0x81: {  	_ =	shalt  }
0x82: {  	_ =	shalt  }
0x83: {  	_ =	shalt  }
0x84: {  	_ =	shalt  }
0x85: {  	_ =	shalt  }
0x86: {  	_ =	shalt  }
0x87: {  	_ =	shalt  }
.Lfunc_end0:
.L_simem_size_0:
called_computation.2_lowered:
.L_overlay_start_0:
0x88: {  	s2 =	sld [smem:$0x3FD9]  }
0x89: {  	s3 =	sld [smem:$0x3FFE];
	_ =	sdelay $0x1  }
0x8a: {  	s1 =	srdreg.scid  }
0x8b: {  	s0 =	sand.u32 $0x1, s1  }
0x8c: {  	s14 =	sshll.u32 s0, $0xA;
	s2 =	sadd.s32 s3, s2  }
0x8d: {  	s2 =	sadd.s32 s2, s14  }
0x8e: {  	[smem:$0x3FBF] =	sst s2  }
0x8f: {  	_ = 	snop  }
0x90: {  	s2 =	sld [smem:$0x3FD0];
	_ =	sdelay $0x2  }
0x91: {  	s15 =	simm.s32 $0xA;
	s4 =	simm.s32 $0x10  }
0x92: {  	[smem:s4], [sflag:s15] =	dma.local [hbm:s2], $0x1  }
0x93: {  	_ =	swait.eq [sflag:s15], $0x1  }
0x94: {  	[sflag:s15] =	ssyncset.done $0x0  }
0x95: {  	[sflag:s15] =	ssyncadd.s32 $0xFFFFFFFF  }
0x96: {  	s16 =	sld [smem:$0x12];
	(tm) =	ssettm $0x1  }
0x97: {  	s17 =	sld [smem:$0x3FFB];
	_ =	sdelay $0x3  }
0x98: {  	_ =	strace s17  }
0x99: {  	s3 =	sld [smem:$0x3FFC];
	_ =	sdelay $0x3  }
0x9a: {  	_ =	strace s3  }
0x9b: {  	s3 =	sld [smem:$0x3FFD];
	_ =	sdelay $0x3  }
0x9c: {  	_ =	strace s3  }
0x9d: {  	_ =	strace $0x8FFFFFFF  }
0x9e: {  	s18 =	sld [smem:$0x3FDB];
	_ =	sdelay $0x1  }
0x9f: {  	s19 =	simm.s32 $_scs_section_size  }
0xa0: {  	s5 =	simm.s32 $_size__tile_overlayer_lowered;
	s6 =	simm.s32 $_tile_overlayer_lowered  }
0xa1: {  	s22 =	simm.s32 $0x1BFF;
	s21 =	sshll.u32 s6, $0x1;
	s3 =	sadd.s32 s19, s18  }
0xa2: {  	s7 =	simm.s32 $0x0;
	s20 =	sshll.u32 s5, $0x1;
	s5 =	sadd.s32 s21, s3  }
0xa3: {  	[timem:s7], [sflag:s22] =	dma.local [hbm:s5], s20  }
0xa4: {  	_ =	swait.ge [sflag:s22], s20  }
0xa5: {  	s4 =	ssub.s32 $0x0, s20;
	[sflag:s22] =	ssyncset.done $0x0  }
0xa6: {  	[sflag:s22] =	ssyncadd.s32 s4;
	_ =	sdelay $0x1  }
0xa7: {  	s23 =	simm.s32 $0x1B8B  }
0xa8: {  	_ =	swait.ge [sflag:s23], $0x1  }
0xa9: {  	[sflag:s23] =	ssyncset.done $0x0  }
0xaa: {  	s25 =	simm.s32 $0x1B8E;
	s24 =	sld [smem:$0x3FFE];
	[sflag:s23] =	ssyncadd.s32 $0xFFFFFFFF  }
0xab: {  	s26 =	simm.s32 $execute0_lowered;
	[smem:$0x3FD2] =	sst s25  }
0xac: {  	s5 =	sshll.u32 s26, $0x1;
	_ =	strace $0x8000004C;
	[dreg:$0x1] =	wrdreg $0xFFFFFFFF  }
0xad: {  	s28 =	simm.s32 $_size_execute0_lowered;
	s3 =	sadd.s32 s3, s5;
	[dreg:$0x0] =	wrdreg $0x0  }
0xae: {  	s5 =	sshll.u32 s28, $0x1;
	[dreg:$0x2] =	wrdreg s3  }
0xaf: {  	[dreg:$0x3] =	wrdreg s5  }
0xb0: {  	[dreg:$0x4] =	wrdreg $0xC0  }
0xb1: {  	_ =	task [dreg:s7], $0x5FFFF  }
0xb2: {  	[dreg:$0x1] =	wrdreg $0xFFFFFFFF  }
0xb3: {  	[dreg:$0x0] =	wrdreg $0x60  }
0xb4: {  	[dreg:$0x2] =	wrdreg s16  }
0xb5: {  	[dreg:$0x3] =	wrdreg s24  }
0xb6: {  	[dreg:$0x4] =	wrdreg $0x74000  }
0xb7: {  	[dreg:$0x5] =	wrdreg $0x9  }
0xb8: {  	_ =	task.clear_ibuf [dreg:s7], $0x6FFFF;
	_ =	strace $0x9000004C  }
0xb9: {  	s29 =	simm.s32 $0x9;
	_ =	strace $0x8000004E  }
0xba: {  	_ =	swait.ge [sflag:s29], $0x1  }
0xbb: {  	[sflag:s29] =	ssyncadd.s32 $0xFFFFFFFF  }
0xbc: {  	_ =	strace $0x9000004E  }
0xbd: {  	_ =	sfence  }
0xbe: {  	s30 =	sld [smem:$0x0];
	_ =	sdelay $0x2  }
0xbf: {  	s31 =	sshll.u32 s1, $0xD;
	s1 =	sshrl.u32 s1, $0x2  }
0xc0: {  	s3 =	sand.u32 $0x4000, s31;
	s1 =	sadd.s32 s1, s30  }
0xc1: {  	s0 =	sor.u32 s3, s0;
	s1 =	sshll.u32 s1, $0x11  }
0xc2: {  	s0 =	sor.u32 s1, s0  }
0xc3: {  	s0 =	sadd.s32 $0x8F2B, s0  }
0xc4: {  	[sflag:s0] =	ssyncadd.remote.s32 $0x1  }
0xc5: {  	_ =	sfence.sel $0xFFFF  }
0xc6: {  	[dreg:$0x0] =	wrdreg $0xFFFFFFFF;
	(pc) =	sbr.abs _section_cstart, $3  }
0xc7: {  	[dreg:$0x1] =	wrdreg $0xFFFFFFFF  }
0xc8: {  	_ =	task.clear_ibuf [dreg:s7], $0x2FFFF;
	_ =	strace $0x9FFFFFFF  }
0xc9: {  	(tm) =	ssettm $0x7FFFFFFF  }
tec
execute0_lowered:
.L_overlay_start_1:
0x0: {  	(tag) =	ssettag $0x1  }
0x1: {  	s1 =	rddreg [dreg:$0x0]  }
0x2: {  	s0 =	rddreg [dreg:$0x1]  }
0x3: {  	s2 =	rddreg [dreg:$0x2]  }
0x4: {  	s3 =	srdreg.scid;
	s4 =	simm.s32 $0x0;
	s11 =	stileid.u32  }
0x5: {  	s28 =	simm.s32 $0x400;
	s29 =	simm.s32 $0x100;
	s30 =	simm.s32 $0x2  }
0x6: {  	s31 =	simm.s32 $0x3800;
	s3 =	sand.u32 $0x1, s3;
	s6 =	smul.u32 $0x14000, s11  }
0x7: {  	[smem:$0x7FF] =	sst s4;
	s7 =	sadd.s32 $0x4C00, s0;
	s8 =	smul.u32 $0x50000, s11  }
0x8: {  	s25 =	sshll.u32 s11, $0x1;
	s5 =	smul.u32 $0x140000, s3;
	s9 =	ssub.s32 $0x2, s3  }
0x9: {  	s26 =	smul.u32 $0xC800, s11;
	_ =	strace $0x8000004D;
	s10 =	sshrl.u32 s9, $0x1  }
0xa: {  	s8 =	sshrl.u32 s8, $0x2;
	s5 =	sadd.s32 s6, s5;
	s6 =	sor.u32 s3, s25  }
0xb: {  	s9 =	ssub.s32 s9, s10;
	s3 =	smul.u32 $0x6400, s3;
	s10 =	simm.s32 $0x6  }
0xc: {  	s5 =	sshrl.u32 s5, $0x3;
	s6 =	smul.u32 $0x6400, s6;
	s23 =	smax.u32 s9, $0x1  }
0xd: {  	s9 =	simm.s32 $0x7;
	s0 =	sadd.s32 s5, s0;
	s5 =	sadd.s32 s8, s2  }
0xe: {  	s3 =	sadd.s32 s3, s26;
	[dreg:$0x10] =	wrdreg s23;
	s23 =	simm.s32 $0x6C00  }
0xf: {  	s8 =	sadd.s32 $0x800, s5;
	s6 =	sshrl.u32 s6, $0x3;
	s11 =	sadd.s32 $0x1000, s5  }
0x10: {  	s13 =	sadd.s32 $0x1800, s5;
	s20 =	sadd.s32 $0x800, s3;
	[dreg:$0x4] =	wrdreg s8  }
0x11: {  	s0 =	sadd.s32 $0x44E00, s0;
	s24 =	sadd.s32 $0x700, s3;
	[dreg:$0x5] =	wrdreg s11  }
0x12: {  	s25 =	sadd.s32 $0x600, s3;
	s3 =	sadd.s32 $0x900, s3;
	[dreg:$0x7] =	wrdreg s13  }
0x13: {  	s12 =	sadd.s32 s7, s6;
	[dreg:$0xf] =	wrdreg s0;
	s22 =	sshrl.u32 s20, $0x3  }
0x14: {  	s0 =	sshrl.u32 s24, $0x3;
	s26 =	sshrl.u32 s25, $0x3;
	s3 =	sshrl.u32 s3, $0x3  }
0x15: {  	s24 =	simm.s32 $0x9;
	s14 =	sadd.s32 $0x20, s12;
	[dreg:$0x6] =	wrdreg s12  }
0x16: {  	s6 =	simm.s32 $0x200;
	s15 =	sadd.s32 $0x40, s12;
	[dreg:$0x8] =	wrdreg s14  }
0x17: {  	s11 =	simm.s32 $0x180;
	s16 =	sadd.s32 $0x60, s12;
	[dreg:$0x9] =	wrdreg s15  }
0x18: {  	s13 =	simm.s32 $0x4;
	s17 =	sadd.s32 $0x80, s12;
	[dreg:$0xa] =	wrdreg s16  }
0x19: {  	s25 =	simm.s32 $0x0;
	s18 =	sadd.s32 $0xA0, s12;
	[dreg:$0xb] =	wrdreg s17  }
0x1a: {  	s19 =	sadd.s32 $0xC40, s12;
	s21 =	sadd.s32 $0xC60, s12;
	[dreg:$0xc] =	wrdreg s18  }
0x1b: {  	s20 =	sadd.s32 s0, s7;
	s0 =	simm.s32 $0x5;
	[dreg:$0xd] =	wrdreg s19  }
0x1c: {  	s12 =	simm.s32 $0x300;
	[dreg:$0xe] =	wrdreg s21;
	s19 =	sadd.s32 s22, s7  }
0x1d: {  	s21 =	sadd.s32 s26, s7;
	s22 =	sadd.s32 s3, s7;
	s26 =	simm.s32 $0x64  }
0x1e: {  	s3 =	simm.s32 $0x80;
	s7 =	simm.s32 $0x3;
	s14 =	simm.s32 $0x8  }
0x1f: {  	v0 =	vimm.f32 $0.0e+00;
	s15 =	simm.s32 $0x280;
	s17 =	simm.s32 $0x1;
	s18 =	simm.s32 $0x380  }
.LBB2_1:
0x20: {  	[dreg:$0x11] =	wrdreg s25;
	s16 =	simm.s32 $0x0;
	s25 =	simm.s32 $0x200  }
.LBB2_2:
0x21: {  	p0 =	sne.s32 s25, $0x1E00;
	[tilespmem:s16+$0x6C70] =	vst v0  }
0x22: {  	[tilespmem:s16+$0x6C00] =	vst v0  }
0x23: {  	[tilespmem:s16+$0x6C10] =	vst v0  }
.Ltmp0:
0x24: {  	[tilespmem:s16+$0x6C20] =	vst v0;
	(pc) =	sbr.rel @p0 .LBB2_2-.Ltmp0, $4  }
0x25: {  	[tilespmem:s16+$0x6C30] =	vst v0  }
0x26: {  	[tilespmem:s16+$0x6C40] =	vst v0  }
0x27: {  	[tilespmem:s16+$0x6C50] =	vst v0  }
0x28: {  	[tilespmem:s16+$0x6C60] =	vst v0;
	s16 =	sshra.s32 s25, $0x2;
	s25 =	sadd.s32 $0x200, s25  }
0x29: {  	[tilespmem:s16+$0x6C70] =	vst v0  }
0x2a: {  	[tilespmem:s16+$0x6C00] =	vst v0  }
0x2b: {  	[tilespmem:s16+$0x6C10] =	vst v0  }
0x2c: {  	[tilespmem:s16+$0x6C20] =	vst v0  }
0x2d: {  	[tilespmem:s16+$0x6C30] =	vst v0  }
0x2e: {  	[tilespmem:s16+$0x6C40] =	vst v0  }
0x2f: {  	[tilespmem:s16+$0x6C50] =	vst v0  }
0x30: {  	[tilespmem:s16+$0x6C60] =	vst v0  }
0x31: {  	[spmem:s5] =	stream.linear.scatter [tilespmem:s23], [sflag:$0x9], $0x800, $0x38;
	[tilespmem:$0x1B400] =	vst v63  }
0x32: {  	s8 =	rddreg [dreg:$0x4]  }
0x33: {  	[spmem:s8] =	stream.linear.scatter [tilespmem:s23], [sflag:$0x9], $0x800, $0x38;
	[tilespmem:$0x1B400] =	vst v63  }
0x34: {  	s25 =	rddreg [dreg:$0x5]  }
0x35: {  	[spmem:s25] =	stream.linear.scatter [tilespmem:s23], [sflag:$0x9], $0x800, $0x38;
	[tilespmem:$0x1B400] =	vst v63  }
0x36: {  	s16 =	rddreg [dreg:$0x7]  }
0x37: {  	[spmem:s16] =	stream.linear.scatter [tilespmem:s23], [sflag:$0x9], $0x800, $0x38;
	[tilespmem:$0x1B400] =	vst v63  }
0x38: {  	s25 =	sadd.s32 $0x2000, s5  }
0x39: {  	[spmem:s25] =	stream.linear.scatter [tilespmem:s23], [sflag:$0x9], $0x800, $0x38;
	[tilespmem:$0x1B400] =	vst v63  }
0x3a: {  	s16 =	simm.s32 $0xA000;
	_ =	swait.ge [sflag:s24], $0x800  }
.LBB2_4:
0x3b: {  	s25 =	sshra.s32 s16, $0x2;
	[sflag:s24] =	ssyncset.done $0x0;
	p0 =	sne.s32 s16, $0x4E000  }
.Ltmp1:
0x3c: {  	s25 =	sadd.s32 s25, s5;
	[sflag:s24] =	ssyncadd.s32 $0xFFFFF800;
	(pc) =	sbr.rel @p0 .LBB2_4-.Ltmp1, $3  }
0x3d: {  	[spmem:s25] =	stream.linear.scatter [tilespmem:s23], [sflag:$0x9], $0x800, $0x38;
	[tilespmem:$0x1B400] =	vst v63  }
0x3e: {  	s16 =	sadd.s32 $0x2000, s16;
	_ =	sdelay $0x1  }
0x3f: {  	_ =	swait.ge [sflag:s24], $0x800  }
0x40: {  	[sflag:s24] =	ssyncset.done $0x0  }
0x41: {  	[sflag:s24] =	ssyncadd.s32 $0xFFFFF800  }
0x42: {  	_ =	swait.ge [sflag:s24], $0x800  }
0x43: {  	[sflag:s24] =	ssyncset.done $0x0  }
0x44: {  	[sflag:s24] =	ssyncadd.s32 $0xFFFFF800  }
0x45: {  	_ =	swait.ge [sflag:s24], $0x800  }
0x46: {  	[sflag:s24] =	ssyncset.done $0x0  }
0x47: {  	[sflag:s24] =	ssyncadd.s32 $0xFFFFF800  }
0x48: {  	_ =	swait.ge [sflag:s24], $0x800  }
0x49: {  	[sflag:s24] =	ssyncset.done $0x0  }
0x4a: {  	[sflag:s24] =	ssyncadd.s32 $0xFFFFF800  }
0x4b: {  	_ =	swait.ge [sflag:s24], $0x800  }
0x4c: {  	[sflag:s24] =	ssyncset.done $0x0  }
0x4d: {  	[sflag:s24] =	ssyncadd.s32 $0xFFFFF800  }
0x4e: {  	[bflag:$0x0] =	sbarrier.arrive $0xFFFF  }
0x4f: {  	s16 =	simm.s32 $0x0;
	s25 =	simm.s32 $0xA;
	s8 =	rddreg [dreg:$0x6]  }
0x50: {  	[tilespmem:s16], [sflag:$0xA] =	stream.linear.gather [hbm4b:s8+s16], $0x100, $0x38;
	[tilespmem:$0x1B400] =	vst v63  }
0x51: {  	_ =	swait.ge [sflag:s25], $0x100  }
0x52: {  	[sflag:s25] =	ssyncset.done $0x0  }
0x53: {  	[sflag:s25] =	ssyncadd.s32 $0xFFFFFF00  }
0x54: {  	[tilespmem:s28], [sflag:$0x5] =	stream.indirect.gather [hbm4b:s1+s26], $0x80, s16, s26, $0xb8;
	[tilespmem:$0x1B400] =	vst v63  }
0x55: {  	s25 =	rddreg [dreg:$0x8]  }
0x56: {  	[tilespmem:s29], [sflag:$0x2] =	stream.linear.gather [hbm4b:s25+s16], $0x100, $0x38;
	[tilespmem:$0x1B400] =	vst v63  }
0x57: {  	_ =	swait.ge [sflag:s30], $0x100  }
0x58: {  	[sflag:s30] =	ssyncset.done $0x0  }
0x59: {  	[sflag:s30] =	ssyncadd.s32 $0xFFFFFF00  }
0x5a: {  	[tilespmem:s31], [sflag:$0x6] =	stream.indirect.gather [hbm4b:s1+s26], $0x80, s29, s26, $0xb8;
	[tilespmem:$0x1B400] =	vst v63  }
0x5b: {  	_ =	swait.ge [sflag:s0], $0x3200  }
0x5c: {  	[sflag:s0] =	ssyncset.done $0x0  }
0x5d: {  	[sflag:s0] =	ssyncadd.s32 $0xFFFFCE00  }
0x5e: {  	[spmem:s2] =	stream.indirect.scatter.add.f32 [tilespmem:s28], [sflag:$0x7], $0x80, s3, s26, $0xb8;
	[tilespmem:$0x1B400] =	vst v63  }
0x5f: {  	s25 =	rddreg [dreg:$0x9]  }
0x60: {  	[tilespmem:s6], [sflag:$0x3] =	stream.linear.gather [hbm4b:s25+s16], $0x100, $0x38;
	[tilespmem:$0x1B400] =	vst v63  }
0x61: {  	_ =	swait.ge [sflag:s7], $0x100  }
0x62: {  	[sflag:s7] =	ssyncset.done $0x0  }
0x63: {  	[sflag:s7] =	ssyncadd.s32 $0xFFFFFF00  }
0x64: {  	_ =	swait.ge [sflag:s9], $0x3200  }
0x65: {  	[sflag:s9] =	ssyncset.done $0x0  }
0x66: {  	[sflag:s9] =	ssyncadd.s32 $0xFFFFCE00  }
0x67: {  	[tilespmem:s28], [sflag:$0x5] =	stream.indirect.gather [hbm4b:s1+s26], $0x80, s6, s26, $0xb8;
	[tilespmem:$0x1B400] =	vst v63  }
0x68: {  	_ =	swait.ge [sflag:s10], $0x3200  }
0x69: {  	[sflag:s10] =	ssyncset.done $0x0  }
0x6a: {  	[sflag:s10] =	ssyncadd.s32 $0xFFFFCE00  }
0x6b: {  	[spmem:s2] =	stream.indirect.scatter.add.f32 [tilespmem:s31], [sflag:$0x8], $0x80, s11, s26, $0xb8;
	[tilespmem:$0x1B400] =	vst v63  }
0x6c: {  	s25 =	rddreg [dreg:$0xa]  }
0x6d: {  	[tilespmem:s12], [sflag:$0x4] =	stream.linear.gather [hbm4b:s25+s16], $0x100, $0x38;
	[tilespmem:$0x1B400] =	vst v63  }
0x6e: {  	_ =	swait.ge [sflag:s13], $0x100  }
0x6f: {  	[sflag:s13] =	ssyncset.done $0x0  }
0x70: {  	[sflag:s13] =	ssyncadd.s32 $0xFFFFFF00  }
0x71: {  	_ =	swait.ge [sflag:s14], $0x3200  }
0x72: {  	[sflag:s14] =	ssyncset.done $0x0  }
0x73: {  	[sflag:s14] =	ssyncadd.s32 $0xFFFFCE00  }
0x74: {  	[tilespmem:s31], [sflag:$0x6] =	stream.indirect.gather [hbm4b:s1+s26], $0x80, s12, s26, $0xb8;
	[tilespmem:$0x1B400] =	vst v63  }
0x75: {  	_ =	swait.ge [sflag:s0], $0x3200  }
0x76: {  	[sflag:s0] =	ssyncset.done $0x0  }
0x77: {  	[sflag:s0] =	ssyncadd.s32 $0xFFFFCE00  }
0x78: {  	[spmem:s2] =	stream.indirect.scatter.add.f32 [tilespmem:s28], [sflag:$0x7], $0x80, s15, s26, $0xb8;
	[tilespmem:$0x1B400] =	vst v63  }
0x79: {  	s25 =	rddreg [dreg:$0xb]  }
0x7a: {  	[tilespmem:s16], [sflag:$0x1] =	stream.linear.gather [hbm4b:s25+s16], $0x100, $0x38;
	[tilespmem:$0x1B400] =	vst v63  }
0x7b: {  	_ =	swait.ge [sflag:s17], $0x100  }
0x7c: {  	[sflag:s17] =	ssyncset.done $0x0  }
0x7d: {  	[sflag:s17] =	ssyncadd.s32 $0xFFFFFF00  }
0x7e: {  	_ =	swait.ge [sflag:s9], $0x3200  }
0x7f: {  	[sflag:s9] =	ssyncset.done $0x0  }
0x80: {  	[sflag:s9] =	ssyncadd.s32 $0xFFFFCE00  }
0x81: {  	[tilespmem:s28], [sflag:$0x5] =	stream.indirect.gather [hbm4b:s1+s26], $0x80, s16, s26, $0xb8;
	[tilespmem:$0x1B400] =	vst v63  }
0x82: {  	_ =	swait.ge [sflag:s10], $0x3200  }
0x83: {  	[sflag:s10] =	ssyncset.done $0x0  }
0x84: {  	[sflag:s10] =	ssyncadd.s32 $0xFFFFCE00  }
0x85: {  	[spmem:s2] =	stream.indirect.scatter.add.f32 [tilespmem:s31], [sflag:$0x8], $0x80, s18, s26, $0xb8;
	[tilespmem:$0x1B400] =	vst v63  }
0x86: {  	s25 =	rddreg [dreg:$0xc]  }
0x87: {  	[tilespmem:s29], [sflag:$0x2] =	stream.linear.gather [hbm4b:s25+s16], $0x100, $0x38;
	[tilespmem:$0x1B400] =	vst v63  }
0x88: {  	_ =	swait.ge [sflag:s30], $0x100  }
0x89: {  	[sflag:s30] =	ssyncset.done $0x0  }
0x8a: {  	[sflag:s30] =	ssyncadd.s32 $0xFFFFFF00  }
0x8b: {  	_ =	swait.ge [sflag:s14], $0x3200  }
0x8c: {  	[sflag:s14] =	ssyncset.done $0x0  }
0x8d: {  	[sflag:s14] =	ssyncadd.s32 $0xFFFFCE00  }
0x8e: {  	[tilespmem:s31], [sflag:$0x6] =	stream.indirect.gather [hbm4b:s1+s26], $0x80, s29, s26, $0xb8;
	[tilespmem:$0x1B400] =	vst v63  }
0x8f: {  	_ =	swait.ge [sflag:s0], $0x3200  }
0x90: {  	[sflag:s0] =	ssyncset.done $0x0  }
0x91: {  	[sflag:s0] =	ssyncadd.s32 $0xFFFFCE00  }
0x92: {  	[spmem:s2] =	stream.indirect.scatter.add.f32 [tilespmem:s28], [sflag:$0x7], $0x80, s3, s26, $0xb8;
	[tilespmem:$0x1B400] =	vst v63  }
0x93: {  	s25 =	sadd.s32 $0x0, s21  }
0x94: {  	[tilespmem:s6], [sflag:$0x3] =	stream.linear.gather [hbm4b:s25+s4], $0x100, $0x38;
	[tilespmem:$0x1B400] =	vst v63  }
0x95: {  	_ =	swait.ge [sflag:s7], $0x100  }
0x96: {  	[sflag:s7] =	ssyncset.done $0x0  }
0x97: {  	[sflag:s7] =	ssyncadd.s32 $0xFFFFFF00  }
0x98: {  	_ =	swait.ge [sflag:s9], $0x3200  }
0x99: {  	[sflag:s9] =	ssyncset.done $0x0  }
0x9a: {  	[sflag:s9] =	ssyncadd.s32 $0xFFFFCE00  }
0x9b: {  	[tilespmem:s28], [sflag:$0x5] =	stream.indirect.gather [hbm4b:s1+s26], $0x80, s6, s26, $0xb8;
	[tilespmem:$0x1B400] =	vst v63  }
0x9c: {  	_ =	swait.ge [sflag:s10], $0x3200  }
0x9d: {  	[sflag:s10] =	ssyncset.done $0x0  }
0x9e: {  	[sflag:s10] =	ssyncadd.s32 $0xFFFFCE00  }
0x9f: {  	[spmem:s2] =	stream.indirect.scatter.add.f32 [tilespmem:s31], [sflag:$0x8], $0x80, s11, s26, $0xb8;
	[tilespmem:$0x1B400] =	vst v63  }
0xa0: {  	s8 =	sadd.s32 $0x0, s20  }
0xa1: {  	[tilespmem:s12], [sflag:$0x4] =	stream.linear.gather [hbm4b:s8+s4], $0x100, $0x38;
	[tilespmem:$0x1B400] =	vst v63  }
0xa2: {  	_ =	swait.ge [sflag:s13], $0x100  }
0xa3: {  	[sflag:s13] =	ssyncset.done $0x0  }
0xa4: {  	[sflag:s13] =	ssyncadd.s32 $0xFFFFFF00  }
0xa5: {  	_ =	swait.ge [sflag:s14], $0x3200  }
0xa6: {  	[sflag:s14] =	ssyncset.done $0x0  }
0xa7: {  	[sflag:s14] =	ssyncadd.s32 $0xFFFFCE00  }
0xa8: {  	[tilespmem:s31], [sflag:$0x6] =	stream.indirect.gather [hbm4b:s1+s26], $0x80, s12, s26, $0xb8;
	[tilespmem:$0x1B400] =	vst v63  }
0xa9: {  	_ =	swait.ge [sflag:s0], $0x3200  }
0xaa: {  	[sflag:s0] =	ssyncset.done $0x0  }
0xab: {  	[sflag:s0] =	ssyncadd.s32 $0xFFFFCE00  }
0xac: {  	[spmem:s2] =	stream.indirect.scatter.add.f32 [tilespmem:s28], [sflag:$0x7], $0x80, s15, s26, $0xb8;
	[tilespmem:$0x1B400] =	vst v63  }
0xad: {  	s25 =	sadd.s32 $0x0, s19  }
0xae: {  	[tilespmem:s4], [sflag:$0x1] =	stream.linear.gather [hbm4b:s25+s4], $0x100, $0x38;
	[tilespmem:$0x1B400] =	vst v63  }
0xaf: {  	_ =	swait.ge [sflag:s17], $0x100  }
0xb0: {  	[sflag:s17] =	ssyncset.done $0x0  }
0xb1: {  	[sflag:s17] =	ssyncadd.s32 $0xFFFFFF00  }
0xb2: {  	_ =	swait.ge [sflag:s9], $0x3200  }
0xb3: {  	[sflag:s9] =	ssyncset.done $0x0  }
0xb4: {  	[sflag:s9] =	ssyncadd.s32 $0xFFFFCE00  }
0xb5: {  	[tilespmem:s28], [sflag:$0x5] =	stream.indirect.gather [hbm4b:s1+s26], $0x80, s4, s26, $0xb8;
	[tilespmem:$0x1B400] =	vst v63  }
0xb6: {  	_ =	swait.ge [sflag:s10], $0x3200  }
0xb7: {  	[sflag:s10] =	ssyncset.done $0x0  }
0xb8: {  	s16 =	simm.s32 $0x80;
	s25 =	sadd.s32 $0x0, s22;
	[sflag:s10] =	ssyncadd.s32 $0xFFFFCE00  }
0xb9: {  	[spmem:s2] =	stream.indirect.scatter.add.f32 [tilespmem:s31], [sflag:$0x8], $0x80, s18, s26, $0xb8;
	[tilespmem:$0x1B400] =	vst v63  }
.LBB2_6:
0xba: {  	[tilespmem:s29], [sflag:$0x2] =	stream.linear.gather [hbm4b:s25+s4], $0x100, $0x38;
	[tilespmem:$0x1B400] =	vst v63  }
0xbb: {  	s25 =	smov.u32 s16  }
0xbc: {  	p0 =	sne.s32 s16, $0xB00;
	s16 =	sadd.s32 $0x80, s16;
	_ =	swait.ge [sflag:s30], $0x100  }
0xbd: {  	[sflag:s30] =	ssyncset.done $0x0  }
0xbe: {  	[sflag:s30] =	ssyncadd.s32 $0xFFFFFF00  }
0xbf: {  	_ =	swait.ge [sflag:s14], $0x3200  }
0xc0: {  	[sflag:s14] =	ssyncset.done $0x0  }
0xc1: {  	[sflag:s14] =	ssyncadd.s32 $0xFFFFCE00  }
0xc2: {  	[tilespmem:s31], [sflag:$0x6] =	stream.indirect.gather [hbm4b:s1+s26], $0x80, s29, s26, $0xb8;
	[tilespmem:$0x1B400] =	vst v63  }
0xc3: {  	_ =	swait.ge [sflag:s0], $0x3200  }
0xc4: {  	[sflag:s0] =	ssyncset.done $0x0  }
0xc5: {  	[sflag:s0] =	ssyncadd.s32 $0xFFFFCE00  }
0xc6: {  	[spmem:s2] =	stream.indirect.scatter.add.f32 [tilespmem:s28], [sflag:$0x7], $0x80, s3, s26, $0xb8;
	[tilespmem:$0x1B400] =	vst v63  }
0xc7: {  	s8 =	sadd.s32 s25, s21  }
0xc8: {  	[tilespmem:s6], [sflag:$0x3] =	stream.linear.gather [hbm4b:s8+s4], $0x100, $0x38;
	[tilespmem:$0x1B400] =	vst v63  }
0xc9: {  	_ =	swait.ge [sflag:s7], $0x100  }
0xca: {  	[sflag:s7] =	ssyncset.done $0x0  }
0xcb: {  	[sflag:s7] =	ssyncadd.s32 $0xFFFFFF00  }
0xcc: {  	_ =	swait.ge [sflag:s9], $0x3200  }
0xcd: {  	[sflag:s9] =	ssyncset.done $0x0  }
0xce: {  	[sflag:s9] =	ssyncadd.s32 $0xFFFFCE00  }
0xcf: {  	[tilespmem:s28], [sflag:$0x5] =	stream.indirect.gather [hbm4b:s1+s26], $0x80, s6, s26, $0xb8;
	[tilespmem:$0x1B400] =	vst v63  }
0xd0: {  	_ =	swait.ge [sflag:s10], $0x3200  }
0xd1: {  	[sflag:s10] =	ssyncset.done $0x0  }
0xd2: {  	[sflag:s10] =	ssyncadd.s32 $0xFFFFCE00  }
0xd3: {  	[spmem:s2] =	stream.indirect.scatter.add.f32 [tilespmem:s31], [sflag:$0x8], $0x80, s11, s26, $0xb8;
	[tilespmem:$0x1B400] =	vst v63  }
0xd4: {  	s8 =	sadd.s32 s25, s20  }
0xd5: {  	[tilespmem:s12], [sflag:$0x4] =	stream.linear.gather [hbm4b:s8+s4], $0x100, $0x38;
	[tilespmem:$0x1B400] =	vst v63  }
0xd6: {  	_ =	swait.ge [sflag:s13], $0x100  }
0xd7: {  	[sflag:s13] =	ssyncset.done $0x0  }
0xd8: {  	[sflag:s13] =	ssyncadd.s32 $0xFFFFFF00  }
0xd9: {  	_ =	swait.ge [sflag:s14], $0x3200  }
0xda: {  	[sflag:s14] =	ssyncset.done $0x0  }
0xdb: {  	[sflag:s14] =	ssyncadd.s32 $0xFFFFCE00  }
0xdc: {  	[tilespmem:s31], [sflag:$0x6] =	stream.indirect.gather [hbm4b:s1+s26], $0x80, s12, s26, $0xb8;
	[tilespmem:$0x1B400] =	vst v63  }
0xdd: {  	_ =	swait.ge [sflag:s0], $0x3200  }
0xde: {  	[sflag:s0] =	ssyncset.done $0x0  }
0xdf: {  	[sflag:s0] =	ssyncadd.s32 $0xFFFFCE00  }
0xe0: {  	[spmem:s2] =	stream.indirect.scatter.add.f32 [tilespmem:s28], [sflag:$0x7], $0x80, s15, s26, $0xb8;
	[tilespmem:$0x1B400] =	vst v63  }
0xe1: {  	s8 =	sadd.s32 s25, s19  }
0xe2: {  	[tilespmem:s4], [sflag:$0x1] =	stream.linear.gather [hbm4b:s8+s4], $0x100, $0x38;
	[tilespmem:$0x1B400] =	vst v63  }
0xe3: {  	_ =	swait.ge [sflag:s17], $0x100  }
0xe4: {  	[sflag:s17] =	ssyncset.done $0x0  }
0xe5: {  	[sflag:s17] =	ssyncadd.s32 $0xFFFFFF00  }
0xe6: {  	_ =	swait.ge [sflag:s9], $0x3200  }
0xe7: {  	[sflag:s9] =	ssyncset.done $0x0  }
0xe8: {  	[sflag:s9] =	ssyncadd.s32 $0xFFFFCE00  }
0xe9: {  	[tilespmem:s28], [sflag:$0x5] =	stream.indirect.gather [hbm4b:s1+s26], $0x80, s4, s26, $0xb8;
	[tilespmem:$0x1B400] =	vst v63  }
.Ltmp2:
0xea: {  	_ =	swait.ge [sflag:s10], $0x3200;
	(pc) =	sbr.rel @p0 .LBB2_6-.Ltmp2, $4  }
0xeb: {  	[sflag:s10] =	ssyncset.done $0x0  }
0xec: {  	[sflag:s10] =	ssyncadd.s32 $0xFFFFCE00  }
0xed: {  	[spmem:s2] =	stream.indirect.scatter.add.f32 [tilespmem:s31], [sflag:$0x8], $0x80, s18, s26, $0xb8;
	[tilespmem:$0x1B400] =	vst v63  }
0xee: {  	s25 =	sadd.s32 s25, s22  }
0xef: {  	[tilespmem:s29], [sflag:$0x2] =	stream.linear.gather [hbm4b:s25+s4], $0x100, $0x38;
	[tilespmem:$0x1B400] =	vst v63  }
0xf0: {  	_ =	swait.ge [sflag:s30], $0x100  }
0xf1: {  	[sflag:s30] =	ssyncset.done $0x0  }
0xf2: {  	[sflag:s30] =	ssyncadd.s32 $0xFFFFFF00  }
0xf3: {  	_ =	swait.ge [sflag:s14], $0x3200  }
0xf4: {  	[sflag:s14] =	ssyncset.done $0x0  }
0xf5: {  	[sflag:s14] =	ssyncadd.s32 $0xFFFFCE00  }
0xf6: {  	[tilespmem:s31], [sflag:$0x6] =	stream.indirect.gather [hbm4b:s1+s26], $0x80, s29, s26, $0xb8;
	[tilespmem:$0x1B400] =	vst v63  }
0xf7: {  	_ =	swait.ge [sflag:s0], $0x3200  }
0xf8: {  	[sflag:s0] =	ssyncset.done $0x0  }
0xf9: {  	[sflag:s0] =	ssyncadd.s32 $0xFFFFCE00  }
0xfa: {  	[spmem:s2] =	stream.indirect.scatter.add.f32 [tilespmem:s28], [sflag:$0x7], $0x80, s3, s26, $0xb8;
	[tilespmem:$0x1B400] =	vst v63  }
0xfb: {  	s8 =	rddreg [dreg:$0xd]  }
0xfc: {  	[tilespmem:s6], [sflag:$0x3] =	stream.linear.gather [hbm4b:s8+s4], $0x100, $0x38;
	[tilespmem:$0x1B400] =	vst v63  }
0xfd: {  	_ =	swait.ge [sflag:s7], $0x100  }
0xfe: {  	[sflag:s7] =	ssyncset.done $0x0  }
0xff: {  	[sflag:s7] =	ssyncadd.s32 $0xFFFFFF00  }
0x100: {  	_ =	swait.ge [sflag:s9], $0x3200  }
0x101: {  	[sflag:s9] =	ssyncset.done $0x0  }
0x102: {  	[sflag:s9] =	ssyncadd.s32 $0xFFFFCE00  }
0x103: {  	[tilespmem:s28], [sflag:$0x5] =	stream.indirect.gather [hbm4b:s1+s26], $0x80, s6, s26, $0xb8;
	[tilespmem:$0x1B400] =	vst v63  }
0x104: {  	_ =	swait.ge [sflag:s10], $0x3200  }
0x105: {  	[sflag:s10] =	ssyncset.done $0x0  }
0x106: {  	[sflag:s10] =	ssyncadd.s32 $0xFFFFCE00  }
0x107: {  	[spmem:s2] =	stream.indirect.scatter.add.f32 [tilespmem:s31], [sflag:$0x8], $0x80, s11, s26, $0xb8;
	[tilespmem:$0x1B400] =	vst v63  }
0x108: {  	s16 =	rddreg [dreg:$0xe]  }
0x109: {  	[tilespmem:s12], [sflag:$0x4] =	stream.linear.gather [hbm4b:s16+s4], $0x100, $0x38;
	[tilespmem:$0x1B400] =	vst v63  }
0x10a: {  	_ =	swait.ge [sflag:s13], $0x100  }
0x10b: {  	[sflag:s13] =	ssyncset.done $0x0  }
0x10c: {  	[sflag:s13] =	ssyncadd.s32 $0xFFFFFF00  }
0x10d: {  	_ =	swait.ge [sflag:s14], $0x3200  }
0x10e: {  	[sflag:s14] =	ssyncset.done $0x0  }
0x10f: {  	[sflag:s14] =	ssyncadd.s32 $0xFFFFCE00  }
0x110: {  	[tilespmem:s31], [sflag:$0x6] =	stream.indirect.gather [hbm4b:s1+s26], $0x80, s12, s26, $0xb8;
	[tilespmem:$0x1B400] =	vst v63  }
0x111: {  	_ =	swait.ge [sflag:s0], $0x3200  }
0x112: {  	[sflag:s0] =	ssyncset.done $0x0  }
0x113: {  	[sflag:s0] =	ssyncadd.s32 $0xFFFFCE00  }
0x114: {  	[spmem:s2] =	stream.indirect.scatter.add.f32 [tilespmem:s28], [sflag:$0x7], $0x80, s15, s26, $0xb8;
	[tilespmem:$0x1B400] =	vst v63  }
0x115: {  	_ = 	snop  }
0x116: {  	[tilespmem:s4], [sflag:$0x1] =	stream.linear.gather [hbm4b:s16+s4], $0x100, $0x38;
	[tilespmem:$0x1B400] =	vst v63  }
0x117: {  	_ =	swait.ge [sflag:s17], $0x100  }
0x118: {  	[sflag:s17] =	ssyncset.done $0x0  }
0x119: {  	[sflag:s17] =	ssyncadd.s32 $0xFFFFFF00  }
0x11a: {  	_ =	swait.ge [sflag:s9], $0x3200  }
0x11b: {  	[sflag:s9] =	ssyncset.done $0x0  }
0x11c: {  	[sflag:s9] =	ssyncadd.s32 $0xFFFFCE00  }
0x11d: {  	_ =	swait.ge [sflag:s10], $0x3200  }
0x11e: {  	[sflag:s10] =	ssyncset.done $0x0  }
0x11f: {  	[sflag:s10] =	ssyncadd.s32 $0xFFFFCE00  }
0x120: {  	[spmem:s2] =	stream.indirect.scatter.add.f32 [tilespmem:s31], [sflag:$0x8], $0x80, s18, s26, $0xb8;
	[tilespmem:$0x1B400] =	vst v63  }
0x121: {  	_ =	swait.ge [sflag:s14], $0x3200  }
0x122: {  	[sflag:s14] =	ssyncset.done $0x0  }
0x123: {  	s25 =	stileid.u32;
	[sflag:s14] =	ssyncadd.s32 $0xFFFFCE00  }
0x124: {  	s8 =	sshll.u32 s25, $0x6;
	[bflag:$0x0] =	sbarrier.arrive $0xFFFF  }
0x125: {  	s8 =	sor.u32 $0x1C0A, s8;
	s16 =	sshrl.u32 s5, $0x3;
	s25 =	rddreg [dreg:$0xf]  }
0x126: {  	[hbm:s25], [sflag:s8] =	dma.local [spmem:s16], $0x2800  }
0x127: {  	s16 =	simm.s32 $0xA  }
0x128: {  	_ =	swait.ge [sflag:s16], $0x2800  }
0x129: {  	s8 =	rddreg [dreg:$0x11]  }
0x12a: {  	s25 =	sadd.s32 $0x1, s8;
	s8 =	rddreg [dreg:$0x10]  }
0x12b: {  	p0 =	sne.s32 s25, s8  }
.Ltmp3:
0x12c: {  	_ = 	snop;
	(pc) =	sbr.rel @p0 .LBB2_1-.Ltmp3, $3  }
0x12d: {  	_ =	sdelay $0x1  }
0x12e: {  	[sflag:s16] =	ssyncset.done $0x0  }
0x12f: {  	[sflag:s16] =	ssyncadd.s32 $0xFFFFD800  }
0x130: {  	_ =	sfence.sel $0x180000  }
0x131: {  	[bflag:$0x0] =	sbarrier.arrive $0xFFFF  }
0x132: {  	_ =	strace $0x9000004D  }
0x133: {  	s0 =	stileid.u32;
	[bflag:$0x2] =	sbarrier.arrive $0xFFFF  }
0x134: {  	p0 =	sne.s32 s0, $0x0;
	s0 =	rddreg [dreg:$0x3]  }
0x135: {  	s0 =	sadd.s32 @!p0 $0x100000, s0  }
0x136: {  	[sflag:s0] =	ssyncadd.tile.s32 @!p0 $0x1;
	_ =	shalt  }
.Lfunc_end2:
_tile_overlayer_lowered:
.L_overlay_start_2:
0x137: {  	(tag) =	ssettag $0x2  }
0x138: {  	s0 =	rddreg [dreg:$0x0];
	s2 =	stileid.u32  }
0x139: {  	s1 =	rddreg [dreg:$0x1];
	p0 =	sne.s32 s2, $0x0  }
0x13a: {  	s3 =	rddreg [dreg:$0x2];
	[bflag:$0x3] =	sbarrier.arrive $0xFFFF;
	s2 =	simm.s32 @!p0 $0x1C0A  }
0x13b: {  	[timem:s3], [sflag:s2] =	dma.local @!p0 [hbm:s0], s1  }
0x13c: {  	s0 =	simm.s32 @!p0 $0xA  }
0x13d: {  	_ =	swait.ge @!p0 [sflag:s0], s1  }
0x13e: {  	s1 =	ssub.s32 @!p0 $0x0, s1;
	[sflag:s0] =	ssyncset.done @!p0 $0x0  }
0x13f: {  	[sflag:s0] =	ssyncadd.s32 @!p0 s1  }
0x140: {  	[bflag:$0x3] =	sbarrier.arrive $0xFFFF  }
0x141: {  	_ =	shalt  }

// kernel: kernel.19.cloned.1.call-start
scs
__scs_entry_jumppad:
0x0: {  	(pc) =	sbr.rel $0x88, $3  }
0x1: {  	(tag) =	ssettag $0x0;
	lr =	simm.s32 $0x1  }
0x2: {  	[smem:$0x3F98] =	sst lr;
	_ =	strace $0xD0000000  }
0x3: {  	_ = 	snop  }
0x4: {  	_ = 	snop  }
0x5: {  	_ = 	snop  }
0x6: {  	_ = 	snop  }
0x7: {  	_ = 	snop  }
__scs_overlays_trampoline_lowered:
0x8: {  	[smem:$0x3FA7] =	sst s0  }
0x9: {  	[smem:$0x3FA8] =	sst s1  }
0xa: {  	[smem:$0x3FA9] =	sst s2  }
0xb: {  	[smem:$0x3FAA] =	sst s3  }
0xc: {  	[smem:$0x3FAB] =	sst s4  }
0xd: {  	[smem:$0x3FAC] =	sst s5  }
0xe: {  	[smem:$0x3FAD] =	sst s6  }
0xf: {  	[smem:$0x3FAE] =	sst s7  }
0x10: {  	[smem:$0x3FAF] =	sst s8  }
0x11: {  	[smem:$0x3FB0] =	sst s9;
	s0 =	simm.s32 @!p0 $0x0  }
0x12: {  	s1 =	sld [smem:$0x3F96];
	s0 =	simm.s32 @p0 $0x1  }
0x13: {  	[smem:$0x3FB1] =	sst s0;
	s0 =	simm.s32 @!p1 $0x0  }
0x14: {  	s2 =	sld [smem:$0x3F95];
	s0 =	simm.s32 @p1 $0x1  }
0x15: {  	[smem:$0x3FB2] =	sst s0;
	s0 =	simm.s32 @!p2 $0x0  }
0x16: {  	s3 =	sld [smem:$0x3FDB];
	s0 =	simm.s32 @p2 $0x1  }
0x17: {  	s4 =	simm.s32 $0x1BF5;
	[smem:$0x3FB4] =	sst s0  }
0x18: {  	s0 =	sld [smem:$0x3F97];
	_ =	swait.ge [sflag:s4], $0x0  }
0x19: {  	s7 =	sld [smem:$0x3F98]  }
0x1a: {  	s8 =	sadd.s32 $0xFFFFE003, lr  }
0x1b: {  	s9 =	sadd.s32 $0xFFFFFEF7, lr;
	s5 =	simm.s32 $0xFFFFFFFF;
	p2 =	slt.u32 s8, $0xFFFFF086  }
0x1c: {  	p1 =	slt.u32 s9, $0xF7A;
	s5 =	simm.s32 @!p2 $0x0  }
0x1d: {  	s5 =	simm.s32 @p1 $0x1;
	p0 =	seq.s32 s7, s2  }
0x1e: {  	s7 =	smul.u32 @!p0 $0xF7A, s2;
	p2 =	seq.s32 @!p0 s5, $0x0  }
0x1f: {  	s9 =	smul.u32 $0xF7A, s1;
	s8 =	simm.s32 @!p0 $0x1BF5;
	p2 =	por !p2, p0  }
0x20: {  	[sflag:s8] =	ssyncset.s32 @!p0 $0xFFFFF086;
	s6 =	sadd.s32 @!p0 s3, s7;
	s7 =	simm.s32 @!p0 $0x108  }
0x21: {  	s3 =	sadd.s32 s3, s9;
	s6 =	sadd.s32 @!p0 $0x88, s6;
	s7 =	simm.s32 @p2 $0x1082  }
0x22: {  	[simem:s7], [sflag:s8] =	dma.local @!p0 [hbm:s6], $0xF7A  }
0x23: {  	s9 =	sor.u32 $0xD0000000, s2;
	s6 =	simm.s32 $0x108;
	_ =	swait.ge @!p0 [sflag:s8], $0x0  }
0x24: {  	s3 =	sadd.s32 $0x88, s3;
	s6 =	simm.s32 @!p1 $0x1082;
	[sflag:s4] =	ssyncset.s32 $0xFFFFF086  }
0x25: {  	[simem:s6], [sflag:s4] =	dma.local [hbm:s3], $0xF7A  }
0x26: {  	[smem:$0x3F98] =	sst s1;
	(tag) =	ssettag s2;
	_ =	strace s9  }
0x27: {  	s1 =	sld [smem:$0x3FA8]  }
0x28: {  	s2 =	sld [smem:$0x3FA9]  }
0x29: {  	s4 =	sld [smem:$0x3FAB]  }
0x2a: {  	p0 =	seq.s32 s5, $0x0;
	s5 =	sld [smem:$0x3FAC]  }
0x2b: {  	s6 =	sld [smem:$0x3FAD]  }
0x2c: {  	s7 =	sld [smem:$0x3FAE]  }
0x2d: {  	s3 =	simm.s32 $0x108;
	s8 =	sld [smem:$0x3FAF]  }
0x2e: {  	s3 =	simm.s32 @!p0 $0x1082;
	s9 =	sld [smem:$0x3FB0]  }
0x2f: {  	lr =	sadd.s32 s0, s3;
	s0 =	sld [smem:$0x3FA7]  }
0x30: {  	s3 =	sld [smem:$0x3FAA]  }
0x31: {  	[smem:$0x3FB3] =	sst s10  }
0x32: {  	s10 =	sld [smem:$0x3FB1];
	_ =	sdelay $0x3  }
0x33: {  	p0 =	seq.s32 s10, $0x1;
	s10 =	sld [smem:$0x3FB3];
	_ =	sdelay $0x3  }
0x34: {  	[smem:$0x3FB3] =	sst s10  }
0x35: {  	s10 =	sld [smem:$0x3FB2];
	_ =	sdelay $0x3  }
0x36: {  	p1 =	seq.s32 s10, $0x1;
	s10 =	sld [smem:$0x3FB3];
	_ =	sdelay $0x3  }
0x37: {  	[smem:$0x3FB3] =	sst s10  }
0x38: {  	s10 =	sld [smem:$0x3FB4]  }
0x39: {  	_ = 	snop;
	(pc) =	sbr.ind lr, $3  }
0x3a: {  	_ = 	snop  }
0x3b: {  	_ = 	snop  }
0x3c: {  	p2 =	seq.s32 s10, $0x1;
	s10 =	sld [smem:$0x3FB3]  }
0x3d: {  	_ =	shalt  }
0x3e: {  	_ =	shalt  }
0x3f: {  	_ =	shalt  }
0x40: {  	_ =	shalt  }
0x41: {  	_ =	shalt  }
0x42: {  	_ =	shalt  }
0x43: {  	_ =	shalt  }
0x44: {  	_ =	shalt  }
0x45: {  	_ =	shalt  }
0x46: {  	_ =	shalt  }
0x47: {  	_ =	shalt  }
0x48: {  	_ =	shalt  }
0x49: {  	_ =	shalt  }
0x4a: {  	_ =	shalt  }
0x4b: {  	_ =	shalt  }
0x4c: {  	_ =	shalt  }
0x4d: {  	_ =	shalt  }
0x4e: {  	_ =	shalt  }
0x4f: {  	_ =	shalt  }
0x50: {  	_ =	shalt  }
0x51: {  	_ =	shalt  }
0x52: {  	_ =	shalt  }
0x53: {  	_ =	shalt  }
0x54: {  	_ =	shalt  }
0x55: {  	_ =	shalt  }
0x56: {  	_ =	shalt  }
0x57: {  	_ =	shalt  }
0x58: {  	_ =	shalt  }
0x59: {  	_ =	shalt  }
0x5a: {  	_ =	shalt  }
0x5b: {  	_ =	shalt  }
0x5c: {  	_ =	shalt  }
0x5d: {  	_ =	shalt  }
0x5e: {  	_ =	shalt  }
0x5f: {  	_ =	shalt  }
0x60: {  	_ =	shalt  }
0x61: {  	_ =	shalt  }
0x62: {  	_ =	shalt  }
0x63: {  	_ =	shalt  }
0x64: {  	_ =	shalt  }
0x65: {  	_ =	shalt  }
0x66: {  	_ =	shalt  }
0x67: {  	_ =	shalt  }
0x68: {  	_ =	shalt  }
0x69: {  	_ =	shalt  }
0x6a: {  	_ =	shalt  }
0x6b: {  	_ =	shalt  }
0x6c: {  	_ =	shalt  }
0x6d: {  	_ =	shalt  }
0x6e: {  	_ =	shalt  }
0x6f: {  	_ =	shalt  }
0x70: {  	_ =	shalt  }
0x71: {  	_ =	shalt  }
0x72: {  	_ =	shalt  }
0x73: {  	_ =	shalt  }
0x74: {  	_ =	shalt  }
0x75: {  	_ =	shalt  }
0x76: {  	_ =	shalt  }
0x77: {  	_ =	shalt  }
0x78: {  	_ =	shalt  }
0x79: {  	_ =	shalt  }
0x7a: {  	_ =	shalt  }
0x7b: {  	_ =	shalt  }
0x7c: {  	_ =	shalt  }
0x7d: {  	_ =	shalt  }
0x7e: {  	_ =	shalt  }
0x7f: {  	_ =	shalt  }
0x80: {  	_ =	shalt  }
0x81: {  	_ =	shalt  }
0x82: {  	_ =	shalt  }
0x83: {  	_ =	shalt  }
0x84: {  	_ =	shalt  }
0x85: {  	_ =	shalt  }
0x86: {  	_ =	shalt  }
0x87: {  	_ =	shalt  }
.Lfunc_end0:
.L_simem_size_0:
called_computation.3_lowered:
.L_overlay_start_0:
0x88: {  	s2 =	sld [smem:$0x3FD9]  }
0x89: {  	s3 =	sld [smem:$0x3FFE];
	_ =	sdelay $0x1  }
0x8a: {  	s1 =	srdreg.scid  }
0x8b: {  	s0 =	sand.u32 $0x1, s1  }
0x8c: {  	s14 =	sshll.u32 s0, $0xA;
	s2 =	sadd.s32 s3, s2  }
0x8d: {  	s2 =	sadd.s32 s2, s14  }
0x8e: {  	[smem:$0x3FBF] =	sst s2  }
0x8f: {  	_ = 	snop  }
0x90: {  	s2 =	sld [smem:$0x3FD0];
	_ =	sdelay $0x2  }
0x91: {  	s15 =	simm.s32 $0xA;
	s4 =	simm.s32 $0x10  }
0x92: {  	[smem:s4], [sflag:s15] =	dma.local [hbm:s2], $0x1  }
0x93: {  	_ =	swait.eq [sflag:s15], $0x1  }
0x94: {  	[sflag:s15] =	ssyncset.done $0x0  }
0x95: {  	[sflag:s15] =	ssyncadd.s32 $0xFFFFFFFF  }
0x96: {  	s16 =	sld [smem:$0x12];
	(tm) =	ssettm $0x1  }
0x97: {  	s17 =	sld [smem:$0x3FFB];
	_ =	sdelay $0x3  }
0x98: {  	_ =	strace s17  }
0x99: {  	s3 =	sld [smem:$0x3FFC];
	_ =	sdelay $0x3  }
0x9a: {  	_ =	strace s3  }
0x9b: {  	s3 =	sld [smem:$0x3FFD];
	_ =	sdelay $0x3  }
0x9c: {  	_ =	strace s3  }
0x9d: {  	_ =	strace $0x8FFFFFFF  }
0x9e: {  	s18 =	sld [smem:$0x3FDB];
	_ =	sdelay $0x1  }
0x9f: {  	s19 =	simm.s32 $_scs_section_size  }
0xa0: {  	s5 =	simm.s32 $_size__tile_overlayer_lowered;
	s6 =	simm.s32 $_tile_overlayer_lowered  }
0xa1: {  	s22 =	simm.s32 $0x1BFF;
	s21 =	sshll.u32 s6, $0x1;
	s3 =	sadd.s32 s19, s18  }
0xa2: {  	s7 =	simm.s32 $0x0;
	s20 =	sshll.u32 s5, $0x1;
	s5 =	sadd.s32 s21, s3  }
0xa3: {  	[timem:s7], [sflag:s22] =	dma.local [hbm:s5], s20  }
0xa4: {  	_ =	swait.ge [sflag:s22], s20  }
0xa5: {  	s4 =	ssub.s32 $0x0, s20;
	[sflag:s22] =	ssyncset.done $0x0  }
0xa6: {  	[sflag:s22] =	ssyncadd.s32 s4;
	_ =	sdelay $0x1  }
0xa7: {  	s23 =	simm.s32 $0x1B8B  }
0xa8: {  	_ =	swait.ge [sflag:s23], $0x1  }
0xa9: {  	[sflag:s23] =	ssyncset.done $0x0  }
0xaa: {  	s25 =	simm.s32 $0x1B8E;
	s24 =	sld [smem:$0x3FFE];
	[sflag:s23] =	ssyncadd.s32 $0xFFFFFFFF  }
0xab: {  	s26 =	simm.s32 $execute0_lowered;
	[smem:$0x3FD2] =	sst s25  }
0xac: {  	s5 =	sshll.u32 s26, $0x1;
	_ =	strace $0x8000004F;
	[dreg:$0x1] =	wrdreg $0xFFFFFFFF  }
0xad: {  	s28 =	simm.s32 $_size_execute0_lowered;
	s3 =	sadd.s32 s3, s5;
	[dreg:$0x0] =	wrdreg $0x0  }
0xae: {  	s5 =	sshll.u32 s28, $0x1;
	[dreg:$0x2] =	wrdreg s3  }
0xaf: {  	[dreg:$0x3] =	wrdreg s5  }
0xb0: {  	[dreg:$0x4] =	wrdreg $0xC0  }
0xb1: {  	_ =	task [dreg:s7], $0x5FFFF  }
0xb2: {  	[dreg:$0x1] =	wrdreg $0xFFFFFFFF  }
0xb3: {  	[dreg:$0x0] =	wrdreg $0x60  }
0xb4: {  	[dreg:$0x2] =	wrdreg s16  }
0xb5: {  	[dreg:$0x3] =	wrdreg s24  }
0xb6: {  	[dreg:$0x4] =	wrdreg $0x74000  }
0xb7: {  	[dreg:$0x5] =	wrdreg $0x9  }
0xb8: {  	_ =	task.clear_ibuf [dreg:s7], $0x6FFFF;
	_ =	strace $0x9000004F  }
0xb9: {  	s29 =	simm.s32 $0x9;
	_ =	strace $0x80000051  }
0xba: {  	_ =	swait.ge [sflag:s29], $0x1  }
0xbb: {  	[sflag:s29] =	ssyncadd.s32 $0xFFFFFFFF  }
0xbc: {  	_ =	strace $0x90000051  }
0xbd: {  	_ =	sfence  }
0xbe: {  	s30 =	sld [smem:$0x0];
	_ =	sdelay $0x2  }
0xbf: {  	s31 =	sshll.u32 s1, $0xD;
	s1 =	sshrl.u32 s1, $0x2  }
0xc0: {  	s3 =	sand.u32 $0x4000, s31;
	s1 =	sadd.s32 s1, s30  }
0xc1: {  	s0 =	sor.u32 s3, s0;
	s1 =	sshll.u32 s1, $0x11  }
0xc2: {  	s0 =	sor.u32 s1, s0  }
0xc3: {  	s0 =	sadd.s32 $0x8F2B, s0  }
0xc4: {  	[sflag:s0] =	ssyncadd.remote.s32 $0x1  }
0xc5: {  	_ =	sfence.sel $0xFFFF  }
0xc6: {  	[dreg:$0x0] =	wrdreg $0xFFFFFFFF;
	(pc) =	sbr.abs _section_cstart, $3  }
0xc7: {  	[dreg:$0x1] =	wrdreg $0xFFFFFFFF  }
0xc8: {  	_ =	task.clear_ibuf [dreg:s7], $0x2FFFF;
	_ =	strace $0x9FFFFFFF  }
0xc9: {  	(tm) =	ssettm $0x7FFFFFFF  }
tec
execute0_lowered:
.L_overlay_start_1:
0x0: {  	(tag) =	ssettag $0x1  }
0x1: {  	s1 =	rddreg [dreg:$0x0]  }
0x2: {  	s0 =	rddreg [dreg:$0x1]  }
0x3: {  	s2 =	rddreg [dreg:$0x2]  }
0x4: {  	s3 =	srdreg.scid;
	s4 =	simm.s32 $0x0;
	s11 =	stileid.u32  }
0x5: {  	s28 =	simm.s32 $0x400;
	s29 =	simm.s32 $0x100;
	s30 =	simm.s32 $0x2  }
0x6: {  	s31 =	simm.s32 $0x3800;
	s3 =	sand.u32 $0x1, s3;
	s6 =	smul.u32 $0x14000, s11  }
0x7: {  	[smem:$0x7FF] =	sst s4;
	s7 =	sadd.s32 $0x4C00, s0;
	s8 =	smul.u32 $0x50000, s11  }
0x8: {  	s25 =	sshll.u32 s11, $0x1;
	s5 =	smul.u32 $0x140000, s3;
	s9 =	ssub.s32 $0x2, s3  }
0x9: {  	s26 =	smul.u32 $0xC800, s11;
	_ =	strace $0x80000050;
	s10 =	sshrl.u32 s9, $0x1  }
0xa: {  	s8 =	sshrl.u32 s8, $0x2;
	s5 =	sadd.s32 s6, s5;
	s6 =	sor.u32 s3, s25  }
0xb: {  	s9 =	ssub.s32 s9, s10;
	s3 =	smul.u32 $0x6400, s3;
	s10 =	simm.s32 $0x6  }
0xc: {  	s5 =	sshrl.u32 s5, $0x3;
	s6 =	smul.u32 $0x6400, s6;
	s23 =	smax.u32 s9, $0x1  }
0xd: {  	s9 =	simm.s32 $0x7;
	s0 =	sadd.s32 s5, s0;
	s5 =	sadd.s32 s8, s2  }
0xe: {  	s3 =	sadd.s32 s3, s26;
	[dreg:$0x10] =	wrdreg s23;
	s23 =	simm.s32 $0x6C00  }
0xf: {  	s8 =	sadd.s32 $0x800, s5;
	s6 =	sshrl.u32 s6, $0x3;
	s11 =	sadd.s32 $0x1000, s5  }
0x10: {  	s13 =	sadd.s32 $0x1800, s5;
	s20 =	sadd.s32 $0x800, s3;
	[dreg:$0x4] =	wrdreg s8  }
0x11: {  	s0 =	sadd.s32 $0x44E00, s0;
	s24 =	sadd.s32 $0x700, s3;
	[dreg:$0x5] =	wrdreg s11  }
0x12: {  	s25 =	sadd.s32 $0x600, s3;
	s3 =	sadd.s32 $0x900, s3;
	[dreg:$0x7] =	wrdreg s13  }
0x13: {  	s12 =	sadd.s32 s7, s6;
	[dreg:$0xf] =	wrdreg s0;
	s22 =	sshrl.u32 s20, $0x3  }
0x14: {  	s0 =	sshrl.u32 s24, $0x3;
	s26 =	sshrl.u32 s25, $0x3;
	s3 =	sshrl.u32 s3, $0x3  }
0x15: {  	s24 =	simm.s32 $0x9;
	s14 =	sadd.s32 $0x20, s12;
	[dreg:$0x6] =	wrdreg s12  }
0x16: {  	s6 =	simm.s32 $0x200;
	s15 =	sadd.s32 $0x40, s12;
	[dreg:$0x8] =	wrdreg s14  }
0x17: {  	s11 =	simm.s32 $0x180;
	s16 =	sadd.s32 $0x60, s12;
	[dreg:$0x9] =	wrdreg s15  }
0x18: {  	s13 =	simm.s32 $0x4;
	s17 =	sadd.s32 $0x80, s12;
	[dreg:$0xa] =	wrdreg s16  }
0x19: {  	s25 =	simm.s32 $0x0;
	s18 =	sadd.s32 $0xA0, s12;
	[dreg:$0xb] =	wrdreg s17  }
0x1a: {  	s19 =	sadd.s32 $0xC40, s12;
	s21 =	sadd.s32 $0xC60, s12;
	[dreg:$0xc] =	wrdreg s18  }
0x1b: {  	s20 =	sadd.s32 s0, s7;
	s0 =	simm.s32 $0x5;
	[dreg:$0xd] =	wrdreg s19  }
0x1c: {  	s12 =	simm.s32 $0x300;
	[dreg:$0xe] =	wrdreg s21;
	s19 =	sadd.s32 s22, s7  }
0x1d: {  	s21 =	sadd.s32 s26, s7;
	s22 =	sadd.s32 s3, s7;
	s26 =	simm.s32 $0x64  }
0x1e: {  	s3 =	simm.s32 $0x80;
	s7 =	simm.s32 $0x3;
	s14 =	simm.s32 $0x8  }
0x1f: {  	v0 =	vimm.f32 $0.0e+00;
	s15 =	simm.s32 $0x280;
	s17 =	simm.s32 $0x1;
	s18 =	simm.s32 $0x380  }
.LBB2_1:
0x20: {  	[dreg:$0x11] =	wrdreg s25;
	s16 =	simm.s32 $0x0;
	s25 =	simm.s32 $0x200  }
.LBB2_2:
0x21: {  	p0 =	sne.s32 s25, $0x1E00;
	[tilespmem:s16+$0x6C70] =	vst v0  }
0x22: {  	[tilespmem:s16+$0x6C00] =	vst v0  }
0x23: {  	[tilespmem:s16+$0x6C10] =	vst v0  }
.Ltmp0:
0x24: {  	[tilespmem:s16+$0x6C20] =	vst v0;
	(pc) =	sbr.rel @p0 .LBB2_2-.Ltmp0, $4  }
0x25: {  	[tilespmem:s16+$0x6C30] =	vst v0  }
0x26: {  	[tilespmem:s16+$0x6C40] =	vst v0  }
0x27: {  	[tilespmem:s16+$0x6C50] =	vst v0  }
0x28: {  	[tilespmem:s16+$0x6C60] =	vst v0;
	s16 =	sshra.s32 s25, $0x2;
	s25 =	sadd.s32 $0x200, s25  }
0x29: {  	[tilespmem:s16+$0x6C70] =	vst v0  }
0x2a: {  	[tilespmem:s16+$0x6C00] =	vst v0  }
0x2b: {  	[tilespmem:s16+$0x6C10] =	vst v0  }
0x2c: {  	[tilespmem:s16+$0x6C20] =	vst v0  }
0x2d: {  	[tilespmem:s16+$0x6C30] =	vst v0  }
0x2e: {  	[tilespmem:s16+$0x6C40] =	vst v0  }
0x2f: {  	[tilespmem:s16+$0x6C50] =	vst v0  }
0x30: {  	[tilespmem:s16+$0x6C60] =	vst v0  }
0x31: {  	[spmem:s5] =	stream.linear.scatter [tilespmem:s23], [sflag:$0x9], $0x800, $0x38;
	[tilespmem:$0x1B400] =	vst v63  }
0x32: {  	s8 =	rddreg [dreg:$0x4]  }
0x33: {  	[spmem:s8] =	stream.linear.scatter [tilespmem:s23], [sflag:$0x9], $0x800, $0x38;
	[tilespmem:$0x1B400] =	vst v63  }
0x34: {  	s25 =	rddreg [dreg:$0x5]  }
0x35: {  	[spmem:s25] =	stream.linear.scatter [tilespmem:s23], [sflag:$0x9], $0x800, $0x38;
	[tilespmem:$0x1B400] =	vst v63  }
0x36: {  	s16 =	rddreg [dreg:$0x7]  }
0x37: {  	[spmem:s16] =	stream.linear.scatter [tilespmem:s23], [sflag:$0x9], $0x800, $0x38;
	[tilespmem:$0x1B400] =	vst v63  }
0x38: {  	s25 =	sadd.s32 $0x2000, s5  }
0x39: {  	[spmem:s25] =	stream.linear.scatter [tilespmem:s23], [sflag:$0x9], $0x800, $0x38;
	[tilespmem:$0x1B400] =	vst v63  }
0x3a: {  	s16 =	simm.s32 $0xA000;
	_ =	swait.ge [sflag:s24], $0x800  }
.LBB2_4:
0x3b: {  	s25 =	sshra.s32 s16, $0x2;
	[sflag:s24] =	ssyncset.done $0x0;
	p0 =	sne.s32 s16, $0x4E000  }
.Ltmp1:
0x3c: {  	s25 =	sadd.s32 s25, s5;
	[sflag:s24] =	ssyncadd.s32 $0xFFFFF800;
	(pc) =	sbr.rel @p0 .LBB2_4-.Ltmp1, $3  }
0x3d: {  	[spmem:s25] =	stream.linear.scatter [tilespmem:s23], [sflag:$0x9], $0x800, $0x38;
	[tilespmem:$0x1B400] =	vst v63  }
0x3e: {  	s16 =	sadd.s32 $0x2000, s16;
	_ =	sdelay $0x1  }
0x3f: {  	_ =	swait.ge [sflag:s24], $0x800  }
0x40: {  	[sflag:s24] =	ssyncset.done $0x0  }
0x41: {  	[sflag:s24] =	ssyncadd.s32 $0xFFFFF800  }
0x42: {  	_ =	swait.ge [sflag:s24], $0x800  }
0x43: {  	[sflag:s24] =	ssyncset.done $0x0  }
0x44: {  	[sflag:s24] =	ssyncadd.s32 $0xFFFFF800  }
0x45: {  	_ =	swait.ge [sflag:s24], $0x800  }
0x46: {  	[sflag:s24] =	ssyncset.done $0x0  }
0x47: {  	[sflag:s24] =	ssyncadd.s32 $0xFFFFF800  }
0x48: {  	_ =	swait.ge [sflag:s24], $0x800  }
0x49: {  	[sflag:s24] =	ssyncset.done $0x0  }
0x4a: {  	[sflag:s24] =	ssyncadd.s32 $0xFFFFF800  }
0x4b: {  	_ =	swait.ge [sflag:s24], $0x800  }
0x4c: {  	[sflag:s24] =	ssyncset.done $0x0  }
0x4d: {  	[sflag:s24] =	ssyncadd.s32 $0xFFFFF800  }
0x4e: {  	[bflag:$0x0] =	sbarrier.arrive $0xFFFF  }
0x4f: {  	s16 =	simm.s32 $0x0;
	s25 =	simm.s32 $0xA;
	s8 =	rddreg [dreg:$0x6]  }
0x50: {  	[tilespmem:s16], [sflag:$0xA] =	stream.linear.gather [hbm4b:s8+s16], $0x100, $0x38;
	[tilespmem:$0x1B400] =	vst v63  }
0x51: {  	_ =	swait.ge [sflag:s25], $0x100  }
0x52: {  	[sflag:s25] =	ssyncset.done $0x0  }
0x53: {  	[sflag:s25] =	ssyncadd.s32 $0xFFFFFF00  }
0x54: {  	[tilespmem:s28], [sflag:$0x5] =	stream.indirect.gather [hbm4b:s1+s26], $0x80, s16, s26, $0xb8;
	[tilespmem:$0x1B400] =	vst v63  }
0x55: {  	s25 =	rddreg [dreg:$0x8]  }
0x56: {  	[tilespmem:s29], [sflag:$0x2] =	stream.linear.gather [hbm4b:s25+s16], $0x100, $0x38;
	[tilespmem:$0x1B400] =	vst v63  }
0x57: {  	_ =	swait.ge [sflag:s30], $0x100  }
0x58: {  	[sflag:s30] =	ssyncset.done $0x0  }
0x59: {  	[sflag:s30] =	ssyncadd.s32 $0xFFFFFF00  }
0x5a: {  	[tilespmem:s31], [sflag:$0x6] =	stream.indirect.gather [hbm4b:s1+s26], $0x80, s29, s26, $0xb8;
	[tilespmem:$0x1B400] =	vst v63  }
0x5b: {  	_ =	swait.ge [sflag:s0], $0x3200  }
0x5c: {  	[sflag:s0] =	ssyncset.done $0x0  }
0x5d: {  	[sflag:s0] =	ssyncadd.s32 $0xFFFFCE00  }
0x5e: {  	[spmem:s2] =	stream.indirect.scatter.add.f32 [tilespmem:s28], [sflag:$0x7], $0x80, s3, s26, $0xb8;
	[tilespmem:$0x1B400] =	vst v63  }
0x5f: {  	s25 =	rddreg [dreg:$0x9]  }
0x60: {  	[tilespmem:s6], [sflag:$0x3] =	stream.linear.gather [hbm4b:s25+s16], $0x100, $0x38;
	[tilespmem:$0x1B400] =	vst v63  }
0x61: {  	_ =	swait.ge [sflag:s7], $0x100  }
0x62: {  	[sflag:s7] =	ssyncset.done $0x0  }
0x63: {  	[sflag:s7] =	ssyncadd.s32 $0xFFFFFF00  }
0x64: {  	_ =	swait.ge [sflag:s9], $0x3200  }
0x65: {  	[sflag:s9] =	ssyncset.done $0x0  }
0x66: {  	[sflag:s9] =	ssyncadd.s32 $0xFFFFCE00  }
0x67: {  	[tilespmem:s28], [sflag:$0x5] =	stream.indirect.gather [hbm4b:s1+s26], $0x80, s6, s26, $0xb8;
	[tilespmem:$0x1B400] =	vst v63  }
0x68: {  	_ =	swait.ge [sflag:s10], $0x3200  }
0x69: {  	[sflag:s10] =	ssyncset.done $0x0  }
0x6a: {  	[sflag:s10] =	ssyncadd.s32 $0xFFFFCE00  }
0x6b: {  	[spmem:s2] =	stream.indirect.scatter.add.f32 [tilespmem:s31], [sflag:$0x8], $0x80, s11, s26, $0xb8;
	[tilespmem:$0x1B400] =	vst v63  }
0x6c: {  	s25 =	rddreg [dreg:$0xa]  }
0x6d: {  	[tilespmem:s12], [sflag:$0x4] =	stream.linear.gather [hbm4b:s25+s16], $0x100, $0x38;
	[tilespmem:$0x1B400] =	vst v63  }
0x6e: {  	_ =	swait.ge [sflag:s13], $0x100  }
0x6f: {  	[sflag:s13] =	ssyncset.done $0x0  }
0x70: {  	[sflag:s13] =	ssyncadd.s32 $0xFFFFFF00  }
0x71: {  	_ =	swait.ge [sflag:s14], $0x3200  }
0x72: {  	[sflag:s14] =	ssyncset.done $0x0  }
0x73: {  	[sflag:s14] =	ssyncadd.s32 $0xFFFFCE00  }
0x74: {  	[tilespmem:s31], [sflag:$0x6] =	stream.indirect.gather [hbm4b:s1+s26], $0x80, s12, s26, $0xb8;
	[tilespmem:$0x1B400] =	vst v63  }
0x75: {  	_ =	swait.ge [sflag:s0], $0x3200  }
0x76: {  	[sflag:s0] =	ssyncset.done $0x0  }
0x77: {  	[sflag:s0] =	ssyncadd.s32 $0xFFFFCE00  }
0x78: {  	[spmem:s2] =	stream.indirect.scatter.add.f32 [tilespmem:s28], [sflag:$0x7], $0x80, s15, s26, $0xb8;
	[tilespmem:$0x1B400] =	vst v63  }
0x79: {  	s25 =	rddreg [dreg:$0xb]  }
0x7a: {  	[tilespmem:s16], [sflag:$0x1] =	stream.linear.gather [hbm4b:s25+s16], $0x100, $0x38;
	[tilespmem:$0x1B400] =	vst v63  }
0x7b: {  	_ =	swait.ge [sflag:s17], $0x100  }
0x7c: {  	[sflag:s17] =	ssyncset.done $0x0  }
0x7d: {  	[sflag:s17] =	ssyncadd.s32 $0xFFFFFF00  }
0x7e: {  	_ =	swait.ge [sflag:s9], $0x3200  }
0x7f: {  	[sflag:s9] =	ssyncset.done $0x0  }
0x80: {  	[sflag:s9] =	ssyncadd.s32 $0xFFFFCE00  }
0x81: {  	[tilespmem:s28], [sflag:$0x5] =	stream.indirect.gather [hbm4b:s1+s26], $0x80, s16, s26, $0xb8;
	[tilespmem:$0x1B400] =	vst v63  }
0x82: {  	_ =	swait.ge [sflag:s10], $0x3200  }
0x83: {  	[sflag:s10] =	ssyncset.done $0x0  }
0x84: {  	[sflag:s10] =	ssyncadd.s32 $0xFFFFCE00  }
0x85: {  	[spmem:s2] =	stream.indirect.scatter.add.f32 [tilespmem:s31], [sflag:$0x8], $0x80, s18, s26, $0xb8;
	[tilespmem:$0x1B400] =	vst v63  }
0x86: {  	s25 =	rddreg [dreg:$0xc]  }
0x87: {  	[tilespmem:s29], [sflag:$0x2] =	stream.linear.gather [hbm4b:s25+s16], $0x100, $0x38;
	[tilespmem:$0x1B400] =	vst v63  }
0x88: {  	_ =	swait.ge [sflag:s30], $0x100  }
0x89: {  	[sflag:s30] =	ssyncset.done $0x0  }
0x8a: {  	[sflag:s30] =	ssyncadd.s32 $0xFFFFFF00  }
0x8b: {  	_ =	swait.ge [sflag:s14], $0x3200  }
0x8c: {  	[sflag:s14] =	ssyncset.done $0x0  }
0x8d: {  	[sflag:s14] =	ssyncadd.s32 $0xFFFFCE00  }
0x8e: {  	[tilespmem:s31], [sflag:$0x6] =	stream.indirect.gather [hbm4b:s1+s26], $0x80, s29, s26, $0xb8;
	[tilespmem:$0x1B400] =	vst v63  }
0x8f: {  	_ =	swait.ge [sflag:s0], $0x3200  }
0x90: {  	[sflag:s0] =	ssyncset.done $0x0  }
0x91: {  	[sflag:s0] =	ssyncadd.s32 $0xFFFFCE00  }
0x92: {  	[spmem:s2] =	stream.indirect.scatter.add.f32 [tilespmem:s28], [sflag:$0x7], $0x80, s3, s26, $0xb8;
	[tilespmem:$0x1B400] =	vst v63  }
0x93: {  	s25 =	sadd.s32 $0x0, s21  }
0x94: {  	[tilespmem:s6], [sflag:$0x3] =	stream.linear.gather [hbm4b:s25+s4], $0x100, $0x38;
	[tilespmem:$0x1B400] =	vst v63  }
0x95: {  	_ =	swait.ge [sflag:s7], $0x100  }
0x96: {  	[sflag:s7] =	ssyncset.done $0x0  }
0x97: {  	[sflag:s7] =	ssyncadd.s32 $0xFFFFFF00  }
0x98: {  	_ =	swait.ge [sflag:s9], $0x3200  }
0x99: {  	[sflag:s9] =	ssyncset.done $0x0  }
0x9a: {  	[sflag:s9] =	ssyncadd.s32 $0xFFFFCE00  }
0x9b: {  	[tilespmem:s28], [sflag:$0x5] =	stream.indirect.gather [hbm4b:s1+s26], $0x80, s6, s26, $0xb8;
	[tilespmem:$0x1B400] =	vst v63  }
0x9c: {  	_ =	swait.ge [sflag:s10], $0x3200  }
0x9d: {  	[sflag:s10] =	ssyncset.done $0x0  }
0x9e: {  	[sflag:s10] =	ssyncadd.s32 $0xFFFFCE00  }
0x9f: {  	[spmem:s2] =	stream.indirect.scatter.add.f32 [tilespmem:s31], [sflag:$0x8], $0x80, s11, s26, $0xb8;
	[tilespmem:$0x1B400] =	vst v63  }
0xa0: {  	s8 =	sadd.s32 $0x0, s20  }
0xa1: {  	[tilespmem:s12], [sflag:$0x4] =	stream.linear.gather [hbm4b:s8+s4], $0x100, $0x38;
	[tilespmem:$0x1B400] =	vst v63  }
0xa2: {  	_ =	swait.ge [sflag:s13], $0x100  }
0xa3: {  	[sflag:s13] =	ssyncset.done $0x0  }
0xa4: {  	[sflag:s13] =	ssyncadd.s32 $0xFFFFFF00  }
0xa5: {  	_ =	swait.ge [sflag:s14], $0x3200  }
0xa6: {  	[sflag:s14] =	ssyncset.done $0x0  }
0xa7: {  	[sflag:s14] =	ssyncadd.s32 $0xFFFFCE00  }
0xa8: {  	[tilespmem:s31], [sflag:$0x6] =	stream.indirect.gather [hbm4b:s1+s26], $0x80, s12, s26, $0xb8;
	[tilespmem:$0x1B400] =	vst v63  }
0xa9: {  	_ =	swait.ge [sflag:s0], $0x3200  }
0xaa: {  	[sflag:s0] =	ssyncset.done $0x0  }
0xab: {  	[sflag:s0] =	ssyncadd.s32 $0xFFFFCE00  }
0xac: {  	[spmem:s2] =	stream.indirect.scatter.add.f32 [tilespmem:s28], [sflag:$0x7], $0x80, s15, s26, $0xb8;
	[tilespmem:$0x1B400] =	vst v63  }
0xad: {  	s25 =	sadd.s32 $0x0, s19  }
0xae: {  	[tilespmem:s4], [sflag:$0x1] =	stream.linear.gather [hbm4b:s25+s4], $0x100, $0x38;
	[tilespmem:$0x1B400] =	vst v63  }
0xaf: {  	_ =	swait.ge [sflag:s17], $0x100  }
0xb0: {  	[sflag:s17] =	ssyncset.done $0x0  }
0xb1: {  	[sflag:s17] =	ssyncadd.s32 $0xFFFFFF00  }
0xb2: {  	_ =	swait.ge [sflag:s9], $0x3200  }
0xb3: {  	[sflag:s9] =	ssyncset.done $0x0  }
0xb4: {  	[sflag:s9] =	ssyncadd.s32 $0xFFFFCE00  }
0xb5: {  	[tilespmem:s28], [sflag:$0x5] =	stream.indirect.gather [hbm4b:s1+s26], $0x80, s4, s26, $0xb8;
	[tilespmem:$0x1B400] =	vst v63  }
0xb6: {  	_ =	swait.ge [sflag:s10], $0x3200  }
0xb7: {  	[sflag:s10] =	ssyncset.done $0x0  }
0xb8: {  	s16 =	simm.s32 $0x80;
	s25 =	sadd.s32 $0x0, s22;
	[sflag:s10] =	ssyncadd.s32 $0xFFFFCE00  }
0xb9: {  	[spmem:s2] =	stream.indirect.scatter.add.f32 [tilespmem:s31], [sflag:$0x8], $0x80, s18, s26, $0xb8;
	[tilespmem:$0x1B400] =	vst v63  }
.LBB2_6:
0xba: {  	[tilespmem:s29], [sflag:$0x2] =	stream.linear.gather [hbm4b:s25+s4], $0x100, $0x38;
	[tilespmem:$0x1B400] =	vst v63  }
0xbb: {  	s25 =	smov.u32 s16  }
0xbc: {  	p0 =	sne.s32 s16, $0xB00;
	s16 =	sadd.s32 $0x80, s16;
	_ =	swait.ge [sflag:s30], $0x100  }
0xbd: {  	[sflag:s30] =	ssyncset.done $0x0  }
0xbe: {  	[sflag:s30] =	ssyncadd.s32 $0xFFFFFF00  }
0xbf: {  	_ =	swait.ge [sflag:s14], $0x3200  }
0xc0: {  	[sflag:s14] =	ssyncset.done $0x0  }
0xc1: {  	[sflag:s14] =	ssyncadd.s32 $0xFFFFCE00  }
0xc2: {  	[tilespmem:s31], [sflag:$0x6] =	stream.indirect.gather [hbm4b:s1+s26], $0x80, s29, s26, $0xb8;
	[tilespmem:$0x1B400] =	vst v63  }
0xc3: {  	_ =	swait.ge [sflag:s0], $0x3200  }
0xc4: {  	[sflag:s0] =	ssyncset.done $0x0  }
0xc5: {  	[sflag:s0] =	ssyncadd.s32 $0xFFFFCE00  }
0xc6: {  	[spmem:s2] =	stream.indirect.scatter.add.f32 [tilespmem:s28], [sflag:$0x7], $0x80, s3, s26, $0xb8;
	[tilespmem:$0x1B400] =	vst v63  }
0xc7: {  	s8 =	sadd.s32 s25, s21  }
0xc8: {  	[tilespmem:s6], [sflag:$0x3] =	stream.linear.gather [hbm4b:s8+s4], $0x100, $0x38;
	[tilespmem:$0x1B400] =	vst v63  }
0xc9: {  	_ =	swait.ge [sflag:s7], $0x100  }
0xca: {  	[sflag:s7] =	ssyncset.done $0x0  }
0xcb: {  	[sflag:s7] =	ssyncadd.s32 $0xFFFFFF00  }
0xcc: {  	_ =	swait.ge [sflag:s9], $0x3200  }
0xcd: {  	[sflag:s9] =	ssyncset.done $0x0  }
0xce: {  	[sflag:s9] =	ssyncadd.s32 $0xFFFFCE00  }
0xcf: {  	[tilespmem:s28], [sflag:$0x5] =	stream.indirect.gather [hbm4b:s1+s26], $0x80, s6, s26, $0xb8;
	[tilespmem:$0x1B400] =	vst v63  }
0xd0: {  	_ =	swait.ge [sflag:s10], $0x3200  }
0xd1: {  	[sflag:s10] =	ssyncset.done $0x0  }
0xd2: {  	[sflag:s10] =	ssyncadd.s32 $0xFFFFCE00  }
0xd3: {  	[spmem:s2] =	stream.indirect.scatter.add.f32 [tilespmem:s31], [sflag:$0x8], $0x80, s11, s26, $0xb8;
	[tilespmem:$0x1B400] =	vst v63  }
0xd4: {  	s8 =	sadd.s32 s25, s20  }
0xd5: {  	[tilespmem:s12], [sflag:$0x4] =	stream.linear.gather [hbm4b:s8+s4], $0x100, $0x38;
	[tilespmem:$0x1B400] =	vst v63  }
0xd6: {  	_ =	swait.ge [sflag:s13], $0x100  }
0xd7: {  	[sflag:s13] =	ssyncset.done $0x0  }
0xd8: {  	[sflag:s13] =	ssyncadd.s32 $0xFFFFFF00  }
0xd9: {  	_ =	swait.ge [sflag:s14], $0x3200  }
0xda: {  	[sflag:s14] =	ssyncset.done $0x0  }
0xdb: {  	[sflag:s14] =	ssyncadd.s32 $0xFFFFCE00  }
0xdc: {  	[tilespmem:s31], [sflag:$0x6] =	stream.indirect.gather [hbm4b:s1+s26], $0x80, s12, s26, $0xb8;
	[tilespmem:$0x1B400] =	vst v63  }
0xdd: {  	_ =	swait.ge [sflag:s0], $0x3200  }
0xde: {  	[sflag:s0] =	ssyncset.done $0x0  }
0xdf: {  	[sflag:s0] =	ssyncadd.s32 $0xFFFFCE00  }
0xe0: {  	[spmem:s2] =	stream.indirect.scatter.add.f32 [tilespmem:s28], [sflag:$0x7], $0x80, s15, s26, $0xb8;
	[tilespmem:$0x1B400] =	vst v63  }
0xe1: {  	s8 =	sadd.s32 s25, s19  }
0xe2: {  	[tilespmem:s4], [sflag:$0x1] =	stream.linear.gather [hbm4b:s8+s4], $0x100, $0x38;
	[tilespmem:$0x1B400] =	vst v63  }
0xe3: {  	_ =	swait.ge [sflag:s17], $0x100  }
0xe4: {  	[sflag:s17] =	ssyncset.done $0x0  }
0xe5: {  	[sflag:s17] =	ssyncadd.s32 $0xFFFFFF00  }
0xe6: {  	_ =	swait.ge [sflag:s9], $0x3200  }
0xe7: {  	[sflag:s9] =	ssyncset.done $0x0  }
0xe8: {  	[sflag:s9] =	ssyncadd.s32 $0xFFFFCE00  }
0xe9: {  	[tilespmem:s28], [sflag:$0x5] =	stream.indirect.gather [hbm4b:s1+s26], $0x80, s4, s26, $0xb8;
	[tilespmem:$0x1B400] =	vst v63  }
.Ltmp2:
0xea: {  	_ =	swait.ge [sflag:s10], $0x3200;
	(pc) =	sbr.rel @p0 .LBB2_6-.Ltmp2, $4  }
0xeb: {  	[sflag:s10] =	ssyncset.done $0x0  }
0xec: {  	[sflag:s10] =	ssyncadd.s32 $0xFFFFCE00  }
0xed: {  	[spmem:s2] =	stream.indirect.scatter.add.f32 [tilespmem:s31], [sflag:$0x8], $0x80, s18, s26, $0xb8;
	[tilespmem:$0x1B400] =	vst v63  }
0xee: {  	s25 =	sadd.s32 s25, s22  }
0xef: {  	[tilespmem:s29], [sflag:$0x2] =	stream.linear.gather [hbm4b:s25+s4], $0x100, $0x38;
	[tilespmem:$0x1B400] =	vst v63  }
0xf0: {  	_ =	swait.ge [sflag:s30], $0x100  }
0xf1: {  	[sflag:s30] =	ssyncset.done $0x0  }
0xf2: {  	[sflag:s30] =	ssyncadd.s32 $0xFFFFFF00  }
0xf3: {  	_ =	swait.ge [sflag:s14], $0x3200  }
0xf4: {  	[sflag:s14] =	ssyncset.done $0x0  }
0xf5: {  	[sflag:s14] =	ssyncadd.s32 $0xFFFFCE00  }
0xf6: {  	[tilespmem:s31], [sflag:$0x6] =	stream.indirect.gather [hbm4b:s1+s26], $0x80, s29, s26, $0xb8;
	[tilespmem:$0x1B400] =	vst v63  }
0xf7: {  	_ =	swait.ge [sflag:s0], $0x3200  }
0xf8: {  	[sflag:s0] =	ssyncset.done $0x0  }
0xf9: {  	[sflag:s0] =	ssyncadd.s32 $0xFFFFCE00  }
0xfa: {  	[spmem:s2] =	stream.indirect.scatter.add.f32 [tilespmem:s28], [sflag:$0x7], $0x80, s3, s26, $0xb8;
	[tilespmem:$0x1B400] =	vst v63  }
0xfb: {  	s8 =	rddreg [dreg:$0xd]  }
0xfc: {  	[tilespmem:s6], [sflag:$0x3] =	stream.linear.gather [hbm4b:s8+s4], $0x100, $0x38;
	[tilespmem:$0x1B400] =	vst v63  }
0xfd: {  	_ =	swait.ge [sflag:s7], $0x100  }
0xfe: {  	[sflag:s7] =	ssyncset.done $0x0  }
0xff: {  	[sflag:s7] =	ssyncadd.s32 $0xFFFFFF00  }
0x100: {  	_ =	swait.ge [sflag:s9], $0x3200  }
0x101: {  	[sflag:s9] =	ssyncset.done $0x0  }
0x102: {  	[sflag:s9] =	ssyncadd.s32 $0xFFFFCE00  }
0x103: {  	[tilespmem:s28], [sflag:$0x5] =	stream.indirect.gather [hbm4b:s1+s26], $0x80, s6, s26, $0xb8;
	[tilespmem:$0x1B400] =	vst v63  }
0x104: {  	_ =	swait.ge [sflag:s10], $0x3200  }
0x105: {  	[sflag:s10] =	ssyncset.done $0x0  }
0x106: {  	[sflag:s10] =	ssyncadd.s32 $0xFFFFCE00  }
0x107: {  	[spmem:s2] =	stream.indirect.scatter.add.f32 [tilespmem:s31], [sflag:$0x8], $0x80, s11, s26, $0xb8;
	[tilespmem:$0x1B400] =	vst v63  }
0x108: {  	s16 =	rddreg [dreg:$0xe]  }
0x109: {  	[tilespmem:s12], [sflag:$0x4] =	stream.linear.gather [hbm4b:s16+s4], $0x100, $0x38;
	[tilespmem:$0x1B400] =	vst v63  }
0x10a: {  	_ =	swait.ge [sflag:s13], $0x100  }
0x10b: {  	[sflag:s13] =	ssyncset.done $0x0  }
0x10c: {  	[sflag:s13] =	ssyncadd.s32 $0xFFFFFF00  }
0x10d: {  	_ =	swait.ge [sflag:s14], $0x3200  }
0x10e: {  	[sflag:s14] =	ssyncset.done $0x0  }
0x10f: {  	[sflag:s14] =	ssyncadd.s32 $0xFFFFCE00  }
0x110: {  	[tilespmem:s31], [sflag:$0x6] =	stream.indirect.gather [hbm4b:s1+s26], $0x80, s12, s26, $0xb8;
	[tilespmem:$0x1B400] =	vst v63  }
0x111: {  	_ =	swait.ge [sflag:s0], $0x3200  }
0x112: {  	[sflag:s0] =	ssyncset.done $0x0  }
0x113: {  	[sflag:s0] =	ssyncadd.s32 $0xFFFFCE00  }
0x114: {  	[spmem:s2] =	stream.indirect.scatter.add.f32 [tilespmem:s28], [sflag:$0x7], $0x80, s15, s26, $0xb8;
	[tilespmem:$0x1B400] =	vst v63  }
0x115: {  	_ = 	snop  }
0x116: {  	[tilespmem:s4], [sflag:$0x1] =	stream.linear.gather [hbm4b:s16+s4], $0x100, $0x38;
	[tilespmem:$0x1B400] =	vst v63  }
0x117: {  	_ =	swait.ge [sflag:s17], $0x100  }
0x118: {  	[sflag:s17] =	ssyncset.done $0x0  }
0x119: {  	[sflag:s17] =	ssyncadd.s32 $0xFFFFFF00  }
0x11a: {  	_ =	swait.ge [sflag:s9], $0x3200  }
0x11b: {  	[sflag:s9] =	ssyncset.done $0x0  }
0x11c: {  	[sflag:s9] =	ssyncadd.s32 $0xFFFFCE00  }
0x11d: {  	_ =	swait.ge [sflag:s10], $0x3200  }
0x11e: {  	[sflag:s10] =	ssyncset.done $0x0  }
0x11f: {  	[sflag:s10] =	ssyncadd.s32 $0xFFFFCE00  }
0x120: {  	[spmem:s2] =	stream.indirect.scatter.add.f32 [tilespmem:s31], [sflag:$0x8], $0x80, s18, s26, $0xb8;
	[tilespmem:$0x1B400] =	vst v63  }
0x121: {  	_ =	swait.ge [sflag:s14], $0x3200  }
0x122: {  	[sflag:s14] =	ssyncset.done $0x0  }
0x123: {  	s25 =	stileid.u32;
	[sflag:s14] =	ssyncadd.s32 $0xFFFFCE00  }
0x124: {  	s8 =	sshll.u32 s25, $0x6;
	[bflag:$0x0] =	sbarrier.arrive $0xFFFF  }
0x125: {  	s8 =	sor.u32 $0x1C0A, s8;
	s16 =	sshrl.u32 s5, $0x3;
	s25 =	rddreg [dreg:$0xf]  }
0x126: {  	[hbm:s25], [sflag:s8] =	dma.local [spmem:s16], $0x2800  }
0x127: {  	s16 =	simm.s32 $0xA  }
0x128: {  	_ =	swait.ge [sflag:s16], $0x2800  }
0x129: {  	s8 =	rddreg [dreg:$0x11]  }
0x12a: {  	s25 =	sadd.s32 $0x1, s8;
	s8 =	rddreg [dreg:$0x10]  }
0x12b: {  	p0 =	sne.s32 s25, s8  }
.Ltmp3:
0x12c: {  	_ = 	snop;
	(pc) =	sbr.rel @p0 .LBB2_1-.Ltmp3, $3  }
0x12d: {  	_ =	sdelay $0x1  }
0x12e: {  	[sflag:s16] =	ssyncset.done $0x0  }
0x12f: {  	[sflag:s16] =	ssyncadd.s32 $0xFFFFD800  }
0x130: {  	_ =	sfence.sel $0x180000  }
0x131: {  	[bflag:$0x0] =	sbarrier.arrive $0xFFFF  }
0x132: {  	_ =	strace $0x90000050  }
0x133: {  	s0 =	stileid.u32;
	[bflag:$0x2] =	sbarrier.arrive $0xFFFF  }
0x134: {  	p0 =	sne.s32 s0, $0x0;
	s0 =	rddreg [dreg:$0x3]  }
0x135: {  	s0 =	sadd.s32 @!p0 $0x100000, s0  }
0x136: {  	[sflag:s0] =	ssyncadd.tile.s32 @!p0 $0x1;
	_ =	shalt  }
.Lfunc_end2:
_tile_overlayer_lowered:
.L_overlay_start_2:
0x137: {  	(tag) =	ssettag $0x2  }
0x138: {  	s0 =	rddreg [dreg:$0x0];
	s2 =	stileid.u32  }
0x139: {  	s1 =	rddreg [dreg:$0x1];
	p0 =	sne.s32 s2, $0x0  }
0x13a: {  	s3 =	rddreg [dreg:$0x2];
	[bflag:$0x3] =	sbarrier.arrive $0xFFFF;
	s2 =	simm.s32 @!p0 $0x1C0A  }
0x13b: {  	[timem:s3], [sflag:s2] =	dma.local @!p0 [hbm:s0], s1  }
0x13c: {  	s0 =	simm.s32 @!p0 $0xA  }
0x13d: {  	_ =	swait.ge @!p0 [sflag:s0], s1  }
0x13e: {  	s1 =	ssub.s32 @!p0 $0x0, s1;
	[sflag:s0] =	ssyncset.done @!p0 $0x0  }
0x13f: {  	[sflag:s0] =	ssyncadd.s32 @!p0 s1  }
0x140: {  	[bflag:$0x3] =	sbarrier.arrive $0xFFFF  }
0x141: {  	_ =	shalt  }

</sc_bundles>
